<compile_context>
chip_gen: v7x
topology: tpu7x:2x2x1
jax: 0.10.2.dev20260603
libtpu: 0.0.44.dev20260713+nightly
codegen_flags: <defaults>
</compile_context>

<pallas_src>
import functools

import jax
import jax.numpy as jnp
from jax import lax
from jax.experimental import pallas as pl
from jax.experimental.pallas import tpu as pltpu
from jax.experimental.pallas import tpu_sc as plsc

NB = 1024
NCOPY = 16
BLK = 4096
NTILES = 32
LANES = 128


BS = 4096


def _loss_body(pred_ref, gt_ref, wp_ref, wsq_ref, cls_ref, bb_ref, lm_ref):
    j = pl.program_id(1)
    p = pred_ref[...]
    g = gt_ref[...]
    d = p - g
    sq = d * d
    tdot = lambda w, m: lax.dot_general(w, m, (((1,), (1,)), ((), ())),
                                        preferred_element_type=jnp.float32)
    xq = tdot(wp_ref[...], p)
    gq = tdot(wp_ref[...], g)
    mq = tdot(wsq_ref[...], sq)
    x = xq[0:1, :]
    lab = gq[0:1, :]
    lb = mq[0:1, :]
    ll = mq[1:2, :]
    y = jnp.where(lab == 1.0, 1.0, 0.0)
    bce = jnp.maximum(x, 0.0) - x * y + jnp.log1p(jnp.exp(-jnp.abs(x)))
    bbm = jnp.where(jnp.logical_or(lab == 1.0, lab == -1.0), lb, -1.0)
    lmm = jnp.where(lab == -2.0, ll, -1.0)
    for h in range(2):
        row = pl.ds(j * 2 + h, 1)
        sl = (slice(None), slice(h * BS, (h + 1) * BS))
        cls_ref[row, :] = bce[sl]
        bb_ref[row, :] = bbm[sl]
        lm_ref[row, :] = lmm[sl]


def _losses(pred, gt):
    n = pred.shape[0]
    cc = jnp.arange(15)
    row = jnp.arange(8)
    wp = ((row[:, None] == 0) & (cc == 0)[None, :]).astype(jnp.float32)
    wsq = ((row[:, None] == 0) * ((cc >= 1) & (cc <= 4))[None, :] * 0.25
           + (row[:, None] == 1) * (cc >= 5)[None, :] * 0.1
           ).astype(jnp.float32)
    out = jax.ShapeDtypeStruct((n // BS, BS), jnp.float32)
    cidx = lambda i, j: (0, 0)
    return pl.pallas_call(
        _loss_body,
        grid=(n // BS // 8, 4),
        in_specs=[
            pl.BlockSpec((2 * BS, 15), lambda i, j: (i * 4 + j, 0)),
            pl.BlockSpec((2 * BS, 15), lambda i, j: (i * 4 + j, 0)),
            pl.BlockSpec((8, 15), cidx),
            pl.BlockSpec((8, 15), cidx),
        ],
        out_specs=[pl.BlockSpec((8, BS), lambda i, j: (i, 0))] * 3,
        out_shape=[out, out, out],
    )(pred, gt, wp, wsq)


def _mono_key(v):
    bits = lax.bitcast_convert_type(v, jnp.int32)
    return jnp.where(bits < 0, bits ^ jnp.int32(0x7FFFFFFF), bits)


def _hist_core(stage, hc, hs, mc, ms, n_vec, bucket_fn):
    z16i = jnp.zeros((16,), jnp.int32)
    z16f = jnp.zeros((16,), jnp.float32)
    ones = jnp.ones((16,), jnp.int32)
    lane_off = lax.iota(jnp.int32, 16) * NB

    def zero_body(i, _):
        hc[pl.ds(i * 16, 16)] = z16i
        hs[pl.ds(i * 16, 16)] = z16f
        return 0
    lax.fori_loop(0, NB * NCOPY // 16, zero_body, 0)

    def scat_body(i, _):
        v = stage[i >> 8, pl.ds((i & 255) * 16, 16)]
        b, mask = bucket_fn(v)
        idx = lane_off + b
        plsc.addupdate_scatter(hc, [idx], ones, mask=mask)
        plsc.addupdate_scatter(hs, [idx], v, mask=mask)
        return 0
    lax.fori_loop(0, n_vec, scat_body, 0)

    def merge_body(i, _):
        acc_c = hc[pl.ds(i * 16, 16)]
        acc_s = hs[pl.ds(i * 16, 16)]
        for l in range(1, NCOPY):
            acc_c = acc_c + hc[pl.ds(l * NB + i * 16, 16)]
            acc_s = acc_s + hs[pl.ds(l * NB + i * 16, 16)]
        mc[0, pl.ds(i * 16, 16)] = acc_c
        ms[0, pl.ds(i * 16, 16)] = acc_s
        return 0
    lax.fori_loop(0, NB // 16, merge_body, 0)


def _make_hist1(n):
    rows = n // BS // NTILES
    mesh = plsc.VectorSubcoreMesh(core_axis_name="c", subcore_axis_name="s")

    @functools.partial(
        pl.kernel,
        mesh=mesh,
        compiler_params=pltpu.CompilerParams(needs_layout_passes=False),
        out_type=[
            jax.ShapeDtypeStruct((NTILES, 3 * NB), jnp.int32),
            jax.ShapeDtypeStruct((NTILES, 3 * NB), jnp.float32),
        ],
        scratch_types=[
            pltpu.VMEM((rows, BS), jnp.float32),
            pltpu.VMEM((NB * NCOPY,), jnp.int32),
            pltpu.VMEM((NB * NCOPY,), jnp.float32),
            pltpu.VMEM((1, NB), jnp.int32),
            pltpu.VMEM((1, NB), jnp.float32),
        ],
    )
    def hist1(l0, l1, l2, cnt_out, sum_out, stage, hc, hs, mc, ms):
        t = lax.axis_index("c") * 16 + lax.axis_index("s")
        rbase = t * rows

        def bucket_fn(v):
            key = _mono_key(v)
            return (key >> 22) + 512, None

        for a, ref in enumerate((l0, l1, l2)):
            pltpu.sync_copy(ref.at[pl.ds(rbase, rows), :], stage)
            _hist_core(stage, hc, hs, mc, ms, rows * BS // 16, bucket_fn)
            pltpu.sync_copy(mc, cnt_out.at[pl.ds(t, 1), pl.ds(a * NB, NB)])
            pltpu.sync_copy(ms, sum_out.at[pl.ds(t, 1), pl.ds(a * NB, NB)])

    return hist1


def _make_hist2(n):
    rows = n // BS // NTILES
    mesh = plsc.VectorSubcoreMesh(core_axis_name="c", subcore_axis_name="s")

    @functools.partial(
        pl.kernel,
        mesh=mesh,
        compiler_params=pltpu.CompilerParams(needs_layout_passes=False),
        out_type=[
            jax.ShapeDtypeStruct((NTILES, 3 * NB), jnp.int32),
            jax.ShapeDtypeStruct((NTILES, 3 * NB), jnp.float32),
        ],
        scratch_types=[
            pltpu.VMEM((rows, BS), jnp.float32),
            pltpu.VMEM((8, 128), jnp.float32),
            pltpu.VMEM((NB * NCOPY,), jnp.int32),
            pltpu.VMEM((NB * NCOPY,), jnp.float32),
            pltpu.VMEM((1, NB), jnp.int32),
            pltpu.VMEM((1, NB), jnp.float32),
        ],
    )
    def hist2(l0, l1, l2, st, cnt_out, sum_out, stage, stv, hc, hs, mc, ms):
        t = lax.axis_index("c") * 16 + lax.axis_index("s")
        rbase = t * rows
        pltpu.sync_copy(st, stv)

        for a, ref in enumerate((l0, l1, l2)):
            b1 = stv[a, pl.ds(0, 16)][0].astype(jnp.int32)

            def bucket_fn(v, b1=b1):
                key = _mono_key(v)
                match = ((key >> 22) + 512) == b1
                return (key >> 12) & (NB - 1), match

            pltpu.sync_copy(ref.at[pl.ds(rbase, rows), :], stage)
            _hist_core(stage, hc, hs, mc, ms, rows * BS // 16, bucket_fn)
            pltpu.sync_copy(mc, cnt_out.at[pl.ds(t, 1), pl.ds(a * NB, NB)])
            pltpu.sync_copy(ms, sum_out.at[pl.ds(t, 1), pl.ds(a * NB, NB)])

    return hist2


def _suffix(x, tri):
    return lax.dot_general(x, tri, (((1,), (1,)), ((), ())),
                           preferred_element_type=jnp.float32)


def _tri():
    ii = lax.broadcasted_iota(jnp.int32, (NB, NB), 0)
    jj = lax.broadcasted_iota(jnp.int32, (NB, NB), 1)
    return (jj >= ii).astype(jnp.float32)


def _scan1_body(k0, cnt_ref, sum_ref, st_ref):
    cnt_all = cnt_ref[...].astype(jnp.float32)
    sum_all = sum_ref[...]
    tri = _tri()
    jr = lax.broadcasted_iota(jnp.int32, (1, NB), 1)
    rows = []
    for a in range(3):
        ca = jnp.sum(cnt_all[:, a * NB:(a + 1) * NB], axis=0, keepdims=True)
        sa = jnp.sum(sum_all[:, a * NB:(a + 1) * NB], axis=0, keepdims=True)
        rc = _suffix(ca, tri)
        if a == 0:
            k = jnp.float32(k0)
        else:
            cv = jnp.sum(jnp.where(jr >= 512, ca, 0.0))
            k = jnp.floor(cv * 7.0 / 10.0)
        b1 = jnp.sum((rc >= k).astype(jnp.float32)) - 1.0
        gt = jr.astype(jnp.float32) > b1
        count_above = jnp.sum(jnp.where(gt, ca, 0.0))
        sum_above = jnp.sum(jnp.where(gt, sa, 0.0))
        rows.append((b1, count_above, sum_above, k))
    r8 = lax.broadcasted_iota(jnp.int32, (8, 128), 0)
    c128 = lax.broadcasted_iota(jnp.int32, (8, 128), 1)
    st = jnp.zeros((8, 128), jnp.float32)
    for a in range(3):
        for j, val in enumerate(rows[a]):
            st = jnp.where((r8 == a) & (c128 == j), val, st)
    st_ref[...] = st


def _scan1(cnt1, sum1, k0):
    return pl.pallas_call(
        functools.partial(_scan1_body, k0),
        out_shape=jax.ShapeDtypeStruct((8, 128), jnp.float32),
    )(cnt1, sum1)


def _scan2_body(cnt_ref, sum_ref, st_ref, out_ref):
    cnt_all = cnt_ref[...].astype(jnp.float32)
    sum_all = sum_ref[...]
    st = st_ref[...]
    tri = _tri()
    jr = lax.broadcasted_iota(jnp.int32, (1, NB), 1)
    r8 = lax.broadcasted_iota(jnp.int32, (8, 128), 0)
    c128 = lax.broadcasted_iota(jnp.int32, (8, 128), 1)
    losses = []
    for a in range(3):
        def pick(j):
            return jnp.sum(jnp.where((r8 == a) & (c128 == j), st, 0.0))
        count_above, sum_above, k = pick(1), pick(2), pick(3)
        ca = jnp.sum(cnt_all[:, a * NB:(a + 1) * NB], axis=0, keepdims=True)
        sa = jnp.sum(sum_all[:, a * NB:(a + 1) * NB], axis=0, keepdims=True)
        rc = _suffix(ca, tri)
        b2 = jnp.sum((count_above + rc >= k).astype(jnp.float32)) - 1.0
        jf = jr.astype(jnp.float32)
        count_gt = count_above + jnp.sum(jnp.where(jf > b2, ca, 0.0))
        sum_gt = sum_above + jnp.sum(jnp.where(jf > b2, sa, 0.0))
        count_eq = jnp.sum(jnp.where(jf == b2, ca, 0.0))
        sum_eq = jnp.sum(jnp.where(jf == b2, sa, 0.0))
        r = k - count_gt
        losses.append((sum_gt + r * (sum_eq / count_eq)) / k)
    total = losses[0] + 0.5 * losses[1] + 0.5 * losses[2]
    vals = (total, losses[0], losses[1], losses[2])
    out = jnp.zeros((8, 128), jnp.float32)
    for j, v in enumerate(vals):
        out = jnp.where((r8 == 0) & (c128 == j), v, out)
    out_ref[...] = out


def _scan2(cnt2, sum2, st):
    return pl.pallas_call(
        _scan2_body,
        out_shape=jax.ShapeDtypeStruct((8, 128), jnp.float32),
    )(cnt2, sum2, st)


def kernel(pred, gt):
    n = pred.shape[0]
    k0 = int(0.7 * n)
    l_cls, l_bb, l_lm = _losses(pred, gt)
    cnt1, sum1 = _make_hist1(n)(l_cls, l_bb, l_lm)
    st = _scan1(cnt1, sum1, k0)
    cnt2, sum2 = _make_hist2(n)(l_cls, l_bb, l_lm, st)
    out = _scan2(cnt2, sum2, st)
    return out[0, 0], out[0, 1], out[0, 2], out[0, 3]

# --- scband reference (transcript-rebuilt; emitter-appended) ---
"""Pipeline reference for scband-mtcnn-loss-57638461112707 (READ-ONLY COPY).

The authoritative reference and input builder live on the scoring server;
editing this copy changes nothing except your own understanding.
"""

import jax, jax.numpy as jnp
import numpy as np

N = 1048576
CLS_W, BBOX_W, LM_W, OHEM = 1.0, 0.5, 0.5, 0.7


def setup_inputs(seed: int = 0):
    key = jax.random.key(seed)
    k1, k2, k3 = jax.random.split(key, 3)
    pred = jax.random.normal(k1, (N, 15), dtype=jnp.float32)
    # labels in {-2, -1, 0, 1}: 1=pos, 0=neg, -1=part (bbox), -2=landmark
    labels = jax.random.randint(k2, (N,), 0, 4).astype(jnp.float32) - 2.0
    rest = jax.random.normal(k3, (N, 14), dtype=jnp.float32)
    gt = jnp.concatenate([labels[:, None], rest], axis=1)
    return {"pred": pred, "gt": gt}


def _bce_with_logits(x, y):
    # numerically stable, matches torch BCEWithLogitsLoss(reduction='none')
    return jnp.maximum(x, 0.0) - x * y + jnp.log1p(jnp.exp(-jnp.abs(x)))


def _ohem_mean(loss_all, mask, n):
    neg_inf = jnp.float32(-jnp.inf)
    sorted_loss = jax.lax.top_k(jnp.where(mask, loss_all, neg_inf), n)[0]
    count = jnp.sum(mask.astype(jnp.int32))
    k = (7 * count) // 10
    keep = jnp.arange(n) < k
    total = jnp.sum(jnp.where(keep, sorted_loss, jnp.float32(0.0)))
    return total / k.astype(jnp.float32)


def reference(pred, gt):
    n = pred.shape[0]
    pred = pred.reshape(n, -1)
    gt_labels = gt[:, 0]

    # classification loss with OHEM
    gt_cls = jnp.where(gt_labels != 1.0, 0.0, gt_labels)
    loss_cls_all = _bce_with_logits(pred[:, 0], gt_cls)
    k_cls = int(OHEM * n)
    loss_cls = jnp.mean(jax.lax.top_k(loss_cls_all, k_cls)[0])

    # bbox regression loss with OHEM (labels 1 xor -1)
    mask_bb = jnp.logical_xor(gt_labels == 1.0, gt_labels == -1.0)
    lb = jnp.mean((pred[:, 1:5] - gt[:, 1:5]) ** 2, axis=1)
    loss_bbox = _ohem_mean(lb, mask_bb, n)

    # landmark regression loss with OHEM (labels -2)
    mask_lm = gt_labels == -2.0
    ll = jnp.mean((pred[:, 5:] - gt[:, 5:]) ** 2, axis=1)
    loss_landmark = _ohem_mean(ll, mask_lm, n)

    loss_total = CLS_W * loss_cls + BBOX_W * loss_bbox + LM_W * loss_landmark
    return (loss_total, loss_cls, loss_bbox, loss_landmark)

if __name__ == "__main__":
    import jax
    _d = setup_inputs()
    print(jax.jit(kernel)(*tuple(_d.values())))

</pallas_src>

<mosaic_0001>
#map = affine_map<(d0, d1) -> (0, 0)>
module attributes {stable_mosaic.version = 14 : i64} {
  func.func @hist2(%arg0: i32, %arg1: i32, %arg2: memref<256x4096xf32, #tpu.memory_space<hbm>>, %arg3: memref<256x4096xf32, #tpu.memory_space<hbm>>, %arg4: memref<256x4096xf32, #tpu.memory_space<hbm>>, %arg5: memref<8x128xf32, #tpu.memory_space<hbm>>, %arg6: memref<32x3072xi32, #tpu.memory_space<hbm>>, %arg7: memref<32x3072xf32, #tpu.memory_space<hbm>>, %arg8: memref<8x4096xf32, #tpu.memory_space<vmem>>, %arg9: memref<8x128xf32, #tpu.memory_space<vmem>>, %arg10: memref<16384xi32, #tpu.memory_space<vmem>>, %arg11: memref<16384xf32, #tpu.memory_space<vmem>>, %arg12: memref<1x1024xi32, #tpu.memory_space<vmem>>, %arg13: memref<1x1024xf32, #tpu.memory_space<vmem>>) attributes {dimension_semantics = [#tpu.dimension_semantics<core_parallel>, #tpu.dimension_semantics<subcore_parallel>], iteration_bounds = array<i64: 2, 16>, scalar_prefetch = 0 : i64, scratch_operands = 6 : i64, tpu.core_type = #tpu.core_type<sc_vector_subcore>, window_params = [{transform_indices = #map}, {transform_indices = #map}, {transform_indices = #map}, {transform_indices = #map}, {transform_indices = #map}, {transform_indices = #map}]} {
    %mul3A = arith.constant 16 : i32
    %mul3A_0 = arith.muli %arg0, %mul3A : i32
    %add3A = arith.addi %mul3A_0, %arg1 : i32
    %mul3A_1 = arith.constant 8 : i32
    %mul3A_2 = arith.muli %add3A, %mul3A_1 : i32
    "tpu.region"() ({
      %run_scoped3A = tpu.sem_alloc : memref<!tpu.dma_semaphore, #tpu.memory_space<semaphore_mem>>
      tpu.enqueue_dma source(%arg5 : memref<8x128xf32, #tpu.memory_space<hbm>>) target(%arg9 : memref<8x128xf32, #tpu.memory_space<vmem>>) target_semaphore(%run_scoped3A : memref<!tpu.dma_semaphore, #tpu.memory_space<semaphore_mem>>)
      tpu.wait_dma2 semaphore(%run_scoped3A : memref<!tpu.dma_semaphore, #tpu.memory_space<semaphore_mem>>) src(%arg5 : memref<8x128xf32, #tpu.memory_space<hbm>>) dst(%arg9 : memref<8x128xf32, #tpu.memory_space<vmem>>)
      tpu.yield
    }) : () -> ()
    %get3A = arith.constant 0 : i32
    %get3A_3 = arith.index_cast %get3A : i32 to index
    %get3A_4 = arith.constant 0 : index
    %get3A_5 = tpu.vector_load %arg9[%get3A_3, %get3A_4] {strides = array<i32>} : memref<8x128xf32, #tpu.memory_space<vmem>>, vector<16xf32>,
    %slice3A = vector.extract_strided_slice %get3A_5 {offsets = [0], sizes = [1], strides = [1]} : vector<16xf32> to vector<1xf32>
    %squeeze3A = vector.extract %slice3A[0] : f32 from vector<1xf32>
    %convert_element_type3A = arith.fptosi %squeeze3A : f32 to i32
    "tpu.region"() ({
      %run_scoped3A = tpu.sem_alloc : memref<!tpu.dma_semaphore, #tpu.memory_space<semaphore_mem>>
      %dma_start3A = arith.constant 0 : i32
      %dma_start3A_110 = tpu.memref_slice %arg2[%mul3A_2, %dma_start3A] : memref<256x4096xf32, #tpu.memory_space<hbm>> -> memref<8x4096xf32, #tpu.memory_space<hbm>>
      %dma_start3A_111 = arith.constant 0 : i32
      %dma_start3A_112 = tpu.memref_slice %arg2[%mul3A_2, %dma_start3A_111] : memref<256x4096xf32, #tpu.memory_space<hbm>> -> memref<8x4096xf32, #tpu.memory_space<hbm>>
      tpu.enqueue_dma source(%dma_start3A_112 : memref<8x4096xf32, #tpu.memory_space<hbm>>) target(%arg8 : memref<8x4096xf32, #tpu.memory_space<vmem>>) target_semaphore(%run_scoped3A : memref<!tpu.dma_semaphore, #tpu.memory_space<semaphore_mem>>)
      %dma_wait3A = arith.constant 0 : i32
      %dma_wait3A_113 = tpu.memref_slice %arg2[%mul3A_2, %dma_wait3A] : memref<256x4096xf32, #tpu.memory_space<hbm>> -> memref<8x4096xf32, #tpu.memory_space<hbm>>
      %dma_wait3A_114 = arith.constant 0 : i32
      %dma_wait3A_115 = tpu.memref_slice %arg2[%mul3A_2, %dma_wait3A_114] : memref<256x4096xf32, #tpu.memory_space<hbm>> -> memref<8x4096xf32, #tpu.memory_space<hbm>>
      tpu.wait_dma2 semaphore(%run_scoped3A : memref<!tpu.dma_semaphore, #tpu.memory_space<semaphore_mem>>) src(%dma_wait3A_115 : memref<8x4096xf32, #tpu.memory_space<hbm>>) dst(%arg8 : memref<8x4096xf32, #tpu.memory_space<vmem>>)
      tpu.yield
    }) : () -> ()
    %broadcast_in_dim3A = arith.constant 0 : i32
    %broadcast_in_dim3A_6 = vector.broadcast %broadcast_in_dim3A : i32 to vector<16xi32>
    %broadcast_in_dim3A_7 = arith.constant 0.000000e+00 : f32
    %broadcast_in_dim3A_8 = vector.broadcast %broadcast_in_dim3A_7 : f32 to vector<16xf32>
    %broadcast_in_dim3A_9 = arith.constant 1 : i32
    %broadcast_in_dim3A_10 = vector.broadcast %broadcast_in_dim3A_9 : i32 to vector<16xi32>
    %iota3A = tpu.iota {dimensions = array<i32: 0>} : vector<16xi32>
    %mul3A_11 = arith.constant 1024 : i32
    %mul3A_12 = vector.broadcast %mul3A_11 : i32 to vector<16xi32>
    %mul3A_13 = arith.muli %iota3A, %mul3A_12 : vector<16xi32>
    %scan3A = arith.constant 0 : i32
    %scan3A_14 = arith.constant 0 : i32
    %scan3A_15 = arith.constant 1024 : i32
    %scan3A_16 = arith.addi %scan3A_14, %scan3A_15 : i32
    %scan3A_17 = arith.constant 1 : i32
    %scan3A_18 = scf.for %scan3A_110 = %scan3A_14 to %scan3A_16 step %scan3A_17 iter_args(%scan3A_111 = %scan3A) -> (i32)  : i32 {
      %mul3A_112 = arith.constant 16 : i32
      %mul3A_113 = arith.muli %scan3A_110, %mul3A_112 : i32
      %swap3A = arith.index_cast %mul3A_113 : i32 to index
      %swap3A_114 = tpu.vector_load %arg10[%swap3A] {strides = array<i32>} : memref<16384xi32, #tpu.memory_space<vmem>>, vector<16xi32>,
      tpu.vector_store %arg10[%swap3A], %broadcast_in_dim3A_6 {strides = array<i32>} : memref<16384xi32, #tpu.memory_space<vmem>>, vector<16xi32>,
      %mul3A_115 = arith.constant 16 : i32
      %mul3A_116 = arith.muli %scan3A_110, %mul3A_115 : i32
      %swap3A_117 = arith.index_cast %mul3A_116 : i32 to index
      %swap3A_118 = tpu.vector_load %arg11[%swap3A_117] {strides = array<i32>} : memref<16384xf32, #tpu.memory_space<vmem>>, vector<16xf32>,
      tpu.vector_store %arg11[%swap3A_117], %broadcast_in_dim3A_8 {strides = array<i32>} : memref<16384xf32, #tpu.memory_space<vmem>>, vector<16xf32>,
      %scan3A_119 = arith.constant 0 : i32
      scf.yield %scan3A_119 : i32
    }
    %scan3A_19 = arith.constant 1024 : i32
    %scan3A_20 = arith.constant 0 : i32
    %scan3A_21 = arith.constant 0 : i32
    %scan3A_22 = arith.constant 2048 : i32
    %scan3A_23 = arith.addi %scan3A_21, %scan3A_22 : i32
    %scan3A_24 = arith.constant 1 : i32
    %scan3A_25 = scf.for %scan3A_110 = %scan3A_21 to %scan3A_23 step %scan3A_24 iter_args(%scan3A_111 = %scan3A_20) -> (i32)  : i32 {
      %shift_right_arithmetic3A = arith.constant 8 : i32
      %shift_right_arithmetic3A_112 = arith.shrsi %scan3A_110, %shift_right_arithmetic3A : i32
      %and3A = arith.constant 255 : i32
      %and3A_113 = arith.andi %scan3A_110, %and3A : i32
      %mul3A_114 = arith.constant 16 : i32
      %mul3A_115 = arith.muli %and3A_113, %mul3A_114 : i32
      %get3A_116 = arith.index_cast %shift_right_arithmetic3A_112 : i32 to index
      %get3A_117 = arith.index_cast %mul3A_115 : i32 to index
      %get3A_118 = tpu.vector_load %arg8[%get3A_116, %get3A_117] {strides = array<i32>} : memref<8x4096xf32, #tpu.memory_space<vmem>>, vector<16xf32>,
      %bitcast_convert_type3A = tpu.bitcast %get3A_118 : vector<16xf32> -> vector<16xi32>
      %lt3A = arith.constant 0 : i32
      %lt3A_119 = vector.broadcast %lt3A : i32 to vector<16xi32>
      %lt3A_120 = arith.cmpi slt, %bitcast_convert_type3A, %lt3A_119 : vector<16xi32>
      %xor3A = arith.constant 2147483647 : i32
      %xor3A_121 = vector.broadcast %xor3A : i32 to vector<16xi32>
      %xor3A_122 = arith.xori %bitcast_convert_type3A, %xor3A_121 : vector<16xi32>
      %select_n3A = arith.select %lt3A_120, %xor3A_122, %bitcast_convert_type3A : vector<16xi1>, vector<16xi32>
      %shift_right_arithmetic3A_123 = arith.constant 22 : i32
      %shift_right_arithmetic3A_124 = vector.broadcast %shift_right_arithmetic3A_123 : i32 to vector<16xi32>
      %shift_right_arithmetic3A_125 = arith.shrsi %select_n3A, %shift_right_arithmetic3A_124 : vector<16xi32>
      %add3A_126 = arith.constant 512 : i32
      %add3A_127 = vector.broadcast %add3A_126 : i32 to vector<16xi32>
      %add3A_128 = arith.addi %shift_right_arithmetic3A_125, %add3A_127 : vector<16xi32>
      %eq3A = vector.broadcast %convert_element_type3A : i32 to vector<16xi32>
      %eq3A_129 = arith.cmpi eq, %add3A_128, %eq3A : vector<16xi32>
      %shift_right_arithmetic3A_130 = arith.constant 12 : i32
      %shift_right_arithmetic3A_131 = vector.broadcast %shift_right_arithmetic3A_130 : i32 to vector<16xi32>
      %shift_right_arithmetic3A_132 = arith.shrsi %select_n3A, %shift_right_arithmetic3A_131 : vector<16xi32>
      %and3A_133 = arith.constant 1023 : i32
      %and3A_134 = vector.broadcast %and3A_133 : i32 to vector<16xi32>
      %and3A_135 = arith.andi %shift_right_arithmetic3A_132, %and3A_134 : vector<16xi32>
      %add3A_136 = arith.addi %mul3A_13, %and3A_135 : vector<16xi32>
      tpu.vector_store_idx %arg10[%add3A_136], %broadcast_in_dim3A_10 masked %eq3A_129 {add = true} : memref<16384xi32, #tpu.memory_space<vmem>>[vector<16xi32>], vector<16xi32>, vector<16xi1>
      tpu.vector_store_idx %arg11[%add3A_136], %get3A_118 masked %eq3A_129 {add = true} : memref<16384xf32, #tpu.memory_space<vmem>>[vector<16xi32>], vector<16xf32>, vector<16xi1>
      %scan3A_137 = arith.constant 0 : i32
      scf.yield %scan3A_137 : i32
    }
    %scan3A_26 = arith.constant 2048 : i32
    %scan3A_27 = arith.constant 0 : i32
    %scan3A_28 = arith.constant 0 : i32
    %scan3A_29 = arith.constant 64 : i32
    %scan3A_30 = arith.addi %scan3A_28, %scan3A_29 : i32
    %scan3A_31 = arith.constant 1 : i32
    %scan3A_32 = scf.for %scan3A_110 = %scan3A_28 to %scan3A_30 step %scan3A_31 iter_args(%scan3A_111 = %scan3A_27) -> (i32)  : i32 {
      %mul3A_112 = arith.constant 16 : i32
      %mul3A_113 = arith.muli %scan3A_110, %mul3A_112 : i32
      %get3A_114 = arith.index_cast %mul3A_113 : i32 to index
      %get3A_115 = tpu.vector_load %arg10[%get3A_114] {strides = array<i32>} : memref<16384xi32, #tpu.memory_space<vmem>>, vector<16xi32>,
      %mul3A_116 = arith.constant 16 : i32
      %mul3A_117 = arith.muli %scan3A_110, %mul3A_116 : i32
      %get3A_118 = arith.index_cast %mul3A_117 : i32 to index
      %get3A_119 = tpu.vector_load %arg11[%get3A_118] {strides = array<i32>} : memref<16384xf32, #tpu.memory_space<vmem>>, vector<16xf32>,
      %mul3A_120 = arith.constant 16 : i32
      %mul3A_121 = arith.muli %scan3A_110, %mul3A_120 : i32
      %add3A_122 = arith.constant 1024 : i32
      %add3A_123 = arith.addi %add3A_122, %mul3A_121 : i32
      %get3A_124 = arith.index_cast %add3A_123 : i32 to index
      %get3A_125 = tpu.vector_load %arg10[%get3A_124] {strides = array<i32>} : memref<16384xi32, #tpu.memory_space<vmem>>, vector<16xi32>,
      %add3A_126 = arith.addi %get3A_115, %get3A_125 : vector<16xi32>
      %mul3A_127 = arith.constant 16 : i32
      %mul3A_128 = arith.muli %scan3A_110, %mul3A_127 : i32
      %add3A_129 = arith.constant 1024 : i32
      %add3A_130 = arith.addi %add3A_129, %mul3A_128 : i32
      %get3A_131 = arith.index_cast %add3A_130 : i32 to index
      %get3A_132 = tpu.vector_load %arg11[%get3A_131] {strides = array<i32>} : memref<16384xf32, #tpu.memory_space<vmem>>, vector<16xf32>,
      %add3A_133 = arith.addf %get3A_119, %get3A_132 : vector<16xf32>
      %mul3A_134 = arith.constant 16 : i32
      %mul3A_135 = arith.muli %scan3A_110, %mul3A_134 : i32
      %add3A_136 = arith.constant 2048 : i32
      %add3A_137 = arith.addi %add3A_136, %mul3A_135 : i32
      %get3A_138 = arith.index_cast %add3A_137 : i32 to index
      %get3A_139 = tpu.vector_load %arg10[%get3A_138] {strides = array<i32>} : memref<16384xi32, #tpu.memory_space<vmem>>, vector<16xi32>,
      %add3A_140 = arith.addi %add3A_126, %get3A_139 : vector<16xi32>
      %mul3A_141 = arith.constant 16 : i32
      %mul3A_142 = arith.muli %scan3A_110, %mul3A_141 : i32
      %add3A_143 = arith.constant 2048 : i32
      %add3A_144 = arith.addi %add3A_143, %mul3A_142 : i32
      %get3A_145 = arith.index_cast %add3A_144 : i32 to index
      %get3A_146 = tpu.vector_load %arg11[%get3A_145] {strides = array<i32>} : memref<16384xf32, #tpu.memory_space<vmem>>, vector<16xf32>,
      %add3A_147 = arith.addf %add3A_133, %get3A_146 : vector<16xf32>
      %mul3A_148 = arith.constant 16 : i32
      %mul3A_149 = arith.muli %scan3A_110, %mul3A_148 : i32
      %add3A_150 = arith.constant 3072 : i32
      %add3A_151 = arith.addi %add3A_150, %mul3A_149 : i32
      %get3A_152 = arith.index_cast %add3A_151 : i32 to index
      %get3A_153 = tpu.vector_load %arg10[%get3A_152] {strides = array<i32>} : memref<16384xi32, #tpu.memory_space<vmem>>, vector<16xi32>,
      %add3A_154 = arith.addi %add3A_140, %get3A_153 : vector<16xi32>
      %mul3A_155 = arith.constant 16 : i32
      %mul3A_156 = arith.muli %scan3A_110, %mul3A_155 : i32
      %add3A_157 = arith.constant 3072 : i32
      %add3A_158 = arith.addi %add3A_157, %mul3A_156 : i32
      %get3A_159 = arith.index_cast %add3A_158 : i32 to index
      %get3A_160 = tpu.vector_load %arg11[%get3A_159] {strides = array<i32>} : memref<16384xf32, #tpu.memory_space<vmem>>, vector<16xf32>,
      %add3A_161 = arith.addf %add3A_147, %get3A_160 : vector<16xf32>
      %mul3A_162 = arith.constant 16 : i32
      %mul3A_163 = arith.muli %scan3A_110, %mul3A_162 : i32
      %add3A_164 = arith.constant 4096 : i32
      %add3A_165 = arith.addi %add3A_164, %mul3A_163 : i32
      %get3A_166 = arith.index_cast %add3A_165 : i32 to index
      %get3A_167 = tpu.vector_load %arg10[%get3A_166] {strides = array<i32>} : memref<16384xi32, #tpu.memory_space<vmem>>, vector<16xi32>,
      %add3A_168 = arith.addi %add3A_154, %get3A_167 : vector<16xi32>
      %mul3A_169 = arith.constant 16 : i32
      %mul3A_170 = arith.muli %scan3A_110, %mul3A_169 : i32
      %add3A_171 = arith.constant 4096 : i32
      %add3A_172 = arith.addi %add3A_171, %mul3A_170 : i32
      %get3A_173 = arith.index_cast %add3A_172 : i32 to index
      %get3A_174 = tpu.vector_load %arg11[%get3A_173] {strides = array<i32>} : memref<16384xf32, #tpu.memory_space<vmem>>, vector<16xf32>,
      %add3A_175 = arith.addf %add3A_161, %get3A_174 : vector<16xf32>
      %mul3A_176 = arith.constant 16 : i32
      %mul3A_177 = arith.muli %scan3A_110, %mul3A_176 : i32
      %add3A_178 = arith.constant 5120 : i32
      %add3A_179 = arith.addi %add3A_178, %mul3A_177 : i32
      %get3A_180 = arith.index_cast %add3A_179 : i32 to index
      %get3A_181 = tpu.vector_load %arg10[%get3A_180] {strides = array<i32>} : memref<16384xi32, #tpu.memory_space<vmem>>, vector<16xi32>,
      %add3A_182 = arith.addi %add3A_168, %get3A_181 : vector<16xi32>
      %mul3A_183 = arith.constant 16 : i32
      %mul3A_184 = arith.muli %scan3A_110, %mul3A_183 : i32
      %add3A_185 = arith.constant 5120 : i32
      %add3A_186 = arith.addi %add3A_185, %mul3A_184 : i32
      %get3A_187 = arith.index_cast %add3A_186 : i32 to index
      %get3A_188 = tpu.vector_load %arg11[%get3A_187] {strides = array<i32>} : memref<16384xf32, #tpu.memory_space<vmem>>, vector<16xf32>,
      %add3A_189 = arith.addf %add3A_175, %get3A_188 : vector<16xf32>
      %mul3A_190 = arith.constant 16 : i32
      %mul3A_191 = arith.muli %scan3A_110, %mul3A_190 : i32
      %add3A_192 = arith.constant 6144 : i32
      %add3A_193 = arith.addi %add3A_192, %mul3A_191 : i32
      %get3A_194 = arith.index_cast %add3A_193 : i32 to index
      %get3A_195 = tpu.vector_load %arg10[%get3A_194] {strides = array<i32>} : memref<16384xi32, #tpu.memory_space<vmem>>, vector<16xi32>,
      %add3A_196 = arith.addi %add3A_182, %get3A_195 : vector<16xi32>
      %mul3A_197 = arith.constant 16 : i32
      %mul3A_198 = arith.muli %scan3A_110, %mul3A_197 : i32
      %add3A_199 = arith.constant 6144 : i32
      %add3A_200 = arith.addi %add3A_199, %mul3A_198 : i32
      %get3A_201 = arith.index_cast %add3A_200 : i32 to index
      %get3A_202 = tpu.vector_load %arg11[%get3A_201] {strides = array<i32>} : memref<16384xf32, #tpu.memory_space<vmem>>, vector<16xf32>,
      %add3A_203 = arith.addf %add3A_189, %get3A_202 : vector<16xf32>
      %mul3A_204 = arith.constant 16 : i32
      %mul3A_205 = arith.muli %scan3A_110, %mul3A_204 : i32
      %add3A_206 = arith.constant 7168 : i32
      %add3A_207 = arith.addi %add3A_206, %mul3A_205 : i32
      %get3A_208 = arith.index_cast %add3A_207 : i32 to index
      %get3A_209 = tpu.vector_load %arg10[%get3A_208] {strides = array<i32>} : memref<16384xi32, #tpu.memory_space<vmem>>, vector<16xi32>,
      %add3A_210 = arith.addi %add3A_196, %get3A_209 : vector<16xi32>
      %mul3A_211 = arith.constant 16 : i32
      %mul3A_212 = arith.muli %scan3A_110, %mul3A_211 : i32
      %add3A_213 = arith.constant 7168 : i32
      %add3A_214 = arith.addi %add3A_213, %mul3A_212 : i32
      %get3A_215 = arith.index_cast %add3A_214 : i32 to index
      %get3A_216 = tpu.vector_load %arg11[%get3A_215] {strides = array<i32>} : memref<16384xf32, #tpu.memory_space<vmem>>, vector<16xf32>,
      %add3A_217 = arith.addf %add3A_203, %get3A_216 : vector<16xf32>
      %mul3A_218 = arith.constant 16 : i32
      %mul3A_219 = arith.muli %scan3A_110, %mul3A_218 : i32
      %add3A_220 = arith.constant 8192 : i32
      %add3A_221 = arith.addi %add3A_220, %mul3A_219 : i32
      %get3A_222 = arith.index_cast %add3A_221 : i32 to index
      %get3A_223 = tpu.vector_load %arg10[%get3A_222] {strides = array<i32>} : memref<16384xi32, #tpu.memory_space<vmem>>, vector<16xi32>,
      %add3A_224 = arith.addi %add3A_210, %get3A_223 : vector<16xi32>
      %mul3A_225 = arith.constant 16 : i32
      %mul3A_226 = arith.muli %scan3A_110, %mul3A_225 : i32
      %add3A_227 = arith.constant 8192 : i32
      %add3A_228 = arith.addi %add3A_227, %mul3A_226 : i32
      %get3A_229 = arith.index_cast %add3A_228 : i32 to index
      %get3A_230 = tpu.vector_load %arg11[%get3A_229] {strides = array<i32>} : memref<16384xf32, #tpu.memory_space<vmem>>, vector<16xf32>,
      %add3A_231 = arith.addf %add3A_217, %get3A_230 : vector<16xf32>
      %mul3A_232 = arith.constant 16 : i32
      %mul3A_233 = arith.muli %scan3A_110, %mul3A_232 : i32
      %add3A_234 = arith.constant 9216 : i32
      %add3A_235 = arith.addi %add3A_234, %mul3A_233 : i32
      %get3A_236 = arith.index_cast %add3A_235 : i32 to index
      %get3A_237 = tpu.vector_load %arg10[%get3A_236] {strides = array<i32>} : memref<16384xi32, #tpu.memory_space<vmem>>, vector<16xi32>,
      %add3A_238 = arith.addi %add3A_224, %get3A_237 : vector<16xi32>
      %mul3A_239 = arith.constant 16 : i32
      %mul3A_240 = arith.muli %scan3A_110, %mul3A_239 : i32
      %add3A_241 = arith.constant 9216 : i32
      %add3A_242 = arith.addi %add3A_241, %mul3A_240 : i32
      %get3A_243 = arith.index_cast %add3A_242 : i32 to index
      %get3A_244 = tpu.vector_load %arg11[%get3A_243] {strides = array<i32>} : memref<16384xf32, #tpu.memory_space<vmem>>, vector<16xf32>,
      %add3A_245 = arith.addf %add3A_231, %get3A_244 : vector<16xf32>
      %mul3A_246 = arith.constant 16 : i32
      %mul3A_247 = arith.muli %scan3A_110, %mul3A_246 : i32
      %add3A_248 = arith.constant 10240 : i32
      %add3A_249 = arith.addi %add3A_248, %mul3A_247 : i32
      %get3A_250 = arith.index_cast %add3A_249 : i32 to index
      %get3A_251 = tpu.vector_load %arg10[%get3A_250] {strides = array<i32>} : memref<16384xi32, #tpu.memory_space<vmem>>, vector<16xi32>,
      %add3A_252 = arith.addi %add3A_238, %get3A_251 : vector<16xi32>
      %mul3A_253 = arith.constant 16 : i32
      %mul3A_254 = arith.muli %scan3A_110, %mul3A_253 : i32
      %add3A_255 = arith.constant 10240 : i32
      %add3A_256 = arith.addi %add3A_255, %mul3A_254 : i32
      %get3A_257 = arith.index_cast %add3A_256 : i32 to index
      %get3A_258 = tpu.vector_load %arg11[%get3A_257] {strides = array<i32>} : memref<16384xf32, #tpu.memory_space<vmem>>, vector<16xf32>,
      %add3A_259 = arith.addf %add3A_245, %get3A_258 : vector<16xf32>
      %mul3A_260 = arith.constant 16 : i32
      %mul3A_261 = arith.muli %scan3A_110, %mul3A_260 : i32
      %add3A_262 = arith.constant 11264 : i32
      %add3A_263 = arith.addi %add3A_262, %mul3A_261 : i32
      %get3A_264 = arith.index_cast %add3A_263 : i32 to index
      %get3A_265 = tpu.vector_load %arg10[%get3A_264] {strides = array<i32>} : memref<16384xi32, #tpu.memory_space<vmem>>, vector<16xi32>,
      %add3A_266 = arith.addi %add3A_252, %get3A_265 : vector<16xi32>
      %mul3A_267 = arith.constant 16 : i32
      %mul3A_268 = arith.muli %scan3A_110, %mul3A_267 : i32
      %add3A_269 = arith.constant 11264 : i32
      %add3A_270 = arith.addi %add3A_269, %mul3A_268 : i32
      %get3A_271 = arith.index_cast %add3A_270 : i32 to index
      %get3A_272 = tpu.vector_load %arg11[%get3A_271] {strides = array<i32>} : memref<16384xf32, #tpu.memory_space<vmem>>, vector<16xf32>,
      %add3A_273 = arith.addf %add3A_259, %get3A_272 : vector<16xf32>
      %mul3A_274 = arith.constant 16 : i32
      %mul3A_275 = arith.muli %scan3A_110, %mul3A_274 : i32
      %add3A_276 = arith.constant 12288 : i32
      %add3A_277 = arith.addi %add3A_276, %mul3A_275 : i32
      %get3A_278 = arith.index_cast %add3A_277 : i32 to index
      %get3A_279 = tpu.vector_load %arg10[%get3A_278] {strides = array<i32>} : memref<16384xi32, #tpu.memory_space<vmem>>, vector<16xi32>,
      %add3A_280 = arith.addi %add3A_266, %get3A_279 : vector<16xi32>
      %mul3A_281 = arith.constant 16 : i32
      %mul3A_282 = arith.muli %scan3A_110, %mul3A_281 : i32
      %add3A_283 = arith.constant 12288 : i32
      %add3A_284 = arith.addi %add3A_283, %mul3A_282 : i32
      %get3A_285 = arith.index_cast %add3A_284 : i32 to index
      %get3A_286 = tpu.vector_load %arg11[%get3A_285] {strides = array<i32>} : memref<16384xf32, #tpu.memory_space<vmem>>, vector<16xf32>,
      %add3A_287 = arith.addf %add3A_273, %get3A_286 : vector<16xf32>
      %mul3A_288 = arith.constant 16 : i32
      %mul3A_289 = arith.muli %scan3A_110, %mul3A_288 : i32
      %add3A_290 = arith.constant 13312 : i32
      %add3A_291 = arith.addi %add3A_290, %mul3A_289 : i32
      %get3A_292 = arith.index_cast %add3A_291 : i32 to index
      %get3A_293 = tpu.vector_load %arg10[%get3A_292] {strides = array<i32>} : memref<16384xi32, #tpu.memory_space<vmem>>, vector<16xi32>,
      %add3A_294 = arith.addi %add3A_280, %get3A_293 : vector<16xi32>
      %mul3A_295 = arith.constant 16 : i32
      %mul3A_296 = arith.muli %scan3A_110, %mul3A_295 : i32
      %add3A_297 = arith.constant 13312 : i32
      %add3A_298 = arith.addi %add3A_297, %mul3A_296 : i32
      %get3A_299 = arith.index_cast %add3A_298 : i32 to index
      %get3A_300 = tpu.vector_load %arg11[%get3A_299] {strides = array<i32>} : memref<16384xf32, #tpu.memory_space<vmem>>, vector<16xf32>,
      %add3A_301 = arith.addf %add3A_287, %get3A_300 : vector<16xf32>
      %mul3A_302 = arith.constant 16 : i32
      %mul3A_303 = arith.muli %scan3A_110, %mul3A_302 : i32
      %add3A_304 = arith.constant 14336 : i32
      %add3A_305 = arith.addi %add3A_304, %mul3A_303 : i32
      %get3A_306 = arith.index_cast %add3A_305 : i32 to index
      %get3A_307 = tpu.vector_load %arg10[%get3A_306] {strides = array<i32>} : memref<16384xi32, #tpu.memory_space<vmem>>, vector<16xi32>,
      %add3A_308 = arith.addi %add3A_294, %get3A_307 : vector<16xi32>
      %mul3A_309 = arith.constant 16 : i32
      %mul3A_310 = arith.muli %scan3A_110, %mul3A_309 : i32
      %add3A_311 = arith.constant 14336 : i32
      %add3A_312 = arith.addi %add3A_311, %mul3A_310 : i32
      %get3A_313 = arith.index_cast %add3A_312 : i32 to index
      %get3A_314 = tpu.vector_load %arg11[%get3A_313] {strides = array<i32>} : memref<16384xf32, #tpu.memory_space<vmem>>, vector<16xf32>,
      %add3A_315 = arith.addf %add3A_301, %get3A_314 : vector<16xf32>
      %mul3A_316 = arith.constant 16 : i32
      %mul3A_317 = arith.muli %scan3A_110, %mul3A_316 : i32
      %add3A_318 = arith.constant 15360 : i32
      %add3A_319 = arith.addi %add3A_318, %mul3A_317 : i32
      %get3A_320 = arith.index_cast %add3A_319 : i32 to index
      %get3A_321 = tpu.vector_load %arg10[%get3A_320] {strides = array<i32>} : memref<16384xi32, #tpu.memory_space<vmem>>, vector<16xi32>,
      %add3A_322 = arith.addi %add3A_308, %get3A_321 : vector<16xi32>
      %mul3A_323 = arith.constant 16 : i32
      %mul3A_324 = arith.muli %scan3A_110, %mul3A_323 : i32
      %add3A_325 = arith.constant 15360 : i32
      %add3A_326 = arith.addi %add3A_325, %mul3A_324 : i32
      %get3A_327 = arith.index_cast %add3A_326 : i32 to index
      %get3A_328 = tpu.vector_load %arg11[%get3A_327] {strides = array<i32>} : memref<16384xf32, #tpu.memory_space<vmem>>, vector<16xf32>,
      %add3A_329 = arith.addf %add3A_315, %get3A_328 : vector<16xf32>
      %mul3A_330 = arith.constant 16 : i32
      %mul3A_331 = arith.muli %scan3A_110, %mul3A_330 : i32
      %swap3A = arith.constant 0 : i32
      %swap3A_332 = arith.index_cast %swap3A : i32 to index
      %swap3A_333 = arith.index_cast %mul3A_331 : i32 to index
      %swap3A_334 = tpu.vector_load %arg12[%swap3A_332, %swap3A_333] {strides = array<i32>} : memref<1x1024xi32, #tpu.memory_space<vmem>>, vector<16xi32>,
      tpu.vector_store %arg12[%swap3A_332, %swap3A_333], %add3A_322 {strides = array<i32>} : memref<1x1024xi32, #tpu.memory_space<vmem>>, vector<16xi32>,
      %mul3A_335 = arith.constant 16 : i32
      %mul3A_336 = arith.muli %scan3A_110, %mul3A_335 : i32
      %swap3A_337 = arith.constant 0 : i32
      %swap3A_338 = arith.index_cast %swap3A_337 : i32 to index
      %swap3A_339 = arith.index_cast %mul3A_336 : i32 to index
      %swap3A_340 = tpu.vector_load %arg13[%swap3A_338, %swap3A_339] {strides = array<i32>} : memref<1x1024xf32, #tpu.memory_space<vmem>>, vector<16xf32>,
      tpu.vector_store %arg13[%swap3A_338, %swap3A_339], %add3A_329 {strides = array<i32>} : memref<1x1024xf32, #tpu.memory_space<vmem>>, vector<16xf32>,
      %scan3A_341 = arith.constant 0 : i32
      scf.yield %scan3A_341 : i32
    }
    %scan3A_33 = arith.constant 64 : i32
    "tpu.region"() ({
      %run_scoped3A = tpu.sem_alloc : memref<!tpu.dma_semaphore, #tpu.memory_space<semaphore_mem>>
      %dma_start3A = arith.constant 0 : i32
      %dma_start3A_110 = tpu.memref_slice %arg6[%add3A, %dma_start3A] : memref<32x3072xi32, #tpu.memory_space<hbm>> -> memref<1x1024xi32, #tpu.memory_space<hbm>>
      %dma_start3A_111 = arith.constant 0 : i32
      %dma_start3A_112 = tpu.memref_slice %arg6[%add3A, %dma_start3A_111] : memref<32x3072xi32, #tpu.memory_space<hbm>> -> memref<1x1024xi32, #tpu.memory_space<hbm>>
      tpu.enqueue_dma source(%arg12 : memref<1x1024xi32, #tpu.memory_space<vmem>>) target(%dma_start3A_112 : memref<1x1024xi32, #tpu.memory_space<hbm>>) target_semaphore(%run_scoped3A : memref<!tpu.dma_semaphore, #tpu.memory_space<semaphore_mem>>)
      %dma_wait3A = arith.constant 0 : i32
      %dma_wait3A_113 = tpu.memref_slice %arg6[%add3A, %dma_wait3A] : memref<32x3072xi32, #tpu.memory_space<hbm>> -> memref<1x1024xi32, #tpu.memory_space<hbm>>
      %dma_wait3A_114 = arith.constant 0 : i32
      %dma_wait3A_115 = tpu.memref_slice %arg6[%add3A, %dma_wait3A_114] : memref<32x3072xi32, #tpu.memory_space<hbm>> -> memref<1x1024xi32, #tpu.memory_space<hbm>>
      tpu.wait_dma2 semaphore(%run_scoped3A : memref<!tpu.dma_semaphore, #tpu.memory_space<semaphore_mem>>) src(%arg12 : memref<1x1024xi32, #tpu.memory_space<vmem>>) dst(%dma_wait3A_115 : memref<1x1024xi32, #tpu.memory_space<hbm>>)
      tpu.yield
    }) : () -> ()
    "tpu.region"() ({
      %run_scoped3A = tpu.sem_alloc : memref<!tpu.dma_semaphore, #tpu.memory_space<semaphore_mem>>
      %dma_start3A = arith.constant 0 : i32
      %dma_start3A_110 = tpu.memref_slice %arg7[%add3A, %dma_start3A] : memref<32x3072xf32, #tpu.memory_space<hbm>> -> memref<1x1024xf32, #tpu.memory_space<hbm>>
      %dma_start3A_111 = arith.constant 0 : i32
      %dma_start3A_112 = tpu.memref_slice %arg7[%add3A, %dma_start3A_111] : memref<32x3072xf32, #tpu.memory_space<hbm>> -> memref<1x1024xf32, #tpu.memory_space<hbm>>
      tpu.enqueue_dma source(%arg13 : memref<1x1024xf32, #tpu.memory_space<vmem>>) target(%dma_start3A_112 : memref<1x1024xf32, #tpu.memory_space<hbm>>) target_semaphore(%run_scoped3A : memref<!tpu.dma_semaphore, #tpu.memory_space<semaphore_mem>>)
      %dma_wait3A = arith.constant 0 : i32
      %dma_wait3A_113 = tpu.memref_slice %arg7[%add3A, %dma_wait3A] : memref<32x3072xf32, #tpu.memory_space<hbm>> -> memref<1x1024xf32, #tpu.memory_space<hbm>>
      %dma_wait3A_114 = arith.constant 0 : i32
      %dma_wait3A_115 = tpu.memref_slice %arg7[%add3A, %dma_wait3A_114] : memref<32x3072xf32, #tpu.memory_space<hbm>> -> memref<1x1024xf32, #tpu.memory_space<hbm>>
      tpu.wait_dma2 semaphore(%run_scoped3A : memref<!tpu.dma_semaphore, #tpu.memory_space<semaphore_mem>>) src(%arg13 : memref<1x1024xf32, #tpu.memory_space<vmem>>) dst(%dma_wait3A_115 : memref<1x1024xf32, #tpu.memory_space<hbm>>)
      tpu.yield
    }) : () -> ()
    %get3A_34 = arith.constant 1 : i32
    %get3A_35 = arith.index_cast %get3A_34 : i32 to index
    %get3A_36 = arith.constant 0 : index
    %get3A_37 = tpu.vector_load %arg9[%get3A_35, %get3A_36] {strides = array<i32>} : memref<8x128xf32, #tpu.memory_space<vmem>>, vector<16xf32>,
    %slice3A_38 = vector.extract_strided_slice %get3A_37 {offsets = [0], sizes = [1], strides = [1]} : vector<16xf32> to vector<1xf32>
    %squeeze3A_39 = vector.extract %slice3A_38[0] : f32 from vector<1xf32>
    %convert_element_type3A_40 = arith.fptosi %squeeze3A_39 : f32 to i32
    "tpu.region"() ({
      %run_scoped3A = tpu.sem_alloc : memref<!tpu.dma_semaphore, #tpu.memory_space<semaphore_mem>>
      %dma_start3A = arith.constant 0 : i32
      %dma_start3A_110 = tpu.memref_slice %arg3[%mul3A_2, %dma_start3A] : memref<256x4096xf32, #tpu.memory_space<hbm>> -> memref<8x4096xf32, #tpu.memory_space<hbm>>
      %dma_start3A_111 = arith.constant 0 : i32
      %dma_start3A_112 = tpu.memref_slice %arg3[%mul3A_2, %dma_start3A_111] : memref<256x4096xf32, #tpu.memory_space<hbm>> -> memref<8x4096xf32, #tpu.memory_space<hbm>>
      tpu.enqueue_dma source(%dma_start3A_112 : memref<8x4096xf32, #tpu.memory_space<hbm>>) target(%arg8 : memref<8x4096xf32, #tpu.memory_space<vmem>>) target_semaphore(%run_scoped3A : memref<!tpu.dma_semaphore, #tpu.memory_space<semaphore_mem>>)
      %dma_wait3A = arith.constant 0 : i32
      %dma_wait3A_113 = tpu.memref_slice %arg3[%mul3A_2, %dma_wait3A] : memref<256x4096xf32, #tpu.memory_space<hbm>> -> memref<8x4096xf32, #tpu.memory_space<hbm>>
      %dma_wait3A_114 = arith.constant 0 : i32
      %dma_wait3A_115 = tpu.memref_slice %arg3[%mul3A_2, %dma_wait3A_114] : memref<256x4096xf32, #tpu.memory_space<hbm>> -> memref<8x4096xf32, #tpu.memory_space<hbm>>
      tpu.wait_dma2 semaphore(%run_scoped3A : memref<!tpu.dma_semaphore, #tpu.memory_space<semaphore_mem>>) src(%dma_wait3A_115 : memref<8x4096xf32, #tpu.memory_space<hbm>>) dst(%arg8 : memref<8x4096xf32, #tpu.memory_space<vmem>>)
      tpu.yield
    }) : () -> ()
    %broadcast_in_dim3A_41 = arith.constant 0 : i32
    %broadcast_in_dim3A_42 = vector.broadcast %broadcast_in_dim3A_41 : i32 to vector<16xi32>
    %broadcast_in_dim3A_43 = arith.constant 0.000000e+00 : f32
    %broadcast_in_dim3A_44 = vector.broadcast %broadcast_in_dim3A_43 : f32 to vector<16xf32>
    %broadcast_in_dim3A_45 = arith.constant 1 : i32
    %broadcast_in_dim3A_46 = vector.broadcast %broadcast_in_dim3A_45 : i32 to vector<16xi32>
    %iota3A_47 = tpu.iota {dimensions = array<i32: 0>} : vector<16xi32>
    %mul3A_48 = arith.constant 1024 : i32
    %mul3A_49 = vector.broadcast %mul3A_48 : i32 to vector<16xi32>
    %mul3A_50 = arith.muli %iota3A_47, %mul3A_49 : vector<16xi32>
    %scan3A_51 = arith.constant 0 : i32
    %scan3A_52 = arith.constant 0 : i32
    %scan3A_53 = arith.constant 1024 : i32
    %scan3A_54 = arith.addi %scan3A_52, %scan3A_53 : i32
    %scan3A_55 = arith.constant 1 : i32
    %scan3A_56 = scf.for %scan3A_110 = %scan3A_52 to %scan3A_54 step %scan3A_55 iter_args(%scan3A_111 = %scan3A_51) -> (i32)  : i32 {
      %mul3A_112 = arith.constant 16 : i32
      %mul3A_113 = arith.muli %scan3A_110, %mul3A_112 : i32
      %swap3A = arith.index_cast %mul3A_113 : i32 to index
      %swap3A_114 = tpu.vector_load %arg10[%swap3A] {strides = array<i32>} : memref<16384xi32, #tpu.memory_space<vmem>>, vector<16xi32>,
      tpu.vector_store %arg10[%swap3A], %broadcast_in_dim3A_42 {strides = array<i32>} : memref<16384xi32, #tpu.memory_space<vmem>>, vector<16xi32>,
      %mul3A_115 = arith.constant 16 : i32
      %mul3A_116 = arith.muli %scan3A_110, %mul3A_115 : i32
      %swap3A_117 = arith.index_cast %mul3A_116 : i32 to index
      %swap3A_118 = tpu.vector_load %arg11[%swap3A_117] {strides = array<i32>} : memref<16384xf32, #tpu.memory_space<vmem>>, vector<16xf32>,
      tpu.vector_store %arg11[%swap3A_117], %broadcast_in_dim3A_44 {strides = array<i32>} : memref<16384xf32, #tpu.memory_space<vmem>>, vector<16xf32>,
      %scan3A_119 = arith.constant 0 : i32
      scf.yield %scan3A_119 : i32
    }
    %scan3A_57 = arith.constant 1024 : i32
    %scan3A_58 = arith.constant 0 : i32
    %scan3A_59 = arith.constant 0 : i32
    %scan3A_60 = arith.constant 2048 : i32
    %scan3A_61 = arith.addi %scan3A_59, %scan3A_60 : i32
    %scan3A_62 = arith.constant 1 : i32
    %scan3A_63 = scf.for %scan3A_110 = %scan3A_59 to %scan3A_61 step %scan3A_62 iter_args(%scan3A_111 = %scan3A_58) -> (i32)  : i32 {
      %shift_right_arithmetic3A = arith.constant 8 : i32
      %shift_right_arithmetic3A_112 = arith.shrsi %scan3A_110, %shift_right_arithmetic3A : i32
      %and3A = arith.constant 255 : i32
      %and3A_113 = arith.andi %scan3A_110, %and3A : i32
      %mul3A_114 = arith.constant 16 : i32
      %mul3A_115 = arith.muli %and3A_113, %mul3A_114 : i32
      %get3A_116 = arith.index_cast %shift_right_arithmetic3A_112 : i32 to index
      %get3A_117 = arith.index_cast %mul3A_115 : i32 to index
      %get3A_118 = tpu.vector_load %arg8[%get3A_116, %get3A_117] {strides = array<i32>} : memref<8x4096xf32, #tpu.memory_space<vmem>>, vector<16xf32>,
      %bitcast_convert_type3A = tpu.bitcast %get3A_118 : vector<16xf32> -> vector<16xi32>
      %lt3A = arith.constant 0 : i32
      %lt3A_119 = vector.broadcast %lt3A : i32 to vector<16xi32>
      %lt3A_120 = arith.cmpi slt, %bitcast_convert_type3A, %lt3A_119 : vector<16xi32>
      %xor3A = arith.constant 2147483647 : i32
      %xor3A_121 = vector.broadcast %xor3A : i32 to vector<16xi32>
      %xor3A_122 = arith.xori %bitcast_convert_type3A, %xor3A_121 : vector<16xi32>
      %select_n3A = arith.select %lt3A_120, %xor3A_122, %bitcast_convert_type3A : vector<16xi1>, vector<16xi32>
      %shift_right_arithmetic3A_123 = arith.constant 22 : i32
      %shift_right_arithmetic3A_124 = vector.broadcast %shift_right_arithmetic3A_123 : i32 to vector<16xi32>
      %shift_right_arithmetic3A_125 = arith.shrsi %select_n3A, %shift_right_arithmetic3A_124 : vector<16xi32>
      %add3A_126 = arith.constant 512 : i32
      %add3A_127 = vector.broadcast %add3A_126 : i32 to vector<16xi32>
      %add3A_128 = arith.addi %shift_right_arithmetic3A_125, %add3A_127 : vector<16xi32>
      %eq3A = vector.broadcast %convert_element_type3A_40 : i32 to vector<16xi32>
      %eq3A_129 = arith.cmpi eq, %add3A_128, %eq3A : vector<16xi32>
      %shift_right_arithmetic3A_130 = arith.constant 12 : i32
      %shift_right_arithmetic3A_131 = vector.broadcast %shift_right_arithmetic3A_130 : i32 to vector<16xi32>
      %shift_right_arithmetic3A_132 = arith.shrsi %select_n3A, %shift_right_arithmetic3A_131 : vector<16xi32>
      %and3A_133 = arith.constant 1023 : i32
      %and3A_134 = vector.broadcast %and3A_133 : i32 to vector<16xi32>
      %and3A_135 = arith.andi %shift_right_arithmetic3A_132, %and3A_134 : vector<16xi32>
      %add3A_136 = arith.addi %mul3A_50, %and3A_135 : vector<16xi32>
      tpu.vector_store_idx %arg10[%add3A_136], %broadcast_in_dim3A_46 masked %eq3A_129 {add = true} : memref<16384xi32, #tpu.memory_space<vmem>>[vector<16xi32>], vector<16xi32>, vector<16xi1>
      tpu.vector_store_idx %arg11[%add3A_136], %get3A_118 masked %eq3A_129 {add = true} : memref<16384xf32, #tpu.memory_space<vmem>>[vector<16xi32>], vector<16xf32>, vector<16xi1>
      %scan3A_137 = arith.constant 0 : i32
      scf.yield %scan3A_137 : i32
    }
    %scan3A_64 = arith.constant 2048 : i32
    %scan3A_65 = arith.constant 0 : i32
    %scan3A_66 = arith.constant 0 : i32
    %scan3A_67 = arith.constant 64 : i32
    %scan3A_68 = arith.addi %scan3A_66, %scan3A_67 : i32
    %scan3A_69 = arith.constant 1 : i32
    %scan3A_70 = scf.for %scan3A_110 = %scan3A_66 to %scan3A_68 step %scan3A_69 iter_args(%scan3A_111 = %scan3A_65) -> (i32)  : i32 {
      %mul3A_112 = arith.constant 16 : i32
      %mul3A_113 = arith.muli %scan3A_110, %mul3A_112 : i32
      %get3A_114 = arith.index_cast %mul3A_113 : i32 to index
      %get3A_115 = tpu.vector_load %arg10[%get3A_114] {strides = array<i32>} : memref<16384xi32, #tpu.memory_space<vmem>>, vector<16xi32>,
      %mul3A_116 = arith.constant 16 : i32
      %mul3A_117 = arith.muli %scan3A_110, %mul3A_116 : i32
      %get3A_118 = arith.index_cast %mul3A_117 : i32 to index
      %get3A_119 = tpu.vector_load %arg11[%get3A_118] {strides = array<i32>} : memref<16384xf32, #tpu.memory_space<vmem>>, vector<16xf32>,
      %mul3A_120 = arith.constant 16 : i32
      %mul3A_121 = arith.muli %scan3A_110, %mul3A_120 : i32
      %add3A_122 = arith.constant 1024 : i32
      %add3A_123 = arith.addi %add3A_122, %mul3A_121 : i32
      %get3A_124 = arith.index_cast %add3A_123 : i32 to index
      %get3A_125 = tpu.vector_load %arg10[%get3A_124] {strides = array<i32>} : memref<16384xi32, #tpu.memory_space<vmem>>, vector<16xi32>,
      %add3A_126 = arith.addi %get3A_115, %get3A_125 : vector<16xi32>
      %mul3A_127 = arith.constant 16 : i32
      %mul3A_128 = arith.muli %scan3A_110, %mul3A_127 : i32
      %add3A_129 = arith.constant 1024 : i32
      %add3A_130 = arith.addi %add3A_129, %mul3A_128 : i32
      %get3A_131 = arith.index_cast %add3A_130 : i32 to index
      %get3A_132 = tpu.vector_load %arg11[%get3A_131] {strides = array<i32>} : memref<16384xf32, #tpu.memory_space<vmem>>, vector<16xf32>,
      %add3A_133 = arith.addf %get3A_119, %get3A_132 : vector<16xf32>
      %mul3A_134 = arith.constant 16 : i32
      %mul3A_135 = arith.muli %scan3A_110, %mul3A_134 : i32
      %add3A_136 = arith.constant 2048 : i32
      %add3A_137 = arith.addi %add3A_136, %mul3A_135 : i32
      %get3A_138 = arith.index_cast %add3A_137 : i32 to index
      %get3A_139 = tpu.vector_load %arg10[%get3A_138] {strides = array<i32>} : memref<16384xi32, #tpu.memory_space<vmem>>, vector<16xi32>,
      %add3A_140 = arith.addi %add3A_126, %get3A_139 : vector<16xi32>
      %mul3A_141 = arith.constant 16 : i32
      %mul3A_142 = arith.muli %scan3A_110, %mul3A_141 : i32
      %add3A_143 = arith.constant 2048 : i32
      %add3A_144 = arith.addi %add3A_143, %mul3A_142 : i32
      %get3A_145 = arith.index_cast %add3A_144 : i32 to index
      %get3A_146 = tpu.vector_load %arg11[%get3A_145] {strides = array<i32>} : memref<16384xf32, #tpu.memory_space<vmem>>, vector<16xf32>,
      %add3A_147 = arith.addf %add3A_133, %get3A_146 : vector<16xf32>
      %mul3A_148 = arith.constant 16 : i32
      %mul3A_149 = arith.muli %scan3A_110, %mul3A_148 : i32
      %add3A_150 = arith.constant 3072 : i32
      %add3A_151 = arith.addi %add3A_150, %mul3A_149 : i32
      %get3A_152 = arith.index_cast %add3A_151 : i32 to index
      %get3A_153 = tpu.vector_load %arg10[%get3A_152] {strides = array<i32>} : memref<16384xi32, #tpu.memory_space<vmem>>, vector<16xi32>,
      %add3A_154 = arith.addi %add3A_140, %get3A_153 : vector<16xi32>
      %mul3A_155 = arith.constant 16 : i32
      %mul3A_156 = arith.muli %scan3A_110, %mul3A_155 : i32
      %add3A_157 = arith.constant 3072 : i32
      %add3A_158 = arith.addi %add3A_157, %mul3A_156 : i32
      %get3A_159 = arith.index_cast %add3A_158 : i32 to index
      %get3A_160 = tpu.vector_load %arg11[%get3A_159] {strides = array<i32>} : memref<16384xf32, #tpu.memory_space<vmem>>, vector<16xf32>,
      %add3A_161 = arith.addf %add3A_147, %get3A_160 : vector<16xf32>
      %mul3A_162 = arith.constant 16 : i32
      %mul3A_163 = arith.muli %scan3A_110, %mul3A_162 : i32
      %add3A_164 = arith.constant 4096 : i32
      %add3A_165 = arith.addi %add3A_164, %mul3A_163 : i32
      %get3A_166 = arith.index_cast %add3A_165 : i32 to index
      %get3A_167 = tpu.vector_load %arg10[%get3A_166] {strides = array<i32>} : memref<16384xi32, #tpu.memory_space<vmem>>, vector<16xi32>,
      %add3A_168 = arith.addi %add3A_154, %get3A_167 : vector<16xi32>
      %mul3A_169 = arith.constant 16 : i32
      %mul3A_170 = arith.muli %scan3A_110, %mul3A_169 : i32
      %add3A_171 = arith.constant 4096 : i32
      %add3A_172 = arith.addi %add3A_171, %mul3A_170 : i32
      %get3A_173 = arith.index_cast %add3A_172 : i32 to index
      %get3A_174 = tpu.vector_load %arg11[%get3A_173] {strides = array<i32>} : memref<16384xf32, #tpu.memory_space<vmem>>, vector<16xf32>,
      %add3A_175 = arith.addf %add3A_161, %get3A_174 : vector<16xf32>
      %mul3A_176 = arith.constant 16 : i32
      %mul3A_177 = arith.muli %scan3A_110, %mul3A_176 : i32
      %add3A_178 = arith.constant 5120 : i32
      %add3A_179 = arith.addi %add3A_178, %mul3A_177 : i32
      %get3A_180 = arith.index_cast %add3A_179 : i32 to index
      %get3A_181 = tpu.vector_load %arg10[%get3A_180] {strides = array<i32>} : memref<16384xi32, #tpu.memory_space<vmem>>, vector<16xi32>,
      %add3A_182 = arith.addi %add3A_168, %get3A_181 : vector<16xi32>
      %mul3A_183 = arith.constant 16 : i32
      %mul3A_184 = arith.muli %scan3A_110, %mul3A_183 : i32
      %add3A_185 = arith.constant 5120 : i32
      %add3A_186 = arith.addi %add3A_185, %mul3A_184 : i32
      %get3A_187 = arith.index_cast %add3A_186 : i32 to index
      %get3A_188 = tpu.vector_load %arg11[%get3A_187] {strides = array<i32>} : memref<16384xf32, #tpu.memory_space<vmem>>, vector<16xf32>,
      %add3A_189 = arith.addf %add3A_175, %get3A_188 : vector<16xf32>
      %mul3A_190 = arith.constant 16 : i32
      %mul3A_191 = arith.muli %scan3A_110, %mul3A_190 : i32
      %add3A_192 = arith.constant 6144 : i32
      %add3A_193 = arith.addi %add3A_192, %mul3A_191 : i32
      %get3A_194 = arith.index_cast %add3A_193 : i32 to index
      %get3A_195 = tpu.vector_load %arg10[%get3A_194] {strides = array<i32>} : memref<16384xi32, #tpu.memory_space<vmem>>, vector<16xi32>,
      %add3A_196 = arith.addi %add3A_182, %get3A_195 : vector<16xi32>
      %mul3A_197 = arith.constant 16 : i32
      %mul3A_198 = arith.muli %scan3A_110, %mul3A_197 : i32
      %add3A_199 = arith.constant 6144 : i32
      %add3A_200 = arith.addi %add3A_199, %mul3A_198 : i32
      %get3A_201 = arith.index_cast %add3A_200 : i32 to index
      %get3A_202 = tpu.vector_load %arg11[%get3A_201] {strides = array<i32>} : memref<16384xf32, #tpu.memory_space<vmem>>, vector<16xf32>,
      %add3A_203 = arith.addf %add3A_189, %get3A_202 : vector<16xf32>
      %mul3A_204 = arith.constant 16 : i32
      %mul3A_205 = arith.muli %scan3A_110, %mul3A_204 : i32
      %add3A_206 = arith.constant 7168 : i32
      %add3A_207 = arith.addi %add3A_206, %mul3A_205 : i32
      %get3A_208 = arith.index_cast %add3A_207 : i32 to index
      %get3A_209 = tpu.vector_load %arg10[%get3A_208] {strides = array<i32>} : memref<16384xi32, #tpu.memory_space<vmem>>, vector<16xi32>,
      %add3A_210 = arith.addi %add3A_196, %get3A_209 : vector<16xi32>
      %mul3A_211 = arith.constant 16 : i32
      %mul3A_212 = arith.muli %scan3A_110, %mul3A_211 : i32
      %add3A_213 = arith.constant 7168 : i32
      %add3A_214 = arith.addi %add3A_213, %mul3A_212 : i32
      %get3A_215 = arith.index_cast %add3A_214 : i32 to index
      %get3A_216 = tpu.vector_load %arg11[%get3A_215] {strides = array<i32>} : memref<16384xf32, #tpu.memory_space<vmem>>, vector<16xf32>,
      %add3A_217 = arith.addf %add3A_203, %get3A_216 : vector<16xf32>
      %mul3A_218 = arith.constant 16 : i32
      %mul3A_219 = arith.muli %scan3A_110, %mul3A_218 : i32
      %add3A_220 = arith.constant 8192 : i32
      %add3A_221 = arith.addi %add3A_220, %mul3A_219 : i32
      %get3A_222 = arith.index_cast %add3A_221 : i32 to index
      %get3A_223 = tpu.vector_load %arg10[%get3A_222] {strides = array<i32>} : memref<16384xi32, #tpu.memory_space<vmem>>, vector<16xi32>,
      %add3A_224 = arith.addi %add3A_210, %get3A_223 : vector<16xi32>
      %mul3A_225 = arith.constant 16 : i32
      %mul3A_226 = arith.muli %scan3A_110, %mul3A_225 : i32
      %add3A_227 = arith.constant 8192 : i32
      %add3A_228 = arith.addi %add3A_227, %mul3A_226 : i32
      %get3A_229 = arith.index_cast %add3A_228 : i32 to index
      %get3A_230 = tpu.vector_load %arg11[%get3A_229] {strides = array<i32>} : memref<16384xf32, #tpu.memory_space<vmem>>, vector<16xf32>,
      %add3A_231 = arith.addf %add3A_217, %get3A_230 : vector<16xf32>
      %mul3A_232 = arith.constant 16 : i32
      %mul3A_233 = arith.muli %scan3A_110, %mul3A_232 : i32
      %add3A_234 = arith.constant 9216 : i32
      %add3A_235 = arith.addi %add3A_234, %mul3A_233 : i32
      %get3A_236 = arith.index_cast %add3A_235 : i32 to index
      %get3A_237 = tpu.vector_load %arg10[%get3A_236] {strides = array<i32>} : memref<16384xi32, #tpu.memory_space<vmem>>, vector<16xi32>,
      %add3A_238 = arith.addi %add3A_224, %get3A_237 : vector<16xi32>
      %mul3A_239 = arith.constant 16 : i32
      %mul3A_240 = arith.muli %scan3A_110, %mul3A_239 : i32
      %add3A_241 = arith.constant 9216 : i32
      %add3A_242 = arith.addi %add3A_241, %mul3A_240 : i32
      %get3A_243 = arith.index_cast %add3A_242 : i32 to index
      %get3A_244 = tpu.vector_load %arg11[%get3A_243] {strides = array<i32>} : memref<16384xf32, #tpu.memory_space<vmem>>, vector<16xf32>,
      %add3A_245 = arith.addf %add3A_231, %get3A_244 : vector<16xf32>
      %mul3A_246 = arith.constant 16 : i32
      %mul3A_247 = arith.muli %scan3A_110, %mul3A_246 : i32
      %add3A_248 = arith.constant 10240 : i32
      %add3A_249 = arith.addi %add3A_248, %mul3A_247 : i32
      %get3A_250 = arith.index_cast %add3A_249 : i32 to index
      %get3A_251 = tpu.vector_load %arg10[%get3A_250] {strides = array<i32>} : memref<16384xi32, #tpu.memory_space<vmem>>, vector<16xi32>,
      %add3A_252 = arith.addi %add3A_238, %get3A_251 : vector<16xi32>
      %mul3A_253 = arith.constant 16 : i32
      %mul3A_254 = arith.muli %scan3A_110, %mul3A_253 : i32
      %add3A_255 = arith.constant 10240 : i32
      %add3A_256 = arith.addi %add3A_255, %mul3A_254 : i32
      %get3A_257 = arith.index_cast %add3A_256 : i32 to index
      %get3A_258 = tpu.vector_load %arg11[%get3A_257] {strides = array<i32>} : memref<16384xf32, #tpu.memory_space<vmem>>, vector<16xf32>,
      %add3A_259 = arith.addf %add3A_245, %get3A_258 : vector<16xf32>
      %mul3A_260 = arith.constant 16 : i32
      %mul3A_261 = arith.muli %scan3A_110, %mul3A_260 : i32
      %add3A_262 = arith.constant 11264 : i32
      %add3A_263 = arith.addi %add3A_262, %mul3A_261 : i32
      %get3A_264 = arith.index_cast %add3A_263 : i32 to index
      %get3A_265 = tpu.vector_load %arg10[%get3A_264] {strides = array<i32>} : memref<16384xi32, #tpu.memory_space<vmem>>, vector<16xi32>,
      %add3A_266 = arith.addi %add3A_252, %get3A_265 : vector<16xi32>
      %mul3A_267 = arith.constant 16 : i32
      %mul3A_268 = arith.muli %scan3A_110, %mul3A_267 : i32
      %add3A_269 = arith.constant 11264 : i32
      %add3A_270 = arith.addi %add3A_269, %mul3A_268 : i32
      %get3A_271 = arith.index_cast %add3A_270 : i32 to index
      %get3A_272 = tpu.vector_load %arg11[%get3A_271] {strides = array<i32>} : memref<16384xf32, #tpu.memory_space<vmem>>, vector<16xf32>,
      %add3A_273 = arith.addf %add3A_259, %get3A_272 : vector<16xf32>
      %mul3A_274 = arith.constant 16 : i32
      %mul3A_275 = arith.muli %scan3A_110, %mul3A_274 : i32
      %add3A_276 = arith.constant 12288 : i32
      %add3A_277 = arith.addi %add3A_276, %mul3A_275 : i32
      %get3A_278 = arith.index_cast %add3A_277 : i32 to index
      %get3A_279 = tpu.vector_load %arg10[%get3A_278] {strides = array<i32>} : memref<16384xi32, #tpu.memory_space<vmem>>, vector<16xi32>,
      %add3A_280 = arith.addi %add3A_266, %get3A_279 : vector<16xi32>
      %mul3A_281 = arith.constant 16 : i32
      %mul3A_282 = arith.muli %scan3A_110, %mul3A_281 : i32
      %add3A_283 = arith.constant 12288 : i32
      %add3A_284 = arith.addi %add3A_283, %mul3A_282 : i32
      %get3A_285 = arith.index_cast %add3A_284 : i32 to index
      %get3A_286 = tpu.vector_load %arg11[%get3A_285] {strides = array<i32>} : memref<16384xf32, #tpu.memory_space<vmem>>, vector<16xf32>,
      %add3A_287 = arith.addf %add3A_273, %get3A_286 : vector<16xf32>
      %mul3A_288 = arith.constant 16 : i32
      %mul3A_289 = arith.muli %scan3A_110, %mul3A_288 : i32
      %add3A_290 = arith.constant 13312 : i32
      %add3A_291 = arith.addi %add3A_290, %mul3A_289 : i32
      %get3A_292 = arith.index_cast %add3A_291 : i32 to index
      %get3A_293 = tpu.vector_load %arg10[%get3A_292] {strides = array<i32>} : memref<16384xi32, #tpu.memory_space<vmem>>, vector<16xi32>,
      %add3A_294 = arith.addi %add3A_280, %get3A_293 : vector<16xi32>
      %mul3A_295 = arith.constant 16 : i32
      %mul3A_296 = arith.muli %scan3A_110, %mul3A_295 : i32
      %add3A_297 = arith.constant 13312 : i32
      %add3A_298 = arith.addi %add3A_297, %mul3A_296 : i32
      %get3A_299 = arith.index_cast %add3A_298 : i32 to index
      %get3A_300 = tpu.vector_load %arg11[%get3A_299] {strides = array<i32>} : memref<16384xf32, #tpu.memory_space<vmem>>, vector<16xf32>,
      %add3A_301 = arith.addf %add3A_287, %get3A_300 : vector<16xf32>
      %mul3A_302 = arith.constant 16 : i32
      %mul3A_303 = arith.muli %scan3A_110, %mul3A_302 : i32
      %add3A_304 = arith.constant 14336 : i32
      %add3A_305 = arith.addi %add3A_304, %mul3A_303 : i32
      %get3A_306 = arith.index_cast %add3A_305 : i32 to index
      %get3A_307 = tpu.vector_load %arg10[%get3A_306] {strides = array<i32>} : memref<16384xi32, #tpu.memory_space<vmem>>, vector<16xi32>,
      %add3A_308 = arith.addi %add3A_294, %get3A_307 : vector<16xi32>
      %mul3A_309 = arith.constant 16 : i32
      %mul3A_310 = arith.muli %scan3A_110, %mul3A_309 : i32
      %add3A_311 = arith.constant 14336 : i32
      %add3A_312 = arith.addi %add3A_311, %mul3A_310 : i32
      %get3A_313 = arith.index_cast %add3A_312 : i32 to index
      %get3A_314 = tpu.vector_load %arg11[%get3A_313] {strides = array<i32>} : memref<16384xf32, #tpu.memory_space<vmem>>, vector<16xf32>,
      %add3A_315 = arith.addf %add3A_301, %get3A_314 : vector<16xf32>
      %mul3A_316 = arith.constant 16 : i32
      %mul3A_317 = arith.muli %scan3A_110, %mul3A_316 : i32
      %add3A_318 = arith.constant 15360 : i32
      %add3A_319 = arith.addi %add3A_318, %mul3A_317 : i32
      %get3A_320 = arith.index_cast %add3A_319 : i32 to index
      %get3A_321 = tpu.vector_load %arg10[%get3A_320] {strides = array<i32>} : memref<16384xi32, #tpu.memory_space<vmem>>, vector<16xi32>,
      %add3A_322 = arith.addi %add3A_308, %get3A_321 : vector<16xi32>
      %mul3A_323 = arith.constant 16 : i32
      %mul3A_324 = arith.muli %scan3A_110, %mul3A_323 : i32
      %add3A_325 = arith.constant 15360 : i32
      %add3A_326 = arith.addi %add3A_325, %mul3A_324 : i32
      %get3A_327 = arith.index_cast %add3A_326 : i32 to index
      %get3A_328 = tpu.vector_load %arg11[%get3A_327] {strides = array<i32>} : memref<16384xf32, #tpu.memory_space<vmem>>, vector<16xf32>,
      %add3A_329 = arith.addf %add3A_315, %get3A_328 : vector<16xf32>
      %mul3A_330 = arith.constant 16 : i32
      %mul3A_331 = arith.muli %scan3A_110, %mul3A_330 : i32
      %swap3A = arith.constant 0 : i32
      %swap3A_332 = arith.index_cast %swap3A : i32 to index
      %swap3A_333 = arith.index_cast %mul3A_331 : i32 to index
      %swap3A_334 = tpu.vector_load %arg12[%swap3A_332, %swap3A_333] {strides = array<i32>} : memref<1x1024xi32, #tpu.memory_space<vmem>>, vector<16xi32>,
      tpu.vector_store %arg12[%swap3A_332, %swap3A_333], %add3A_322 {strides = array<i32>} : memref<1x1024xi32, #tpu.memory_space<vmem>>, vector<16xi32>,
      %mul3A_335 = arith.constant 16 : i32
      %mul3A_336 = arith.muli %scan3A_110, %mul3A_335 : i32
      %swap3A_337 = arith.constant 0 : i32
      %swap3A_338 = arith.index_cast %swap3A_337 : i32 to index
      %swap3A_339 = arith.index_cast %mul3A_336 : i32 to index
      %swap3A_340 = tpu.vector_load %arg13[%swap3A_338, %swap3A_339] {strides = array<i32>} : memref<1x1024xf32, #tpu.memory_space<vmem>>, vector<16xf32>,
      tpu.vector_store %arg13[%swap3A_338, %swap3A_339], %add3A_329 {strides = array<i32>} : memref<1x1024xf32, #tpu.memory_space<vmem>>, vector<16xf32>,
      %scan3A_341 = arith.constant 0 : i32
      scf.yield %scan3A_341 : i32
    }
    %scan3A_71 = arith.constant 64 : i32
    "tpu.region"() ({
      %run_scoped3A = tpu.sem_alloc : memref<!tpu.dma_semaphore, #tpu.memory_space<semaphore_mem>>
      %dma_start3A = arith.constant 1024 : i32
      %dma_start3A_110 = tpu.memref_slice %arg6[%add3A, %dma_start3A] : memref<32x3072xi32, #tpu.memory_space<hbm>> -> memref<1x1024xi32, #tpu.memory_space<hbm>>
      %dma_start3A_111 = arith.constant 1024 : i32
      %dma_start3A_112 = tpu.memref_slice %arg6[%add3A, %dma_start3A_111] : memref<32x3072xi32, #tpu.memory_space<hbm>> -> memref<1x1024xi32, #tpu.memory_space<hbm>>
      tpu.enqueue_dma source(%arg12 : memref<1x1024xi32, #tpu.memory_space<vmem>>) target(%dma_start3A_112 : memref<1x1024xi32, #tpu.memory_space<hbm>>) target_semaphore(%run_scoped3A : memref<!tpu.dma_semaphore, #tpu.memory_space<semaphore_mem>>)
      %dma_wait3A = arith.constant 1024 : i32
      %dma_wait3A_113 = tpu.memref_slice %arg6[%add3A, %dma_wait3A] : memref<32x3072xi32, #tpu.memory_space<hbm>> -> memref<1x1024xi32, #tpu.memory_space<hbm>>
      %dma_wait3A_114 = arith.constant 1024 : i32
      %dma_wait3A_115 = tpu.memref_slice %arg6[%add3A, %dma_wait3A_114] : memref<32x3072xi32, #tpu.memory_space<hbm>> -> memref<1x1024xi32, #tpu.memory_space<hbm>>
      tpu.wait_dma2 semaphore(%run_scoped3A : memref<!tpu.dma_semaphore, #tpu.memory_space<semaphore_mem>>) src(%arg12 : memref<1x1024xi32, #tpu.memory_space<vmem>>) dst(%dma_wait3A_115 : memref<1x1024xi32, #tpu.memory_space<hbm>>)
      tpu.yield
    }) : () -> ()
    "tpu.region"() ({
      %run_scoped3A = tpu.sem_alloc : memref<!tpu.dma_semaphore, #tpu.memory_space<semaphore_mem>>
      %dma_start3A = arith.constant 1024 : i32
      %dma_start3A_110 = tpu.memref_slice %arg7[%add3A, %dma_start3A] : memref<32x3072xf32, #tpu.memory_space<hbm>> -> memref<1x1024xf32, #tpu.memory_space<hbm>>
      %dma_start3A_111 = arith.constant 1024 : i32
      %dma_start3A_112 = tpu.memref_slice %arg7[%add3A, %dma_start3A_111] : memref<32x3072xf32, #tpu.memory_space<hbm>> -> memref<1x1024xf32, #tpu.memory_space<hbm>>
      tpu.enqueue_dma source(%arg13 : memref<1x1024xf32, #tpu.memory_space<vmem>>) target(%dma_start3A_112 : memref<1x1024xf32, #tpu.memory_space<hbm>>) target_semaphore(%run_scoped3A : memref<!tpu.dma_semaphore, #tpu.memory_space<semaphore_mem>>)
      %dma_wait3A = arith.constant 1024 : i32
      %dma_wait3A_113 = tpu.memref_slice %arg7[%add3A, %dma_wait3A] : memref<32x3072xf32, #tpu.memory_space<hbm>> -> memref<1x1024xf32, #tpu.memory_space<hbm>>
      %dma_wait3A_114 = arith.constant 1024 : i32
      %dma_wait3A_115 = tpu.memref_slice %arg7[%add3A, %dma_wait3A_114] : memref<32x3072xf32, #tpu.memory_space<hbm>> -> memref<1x1024xf32, #tpu.memory_space<hbm>>
      tpu.wait_dma2 semaphore(%run_scoped3A : memref<!tpu.dma_semaphore, #tpu.memory_space<semaphore_mem>>) src(%arg13 : memref<1x1024xf32, #tpu.memory_space<vmem>>) dst(%dma_wait3A_115 : memref<1x1024xf32, #tpu.memory_space<hbm>>)
      tpu.yield
    }) : () -> ()
    %get3A_72 = arith.constant 2 : i32
    %get3A_73 = arith.index_cast %get3A_72 : i32 to index
    %get3A_74 = arith.constant 0 : index
    %get3A_75 = tpu.vector_load %arg9[%get3A_73, %get3A_74] {strides = array<i32>} : memref<8x128xf32, #tpu.memory_space<vmem>>, vector<16xf32>,
    %slice3A_76 = vector.extract_strided_slice %get3A_75 {offsets = [0], sizes = [1], strides = [1]} : vector<16xf32> to vector<1xf32>
    %squeeze3A_77 = vector.extract %slice3A_76[0] : f32 from vector<1xf32>
    %convert_element_type3A_78 = arith.fptosi %squeeze3A_77 : f32 to i32
    "tpu.region"() ({
      %run_scoped3A = tpu.sem_alloc : memref<!tpu.dma_semaphore, #tpu.memory_space<semaphore_mem>>
      %dma_start3A = arith.constant 0 : i32
      %dma_start3A_110 = tpu.memref_slice %arg4[%mul3A_2, %dma_start3A] : memref<256x4096xf32, #tpu.memory_space<hbm>> -> memref<8x4096xf32, #tpu.memory_space<hbm>>
      %dma_start3A_111 = arith.constant 0 : i32
      %dma_start3A_112 = tpu.memref_slice %arg4[%mul3A_2, %dma_start3A_111] : memref<256x4096xf32, #tpu.memory_space<hbm>> -> memref<8x4096xf32, #tpu.memory_space<hbm>>
      tpu.enqueue_dma source(%dma_start3A_112 : memref<8x4096xf32, #tpu.memory_space<hbm>>) target(%arg8 : memref<8x4096xf32, #tpu.memory_space<vmem>>) target_semaphore(%run_scoped3A : memref<!tpu.dma_semaphore, #tpu.memory_space<semaphore_mem>>)
      %dma_wait3A = arith.constant 0 : i32
      %dma_wait3A_113 = tpu.memref_slice %arg4[%mul3A_2, %dma_wait3A] : memref<256x4096xf32, #tpu.memory_space<hbm>> -> memref<8x4096xf32, #tpu.memory_space<hbm>>
      %dma_wait3A_114 = arith.constant 0 : i32
      %dma_wait3A_115 = tpu.memref_slice %arg4[%mul3A_2, %dma_wait3A_114] : memref<256x4096xf32, #tpu.memory_space<hbm>> -> memref<8x4096xf32, #tpu.memory_space<hbm>>
      tpu.wait_dma2 semaphore(%run_scoped3A : memref<!tpu.dma_semaphore, #tpu.memory_space<semaphore_mem>>) src(%dma_wait3A_115 : memref<8x4096xf32, #tpu.memory_space<hbm>>) dst(%arg8 : memref<8x4096xf32, #tpu.memory_space<vmem>>)
      tpu.yield
    }) : () -> ()
    %broadcast_in_dim3A_79 = arith.constant 0 : i32
    %broadcast_in_dim3A_80 = vector.broadcast %broadcast_in_dim3A_79 : i32 to vector<16xi32>
    %broadcast_in_dim3A_81 = arith.constant 0.000000e+00 : f32
    %broadcast_in_dim3A_82 = vector.broadcast %broadcast_in_dim3A_81 : f32 to vector<16xf32>
    %broadcast_in_dim3A_83 = arith.constant 1 : i32
    %broadcast_in_dim3A_84 = vector.broadcast %broadcast_in_dim3A_83 : i32 to vector<16xi32>
    %iota3A_85 = tpu.iota {dimensions = array<i32: 0>} : vector<16xi32>
    %mul3A_86 = arith.constant 1024 : i32
    %mul3A_87 = vector.broadcast %mul3A_86 : i32 to vector<16xi32>
    %mul3A_88 = arith.muli %iota3A_85, %mul3A_87 : vector<16xi32>
    %scan3A_89 = arith.constant 0 : i32
    %scan3A_90 = arith.constant 0 : i32
    %scan3A_91 = arith.constant 1024 : i32
    %scan3A_92 = arith.addi %scan3A_90, %scan3A_91 : i32
    %scan3A_93 = arith.constant 1 : i32
    %scan3A_94 = scf.for %scan3A_110 = %scan3A_90 to %scan3A_92 step %scan3A_93 iter_args(%scan3A_111 = %scan3A_89) -> (i32)  : i32 {
      %mul3A_112 = arith.constant 16 : i32
      %mul3A_113 = arith.muli %scan3A_110, %mul3A_112 : i32
      %swap3A = arith.index_cast %mul3A_113 : i32 to index
      %swap3A_114 = tpu.vector_load %arg10[%swap3A] {strides = array<i32>} : memref<16384xi32, #tpu.memory_space<vmem>>, vector<16xi32>,
      tpu.vector_store %arg10[%swap3A], %broadcast_in_dim3A_80 {strides = array<i32>} : memref<16384xi32, #tpu.memory_space<vmem>>, vector<16xi32>,
      %mul3A_115 = arith.constant 16 : i32
      %mul3A_116 = arith.muli %scan3A_110, %mul3A_115 : i32
      %swap3A_117 = arith.index_cast %mul3A_116 : i32 to index
      %swap3A_118 = tpu.vector_load %arg11[%swap3A_117] {strides = array<i32>} : memref<16384xf32, #tpu.memory_space<vmem>>, vector<16xf32>,
      tpu.vector_store %arg11[%swap3A_117], %broadcast_in_dim3A_82 {strides = array<i32>} : memref<16384xf32, #tpu.memory_space<vmem>>, vector<16xf32>,
      %scan3A_119 = arith.constant 0 : i32
      scf.yield %scan3A_119 : i32
    }
    %scan3A_95 = arith.constant 1024 : i32
    %scan3A_96 = arith.constant 0 : i32
    %scan3A_97 = arith.constant 0 : i32
    %scan3A_98 = arith.constant 2048 : i32
    %scan3A_99 = arith.addi %scan3A_97, %scan3A_98 : i32
    %scan3A_100 = arith.constant 1 : i32
    %scan3A_101 = scf.for %scan3A_110 = %scan3A_97 to %scan3A_99 step %scan3A_100 iter_args(%scan3A_111 = %scan3A_96) -> (i32)  : i32 {
      %shift_right_arithmetic3A = arith.constant 8 : i32
      %shift_right_arithmetic3A_112 = arith.shrsi %scan3A_110, %shift_right_arithmetic3A : i32
      %and3A = arith.constant 255 : i32
      %and3A_113 = arith.andi %scan3A_110, %and3A : i32
      %mul3A_114 = arith.constant 16 : i32
      %mul3A_115 = arith.muli %and3A_113, %mul3A_114 : i32
      %get3A_116 = arith.index_cast %shift_right_arithmetic3A_112 : i32 to index
      %get3A_117 = arith.index_cast %mul3A_115 : i32 to index
      %get3A_118 = tpu.vector_load %arg8[%get3A_116, %get3A_117] {strides = array<i32>} : memref<8x4096xf32, #tpu.memory_space<vmem>>, vector<16xf32>,
      %bitcast_convert_type3A = tpu.bitcast %get3A_118 : vector<16xf32> -> vector<16xi32>
      %lt3A = arith.constant 0 : i32
      %lt3A_119 = vector.broadcast %lt3A : i32 to vector<16xi32>
      %lt3A_120 = arith.cmpi slt, %bitcast_convert_type3A, %lt3A_119 : vector<16xi32>
      %xor3A = arith.constant 2147483647 : i32
      %xor3A_121 = vector.broadcast %xor3A : i32 to vector<16xi32>
      %xor3A_122 = arith.xori %bitcast_convert_type3A, %xor3A_121 : vector<16xi32>
      %select_n3A = arith.select %lt3A_120, %xor3A_122, %bitcast_convert_type3A : vector<16xi1>, vector<16xi32>
      %shift_right_arithmetic3A_123 = arith.constant 22 : i32
      %shift_right_arithmetic3A_124 = vector.broadcast %shift_right_arithmetic3A_123 : i32 to vector<16xi32>
      %shift_right_arithmetic3A_125 = arith.shrsi %select_n3A, %shift_right_arithmetic3A_124 : vector<16xi32>
      %add3A_126 = arith.constant 512 : i32
      %add3A_127 = vector.broadcast %add3A_126 : i32 to vector<16xi32>
      %add3A_128 = arith.addi %shift_right_arithmetic3A_125, %add3A_127 : vector<16xi32>
      %eq3A = vector.broadcast %convert_element_type3A_78 : i32 to vector<16xi32>
      %eq3A_129 = arith.cmpi eq, %add3A_128, %eq3A : vector<16xi32>
      %shift_right_arithmetic3A_130 = arith.constant 12 : i32
      %shift_right_arithmetic3A_131 = vector.broadcast %shift_right_arithmetic3A_130 : i32 to vector<16xi32>
      %shift_right_arithmetic3A_132 = arith.shrsi %select_n3A, %shift_right_arithmetic3A_131 : vector<16xi32>
      %and3A_133 = arith.constant 1023 : i32
      %and3A_134 = vector.broadcast %and3A_133 : i32 to vector<16xi32>
      %and3A_135 = arith.andi %shift_right_arithmetic3A_132, %and3A_134 : vector<16xi32>
      %add3A_136 = arith.addi %mul3A_88, %and3A_135 : vector<16xi32>
      tpu.vector_store_idx %arg10[%add3A_136], %broadcast_in_dim3A_84 masked %eq3A_129 {add = true} : memref<16384xi32, #tpu.memory_space<vmem>>[vector<16xi32>], vector<16xi32>, vector<16xi1>
      tpu.vector_store_idx %arg11[%add3A_136], %get3A_118 masked %eq3A_129 {add = true} : memref<16384xf32, #tpu.memory_space<vmem>>[vector<16xi32>], vector<16xf32>, vector<16xi1>
      %scan3A_137 = arith.constant 0 : i32
      scf.yield %scan3A_137 : i32
    }
    %scan3A_102 = arith.constant 2048 : i32
    %scan3A_103 = arith.constant 0 : i32
    %scan3A_104 = arith.constant 0 : i32
    %scan3A_105 = arith.constant 64 : i32
    %scan3A_106 = arith.addi %scan3A_104, %scan3A_105 : i32
    %scan3A_107 = arith.constant 1 : i32
    %scan3A_108 = scf.for %scan3A_110 = %scan3A_104 to %scan3A_106 step %scan3A_107 iter_args(%scan3A_111 = %scan3A_103) -> (i32)  : i32 {
      %mul3A_112 = arith.constant 16 : i32
      %mul3A_113 = arith.muli %scan3A_110, %mul3A_112 : i32
      %get3A_114 = arith.index_cast %mul3A_113 : i32 to index
      %get3A_115 = tpu.vector_load %arg10[%get3A_114] {strides = array<i32>} : memref<16384xi32, #tpu.memory_space<vmem>>, vector<16xi32>,
      %mul3A_116 = arith.constant 16 : i32
      %mul3A_117 = arith.muli %scan3A_110, %mul3A_116 : i32
      %get3A_118 = arith.index_cast %mul3A_117 : i32 to index
      %get3A_119 = tpu.vector_load %arg11[%get3A_118] {strides = array<i32>} : memref<16384xf32, #tpu.memory_space<vmem>>, vector<16xf32>,
      %mul3A_120 = arith.constant 16 : i32
      %mul3A_121 = arith.muli %scan3A_110, %mul3A_120 : i32
      %add3A_122 = arith.constant 1024 : i32
      %add3A_123 = arith.addi %add3A_122, %mul3A_121 : i32
      %get3A_124 = arith.index_cast %add3A_123 : i32 to index
      %get3A_125 = tpu.vector_load %arg10[%get3A_124] {strides = array<i32>} : memref<16384xi32, #tpu.memory_space<vmem>>, vector<16xi32>,
      %add3A_126 = arith.addi %get3A_115, %get3A_125 : vector<16xi32>
      %mul3A_127 = arith.constant 16 : i32
      %mul3A_128 = arith.muli %scan3A_110, %mul3A_127 : i32
      %add3A_129 = arith.constant 1024 : i32
      %add3A_130 = arith.addi %add3A_129, %mul3A_128 : i32
      %get3A_131 = arith.index_cast %add3A_130 : i32 to index
      %get3A_132 = tpu.vector_load %arg11[%get3A_131] {strides = array<i32>} : memref<16384xf32, #tpu.memory_space<vmem>>, vector<16xf32>,
      %add3A_133 = arith.addf %get3A_119, %get3A_132 : vector<16xf32>
      %mul3A_134 = arith.constant 16 : i32
      %mul3A_135 = arith.muli %scan3A_110, %mul3A_134 : i32
      %add3A_136 = arith.constant 2048 : i32
      %add3A_137 = arith.addi %add3A_136, %mul3A_135 : i32
      %get3A_138 = arith.index_cast %add3A_137 : i32 to index
      %get3A_139 = tpu.vector_load %arg10[%get3A_138] {strides = array<i32>} : memref<16384xi32, #tpu.memory_space<vmem>>, vector<16xi32>,
      %add3A_140 = arith.addi %add3A_126, %get3A_139 : vector<16xi32>
      %mul3A_141 = arith.constant 16 : i32
      %mul3A_142 = arith.muli %scan3A_110, %mul3A_141 : i32
      %add3A_143 = arith.constant 2048 : i32
      %add3A_144 = arith.addi %add3A_143, %mul3A_142 : i32
      %get3A_145 = arith.index_cast %add3A_144 : i32 to index
      %get3A_146 = tpu.vector_load %arg11[%get3A_145] {strides = array<i32>} : memref<16384xf32, #tpu.memory_space<vmem>>, vector<16xf32>,
      %add3A_147 = arith.addf %add3A_133, %get3A_146 : vector<16xf32>
      %mul3A_148 = arith.constant 16 : i32
      %mul3A_149 = arith.muli %scan3A_110, %mul3A_148 : i32
      %add3A_150 = arith.constant 3072 : i32
      %add3A_151 = arith.addi %add3A_150, %mul3A_149 : i32
      %get3A_152 = arith.index_cast %add3A_151 : i32 to index
      %get3A_153 = tpu.vector_load %arg10[%get3A_152] {strides = array<i32>} : memref<16384xi32, #tpu.memory_space<vmem>>, vector<16xi32>,
      %add3A_154 = arith.addi %add3A_140, %get3A_153 : vector<16xi32>
      %mul3A_155 = arith.constant 16 : i32
      %mul3A_156 = arith.muli %scan3A_110, %mul3A_155 : i32
      %add3A_157 = arith.constant 3072 : i32
      %add3A_158 = arith.addi %add3A_157, %mul3A_156 : i32
      %get3A_159 = arith.index_cast %add3A_158 : i32 to index
      %get3A_160 = tpu.vector_load %arg11[%get3A_159] {strides = array<i32>} : memref<16384xf32, #tpu.memory_space<vmem>>, vector<16xf32>,
      %add3A_161 = arith.addf %add3A_147, %get3A_160 : vector<16xf32>
      %mul3A_162 = arith.constant 16 : i32
      %mul3A_163 = arith.muli %scan3A_110, %mul3A_162 : i32
      %add3A_164 = arith.constant 4096 : i32
      %add3A_165 = arith.addi %add3A_164, %mul3A_163 : i32
      %get3A_166 = arith.index_cast %add3A_165 : i32 to index
      %get3A_167 = tpu.vector_load %arg10[%get3A_166] {strides = array<i32>} : memref<16384xi32, #tpu.memory_space<vmem>>, vector<16xi32>,
      %add3A_168 = arith.addi %add3A_154, %get3A_167 : vector<16xi32>
      %mul3A_169 = arith.constant 16 : i32
      %mul3A_170 = arith.muli %scan3A_110, %mul3A_169 : i32
      %add3A_171 = arith.constant 4096 : i32
      %add3A_172 = arith.addi %add3A_171, %mul3A_170 : i32
      %get3A_173 = arith.index_cast %add3A_172 : i32 to index
      %get3A_174 = tpu.vector_load %arg11[%get3A_173] {strides = array<i32>} : memref<16384xf32, #tpu.memory_space<vmem>>, vector<16xf32>,
      %add3A_175 = arith.addf %add3A_161, %get3A_174 : vector<16xf32>
      %mul3A_176 = arith.constant 16 : i32
      %mul3A_177 = arith.muli %scan3A_110, %mul3A_176 : i32
      %add3A_178 = arith.constant 5120 : i32
      %add3A_179 = arith.addi %add3A_178, %mul3A_177 : i32
      %get3A_180 = arith.index_cast %add3A_179 : i32 to index
      %get3A_181 = tpu.vector_load %arg10[%get3A_180] {strides = array<i32>} : memref<16384xi32, #tpu.memory_space<vmem>>, vector<16xi32>,
      %add3A_182 = arith.addi %add3A_168, %get3A_181 : vector<16xi32>
      %mul3A_183 = arith.constant 16 : i32
      %mul3A_184 = arith.muli %scan3A_110, %mul3A_183 : i32
      %add3A_185 = arith.constant 5120 : i32
      %add3A_186 = arith.addi %add3A_185, %mul3A_184 : i32
      %get3A_187 = arith.index_cast %add3A_186 : i32 to index
      %get3A_188 = tpu.vector_load %arg11[%get3A_187] {strides = array<i32>} : memref<16384xf32, #tpu.memory_space<vmem>>, vector<16xf32>,
      %add3A_189 = arith.addf %add3A_175, %get3A_188 : vector<16xf32>
      %mul3A_190 = arith.constant 16 : i32
      %mul3A_191 = arith.muli %scan3A_110, %mul3A_190 : i32
      %add3A_192 = arith.constant 6144 : i32
      %add3A_193 = arith.addi %add3A_192, %mul3A_191 : i32
      %get3A_194 = arith.index_cast %add3A_193 : i32 to index
      %get3A_195 = tpu.vector_load %arg10[%get3A_194] {strides = array<i32>} : memref<16384xi32, #tpu.memory_space<vmem>>, vector<16xi32>,
      %add3A_196 = arith.addi %add3A_182, %get3A_195 : vector<16xi32>
      %mul3A_197 = arith.constant 16 : i32
      %mul3A_198 = arith.muli %scan3A_110, %mul3A_197 : i32
      %add3A_199 = arith.constant 6144 : i32
      %add3A_200 = arith.addi %add3A_199, %mul3A_198 : i32
      %get3A_201 = arith.index_cast %add3A_200 : i32 to index
      %get3A_202 = tpu.vector_load %arg11[%get3A_201] {strides = array<i32>} : memref<16384xf32, #tpu.memory_space<vmem>>, vector<16xf32>,
      %add3A_203 = arith.addf %add3A_189, %get3A_202 : vector<16xf32>
      %mul3A_204 = arith.constant 16 : i32
      %mul3A_205 = arith.muli %scan3A_110, %mul3A_204 : i32
      %add3A_206 = arith.constant 7168 : i32
      %add3A_207 = arith.addi %add3A_206, %mul3A_205 : i32
      %get3A_208 = arith.index_cast %add3A_207 : i32 to index
      %get3A_209 = tpu.vector_load %arg10[%get3A_208] {strides = array<i32>} : memref<16384xi32, #tpu.memory_space<vmem>>, vector<16xi32>,
      %add3A_210 = arith.addi %add3A_196, %get3A_209 : vector<16xi32>
      %mul3A_211 = arith.constant 16 : i32
      %mul3A_212 = arith.muli %scan3A_110, %mul3A_211 : i32
      %add3A_213 = arith.constant 7168 : i32
      %add3A_214 = arith.addi %add3A_213, %mul3A_212 : i32
      %get3A_215 = arith.index_cast %add3A_214 : i32 to index
      %get3A_216 = tpu.vector_load %arg11[%get3A_215] {strides = array<i32>} : memref<16384xf32, #tpu.memory_space<vmem>>, vector<16xf32>,
      %add3A_217 = arith.addf %add3A_203, %get3A_216 : vector<16xf32>
      %mul3A_218 = arith.constant 16 : i32
      %mul3A_219 = arith.muli %scan3A_110, %mul3A_218 : i32
      %add3A_220 = arith.constant 8192 : i32
      %add3A_221 = arith.addi %add3A_220, %mul3A_219 : i32
      %get3A_222 = arith.index_cast %add3A_221 : i32 to index
      %get3A_223 = tpu.vector_load %arg10[%get3A_222] {strides = array<i32>} : memref<16384xi32, #tpu.memory_space<vmem>>, vector<16xi32>,
      %add3A_224 = arith.addi %add3A_210, %get3A_223 : vector<16xi32>
      %mul3A_225 = arith.constant 16 : i32
      %mul3A_226 = arith.muli %scan3A_110, %mul3A_225 : i32
      %add3A_227 = arith.constant 8192 : i32
      %add3A_228 = arith.addi %add3A_227, %mul3A_226 : i32
      %get3A_229 = arith.index_cast %add3A_228 : i32 to index
      %get3A_230 = tpu.vector_load %arg11[%get3A_229] {strides = array<i32>} : memref<16384xf32, #tpu.memory_space<vmem>>, vector<16xf32>,
      %add3A_231 = arith.addf %add3A_217, %get3A_230 : vector<16xf32>
      %mul3A_232 = arith.constant 16 : i32
      %mul3A_233 = arith.muli %scan3A_110, %mul3A_232 : i32
      %add3A_234 = arith.constant 9216 : i32
      %add3A_235 = arith.addi %add3A_234, %mul3A_233 : i32
      %get3A_236 = arith.index_cast %add3A_235 : i32 to index
      %get3A_237 = tpu.vector_load %arg10[%get3A_236] {strides = array<i32>} : memref<16384xi32, #tpu.memory_space<vmem>>, vector<16xi32>,
      %add3A_238 = arith.addi %add3A_224, %get3A_237 : vector<16xi32>
      %mul3A_239 = arith.constant 16 : i32
      %mul3A_240 = arith.muli %scan3A_110, %mul3A_239 : i32
      %add3A_241 = arith.constant 9216 : i32
      %add3A_242 = arith.addi %add3A_241, %mul3A_240 : i32
      %get3A_243 = arith.index_cast %add3A_242 : i32 to index
      %get3A_244 = tpu.vector_load %arg11[%get3A_243] {strides = array<i32>} : memref<16384xf32, #tpu.memory_space<vmem>>, vector<16xf32>,
      %add3A_245 = arith.addf %add3A_231, %get3A_244 : vector<16xf32>
      %mul3A_246 = arith.constant 16 : i32
      %mul3A_247 = arith.muli %scan3A_110, %mul3A_246 : i32
      %add3A_248 = arith.constant 10240 : i32
      %add3A_249 = arith.addi %add3A_248, %mul3A_247 : i32
      %get3A_250 = arith.index_cast %add3A_249 : i32 to index
      %get3A_251 = tpu.vector_load %arg10[%get3A_250] {strides = array<i32>} : memref<16384xi32, #tpu.memory_space<vmem>>, vector<16xi32>,
      %add3A_252 = arith.addi %add3A_238, %get3A_251 : vector<16xi32>
      %mul3A_253 = arith.constant 16 : i32
      %mul3A_254 = arith.muli %scan3A_110, %mul3A_253 : i32
      %add3A_255 = arith.constant 10240 : i32
      %add3A_256 = arith.addi %add3A_255, %mul3A_254 : i32
      %get3A_257 = arith.index_cast %add3A_256 : i32 to index
      %get3A_258 = tpu.vector_load %arg11[%get3A_257] {strides = array<i32>} : memref<16384xf32, #tpu.memory_space<vmem>>, vector<16xf32>,
      %add3A_259 = arith.addf %add3A_245, %get3A_258 : vector<16xf32>
      %mul3A_260 = arith.constant 16 : i32
      %mul3A_261 = arith.muli %scan3A_110, %mul3A_260 : i32
      %add3A_262 = arith.constant 11264 : i32
      %add3A_263 = arith.addi %add3A_262, %mul3A_261 : i32
      %get3A_264 = arith.index_cast %add3A_263 : i32 to index
      %get3A_265 = tpu.vector_load %arg10[%get3A_264] {strides = array<i32>} : memref<16384xi32, #tpu.memory_space<vmem>>, vector<16xi32>,
      %add3A_266 = arith.addi %add3A_252, %get3A_265 : vector<16xi32>
      %mul3A_267 = arith.constant 16 : i32
      %mul3A_268 = arith.muli %scan3A_110, %mul3A_267 : i32
      %add3A_269 = arith.constant 11264 : i32
      %add3A_270 = arith.addi %add3A_269, %mul3A_268 : i32
      %get3A_271 = arith.index_cast %add3A_270 : i32 to index
      %get3A_272 = tpu.vector_load %arg11[%get3A_271] {strides = array<i32>} : memref<16384xf32, #tpu.memory_space<vmem>>, vector<16xf32>,
      %add3A_273 = arith.addf %add3A_259, %get3A_272 : vector<16xf32>
      %mul3A_274 = arith.constant 16 : i32
      %mul3A_275 = arith.muli %scan3A_110, %mul3A_274 : i32
      %add3A_276 = arith.constant 12288 : i32
      %add3A_277 = arith.addi %add3A_276, %mul3A_275 : i32
      %get3A_278 = arith.index_cast %add3A_277 : i32 to index
      %get3A_279 = tpu.vector_load %arg10[%get3A_278] {strides = array<i32>} : memref<16384xi32, #tpu.memory_space<vmem>>, vector<16xi32>,
      %add3A_280 = arith.addi %add3A_266, %get3A_279 : vector<16xi32>
      %mul3A_281 = arith.constant 16 : i32
      %mul3A_282 = arith.muli %scan3A_110, %mul3A_281 : i32
      %add3A_283 = arith.constant 12288 : i32
      %add3A_284 = arith.addi %add3A_283, %mul3A_282 : i32
      %get3A_285 = arith.index_cast %add3A_284 : i32 to index
      %get3A_286 = tpu.vector_load %arg11[%get3A_285] {strides = array<i32>} : memref<16384xf32, #tpu.memory_space<vmem>>, vector<16xf32>,
      %add3A_287 = arith.addf %add3A_273, %get3A_286 : vector<16xf32>
      %mul3A_288 = arith.constant 16 : i32
      %mul3A_289 = arith.muli %scan3A_110, %mul3A_288 : i32
      %add3A_290 = arith.constant 13312 : i32
      %add3A_291 = arith.addi %add3A_290, %mul3A_289 : i32
      %get3A_292 = arith.index_cast %add3A_291 : i32 to index
      %get3A_293 = tpu.vector_load %arg10[%get3A_292] {strides = array<i32>} : memref<16384xi32, #tpu.memory_space<vmem>>, vector<16xi32>,
      %add3A_294 = arith.addi %add3A_280, %get3A_293 : vector<16xi32>
      %mul3A_295 = arith.constant 16 : i32
      %mul3A_296 = arith.muli %scan3A_110, %mul3A_295 : i32
      %add3A_297 = arith.constant 13312 : i32
      %add3A_298 = arith.addi %add3A_297, %mul3A_296 : i32
      %get3A_299 = arith.index_cast %add3A_298 : i32 to index
      %get3A_300 = tpu.vector_load %arg11[%get3A_299] {strides = array<i32>} : memref<16384xf32, #tpu.memory_space<vmem>>, vector<16xf32>,
      %add3A_301 = arith.addf %add3A_287, %get3A_300 : vector<16xf32>
      %mul3A_302 = arith.constant 16 : i32
      %mul3A_303 = arith.muli %scan3A_110, %mul3A_302 : i32
      %add3A_304 = arith.constant 14336 : i32
      %add3A_305 = arith.addi %add3A_304, %mul3A_303 : i32
      %get3A_306 = arith.index_cast %add3A_305 : i32 to index
      %get3A_307 = tpu.vector_load %arg10[%get3A_306] {strides = array<i32>} : memref<16384xi32, #tpu.memory_space<vmem>>, vector<16xi32>,
      %add3A_308 = arith.addi %add3A_294, %get3A_307 : vector<16xi32>
      %mul3A_309 = arith.constant 16 : i32
      %mul3A_310 = arith.muli %scan3A_110, %mul3A_309 : i32
      %add3A_311 = arith.constant 14336 : i32
      %add3A_312 = arith.addi %add3A_311, %mul3A_310 : i32
      %get3A_313 = arith.index_cast %add3A_312 : i32 to index
      %get3A_314 = tpu.vector_load %arg11[%get3A_313] {strides = array<i32>} : memref<16384xf32, #tpu.memory_space<vmem>>, vector<16xf32>,
      %add3A_315 = arith.addf %add3A_301, %get3A_314 : vector<16xf32>
      %mul3A_316 = arith.constant 16 : i32
      %mul3A_317 = arith.muli %scan3A_110, %mul3A_316 : i32
      %add3A_318 = arith.constant 15360 : i32
      %add3A_319 = arith.addi %add3A_318, %mul3A_317 : i32
      %get3A_320 = arith.index_cast %add3A_319 : i32 to index
      %get3A_321 = tpu.vector_load %arg10[%get3A_320] {strides = array<i32>} : memref<16384xi32, #tpu.memory_space<vmem>>, vector<16xi32>,
      %add3A_322 = arith.addi %add3A_308, %get3A_321 : vector<16xi32>
      %mul3A_323 = arith.constant 16 : i32
      %mul3A_324 = arith.muli %scan3A_110, %mul3A_323 : i32
      %add3A_325 = arith.constant 15360 : i32
      %add3A_326 = arith.addi %add3A_325, %mul3A_324 : i32
      %get3A_327 = arith.index_cast %add3A_326 : i32 to index
      %get3A_328 = tpu.vector_load %arg11[%get3A_327] {strides = array<i32>} : memref<16384xf32, #tpu.memory_space<vmem>>, vector<16xf32>,
      %add3A_329 = arith.addf %add3A_315, %get3A_328 : vector<16xf32>
      %mul3A_330 = arith.constant 16 : i32
      %mul3A_331 = arith.muli %scan3A_110, %mul3A_330 : i32
      %swap3A = arith.constant 0 : i32
      %swap3A_332 = arith.index_cast %swap3A : i32 to index
      %swap3A_333 = arith.index_cast %mul3A_331 : i32 to index
      %swap3A_334 = tpu.vector_load %arg12[%swap3A_332, %swap3A_333] {strides = array<i32>} : memref<1x1024xi32, #tpu.memory_space<vmem>>, vector<16xi32>,
      tpu.vector_store %arg12[%swap3A_332, %swap3A_333], %add3A_322 {strides = array<i32>} : memref<1x1024xi32, #tpu.memory_space<vmem>>, vector<16xi32>,
      %mul3A_335 = arith.constant 16 : i32
      %mul3A_336 = arith.muli %scan3A_110, %mul3A_335 : i32
      %swap3A_337 = arith.constant 0 : i32
      %swap3A_338 = arith.index_cast %swap3A_337 : i32 to index
      %swap3A_339 = arith.index_cast %mul3A_336 : i32 to index
      %swap3A_340 = tpu.vector_load %arg13[%swap3A_338, %swap3A_339] {strides = array<i32>} : memref<1x1024xf32, #tpu.memory_space<vmem>>, vector<16xf32>,
      tpu.vector_store %arg13[%swap3A_338, %swap3A_339], %add3A_329 {strides = array<i32>} : memref<1x1024xf32, #tpu.memory_space<vmem>>, vector<16xf32>,
      %scan3A_341 = arith.constant 0 : i32
      scf.yield %scan3A_341 : i32
    }
    %scan3A_109 = arith.constant 64 : i32
    "tpu.region"() ({
      %run_scoped3A = tpu.sem_alloc : memref<!tpu.dma_semaphore, #tpu.memory_space<semaphore_mem>>
      %dma_start3A = arith.constant 2048 : i32
      %dma_start3A_110 = tpu.memref_slice %arg6[%add3A, %dma_start3A] : memref<32x3072xi32, #tpu.memory_space<hbm>> -> memref<1x1024xi32, #tpu.memory_space<hbm>>
      %dma_start3A_111 = arith.constant 2048 : i32
      %dma_start3A_112 = tpu.memref_slice %arg6[%add3A, %dma_start3A_111] : memref<32x3072xi32, #tpu.memory_space<hbm>> -> memref<1x1024xi32, #tpu.memory_space<hbm>>
      tpu.enqueue_dma source(%arg12 : memref<1x1024xi32, #tpu.memory_space<vmem>>) target(%dma_start3A_112 : memref<1x1024xi32, #tpu.memory_space<hbm>>) target_semaphore(%run_scoped3A : memref<!tpu.dma_semaphore, #tpu.memory_space<semaphore_mem>>)
      %dma_wait3A = arith.constant 2048 : i32
      %dma_wait3A_113 = tpu.memref_slice %arg6[%add3A, %dma_wait3A] : memref<32x3072xi32, #tpu.memory_space<hbm>> -> memref<1x1024xi32, #tpu.memory_space<hbm>>
      %dma_wait3A_114 = arith.constant 2048 : i32
      %dma_wait3A_115 = tpu.memref_slice %arg6[%add3A, %dma_wait3A_114] : memref<32x3072xi32, #tpu.memory_space<hbm>> -> memref<1x1024xi32, #tpu.memory_space<hbm>>
      tpu.wait_dma2 semaphore(%run_scoped3A : memref<!tpu.dma_semaphore, #tpu.memory_space<semaphore_mem>>) src(%arg12 : memref<1x1024xi32, #tpu.memory_space<vmem>>) dst(%dma_wait3A_115 : memref<1x1024xi32, #tpu.memory_space<hbm>>)
      tpu.yield
    }) : () -> ()
    "tpu.region"() ({
      %run_scoped3A = tpu.sem_alloc : memref<!tpu.dma_semaphore, #tpu.memory_space<semaphore_mem>>
      %dma_start3A = arith.constant 2048 : i32
      %dma_start3A_110 = tpu.memref_slice %arg7[%add3A, %dma_start3A] : memref<32x3072xf32, #tpu.memory_space<hbm>> -> memref<1x1024xf32, #tpu.memory_space<hbm>>
      %dma_start3A_111 = arith.constant 2048 : i32
      %dma_start3A_112 = tpu.memref_slice %arg7[%add3A, %dma_start3A_111] : memref<32x3072xf32, #tpu.memory_space<hbm>> -> memref<1x1024xf32, #tpu.memory_space<hbm>>
      tpu.enqueue_dma source(%arg13 : memref<1x1024xf32, #tpu.memory_space<vmem>>) target(%dma_start3A_112 : memref<1x1024xf32, #tpu.memory_space<hbm>>) target_semaphore(%run_scoped3A : memref<!tpu.dma_semaphore, #tpu.memory_space<semaphore_mem>>)
      %dma_wait3A = arith.constant 2048 : i32
      %dma_wait3A_113 = tpu.memref_slice %arg7[%add3A, %dma_wait3A] : memref<32x3072xf32, #tpu.memory_space<hbm>> -> memref<1x1024xf32, #tpu.memory_space<hbm>>
      %dma_wait3A_114 = arith.constant 2048 : i32
      %dma_wait3A_115 = tpu.memref_slice %arg7[%add3A, %dma_wait3A_114] : memref<32x3072xf32, #tpu.memory_space<hbm>> -> memref<1x1024xf32, #tpu.memory_space<hbm>>
      tpu.wait_dma2 semaphore(%run_scoped3A : memref<!tpu.dma_semaphore, #tpu.memory_space<semaphore_mem>>) src(%arg13 : memref<1x1024xf32, #tpu.memory_space<vmem>>) dst(%dma_wait3A_115 : memref<1x1024xf32, #tpu.memory_space<hbm>>)
      tpu.yield
    }) : () -> ()
    return
  }
}

#map = affine_map<(d0, d1) -> (0, 0)>
module attributes {stable_mosaic.version = 14 : i64} {
  func.func @hist1(%arg0: i32, %arg1: i32, %arg2: memref<256x4096xf32, #tpu.memory_space<hbm>>, %arg3: memref<256x4096xf32, #tpu.memory_space<hbm>>, %arg4: memref<256x4096xf32, #tpu.memory_space<hbm>>, %arg5: memref<32x3072xi32, #tpu.memory_space<hbm>>, %arg6: memref<32x3072xf32, #tpu.memory_space<hbm>>, %arg7: memref<8x4096xf32, #tpu.memory_space<vmem>>, %arg8: memref<16384xi32, #tpu.memory_space<vmem>>, %arg9: memref<16384xf32, #tpu.memory_space<vmem>>, %arg10: memref<1x1024xi32, #tpu.memory_space<vmem>>, %arg11: memref<1x1024xf32, #tpu.memory_space<vmem>>) attributes {dimension_semantics = [#tpu.dimension_semantics<core_parallel>, #tpu.dimension_semantics<subcore_parallel>], iteration_bounds = array<i64: 2, 16>, scalar_prefetch = 0 : i64, scratch_operands = 5 : i64, tpu.core_type = #tpu.core_type<sc_vector_subcore>, window_params = [{transform_indices = #map}, {transform_indices = #map}, {transform_indices = #map}, {transform_indices = #map}, {transform_indices = #map}]} {
    %mul3A = arith.constant 16 : i32
    %mul3A_0 = arith.muli %arg0, %mul3A : i32
    %add3A = arith.addi %mul3A_0, %arg1 : i32
    %mul3A_1 = arith.constant 8 : i32
    %mul3A_2 = arith.muli %add3A, %mul3A_1 : i32
    "tpu.region"() ({
      %run_scoped3A = tpu.sem_alloc : memref<!tpu.dma_semaphore, #tpu.memory_space<semaphore_mem>>
      %dma_start3A = arith.constant 0 : i32
      %dma_start3A_93 = tpu.memref_slice %arg2[%mul3A_2, %dma_start3A] : memref<256x4096xf32, #tpu.memory_space<hbm>> -> memref<8x4096xf32, #tpu.memory_space<hbm>>
      %dma_start3A_94 = arith.constant 0 : i32
      %dma_start3A_95 = tpu.memref_slice %arg2[%mul3A_2, %dma_start3A_94] : memref<256x4096xf32, #tpu.memory_space<hbm>> -> memref<8x4096xf32, #tpu.memory_space<hbm>>
      tpu.enqueue_dma source(%dma_start3A_95 : memref<8x4096xf32, #tpu.memory_space<hbm>>) target(%arg7 : memref<8x4096xf32, #tpu.memory_space<vmem>>) target_semaphore(%run_scoped3A : memref<!tpu.dma_semaphore, #tpu.memory_space<semaphore_mem>>)
      %dma_wait3A = arith.constant 0 : i32
      %dma_wait3A_96 = tpu.memref_slice %arg2[%mul3A_2, %dma_wait3A] : memref<256x4096xf32, #tpu.memory_space<hbm>> -> memref<8x4096xf32, #tpu.memory_space<hbm>>
      %dma_wait3A_97 = arith.constant 0 : i32
      %dma_wait3A_98 = tpu.memref_slice %arg2[%mul3A_2, %dma_wait3A_97] : memref<256x4096xf32, #tpu.memory_space<hbm>> -> memref<8x4096xf32, #tpu.memory_space<hbm>>
      tpu.wait_dma2 semaphore(%run_scoped3A : memref<!tpu.dma_semaphore, #tpu.memory_space<semaphore_mem>>) src(%dma_wait3A_98 : memref<8x4096xf32, #tpu.memory_space<hbm>>) dst(%arg7 : memref<8x4096xf32, #tpu.memory_space<vmem>>)
      tpu.yield
    }) : () -> ()
    %broadcast_in_dim3A = arith.constant 0 : i32
    %broadcast_in_dim3A_3 = vector.broadcast %broadcast_in_dim3A : i32 to vector<16xi32>
    %broadcast_in_dim3A_4 = arith.constant 0.000000e+00 : f32
    %broadcast_in_dim3A_5 = vector.broadcast %broadcast_in_dim3A_4 : f32 to vector<16xf32>
    %broadcast_in_dim3A_6 = arith.constant 1 : i32
    %broadcast_in_dim3A_7 = vector.broadcast %broadcast_in_dim3A_6 : i32 to vector<16xi32>
    %iota3A = tpu.iota {dimensions = array<i32: 0>} : vector<16xi32>
    %mul3A_8 = arith.constant 1024 : i32
    %mul3A_9 = vector.broadcast %mul3A_8 : i32 to vector<16xi32>
    %mul3A_10 = arith.muli %iota3A, %mul3A_9 : vector<16xi32>
    %scan3A = arith.constant 0 : i32
    %scan3A_11 = arith.constant 0 : i32
    %scan3A_12 = arith.constant 1024 : i32
    %scan3A_13 = arith.addi %scan3A_11, %scan3A_12 : i32
    %scan3A_14 = arith.constant 1 : i32
    %scan3A_15 = scf.for %scan3A_93 = %scan3A_11 to %scan3A_13 step %scan3A_14 iter_args(%scan3A_94 = %scan3A) -> (i32)  : i32 {
      %mul3A_95 = arith.constant 16 : i32
      %mul3A_96 = arith.muli %scan3A_93, %mul3A_95 : i32
      %swap3A = arith.index_cast %mul3A_96 : i32 to index
      %swap3A_97 = tpu.vector_load %arg8[%swap3A] {strides = array<i32>} : memref<16384xi32, #tpu.memory_space<vmem>>, vector<16xi32>,
      tpu.vector_store %arg8[%swap3A], %broadcast_in_dim3A_3 {strides = array<i32>} : memref<16384xi32, #tpu.memory_space<vmem>>, vector<16xi32>,
      %mul3A_98 = arith.constant 16 : i32
      %mul3A_99 = arith.muli %scan3A_93, %mul3A_98 : i32
      %swap3A_100 = arith.index_cast %mul3A_99 : i32 to index
      %swap3A_101 = tpu.vector_load %arg9[%swap3A_100] {strides = array<i32>} : memref<16384xf32, #tpu.memory_space<vmem>>, vector<16xf32>,
      tpu.vector_store %arg9[%swap3A_100], %broadcast_in_dim3A_5 {strides = array<i32>} : memref<16384xf32, #tpu.memory_space<vmem>>, vector<16xf32>,
      %scan3A_102 = arith.constant 0 : i32
      scf.yield %scan3A_102 : i32
    }
    %scan3A_16 = arith.constant 1024 : i32
    %scan3A_17 = arith.constant 0 : i32
    %scan3A_18 = arith.constant 0 : i32
    %scan3A_19 = arith.constant 2048 : i32
    %scan3A_20 = arith.addi %scan3A_18, %scan3A_19 : i32
    %scan3A_21 = arith.constant 1 : i32
    %scan3A_22 = scf.for %scan3A_93 = %scan3A_18 to %scan3A_20 step %scan3A_21 iter_args(%scan3A_94 = %scan3A_17) -> (i32)  : i32 {
      %shift_right_arithmetic3A = arith.constant 8 : i32
      %shift_right_arithmetic3A_95 = arith.shrsi %scan3A_93, %shift_right_arithmetic3A : i32
      %and3A = arith.constant 255 : i32
      %and3A_96 = arith.andi %scan3A_93, %and3A : i32
      %mul3A_97 = arith.constant 16 : i32
      %mul3A_98 = arith.muli %and3A_96, %mul3A_97 : i32
      %get3A = arith.index_cast %shift_right_arithmetic3A_95 : i32 to index
      %get3A_99 = arith.index_cast %mul3A_98 : i32 to index
      %get3A_100 = tpu.vector_load %arg7[%get3A, %get3A_99] {strides = array<i32>} : memref<8x4096xf32, #tpu.memory_space<vmem>>, vector<16xf32>,
      %bitcast_convert_type3A = tpu.bitcast %get3A_100 : vector<16xf32> -> vector<16xi32>
      %lt3A = arith.constant 0 : i32
      %lt3A_101 = vector.broadcast %lt3A : i32 to vector<16xi32>
      %lt3A_102 = arith.cmpi slt, %bitcast_convert_type3A, %lt3A_101 : vector<16xi32>
      %xor3A = arith.constant 2147483647 : i32
      %xor3A_103 = vector.broadcast %xor3A : i32 to vector<16xi32>
      %xor3A_104 = arith.xori %bitcast_convert_type3A, %xor3A_103 : vector<16xi32>
      %select_n3A = arith.select %lt3A_102, %xor3A_104, %bitcast_convert_type3A : vector<16xi1>, vector<16xi32>
      %shift_right_arithmetic3A_105 = arith.constant 22 : i32
      %shift_right_arithmetic3A_106 = vector.broadcast %shift_right_arithmetic3A_105 : i32 to vector<16xi32>
      %shift_right_arithmetic3A_107 = arith.shrsi %select_n3A, %shift_right_arithmetic3A_106 : vector<16xi32>
      %add3A_108 = arith.constant 512 : i32
      %add3A_109 = vector.broadcast %add3A_108 : i32 to vector<16xi32>
      %add3A_110 = arith.addi %shift_right_arithmetic3A_107, %add3A_109 : vector<16xi32>
      %add3A_111 = arith.addi %mul3A_10, %add3A_110 : vector<16xi32>
      tpu.vector_store_idx %arg8[%add3A_111], %broadcast_in_dim3A_7 {add = true} : memref<16384xi32, #tpu.memory_space<vmem>>[vector<16xi32>], vector<16xi32>,
      tpu.vector_store_idx %arg9[%add3A_111], %get3A_100 {add = true} : memref<16384xf32, #tpu.memory_space<vmem>>[vector<16xi32>], vector<16xf32>,
      %scan3A_112 = arith.constant 0 : i32
      scf.yield %scan3A_112 : i32
    }
    %scan3A_23 = arith.constant 2048 : i32
    %scan3A_24 = arith.constant 0 : i32
    %scan3A_25 = arith.constant 0 : i32
    %scan3A_26 = arith.constant 64 : i32
    %scan3A_27 = arith.addi %scan3A_25, %scan3A_26 : i32
    %scan3A_28 = arith.constant 1 : i32
    %scan3A_29 = scf.for %scan3A_93 = %scan3A_25 to %scan3A_27 step %scan3A_28 iter_args(%scan3A_94 = %scan3A_24) -> (i32)  : i32 {
      %mul3A_95 = arith.constant 16 : i32
      %mul3A_96 = arith.muli %scan3A_93, %mul3A_95 : i32
      %get3A = arith.index_cast %mul3A_96 : i32 to index
      %get3A_97 = tpu.vector_load %arg8[%get3A] {strides = array<i32>} : memref<16384xi32, #tpu.memory_space<vmem>>, vector<16xi32>,
      %mul3A_98 = arith.constant 16 : i32
      %mul3A_99 = arith.muli %scan3A_93, %mul3A_98 : i32
      %get3A_100 = arith.index_cast %mul3A_99 : i32 to index
      %get3A_101 = tpu.vector_load %arg9[%get3A_100] {strides = array<i32>} : memref<16384xf32, #tpu.memory_space<vmem>>, vector<16xf32>,
      %mul3A_102 = arith.constant 16 : i32
      %mul3A_103 = arith.muli %scan3A_93, %mul3A_102 : i32
      %add3A_104 = arith.constant 1024 : i32
      %add3A_105 = arith.addi %add3A_104, %mul3A_103 : i32
      %get3A_106 = arith.index_cast %add3A_105 : i32 to index
      %get3A_107 = tpu.vector_load %arg8[%get3A_106] {strides = array<i32>} : memref<16384xi32, #tpu.memory_space<vmem>>, vector<16xi32>,
      %add3A_108 = arith.addi %get3A_97, %get3A_107 : vector<16xi32>
      %mul3A_109 = arith.constant 16 : i32
      %mul3A_110 = arith.muli %scan3A_93, %mul3A_109 : i32
      %add3A_111 = arith.constant 1024 : i32
      %add3A_112 = arith.addi %add3A_111, %mul3A_110 : i32
      %get3A_113 = arith.index_cast %add3A_112 : i32 to index
      %get3A_114 = tpu.vector_load %arg9[%get3A_113] {strides = array<i32>} : memref<16384xf32, #tpu.memory_space<vmem>>, vector<16xf32>,
      %add3A_115 = arith.addf %get3A_101, %get3A_114 : vector<16xf32>
      %mul3A_116 = arith.constant 16 : i32
      %mul3A_117 = arith.muli %scan3A_93, %mul3A_116 : i32
      %add3A_118 = arith.constant 2048 : i32
      %add3A_119 = arith.addi %add3A_118, %mul3A_117 : i32
      %get3A_120 = arith.index_cast %add3A_119 : i32 to index
      %get3A_121 = tpu.vector_load %arg8[%get3A_120] {strides = array<i32>} : memref<16384xi32, #tpu.memory_space<vmem>>, vector<16xi32>,
      %add3A_122 = arith.addi %add3A_108, %get3A_121 : vector<16xi32>
      %mul3A_123 = arith.constant 16 : i32
      %mul3A_124 = arith.muli %scan3A_93, %mul3A_123 : i32
      %add3A_125 = arith.constant 2048 : i32
      %add3A_126 = arith.addi %add3A_125, %mul3A_124 : i32
      %get3A_127 = arith.index_cast %add3A_126 : i32 to index
      %get3A_128 = tpu.vector_load %arg9[%get3A_127] {strides = array<i32>} : memref<16384xf32, #tpu.memory_space<vmem>>, vector<16xf32>,
      %add3A_129 = arith.addf %add3A_115, %get3A_128 : vector<16xf32>
      %mul3A_130 = arith.constant 16 : i32
      %mul3A_131 = arith.muli %scan3A_93, %mul3A_130 : i32
      %add3A_132 = arith.constant 3072 : i32
      %add3A_133 = arith.addi %add3A_132, %mul3A_131 : i32
      %get3A_134 = arith.index_cast %add3A_133 : i32 to index
      %get3A_135 = tpu.vector_load %arg8[%get3A_134] {strides = array<i32>} : memref<16384xi32, #tpu.memory_space<vmem>>, vector<16xi32>,
      %add3A_136 = arith.addi %add3A_122, %get3A_135 : vector<16xi32>
      %mul3A_137 = arith.constant 16 : i32
      %mul3A_138 = arith.muli %scan3A_93, %mul3A_137 : i32
      %add3A_139 = arith.constant 3072 : i32
      %add3A_140 = arith.addi %add3A_139, %mul3A_138 : i32
      %get3A_141 = arith.index_cast %add3A_140 : i32 to index
      %get3A_142 = tpu.vector_load %arg9[%get3A_141] {strides = array<i32>} : memref<16384xf32, #tpu.memory_space<vmem>>, vector<16xf32>,
      %add3A_143 = arith.addf %add3A_129, %get3A_142 : vector<16xf32>
      %mul3A_144 = arith.constant 16 : i32
      %mul3A_145 = arith.muli %scan3A_93, %mul3A_144 : i32
      %add3A_146 = arith.constant 4096 : i32
      %add3A_147 = arith.addi %add3A_146, %mul3A_145 : i32
      %get3A_148 = arith.index_cast %add3A_147 : i32 to index
      %get3A_149 = tpu.vector_load %arg8[%get3A_148] {strides = array<i32>} : memref<16384xi32, #tpu.memory_space<vmem>>, vector<16xi32>,
      %add3A_150 = arith.addi %add3A_136, %get3A_149 : vector<16xi32>
      %mul3A_151 = arith.constant 16 : i32
      %mul3A_152 = arith.muli %scan3A_93, %mul3A_151 : i32
      %add3A_153 = arith.constant 4096 : i32
      %add3A_154 = arith.addi %add3A_153, %mul3A_152 : i32
      %get3A_155 = arith.index_cast %add3A_154 : i32 to index
      %get3A_156 = tpu.vector_load %arg9[%get3A_155] {strides = array<i32>} : memref<16384xf32, #tpu.memory_space<vmem>>, vector<16xf32>,
      %add3A_157 = arith.addf %add3A_143, %get3A_156 : vector<16xf32>
      %mul3A_158 = arith.constant 16 : i32
      %mul3A_159 = arith.muli %scan3A_93, %mul3A_158 : i32
      %add3A_160 = arith.constant 5120 : i32
      %add3A_161 = arith.addi %add3A_160, %mul3A_159 : i32
      %get3A_162 = arith.index_cast %add3A_161 : i32 to index
      %get3A_163 = tpu.vector_load %arg8[%get3A_162] {strides = array<i32>} : memref<16384xi32, #tpu.memory_space<vmem>>, vector<16xi32>,
      %add3A_164 = arith.addi %add3A_150, %get3A_163 : vector<16xi32>
      %mul3A_165 = arith.constant 16 : i32
      %mul3A_166 = arith.muli %scan3A_93, %mul3A_165 : i32
      %add3A_167 = arith.constant 5120 : i32
      %add3A_168 = arith.addi %add3A_167, %mul3A_166 : i32
      %get3A_169 = arith.index_cast %add3A_168 : i32 to index
      %get3A_170 = tpu.vector_load %arg9[%get3A_169] {strides = array<i32>} : memref<16384xf32, #tpu.memory_space<vmem>>, vector<16xf32>,
      %add3A_171 = arith.addf %add3A_157, %get3A_170 : vector<16xf32>
      %mul3A_172 = arith.constant 16 : i32
      %mul3A_173 = arith.muli %scan3A_93, %mul3A_172 : i32
      %add3A_174 = arith.constant 6144 : i32
      %add3A_175 = arith.addi %add3A_174, %mul3A_173 : i32
      %get3A_176 = arith.index_cast %add3A_175 : i32 to index
      %get3A_177 = tpu.vector_load %arg8[%get3A_176] {strides = array<i32>} : memref<16384xi32, #tpu.memory_space<vmem>>, vector<16xi32>,
      %add3A_178 = arith.addi %add3A_164, %get3A_177 : vector<16xi32>
      %mul3A_179 = arith.constant 16 : i32
      %mul3A_180 = arith.muli %scan3A_93, %mul3A_179 : i32
      %add3A_181 = arith.constant 6144 : i32
      %add3A_182 = arith.addi %add3A_181, %mul3A_180 : i32
      %get3A_183 = arith.index_cast %add3A_182 : i32 to index
      %get3A_184 = tpu.vector_load %arg9[%get3A_183] {strides = array<i32>} : memref<16384xf32, #tpu.memory_space<vmem>>, vector<16xf32>,
      %add3A_185 = arith.addf %add3A_171, %get3A_184 : vector<16xf32>
      %mul3A_186 = arith.constant 16 : i32
      %mul3A_187 = arith.muli %scan3A_93, %mul3A_186 : i32
      %add3A_188 = arith.constant 7168 : i32
      %add3A_189 = arith.addi %add3A_188, %mul3A_187 : i32
      %get3A_190 = arith.index_cast %add3A_189 : i32 to index
      %get3A_191 = tpu.vector_load %arg8[%get3A_190] {strides = array<i32>} : memref<16384xi32, #tpu.memory_space<vmem>>, vector<16xi32>,
      %add3A_192 = arith.addi %add3A_178, %get3A_191 : vector<16xi32>
      %mul3A_193 = arith.constant 16 : i32
      %mul3A_194 = arith.muli %scan3A_93, %mul3A_193 : i32
      %add3A_195 = arith.constant 7168 : i32
      %add3A_196 = arith.addi %add3A_195, %mul3A_194 : i32
      %get3A_197 = arith.index_cast %add3A_196 : i32 to index
      %get3A_198 = tpu.vector_load %arg9[%get3A_197] {strides = array<i32>} : memref<16384xf32, #tpu.memory_space<vmem>>, vector<16xf32>,
      %add3A_199 = arith.addf %add3A_185, %get3A_198 : vector<16xf32>
      %mul3A_200 = arith.constant 16 : i32
      %mul3A_201 = arith.muli %scan3A_93, %mul3A_200 : i32
      %add3A_202 = arith.constant 8192 : i32
      %add3A_203 = arith.addi %add3A_202, %mul3A_201 : i32
      %get3A_204 = arith.index_cast %add3A_203 : i32 to index
      %get3A_205 = tpu.vector_load %arg8[%get3A_204] {strides = array<i32>} : memref<16384xi32, #tpu.memory_space<vmem>>, vector<16xi32>,
      %add3A_206 = arith.addi %add3A_192, %get3A_205 : vector<16xi32>
      %mul3A_207 = arith.constant 16 : i32
      %mul3A_208 = arith.muli %scan3A_93, %mul3A_207 : i32
      %add3A_209 = arith.constant 8192 : i32
      %add3A_210 = arith.addi %add3A_209, %mul3A_208 : i32
      %get3A_211 = arith.index_cast %add3A_210 : i32 to index
      %get3A_212 = tpu.vector_load %arg9[%get3A_211] {strides = array<i32>} : memref<16384xf32, #tpu.memory_space<vmem>>, vector<16xf32>,
      %add3A_213 = arith.addf %add3A_199, %get3A_212 : vector<16xf32>
      %mul3A_214 = arith.constant 16 : i32
      %mul3A_215 = arith.muli %scan3A_93, %mul3A_214 : i32
      %add3A_216 = arith.constant 9216 : i32
      %add3A_217 = arith.addi %add3A_216, %mul3A_215 : i32
      %get3A_218 = arith.index_cast %add3A_217 : i32 to index
      %get3A_219 = tpu.vector_load %arg8[%get3A_218] {strides = array<i32>} : memref<16384xi32, #tpu.memory_space<vmem>>, vector<16xi32>,
      %add3A_220 = arith.addi %add3A_206, %get3A_219 : vector<16xi32>
      %mul3A_221 = arith.constant 16 : i32
      %mul3A_222 = arith.muli %scan3A_93, %mul3A_221 : i32
      %add3A_223 = arith.constant 9216 : i32
      %add3A_224 = arith.addi %add3A_223, %mul3A_222 : i32
      %get3A_225 = arith.index_cast %add3A_224 : i32 to index
      %get3A_226 = tpu.vector_load %arg9[%get3A_225] {strides = array<i32>} : memref<16384xf32, #tpu.memory_space<vmem>>, vector<16xf32>,
      %add3A_227 = arith.addf %add3A_213, %get3A_226 : vector<16xf32>
      %mul3A_228 = arith.constant 16 : i32
      %mul3A_229 = arith.muli %scan3A_93, %mul3A_228 : i32
      %add3A_230 = arith.constant 10240 : i32
      %add3A_231 = arith.addi %add3A_230, %mul3A_229 : i32
      %get3A_232 = arith.index_cast %add3A_231 : i32 to index
      %get3A_233 = tpu.vector_load %arg8[%get3A_232] {strides = array<i32>} : memref<16384xi32, #tpu.memory_space<vmem>>, vector<16xi32>,
      %add3A_234 = arith.addi %add3A_220, %get3A_233 : vector<16xi32>
      %mul3A_235 = arith.constant 16 : i32
      %mul3A_236 = arith.muli %scan3A_93, %mul3A_235 : i32
      %add3A_237 = arith.constant 10240 : i32
      %add3A_238 = arith.addi %add3A_237, %mul3A_236 : i32
      %get3A_239 = arith.index_cast %add3A_238 : i32 to index
      %get3A_240 = tpu.vector_load %arg9[%get3A_239] {strides = array<i32>} : memref<16384xf32, #tpu.memory_space<vmem>>, vector<16xf32>,
      %add3A_241 = arith.addf %add3A_227, %get3A_240 : vector<16xf32>
      %mul3A_242 = arith.constant 16 : i32
      %mul3A_243 = arith.muli %scan3A_93, %mul3A_242 : i32
      %add3A_244 = arith.constant 11264 : i32
      %add3A_245 = arith.addi %add3A_244, %mul3A_243 : i32
      %get3A_246 = arith.index_cast %add3A_245 : i32 to index
      %get3A_247 = tpu.vector_load %arg8[%get3A_246] {strides = array<i32>} : memref<16384xi32, #tpu.memory_space<vmem>>, vector<16xi32>,
      %add3A_248 = arith.addi %add3A_234, %get3A_247 : vector<16xi32>
      %mul3A_249 = arith.constant 16 : i32
      %mul3A_250 = arith.muli %scan3A_93, %mul3A_249 : i32
      %add3A_251 = arith.constant 11264 : i32
      %add3A_252 = arith.addi %add3A_251, %mul3A_250 : i32
      %get3A_253 = arith.index_cast %add3A_252 : i32 to index
      %get3A_254 = tpu.vector_load %arg9[%get3A_253] {strides = array<i32>} : memref<16384xf32, #tpu.memory_space<vmem>>, vector<16xf32>,
      %add3A_255 = arith.addf %add3A_241, %get3A_254 : vector<16xf32>
      %mul3A_256 = arith.constant 16 : i32
      %mul3A_257 = arith.muli %scan3A_93, %mul3A_256 : i32
      %add3A_258 = arith.constant 12288 : i32
      %add3A_259 = arith.addi %add3A_258, %mul3A_257 : i32
      %get3A_260 = arith.index_cast %add3A_259 : i32 to index
      %get3A_261 = tpu.vector_load %arg8[%get3A_260] {strides = array<i32>} : memref<16384xi32, #tpu.memory_space<vmem>>, vector<16xi32>,
      %add3A_262 = arith.addi %add3A_248, %get3A_261 : vector<16xi32>
      %mul3A_263 = arith.constant 16 : i32
      %mul3A_264 = arith.muli %scan3A_93, %mul3A_263 : i32
      %add3A_265 = arith.constant 12288 : i32
      %add3A_266 = arith.addi %add3A_265, %mul3A_264 : i32
      %get3A_267 = arith.index_cast %add3A_266 : i32 to index
      %get3A_268 = tpu.vector_load %arg9[%get3A_267] {strides = array<i32>} : memref<16384xf32, #tpu.memory_space<vmem>>, vector<16xf32>,
      %add3A_269 = arith.addf %add3A_255, %get3A_268 : vector<16xf32>
      %mul3A_270 = arith.constant 16 : i32
      %mul3A_271 = arith.muli %scan3A_93, %mul3A_270 : i32
      %add3A_272 = arith.constant 13312 : i32
      %add3A_273 = arith.addi %add3A_272, %mul3A_271 : i32
      %get3A_274 = arith.index_cast %add3A_273 : i32 to index
      %get3A_275 = tpu.vector_load %arg8[%get3A_274] {strides = array<i32>} : memref<16384xi32, #tpu.memory_space<vmem>>, vector<16xi32>,
      %add3A_276 = arith.addi %add3A_262, %get3A_275 : vector<16xi32>
      %mul3A_277 = arith.constant 16 : i32
      %mul3A_278 = arith.muli %scan3A_93, %mul3A_277 : i32
      %add3A_279 = arith.constant 13312 : i32
      %add3A_280 = arith.addi %add3A_279, %mul3A_278 : i32
      %get3A_281 = arith.index_cast %add3A_280 : i32 to index
      %get3A_282 = tpu.vector_load %arg9[%get3A_281] {strides = array<i32>} : memref<16384xf32, #tpu.memory_space<vmem>>, vector<16xf32>,
      %add3A_283 = arith.addf %add3A_269, %get3A_282 : vector<16xf32>
      %mul3A_284 = arith.constant 16 : i32
      %mul3A_285 = arith.muli %scan3A_93, %mul3A_284 : i32
      %add3A_286 = arith.constant 14336 : i32
      %add3A_287 = arith.addi %add3A_286, %mul3A_285 : i32
      %get3A_288 = arith.index_cast %add3A_287 : i32 to index
      %get3A_289 = tpu.vector_load %arg8[%get3A_288] {strides = array<i32>} : memref<16384xi32, #tpu.memory_space<vmem>>, vector<16xi32>,
      %add3A_290 = arith.addi %add3A_276, %get3A_289 : vector<16xi32>
      %mul3A_291 = arith.constant 16 : i32
      %mul3A_292 = arith.muli %scan3A_93, %mul3A_291 : i32
      %add3A_293 = arith.constant 14336 : i32
      %add3A_294 = arith.addi %add3A_293, %mul3A_292 : i32
      %get3A_295 = arith.index_cast %add3A_294 : i32 to index
      %get3A_296 = tpu.vector_load %arg9[%get3A_295] {strides = array<i32>} : memref<16384xf32, #tpu.memory_space<vmem>>, vector<16xf32>,
      %add3A_297 = arith.addf %add3A_283, %get3A_296 : vector<16xf32>
      %mul3A_298 = arith.constant 16 : i32
      %mul3A_299 = arith.muli %scan3A_93, %mul3A_298 : i32
      %add3A_300 = arith.constant 15360 : i32
      %add3A_301 = arith.addi %add3A_300, %mul3A_299 : i32
      %get3A_302 = arith.index_cast %add3A_301 : i32 to index
      %get3A_303 = tpu.vector_load %arg8[%get3A_302] {strides = array<i32>} : memref<16384xi32, #tpu.memory_space<vmem>>, vector<16xi32>,
      %add3A_304 = arith.addi %add3A_290, %get3A_303 : vector<16xi32>
      %mul3A_305 = arith.constant 16 : i32
      %mul3A_306 = arith.muli %scan3A_93, %mul3A_305 : i32
      %add3A_307 = arith.constant 15360 : i32
      %add3A_308 = arith.addi %add3A_307, %mul3A_306 : i32
      %get3A_309 = arith.index_cast %add3A_308 : i32 to index
      %get3A_310 = tpu.vector_load %arg9[%get3A_309] {strides = array<i32>} : memref<16384xf32, #tpu.memory_space<vmem>>, vector<16xf32>,
      %add3A_311 = arith.addf %add3A_297, %get3A_310 : vector<16xf32>
      %mul3A_312 = arith.constant 16 : i32
      %mul3A_313 = arith.muli %scan3A_93, %mul3A_312 : i32
      %swap3A = arith.constant 0 : i32
      %swap3A_314 = arith.index_cast %swap3A : i32 to index
      %swap3A_315 = arith.index_cast %mul3A_313 : i32 to index
      %swap3A_316 = tpu.vector_load %arg10[%swap3A_314, %swap3A_315] {strides = array<i32>} : memref<1x1024xi32, #tpu.memory_space<vmem>>, vector<16xi32>,
      tpu.vector_store %arg10[%swap3A_314, %swap3A_315], %add3A_304 {strides = array<i32>} : memref<1x1024xi32, #tpu.memory_space<vmem>>, vector<16xi32>,
      %mul3A_317 = arith.constant 16 : i32
      %mul3A_318 = arith.muli %scan3A_93, %mul3A_317 : i32
      %swap3A_319 = arith.constant 0 : i32
      %swap3A_320 = arith.index_cast %swap3A_319 : i32 to index
      %swap3A_321 = arith.index_cast %mul3A_318 : i32 to index
      %swap3A_322 = tpu.vector_load %arg11[%swap3A_320, %swap3A_321] {strides = array<i32>} : memref<1x1024xf32, #tpu.memory_space<vmem>>, vector<16xf32>,
      tpu.vector_store %arg11[%swap3A_320, %swap3A_321], %add3A_311 {strides = array<i32>} : memref<1x1024xf32, #tpu.memory_space<vmem>>, vector<16xf32>,
      %scan3A_323 = arith.constant 0 : i32
      scf.yield %scan3A_323 : i32
    }
    %scan3A_30 = arith.constant 64 : i32
    "tpu.region"() ({
      %run_scoped3A = tpu.sem_alloc : memref<!tpu.dma_semaphore, #tpu.memory_space<semaphore_mem>>
      %dma_start3A = arith.constant 0 : i32
      %dma_start3A_93 = tpu.memref_slice %arg5[%add3A, %dma_start3A] : memref<32x3072xi32, #tpu.memory_space<hbm>> -> memref<1x1024xi32, #tpu.memory_space<hbm>>
      %dma_start3A_94 = arith.constant 0 : i32
      %dma_start3A_95 = tpu.memref_slice %arg5[%add3A, %dma_start3A_94] : memref<32x3072xi32, #tpu.memory_space<hbm>> -> memref<1x1024xi32, #tpu.memory_space<hbm>>
      tpu.enqueue_dma source(%arg10 : memref<1x1024xi32, #tpu.memory_space<vmem>>) target(%dma_start3A_95 : memref<1x1024xi32, #tpu.memory_space<hbm>>) target_semaphore(%run_scoped3A : memref<!tpu.dma_semaphore, #tpu.memory_space<semaphore_mem>>)
      %dma_wait3A = arith.constant 0 : i32
      %dma_wait3A_96 = tpu.memref_slice %arg5[%add3A, %dma_wait3A] : memref<32x3072xi32, #tpu.memory_space<hbm>> -> memref<1x1024xi32, #tpu.memory_space<hbm>>
      %dma_wait3A_97 = arith.constant 0 : i32
      %dma_wait3A_98 = tpu.memref_slice %arg5[%add3A, %dma_wait3A_97] : memref<32x3072xi32, #tpu.memory_space<hbm>> -> memref<1x1024xi32, #tpu.memory_space<hbm>>
      tpu.wait_dma2 semaphore(%run_scoped3A : memref<!tpu.dma_semaphore, #tpu.memory_space<semaphore_mem>>) src(%arg10 : memref<1x1024xi32, #tpu.memory_space<vmem>>) dst(%dma_wait3A_98 : memref<1x1024xi32, #tpu.memory_space<hbm>>)
      tpu.yield
    }) : () -> ()
    "tpu.region"() ({
      %run_scoped3A = tpu.sem_alloc : memref<!tpu.dma_semaphore, #tpu.memory_space<semaphore_mem>>
      %dma_start3A = arith.constant 0 : i32
      %dma_start3A_93 = tpu.memref_slice %arg6[%add3A, %dma_start3A] : memref<32x3072xf32, #tpu.memory_space<hbm>> -> memref<1x1024xf32, #tpu.memory_space<hbm>>
      %dma_start3A_94 = arith.constant 0 : i32
      %dma_start3A_95 = tpu.memref_slice %arg6[%add3A, %dma_start3A_94] : memref<32x3072xf32, #tpu.memory_space<hbm>> -> memref<1x1024xf32, #tpu.memory_space<hbm>>
      tpu.enqueue_dma source(%arg11 : memref<1x1024xf32, #tpu.memory_space<vmem>>) target(%dma_start3A_95 : memref<1x1024xf32, #tpu.memory_space<hbm>>) target_semaphore(%run_scoped3A : memref<!tpu.dma_semaphore, #tpu.memory_space<semaphore_mem>>)
      %dma_wait3A = arith.constant 0 : i32
      %dma_wait3A_96 = tpu.memref_slice %arg6[%add3A, %dma_wait3A] : memref<32x3072xf32, #tpu.memory_space<hbm>> -> memref<1x1024xf32, #tpu.memory_space<hbm>>
      %dma_wait3A_97 = arith.constant 0 : i32
      %dma_wait3A_98 = tpu.memref_slice %arg6[%add3A, %dma_wait3A_97] : memref<32x3072xf32, #tpu.memory_space<hbm>> -> memref<1x1024xf32, #tpu.memory_space<hbm>>
      tpu.wait_dma2 semaphore(%run_scoped3A : memref<!tpu.dma_semaphore, #tpu.memory_space<semaphore_mem>>) src(%arg11 : memref<1x1024xf32, #tpu.memory_space<vmem>>) dst(%dma_wait3A_98 : memref<1x1024xf32, #tpu.memory_space<hbm>>)
      tpu.yield
    }) : () -> ()
    "tpu.region"() ({
      %run_scoped3A = tpu.sem_alloc : memref<!tpu.dma_semaphore, #tpu.memory_space<semaphore_mem>>
      %dma_start3A = arith.constant 0 : i32
      %dma_start3A_93 = tpu.memref_slice %arg3[%mul3A_2, %dma_start3A] : memref<256x4096xf32, #tpu.memory_space<hbm>> -> memref<8x4096xf32, #tpu.memory_space<hbm>>
      %dma_start3A_94 = arith.constant 0 : i32
      %dma_start3A_95 = tpu.memref_slice %arg3[%mul3A_2, %dma_start3A_94] : memref<256x4096xf32, #tpu.memory_space<hbm>> -> memref<8x4096xf32, #tpu.memory_space<hbm>>
      tpu.enqueue_dma source(%dma_start3A_95 : memref<8x4096xf32, #tpu.memory_space<hbm>>) target(%arg7 : memref<8x4096xf32, #tpu.memory_space<vmem>>) target_semaphore(%run_scoped3A : memref<!tpu.dma_semaphore, #tpu.memory_space<semaphore_mem>>)
      %dma_wait3A = arith.constant 0 : i32
      %dma_wait3A_96 = tpu.memref_slice %arg3[%mul3A_2, %dma_wait3A] : memref<256x4096xf32, #tpu.memory_space<hbm>> -> memref<8x4096xf32, #tpu.memory_space<hbm>>
      %dma_wait3A_97 = arith.constant 0 : i32
      %dma_wait3A_98 = tpu.memref_slice %arg3[%mul3A_2, %dma_wait3A_97] : memref<256x4096xf32, #tpu.memory_space<hbm>> -> memref<8x4096xf32, #tpu.memory_space<hbm>>
      tpu.wait_dma2 semaphore(%run_scoped3A : memref<!tpu.dma_semaphore, #tpu.memory_space<semaphore_mem>>) src(%dma_wait3A_98 : memref<8x4096xf32, #tpu.memory_space<hbm>>) dst(%arg7 : memref<8x4096xf32, #tpu.memory_space<vmem>>)
      tpu.yield
    }) : () -> ()
    %broadcast_in_dim3A_31 = arith.constant 0 : i32
    %broadcast_in_dim3A_32 = vector.broadcast %broadcast_in_dim3A_31 : i32 to vector<16xi32>
    %broadcast_in_dim3A_33 = arith.constant 0.000000e+00 : f32
    %broadcast_in_dim3A_34 = vector.broadcast %broadcast_in_dim3A_33 : f32 to vector<16xf32>
    %broadcast_in_dim3A_35 = arith.constant 1 : i32
    %broadcast_in_dim3A_36 = vector.broadcast %broadcast_in_dim3A_35 : i32 to vector<16xi32>
    %iota3A_37 = tpu.iota {dimensions = array<i32: 0>} : vector<16xi32>
    %mul3A_38 = arith.constant 1024 : i32
    %mul3A_39 = vector.broadcast %mul3A_38 : i32 to vector<16xi32>
    %mul3A_40 = arith.muli %iota3A_37, %mul3A_39 : vector<16xi32>
    %scan3A_41 = arith.constant 0 : i32
    %scan3A_42 = arith.constant 0 : i32
    %scan3A_43 = arith.constant 1024 : i32
    %scan3A_44 = arith.addi %scan3A_42, %scan3A_43 : i32
    %scan3A_45 = arith.constant 1 : i32
    %scan3A_46 = scf.for %scan3A_93 = %scan3A_42 to %scan3A_44 step %scan3A_45 iter_args(%scan3A_94 = %scan3A_41) -> (i32)  : i32 {
      %mul3A_95 = arith.constant 16 : i32
      %mul3A_96 = arith.muli %scan3A_93, %mul3A_95 : i32
      %swap3A = arith.index_cast %mul3A_96 : i32 to index
      %swap3A_97 = tpu.vector_load %arg8[%swap3A] {strides = array<i32>} : memref<16384xi32, #tpu.memory_space<vmem>>, vector<16xi32>,
      tpu.vector_store %arg8[%swap3A], %broadcast_in_dim3A_32 {strides = array<i32>} : memref<16384xi32, #tpu.memory_space<vmem>>, vector<16xi32>,
      %mul3A_98 = arith.constant 16 : i32
      %mul3A_99 = arith.muli %scan3A_93, %mul3A_98 : i32
      %swap3A_100 = arith.index_cast %mul3A_99 : i32 to index
      %swap3A_101 = tpu.vector_load %arg9[%swap3A_100] {strides = array<i32>} : memref<16384xf32, #tpu.memory_space<vmem>>, vector<16xf32>,
      tpu.vector_store %arg9[%swap3A_100], %broadcast_in_dim3A_34 {strides = array<i32>} : memref<16384xf32, #tpu.memory_space<vmem>>, vector<16xf32>,
      %scan3A_102 = arith.constant 0 : i32
      scf.yield %scan3A_102 : i32
    }
    %scan3A_47 = arith.constant 1024 : i32
    %scan3A_48 = arith.constant 0 : i32
    %scan3A_49 = arith.constant 0 : i32
    %scan3A_50 = arith.constant 2048 : i32
    %scan3A_51 = arith.addi %scan3A_49, %scan3A_50 : i32
    %scan3A_52 = arith.constant 1 : i32
    %scan3A_53 = scf.for %scan3A_93 = %scan3A_49 to %scan3A_51 step %scan3A_52 iter_args(%scan3A_94 = %scan3A_48) -> (i32)  : i32 {
      %shift_right_arithmetic3A = arith.constant 8 : i32
      %shift_right_arithmetic3A_95 = arith.shrsi %scan3A_93, %shift_right_arithmetic3A : i32
      %and3A = arith.constant 255 : i32
      %and3A_96 = arith.andi %scan3A_93, %and3A : i32
      %mul3A_97 = arith.constant 16 : i32
      %mul3A_98 = arith.muli %and3A_96, %mul3A_97 : i32
      %get3A = arith.index_cast %shift_right_arithmetic3A_95 : i32 to index
      %get3A_99 = arith.index_cast %mul3A_98 : i32 to index
      %get3A_100 = tpu.vector_load %arg7[%get3A, %get3A_99] {strides = array<i32>} : memref<8x4096xf32, #tpu.memory_space<vmem>>, vector<16xf32>,
      %bitcast_convert_type3A = tpu.bitcast %get3A_100 : vector<16xf32> -> vector<16xi32>
      %lt3A = arith.constant 0 : i32
      %lt3A_101 = vector.broadcast %lt3A : i32 to vector<16xi32>
      %lt3A_102 = arith.cmpi slt, %bitcast_convert_type3A, %lt3A_101 : vector<16xi32>
      %xor3A = arith.constant 2147483647 : i32
      %xor3A_103 = vector.broadcast %xor3A : i32 to vector<16xi32>
      %xor3A_104 = arith.xori %bitcast_convert_type3A, %xor3A_103 : vector<16xi32>
      %select_n3A = arith.select %lt3A_102, %xor3A_104, %bitcast_convert_type3A : vector<16xi1>, vector<16xi32>
      %shift_right_arithmetic3A_105 = arith.constant 22 : i32
      %shift_right_arithmetic3A_106 = vector.broadcast %shift_right_arithmetic3A_105 : i32 to vector<16xi32>
      %shift_right_arithmetic3A_107 = arith.shrsi %select_n3A, %shift_right_arithmetic3A_106 : vector<16xi32>
      %add3A_108 = arith.constant 512 : i32
      %add3A_109 = vector.broadcast %add3A_108 : i32 to vector<16xi32>
      %add3A_110 = arith.addi %shift_right_arithmetic3A_107, %add3A_109 : vector<16xi32>
      %add3A_111 = arith.addi %mul3A_40, %add3A_110 : vector<16xi32>
      tpu.vector_store_idx %arg8[%add3A_111], %broadcast_in_dim3A_36 {add = true} : memref<16384xi32, #tpu.memory_space<vmem>>[vector<16xi32>], vector<16xi32>,
      tpu.vector_store_idx %arg9[%add3A_111], %get3A_100 {add = true} : memref<16384xf32, #tpu.memory_space<vmem>>[vector<16xi32>], vector<16xf32>,
      %scan3A_112 = arith.constant 0 : i32
      scf.yield %scan3A_112 : i32
    }
    %scan3A_54 = arith.constant 2048 : i32
    %scan3A_55 = arith.constant 0 : i32
    %scan3A_56 = arith.constant 0 : i32
    %scan3A_57 = arith.constant 64 : i32
    %scan3A_58 = arith.addi %scan3A_56, %scan3A_57 : i32
    %scan3A_59 = arith.constant 1 : i32
    %scan3A_60 = scf.for %scan3A_93 = %scan3A_56 to %scan3A_58 step %scan3A_59 iter_args(%scan3A_94 = %scan3A_55) -> (i32)  : i32 {
      %mul3A_95 = arith.constant 16 : i32
      %mul3A_96 = arith.muli %scan3A_93, %mul3A_95 : i32
      %get3A = arith.index_cast %mul3A_96 : i32 to index
      %get3A_97 = tpu.vector_load %arg8[%get3A] {strides = array<i32>} : memref<16384xi32, #tpu.memory_space<vmem>>, vector<16xi32>,
      %mul3A_98 = arith.constant 16 : i32
      %mul3A_99 = arith.muli %scan3A_93, %mul3A_98 : i32
      %get3A_100 = arith.index_cast %mul3A_99 : i32 to index
      %get3A_101 = tpu.vector_load %arg9[%get3A_100] {strides = array<i32>} : memref<16384xf32, #tpu.memory_space<vmem>>, vector<16xf32>,
      %mul3A_102 = arith.constant 16 : i32
      %mul3A_103 = arith.muli %scan3A_93, %mul3A_102 : i32
      %add3A_104 = arith.constant 1024 : i32
      %add3A_105 = arith.addi %add3A_104, %mul3A_103 : i32
      %get3A_106 = arith.index_cast %add3A_105 : i32 to index
      %get3A_107 = tpu.vector_load %arg8[%get3A_106] {strides = array<i32>} : memref<16384xi32, #tpu.memory_space<vmem>>, vector<16xi32>,
      %add3A_108 = arith.addi %get3A_97, %get3A_107 : vector<16xi32>
      %mul3A_109 = arith.constant 16 : i32
      %mul3A_110 = arith.muli %scan3A_93, %mul3A_109 : i32
      %add3A_111 = arith.constant 1024 : i32
      %add3A_112 = arith.addi %add3A_111, %mul3A_110 : i32
      %get3A_113 = arith.index_cast %add3A_112 : i32 to index
      %get3A_114 = tpu.vector_load %arg9[%get3A_113] {strides = array<i32>} : memref<16384xf32, #tpu.memory_space<vmem>>, vector<16xf32>,
      %add3A_115 = arith.addf %get3A_101, %get3A_114 : vector<16xf32>
      %mul3A_116 = arith.constant 16 : i32
      %mul3A_117 = arith.muli %scan3A_93, %mul3A_116 : i32
      %add3A_118 = arith.constant 2048 : i32
      %add3A_119 = arith.addi %add3A_118, %mul3A_117 : i32
      %get3A_120 = arith.index_cast %add3A_119 : i32 to index
      %get3A_121 = tpu.vector_load %arg8[%get3A_120] {strides = array<i32>} : memref<16384xi32, #tpu.memory_space<vmem>>, vector<16xi32>,
      %add3A_122 = arith.addi %add3A_108, %get3A_121 : vector<16xi32>
      %mul3A_123 = arith.constant 16 : i32
      %mul3A_124 = arith.muli %scan3A_93, %mul3A_123 : i32
      %add3A_125 = arith.constant 2048 : i32
      %add3A_126 = arith.addi %add3A_125, %mul3A_124 : i32
      %get3A_127 = arith.index_cast %add3A_126 : i32 to index
      %get3A_128 = tpu.vector_load %arg9[%get3A_127] {strides = array<i32>} : memref<16384xf32, #tpu.memory_space<vmem>>, vector<16xf32>,
      %add3A_129 = arith.addf %add3A_115, %get3A_128 : vector<16xf32>
      %mul3A_130 = arith.constant 16 : i32
      %mul3A_131 = arith.muli %scan3A_93, %mul3A_130 : i32
      %add3A_132 = arith.constant 3072 : i32
      %add3A_133 = arith.addi %add3A_132, %mul3A_131 : i32
      %get3A_134 = arith.index_cast %add3A_133 : i32 to index
      %get3A_135 = tpu.vector_load %arg8[%get3A_134] {strides = array<i32>} : memref<16384xi32, #tpu.memory_space<vmem>>, vector<16xi32>,
      %add3A_136 = arith.addi %add3A_122, %get3A_135 : vector<16xi32>
      %mul3A_137 = arith.constant 16 : i32
      %mul3A_138 = arith.muli %scan3A_93, %mul3A_137 : i32
      %add3A_139 = arith.constant 3072 : i32
      %add3A_140 = arith.addi %add3A_139, %mul3A_138 : i32
      %get3A_141 = arith.index_cast %add3A_140 : i32 to index
      %get3A_142 = tpu.vector_load %arg9[%get3A_141] {strides = array<i32>} : memref<16384xf32, #tpu.memory_space<vmem>>, vector<16xf32>,
      %add3A_143 = arith.addf %add3A_129, %get3A_142 : vector<16xf32>
      %mul3A_144 = arith.constant 16 : i32
      %mul3A_145 = arith.muli %scan3A_93, %mul3A_144 : i32
      %add3A_146 = arith.constant 4096 : i32
      %add3A_147 = arith.addi %add3A_146, %mul3A_145 : i32
      %get3A_148 = arith.index_cast %add3A_147 : i32 to index
      %get3A_149 = tpu.vector_load %arg8[%get3A_148] {strides = array<i32>} : memref<16384xi32, #tpu.memory_space<vmem>>, vector<16xi32>,
      %add3A_150 = arith.addi %add3A_136, %get3A_149 : vector<16xi32>
      %mul3A_151 = arith.constant 16 : i32
      %mul3A_152 = arith.muli %scan3A_93, %mul3A_151 : i32
      %add3A_153 = arith.constant 4096 : i32
      %add3A_154 = arith.addi %add3A_153, %mul3A_152 : i32
      %get3A_155 = arith.index_cast %add3A_154 : i32 to index
      %get3A_156 = tpu.vector_load %arg9[%get3A_155] {strides = array<i32>} : memref<16384xf32, #tpu.memory_space<vmem>>, vector<16xf32>,
      %add3A_157 = arith.addf %add3A_143, %get3A_156 : vector<16xf32>
      %mul3A_158 = arith.constant 16 : i32
      %mul3A_159 = arith.muli %scan3A_93, %mul3A_158 : i32
      %add3A_160 = arith.constant 5120 : i32
      %add3A_161 = arith.addi %add3A_160, %mul3A_159 : i32
      %get3A_162 = arith.index_cast %add3A_161 : i32 to index
      %get3A_163 = tpu.vector_load %arg8[%get3A_162] {strides = array<i32>} : memref<16384xi32, #tpu.memory_space<vmem>>, vector<16xi32>,
      %add3A_164 = arith.addi %add3A_150, %get3A_163 : vector<16xi32>
      %mul3A_165 = arith.constant 16 : i32
      %mul3A_166 = arith.muli %scan3A_93, %mul3A_165 : i32
      %add3A_167 = arith.constant 5120 : i32
      %add3A_168 = arith.addi %add3A_167, %mul3A_166 : i32
      %get3A_169 = arith.index_cast %add3A_168 : i32 to index
      %get3A_170 = tpu.vector_load %arg9[%get3A_169] {strides = array<i32>} : memref<16384xf32, #tpu.memory_space<vmem>>, vector<16xf32>,
      %add3A_171 = arith.addf %add3A_157, %get3A_170 : vector<16xf32>
      %mul3A_172 = arith.constant 16 : i32
      %mul3A_173 = arith.muli %scan3A_93, %mul3A_172 : i32
      %add3A_174 = arith.constant 6144 : i32
      %add3A_175 = arith.addi %add3A_174, %mul3A_173 : i32
      %get3A_176 = arith.index_cast %add3A_175 : i32 to index
      %get3A_177 = tpu.vector_load %arg8[%get3A_176] {strides = array<i32>} : memref<16384xi32, #tpu.memory_space<vmem>>, vector<16xi32>,
      %add3A_178 = arith.addi %add3A_164, %get3A_177 : vector<16xi32>
      %mul3A_179 = arith.constant 16 : i32
      %mul3A_180 = arith.muli %scan3A_93, %mul3A_179 : i32
      %add3A_181 = arith.constant 6144 : i32
      %add3A_182 = arith.addi %add3A_181, %mul3A_180 : i32
      %get3A_183 = arith.index_cast %add3A_182 : i32 to index
      %get3A_184 = tpu.vector_load %arg9[%get3A_183] {strides = array<i32>} : memref<16384xf32, #tpu.memory_space<vmem>>, vector<16xf32>,
      %add3A_185 = arith.addf %add3A_171, %get3A_184 : vector<16xf32>
      %mul3A_186 = arith.constant 16 : i32
      %mul3A_187 = arith.muli %scan3A_93, %mul3A_186 : i32
      %add3A_188 = arith.constant 7168 : i32
      %add3A_189 = arith.addi %add3A_188, %mul3A_187 : i32
      %get3A_190 = arith.index_cast %add3A_189 : i32 to index
      %get3A_191 = tpu.vector_load %arg8[%get3A_190] {strides = array<i32>} : memref<16384xi32, #tpu.memory_space<vmem>>, vector<16xi32>,
      %add3A_192 = arith.addi %add3A_178, %get3A_191 : vector<16xi32>
      %mul3A_193 = arith.constant 16 : i32
      %mul3A_194 = arith.muli %scan3A_93, %mul3A_193 : i32
      %add3A_195 = arith.constant 7168 : i32
      %add3A_196 = arith.addi %add3A_195, %mul3A_194 : i32
      %get3A_197 = arith.index_cast %add3A_196 : i32 to index
      %get3A_198 = tpu.vector_load %arg9[%get3A_197] {strides = array<i32>} : memref<16384xf32, #tpu.memory_space<vmem>>, vector<16xf32>,
      %add3A_199 = arith.addf %add3A_185, %get3A_198 : vector<16xf32>
      %mul3A_200 = arith.constant 16 : i32
      %mul3A_201 = arith.muli %scan3A_93, %mul3A_200 : i32
      %add3A_202 = arith.constant 8192 : i32
      %add3A_203 = arith.addi %add3A_202, %mul3A_201 : i32
      %get3A_204 = arith.index_cast %add3A_203 : i32 to index
      %get3A_205 = tpu.vector_load %arg8[%get3A_204] {strides = array<i32>} : memref<16384xi32, #tpu.memory_space<vmem>>, vector<16xi32>,
      %add3A_206 = arith.addi %add3A_192, %get3A_205 : vector<16xi32>
      %mul3A_207 = arith.constant 16 : i32
      %mul3A_208 = arith.muli %scan3A_93, %mul3A_207 : i32
      %add3A_209 = arith.constant 8192 : i32
      %add3A_210 = arith.addi %add3A_209, %mul3A_208 : i32
      %get3A_211 = arith.index_cast %add3A_210 : i32 to index
      %get3A_212 = tpu.vector_load %arg9[%get3A_211] {strides = array<i32>} : memref<16384xf32, #tpu.memory_space<vmem>>, vector<16xf32>,
      %add3A_213 = arith.addf %add3A_199, %get3A_212 : vector<16xf32>
      %mul3A_214 = arith.constant 16 : i32
      %mul3A_215 = arith.muli %scan3A_93, %mul3A_214 : i32
      %add3A_216 = arith.constant 9216 : i32
      %add3A_217 = arith.addi %add3A_216, %mul3A_215 : i32
      %get3A_218 = arith.index_cast %add3A_217 : i32 to index
      %get3A_219 = tpu.vector_load %arg8[%get3A_218] {strides = array<i32>} : memref<16384xi32, #tpu.memory_space<vmem>>, vector<16xi32>,
      %add3A_220 = arith.addi %add3A_206, %get3A_219 : vector<16xi32>
      %mul3A_221 = arith.constant 16 : i32
      %mul3A_222 = arith.muli %scan3A_93, %mul3A_221 : i32
      %add3A_223 = arith.constant 9216 : i32
      %add3A_224 = arith.addi %add3A_223, %mul3A_222 : i32
      %get3A_225 = arith.index_cast %add3A_224 : i32 to index
      %get3A_226 = tpu.vector_load %arg9[%get3A_225] {strides = array<i32>} : memref<16384xf32, #tpu.memory_space<vmem>>, vector<16xf32>,
      %add3A_227 = arith.addf %add3A_213, %get3A_226 : vector<16xf32>
      %mul3A_228 = arith.constant 16 : i32
      %mul3A_229 = arith.muli %scan3A_93, %mul3A_228 : i32
      %add3A_230 = arith.constant 10240 : i32
      %add3A_231 = arith.addi %add3A_230, %mul3A_229 : i32
      %get3A_232 = arith.index_cast %add3A_231 : i32 to index
      %get3A_233 = tpu.vector_load %arg8[%get3A_232] {strides = array<i32>} : memref<16384xi32, #tpu.memory_space<vmem>>, vector<16xi32>,
      %add3A_234 = arith.addi %add3A_220, %get3A_233 : vector<16xi32>
      %mul3A_235 = arith.constant 16 : i32
      %mul3A_236 = arith.muli %scan3A_93, %mul3A_235 : i32
      %add3A_237 = arith.constant 10240 : i32
      %add3A_238 = arith.addi %add3A_237, %mul3A_236 : i32
      %get3A_239 = arith.index_cast %add3A_238 : i32 to index
      %get3A_240 = tpu.vector_load %arg9[%get3A_239] {strides = array<i32>} : memref<16384xf32, #tpu.memory_space<vmem>>, vector<16xf32>,
      %add3A_241 = arith.addf %add3A_227, %get3A_240 : vector<16xf32>
      %mul3A_242 = arith.constant 16 : i32
      %mul3A_243 = arith.muli %scan3A_93, %mul3A_242 : i32
      %add3A_244 = arith.constant 11264 : i32
      %add3A_245 = arith.addi %add3A_244, %mul3A_243 : i32
      %get3A_246 = arith.index_cast %add3A_245 : i32 to index
      %get3A_247 = tpu.vector_load %arg8[%get3A_246] {strides = array<i32>} : memref<16384xi32, #tpu.memory_space<vmem>>, vector<16xi32>,
      %add3A_248 = arith.addi %add3A_234, %get3A_247 : vector<16xi32>
      %mul3A_249 = arith.constant 16 : i32
      %mul3A_250 = arith.muli %scan3A_93, %mul3A_249 : i32
      %add3A_251 = arith.constant 11264 : i32
      %add3A_252 = arith.addi %add3A_251, %mul3A_250 : i32
      %get3A_253 = arith.index_cast %add3A_252 : i32 to index
      %get3A_254 = tpu.vector_load %arg9[%get3A_253] {strides = array<i32>} : memref<16384xf32, #tpu.memory_space<vmem>>, vector<16xf32>,
      %add3A_255 = arith.addf %add3A_241, %get3A_254 : vector<16xf32>
      %mul3A_256 = arith.constant 16 : i32
      %mul3A_257 = arith.muli %scan3A_93, %mul3A_256 : i32
      %add3A_258 = arith.constant 12288 : i32
      %add3A_259 = arith.addi %add3A_258, %mul3A_257 : i32
      %get3A_260 = arith.index_cast %add3A_259 : i32 to index
      %get3A_261 = tpu.vector_load %arg8[%get3A_260] {strides = array<i32>} : memref<16384xi32, #tpu.memory_space<vmem>>, vector<16xi32>,
      %add3A_262 = arith.addi %add3A_248, %get3A_261 : vector<16xi32>
      %mul3A_263 = arith.constant 16 : i32
      %mul3A_264 = arith.muli %scan3A_93, %mul3A_263 : i32
      %add3A_265 = arith.constant 12288 : i32
      %add3A_266 = arith.addi %add3A_265, %mul3A_264 : i32
      %get3A_267 = arith.index_cast %add3A_266 : i32 to index
      %get3A_268 = tpu.vector_load %arg9[%get3A_267] {strides = array<i32>} : memref<16384xf32, #tpu.memory_space<vmem>>, vector<16xf32>,
      %add3A_269 = arith.addf %add3A_255, %get3A_268 : vector<16xf32>
      %mul3A_270 = arith.constant 16 : i32
      %mul3A_271 = arith.muli %scan3A_93, %mul3A_270 : i32
      %add3A_272 = arith.constant 13312 : i32
      %add3A_273 = arith.addi %add3A_272, %mul3A_271 : i32
      %get3A_274 = arith.index_cast %add3A_273 : i32 to index
      %get3A_275 = tpu.vector_load %arg8[%get3A_274] {strides = array<i32>} : memref<16384xi32, #tpu.memory_space<vmem>>, vector<16xi32>,
      %add3A_276 = arith.addi %add3A_262, %get3A_275 : vector<16xi32>
      %mul3A_277 = arith.constant 16 : i32
      %mul3A_278 = arith.muli %scan3A_93, %mul3A_277 : i32
      %add3A_279 = arith.constant 13312 : i32
      %add3A_280 = arith.addi %add3A_279, %mul3A_278 : i32
      %get3A_281 = arith.index_cast %add3A_280 : i32 to index
      %get3A_282 = tpu.vector_load %arg9[%get3A_281] {strides = array<i32>} : memref<16384xf32, #tpu.memory_space<vmem>>, vector<16xf32>,
      %add3A_283 = arith.addf %add3A_269, %get3A_282 : vector<16xf32>
      %mul3A_284 = arith.constant 16 : i32
      %mul3A_285 = arith.muli %scan3A_93, %mul3A_284 : i32
      %add3A_286 = arith.constant 14336 : i32
      %add3A_287 = arith.addi %add3A_286, %mul3A_285 : i32
      %get3A_288 = arith.index_cast %add3A_287 : i32 to index
      %get3A_289 = tpu.vector_load %arg8[%get3A_288] {strides = array<i32>} : memref<16384xi32, #tpu.memory_space<vmem>>, vector<16xi32>,
      %add3A_290 = arith.addi %add3A_276, %get3A_289 : vector<16xi32>
      %mul3A_291 = arith.constant 16 : i32
      %mul3A_292 = arith.muli %scan3A_93, %mul3A_291 : i32
      %add3A_293 = arith.constant 14336 : i32
      %add3A_294 = arith.addi %add3A_293, %mul3A_292 : i32
      %get3A_295 = arith.index_cast %add3A_294 : i32 to index
      %get3A_296 = tpu.vector_load %arg9[%get3A_295] {strides = array<i32>} : memref<16384xf32, #tpu.memory_space<vmem>>, vector<16xf32>,
      %add3A_297 = arith.addf %add3A_283, %get3A_296 : vector<16xf32>
      %mul3A_298 = arith.constant 16 : i32
      %mul3A_299 = arith.muli %scan3A_93, %mul3A_298 : i32
      %add3A_300 = arith.constant 15360 : i32
      %add3A_301 = arith.addi %add3A_300, %mul3A_299 : i32
      %get3A_302 = arith.index_cast %add3A_301 : i32 to index
      %get3A_303 = tpu.vector_load %arg8[%get3A_302] {strides = array<i32>} : memref<16384xi32, #tpu.memory_space<vmem>>, vector<16xi32>,
      %add3A_304 = arith.addi %add3A_290, %get3A_303 : vector<16xi32>
      %mul3A_305 = arith.constant 16 : i32
      %mul3A_306 = arith.muli %scan3A_93, %mul3A_305 : i32
      %add3A_307 = arith.constant 15360 : i32
      %add3A_308 = arith.addi %add3A_307, %mul3A_306 : i32
      %get3A_309 = arith.index_cast %add3A_308 : i32 to index
      %get3A_310 = tpu.vector_load %arg9[%get3A_309] {strides = array<i32>} : memref<16384xf32, #tpu.memory_space<vmem>>, vector<16xf32>,
      %add3A_311 = arith.addf %add3A_297, %get3A_310 : vector<16xf32>
      %mul3A_312 = arith.constant 16 : i32
      %mul3A_313 = arith.muli %scan3A_93, %mul3A_312 : i32
      %swap3A = arith.constant 0 : i32
      %swap3A_314 = arith.index_cast %swap3A : i32 to index
      %swap3A_315 = arith.index_cast %mul3A_313 : i32 to index
      %swap3A_316 = tpu.vector_load %arg10[%swap3A_314, %swap3A_315] {strides = array<i32>} : memref<1x1024xi32, #tpu.memory_space<vmem>>, vector<16xi32>,
      tpu.vector_store %arg10[%swap3A_314, %swap3A_315], %add3A_304 {strides = array<i32>} : memref<1x1024xi32, #tpu.memory_space<vmem>>, vector<16xi32>,
      %mul3A_317 = arith.constant 16 : i32
      %mul3A_318 = arith.muli %scan3A_93, %mul3A_317 : i32
      %swap3A_319 = arith.constant 0 : i32
      %swap3A_320 = arith.index_cast %swap3A_319 : i32 to index
      %swap3A_321 = arith.index_cast %mul3A_318 : i32 to index
      %swap3A_322 = tpu.vector_load %arg11[%swap3A_320, %swap3A_321] {strides = array<i32>} : memref<1x1024xf32, #tpu.memory_space<vmem>>, vector<16xf32>,
      tpu.vector_store %arg11[%swap3A_320, %swap3A_321], %add3A_311 {strides = array<i32>} : memref<1x1024xf32, #tpu.memory_space<vmem>>, vector<16xf32>,
      %scan3A_323 = arith.constant 0 : i32
      scf.yield %scan3A_323 : i32
    }
    %scan3A_61 = arith.constant 64 : i32
    "tpu.region"() ({
      %run_scoped3A = tpu.sem_alloc : memref<!tpu.dma_semaphore, #tpu.memory_space<semaphore_mem>>
      %dma_start3A = arith.constant 1024 : i32
      %dma_start3A_93 = tpu.memref_slice %arg5[%add3A, %dma_start3A] : memref<32x3072xi32, #tpu.memory_space<hbm>> -> memref<1x1024xi32, #tpu.memory_space<hbm>>
      %dma_start3A_94 = arith.constant 1024 : i32
      %dma_start3A_95 = tpu.memref_slice %arg5[%add3A, %dma_start3A_94] : memref<32x3072xi32, #tpu.memory_space<hbm>> -> memref<1x1024xi32, #tpu.memory_space<hbm>>
      tpu.enqueue_dma source(%arg10 : memref<1x1024xi32, #tpu.memory_space<vmem>>) target(%dma_start3A_95 : memref<1x1024xi32, #tpu.memory_space<hbm>>) target_semaphore(%run_scoped3A : memref<!tpu.dma_semaphore, #tpu.memory_space<semaphore_mem>>)
      %dma_wait3A = arith.constant 1024 : i32
      %dma_wait3A_96 = tpu.memref_slice %arg5[%add3A, %dma_wait3A] : memref<32x3072xi32, #tpu.memory_space<hbm>> -> memref<1x1024xi32, #tpu.memory_space<hbm>>
      %dma_wait3A_97 = arith.constant 1024 : i32
      %dma_wait3A_98 = tpu.memref_slice %arg5[%add3A, %dma_wait3A_97] : memref<32x3072xi32, #tpu.memory_space<hbm>> -> memref<1x1024xi32, #tpu.memory_space<hbm>>
      tpu.wait_dma2 semaphore(%run_scoped3A : memref<!tpu.dma_semaphore, #tpu.memory_space<semaphore_mem>>) src(%arg10 : memref<1x1024xi32, #tpu.memory_space<vmem>>) dst(%dma_wait3A_98 : memref<1x1024xi32, #tpu.memory_space<hbm>>)
      tpu.yield
    }) : () -> ()
    "tpu.region"() ({
      %run_scoped3A = tpu.sem_alloc : memref<!tpu.dma_semaphore, #tpu.memory_space<semaphore_mem>>
      %dma_start3A = arith.constant 1024 : i32
      %dma_start3A_93 = tpu.memref_slice %arg6[%add3A, %dma_start3A] : memref<32x3072xf32, #tpu.memory_space<hbm>> -> memref<1x1024xf32, #tpu.memory_space<hbm>>
      %dma_start3A_94 = arith.constant 1024 : i32
      %dma_start3A_95 = tpu.memref_slice %arg6[%add3A, %dma_start3A_94] : memref<32x3072xf32, #tpu.memory_space<hbm>> -> memref<1x1024xf32, #tpu.memory_space<hbm>>
      tpu.enqueue_dma source(%arg11 : memref<1x1024xf32, #tpu.memory_space<vmem>>) target(%dma_start3A_95 : memref<1x1024xf32, #tpu.memory_space<hbm>>) target_semaphore(%run_scoped3A : memref<!tpu.dma_semaphore, #tpu.memory_space<semaphore_mem>>)
      %dma_wait3A = arith.constant 1024 : i32
      %dma_wait3A_96 = tpu.memref_slice %arg6[%add3A, %dma_wait3A] : memref<32x3072xf32, #tpu.memory_space<hbm>> -> memref<1x1024xf32, #tpu.memory_space<hbm>>
      %dma_wait3A_97 = arith.constant 1024 : i32
      %dma_wait3A_98 = tpu.memref_slice %arg6[%add3A, %dma_wait3A_97] : memref<32x3072xf32, #tpu.memory_space<hbm>> -> memref<1x1024xf32, #tpu.memory_space<hbm>>
      tpu.wait_dma2 semaphore(%run_scoped3A : memref<!tpu.dma_semaphore, #tpu.memory_space<semaphore_mem>>) src(%arg11 : memref<1x1024xf32, #tpu.memory_space<vmem>>) dst(%dma_wait3A_98 : memref<1x1024xf32, #tpu.memory_space<hbm>>)
      tpu.yield
    }) : () -> ()
    "tpu.region"() ({
      %run_scoped3A = tpu.sem_alloc : memref<!tpu.dma_semaphore, #tpu.memory_space<semaphore_mem>>
      %dma_start3A = arith.constant 0 : i32
      %dma_start3A_93 = tpu.memref_slice %arg4[%mul3A_2, %dma_start3A] : memref<256x4096xf32, #tpu.memory_space<hbm>> -> memref<8x4096xf32, #tpu.memory_space<hbm>>
      %dma_start3A_94 = arith.constant 0 : i32
      %dma_start3A_95 = tpu.memref_slice %arg4[%mul3A_2, %dma_start3A_94] : memref<256x4096xf32, #tpu.memory_space<hbm>> -> memref<8x4096xf32, #tpu.memory_space<hbm>>
      tpu.enqueue_dma source(%dma_start3A_95 : memref<8x4096xf32, #tpu.memory_space<hbm>>) target(%arg7 : memref<8x4096xf32, #tpu.memory_space<vmem>>) target_semaphore(%run_scoped3A : memref<!tpu.dma_semaphore, #tpu.memory_space<semaphore_mem>>)
      %dma_wait3A = arith.constant 0 : i32
      %dma_wait3A_96 = tpu.memref_slice %arg4[%mul3A_2, %dma_wait3A] : memref<256x4096xf32, #tpu.memory_space<hbm>> -> memref<8x4096xf32, #tpu.memory_space<hbm>>
      %dma_wait3A_97 = arith.constant 0 : i32
      %dma_wait3A_98 = tpu.memref_slice %arg4[%mul3A_2, %dma_wait3A_97] : memref<256x4096xf32, #tpu.memory_space<hbm>> -> memref<8x4096xf32, #tpu.memory_space<hbm>>
      tpu.wait_dma2 semaphore(%run_scoped3A : memref<!tpu.dma_semaphore, #tpu.memory_space<semaphore_mem>>) src(%dma_wait3A_98 : memref<8x4096xf32, #tpu.memory_space<hbm>>) dst(%arg7 : memref<8x4096xf32, #tpu.memory_space<vmem>>)
      tpu.yield
    }) : () -> ()
    %broadcast_in_dim3A_62 = arith.constant 0 : i32
    %broadcast_in_dim3A_63 = vector.broadcast %broadcast_in_dim3A_62 : i32 to vector<16xi32>
    %broadcast_in_dim3A_64 = arith.constant 0.000000e+00 : f32
    %broadcast_in_dim3A_65 = vector.broadcast %broadcast_in_dim3A_64 : f32 to vector<16xf32>
    %broadcast_in_dim3A_66 = arith.constant 1 : i32
    %broadcast_in_dim3A_67 = vector.broadcast %broadcast_in_dim3A_66 : i32 to vector<16xi32>
    %iota3A_68 = tpu.iota {dimensions = array<i32: 0>} : vector<16xi32>
    %mul3A_69 = arith.constant 1024 : i32
    %mul3A_70 = vector.broadcast %mul3A_69 : i32 to vector<16xi32>
    %mul3A_71 = arith.muli %iota3A_68, %mul3A_70 : vector<16xi32>
    %scan3A_72 = arith.constant 0 : i32
    %scan3A_73 = arith.constant 0 : i32
    %scan3A_74 = arith.constant 1024 : i32
    %scan3A_75 = arith.addi %scan3A_73, %scan3A_74 : i32
    %scan3A_76 = arith.constant 1 : i32
    %scan3A_77 = scf.for %scan3A_93 = %scan3A_73 to %scan3A_75 step %scan3A_76 iter_args(%scan3A_94 = %scan3A_72) -> (i32)  : i32 {
      %mul3A_95 = arith.constant 16 : i32
      %mul3A_96 = arith.muli %scan3A_93, %mul3A_95 : i32
      %swap3A = arith.index_cast %mul3A_96 : i32 to index
      %swap3A_97 = tpu.vector_load %arg8[%swap3A] {strides = array<i32>} : memref<16384xi32, #tpu.memory_space<vmem>>, vector<16xi32>,
      tpu.vector_store %arg8[%swap3A], %broadcast_in_dim3A_63 {strides = array<i32>} : memref<16384xi32, #tpu.memory_space<vmem>>, vector<16xi32>,
      %mul3A_98 = arith.constant 16 : i32
      %mul3A_99 = arith.muli %scan3A_93, %mul3A_98 : i32
      %swap3A_100 = arith.index_cast %mul3A_99 : i32 to index
      %swap3A_101 = tpu.vector_load %arg9[%swap3A_100] {strides = array<i32>} : memref<16384xf32, #tpu.memory_space<vmem>>, vector<16xf32>,
      tpu.vector_store %arg9[%swap3A_100], %broadcast_in_dim3A_65 {strides = array<i32>} : memref<16384xf32, #tpu.memory_space<vmem>>, vector<16xf32>,
      %scan3A_102 = arith.constant 0 : i32
      scf.yield %scan3A_102 : i32
    }
    %scan3A_78 = arith.constant 1024 : i32
    %scan3A_79 = arith.constant 0 : i32
    %scan3A_80 = arith.constant 0 : i32
    %scan3A_81 = arith.constant 2048 : i32
    %scan3A_82 = arith.addi %scan3A_80, %scan3A_81 : i32
    %scan3A_83 = arith.constant 1 : i32
    %scan3A_84 = scf.for %scan3A_93 = %scan3A_80 to %scan3A_82 step %scan3A_83 iter_args(%scan3A_94 = %scan3A_79) -> (i32)  : i32 {
      %shift_right_arithmetic3A = arith.constant 8 : i32
      %shift_right_arithmetic3A_95 = arith.shrsi %scan3A_93, %shift_right_arithmetic3A : i32
      %and3A = arith.constant 255 : i32
      %and3A_96 = arith.andi %scan3A_93, %and3A : i32
      %mul3A_97 = arith.constant 16 : i32
      %mul3A_98 = arith.muli %and3A_96, %mul3A_97 : i32
      %get3A = arith.index_cast %shift_right_arithmetic3A_95 : i32 to index
      %get3A_99 = arith.index_cast %mul3A_98 : i32 to index
      %get3A_100 = tpu.vector_load %arg7[%get3A, %get3A_99] {strides = array<i32>} : memref<8x4096xf32, #tpu.memory_space<vmem>>, vector<16xf32>,
      %bitcast_convert_type3A = tpu.bitcast %get3A_100 : vector<16xf32> -> vector<16xi32>
      %lt3A = arith.constant 0 : i32
      %lt3A_101 = vector.broadcast %lt3A : i32 to vector<16xi32>
      %lt3A_102 = arith.cmpi slt, %bitcast_convert_type3A, %lt3A_101 : vector<16xi32>
      %xor3A = arith.constant 2147483647 : i32
      %xor3A_103 = vector.broadcast %xor3A : i32 to vector<16xi32>
      %xor3A_104 = arith.xori %bitcast_convert_type3A, %xor3A_103 : vector<16xi32>
      %select_n3A = arith.select %lt3A_102, %xor3A_104, %bitcast_convert_type3A : vector<16xi1>, vector<16xi32>
      %shift_right_arithmetic3A_105 = arith.constant 22 : i32
      %shift_right_arithmetic3A_106 = vector.broadcast %shift_right_arithmetic3A_105 : i32 to vector<16xi32>
      %shift_right_arithmetic3A_107 = arith.shrsi %select_n3A, %shift_right_arithmetic3A_106 : vector<16xi32>
      %add3A_108 = arith.constant 512 : i32
      %add3A_109 = vector.broadcast %add3A_108 : i32 to vector<16xi32>
      %add3A_110 = arith.addi %shift_right_arithmetic3A_107, %add3A_109 : vector<16xi32>
      %add3A_111 = arith.addi %mul3A_71, %add3A_110 : vector<16xi32>
      tpu.vector_store_idx %arg8[%add3A_111], %broadcast_in_dim3A_67 {add = true} : memref<16384xi32, #tpu.memory_space<vmem>>[vector<16xi32>], vector<16xi32>,
      tpu.vector_store_idx %arg9[%add3A_111], %get3A_100 {add = true} : memref<16384xf32, #tpu.memory_space<vmem>>[vector<16xi32>], vector<16xf32>,
      %scan3A_112 = arith.constant 0 : i32
      scf.yield %scan3A_112 : i32
    }
    %scan3A_85 = arith.constant 2048 : i32
    %scan3A_86 = arith.constant 0 : i32
    %scan3A_87 = arith.constant 0 : i32
    %scan3A_88 = arith.constant 64 : i32
    %scan3A_89 = arith.addi %scan3A_87, %scan3A_88 : i32
    %scan3A_90 = arith.constant 1 : i32
    %scan3A_91 = scf.for %scan3A_93 = %scan3A_87 to %scan3A_89 step %scan3A_90 iter_args(%scan3A_94 = %scan3A_86) -> (i32)  : i32 {
      %mul3A_95 = arith.constant 16 : i32
      %mul3A_96 = arith.muli %scan3A_93, %mul3A_95 : i32
      %get3A = arith.index_cast %mul3A_96 : i32 to index
      %get3A_97 = tpu.vector_load %arg8[%get3A] {strides = array<i32>} : memref<16384xi32, #tpu.memory_space<vmem>>, vector<16xi32>,
      %mul3A_98 = arith.constant 16 : i32
      %mul3A_99 = arith.muli %scan3A_93, %mul3A_98 : i32
      %get3A_100 = arith.index_cast %mul3A_99 : i32 to index
      %get3A_101 = tpu.vector_load %arg9[%get3A_100] {strides = array<i32>} : memref<16384xf32, #tpu.memory_space<vmem>>, vector<16xf32>,
      %mul3A_102 = arith.constant 16 : i32
      %mul3A_103 = arith.muli %scan3A_93, %mul3A_102 : i32
      %add3A_104 = arith.constant 1024 : i32
      %add3A_105 = arith.addi %add3A_104, %mul3A_103 : i32
      %get3A_106 = arith.index_cast %add3A_105 : i32 to index
      %get3A_107 = tpu.vector_load %arg8[%get3A_106] {strides = array<i32>} : memref<16384xi32, #tpu.memory_space<vmem>>, vector<16xi32>,
      %add3A_108 = arith.addi %get3A_97, %get3A_107 : vector<16xi32>
      %mul3A_109 = arith.constant 16 : i32
      %mul3A_110 = arith.muli %scan3A_93, %mul3A_109 : i32
      %add3A_111 = arith.constant 1024 : i32
      %add3A_112 = arith.addi %add3A_111, %mul3A_110 : i32
      %get3A_113 = arith.index_cast %add3A_112 : i32 to index
      %get3A_114 = tpu.vector_load %arg9[%get3A_113] {strides = array<i32>} : memref<16384xf32, #tpu.memory_space<vmem>>, vector<16xf32>,
      %add3A_115 = arith.addf %get3A_101, %get3A_114 : vector<16xf32>
      %mul3A_116 = arith.constant 16 : i32
      %mul3A_117 = arith.muli %scan3A_93, %mul3A_116 : i32
      %add3A_118 = arith.constant 2048 : i32
      %add3A_119 = arith.addi %add3A_118, %mul3A_117 : i32
      %get3A_120 = arith.index_cast %add3A_119 : i32 to index
      %get3A_121 = tpu.vector_load %arg8[%get3A_120] {strides = array<i32>} : memref<16384xi32, #tpu.memory_space<vmem>>, vector<16xi32>,
      %add3A_122 = arith.addi %add3A_108, %get3A_121 : vector<16xi32>
      %mul3A_123 = arith.constant 16 : i32
      %mul3A_124 = arith.muli %scan3A_93, %mul3A_123 : i32
      %add3A_125 = arith.constant 2048 : i32
      %add3A_126 = arith.addi %add3A_125, %mul3A_124 : i32
      %get3A_127 = arith.index_cast %add3A_126 : i32 to index
      %get3A_128 = tpu.vector_load %arg9[%get3A_127] {strides = array<i32>} : memref<16384xf32, #tpu.memory_space<vmem>>, vector<16xf32>,
      %add3A_129 = arith.addf %add3A_115, %get3A_128 : vector<16xf32>
      %mul3A_130 = arith.constant 16 : i32
      %mul3A_131 = arith.muli %scan3A_93, %mul3A_130 : i32
      %add3A_132 = arith.constant 3072 : i32
      %add3A_133 = arith.addi %add3A_132, %mul3A_131 : i32
      %get3A_134 = arith.index_cast %add3A_133 : i32 to index
      %get3A_135 = tpu.vector_load %arg8[%get3A_134] {strides = array<i32>} : memref<16384xi32, #tpu.memory_space<vmem>>, vector<16xi32>,
      %add3A_136 = arith.addi %add3A_122, %get3A_135 : vector<16xi32>
      %mul3A_137 = arith.constant 16 : i32
      %mul3A_138 = arith.muli %scan3A_93, %mul3A_137 : i32
      %add3A_139 = arith.constant 3072 : i32
      %add3A_140 = arith.addi %add3A_139, %mul3A_138 : i32
      %get3A_141 = arith.index_cast %add3A_140 : i32 to index
      %get3A_142 = tpu.vector_load %arg9[%get3A_141] {strides = array<i32>} : memref<16384xf32, #tpu.memory_space<vmem>>, vector<16xf32>,
      %add3A_143 = arith.addf %add3A_129, %get3A_142 : vector<16xf32>
      %mul3A_144 = arith.constant 16 : i32
      %mul3A_145 = arith.muli %scan3A_93, %mul3A_144 : i32
      %add3A_146 = arith.constant 4096 : i32
      %add3A_147 = arith.addi %add3A_146, %mul3A_145 : i32
      %get3A_148 = arith.index_cast %add3A_147 : i32 to index
      %get3A_149 = tpu.vector_load %arg8[%get3A_148] {strides = array<i32>} : memref<16384xi32, #tpu.memory_space<vmem>>, vector<16xi32>,
      %add3A_150 = arith.addi %add3A_136, %get3A_149 : vector<16xi32>
      %mul3A_151 = arith.constant 16 : i32
      %mul3A_152 = arith.muli %scan3A_93, %mul3A_151 : i32
      %add3A_153 = arith.constant 4096 : i32
      %add3A_154 = arith.addi %add3A_153, %mul3A_152 : i32
      %get3A_155 = arith.index_cast %add3A_154 : i32 to index
      %get3A_156 = tpu.vector_load %arg9[%get3A_155] {strides = array<i32>} : memref<16384xf32, #tpu.memory_space<vmem>>, vector<16xf32>,
      %add3A_157 = arith.addf %add3A_143, %get3A_156 : vector<16xf32>
      %mul3A_158 = arith.constant 16 : i32
      %mul3A_159 = arith.muli %scan3A_93, %mul3A_158 : i32
      %add3A_160 = arith.constant 5120 : i32
      %add3A_161 = arith.addi %add3A_160, %mul3A_159 : i32
      %get3A_162 = arith.index_cast %add3A_161 : i32 to index
      %get3A_163 = tpu.vector_load %arg8[%get3A_162] {strides = array<i32>} : memref<16384xi32, #tpu.memory_space<vmem>>, vector<16xi32>,
      %add3A_164 = arith.addi %add3A_150, %get3A_163 : vector<16xi32>
      %mul3A_165 = arith.constant 16 : i32
      %mul3A_166 = arith.muli %scan3A_93, %mul3A_165 : i32
      %add3A_167 = arith.constant 5120 : i32
      %add3A_168 = arith.addi %add3A_167, %mul3A_166 : i32
      %get3A_169 = arith.index_cast %add3A_168 : i32 to index
      %get3A_170 = tpu.vector_load %arg9[%get3A_169] {strides = array<i32>} : memref<16384xf32, #tpu.memory_space<vmem>>, vector<16xf32>,
      %add3A_171 = arith.addf %add3A_157, %get3A_170 : vector<16xf32>
      %mul3A_172 = arith.constant 16 : i32
      %mul3A_173 = arith.muli %scan3A_93, %mul3A_172 : i32
      %add3A_174 = arith.constant 6144 : i32
      %add3A_175 = arith.addi %add3A_174, %mul3A_173 : i32
      %get3A_176 = arith.index_cast %add3A_175 : i32 to index
      %get3A_177 = tpu.vector_load %arg8[%get3A_176] {strides = array<i32>} : memref<16384xi32, #tpu.memory_space<vmem>>, vector<16xi32>,
      %add3A_178 = arith.addi %add3A_164, %get3A_177 : vector<16xi32>
      %mul3A_179 = arith.constant 16 : i32
      %mul3A_180 = arith.muli %scan3A_93, %mul3A_179 : i32
      %add3A_181 = arith.constant 6144 : i32
      %add3A_182 = arith.addi %add3A_181, %mul3A_180 : i32
      %get3A_183 = arith.index_cast %add3A_182 : i32 to index
      %get3A_184 = tpu.vector_load %arg9[%get3A_183] {strides = array<i32>} : memref<16384xf32, #tpu.memory_space<vmem>>, vector<16xf32>,
      %add3A_185 = arith.addf %add3A_171, %get3A_184 : vector<16xf32>
      %mul3A_186 = arith.constant 16 : i32
      %mul3A_187 = arith.muli %scan3A_93, %mul3A_186 : i32
      %add3A_188 = arith.constant 7168 : i32
      %add3A_189 = arith.addi %add3A_188, %mul3A_187 : i32
      %get3A_190 = arith.index_cast %add3A_189 : i32 to index
      %get3A_191 = tpu.vector_load %arg8[%get3A_190] {strides = array<i32>} : memref<16384xi32, #tpu.memory_space<vmem>>, vector<16xi32>,
      %add3A_192 = arith.addi %add3A_178, %get3A_191 : vector<16xi32>
      %mul3A_193 = arith.constant 16 : i32
      %mul3A_194 = arith.muli %scan3A_93, %mul3A_193 : i32
      %add3A_195 = arith.constant 7168 : i32
      %add3A_196 = arith.addi %add3A_195, %mul3A_194 : i32
      %get3A_197 = arith.index_cast %add3A_196 : i32 to index
      %get3A_198 = tpu.vector_load %arg9[%get3A_197] {strides = array<i32>} : memref<16384xf32, #tpu.memory_space<vmem>>, vector<16xf32>,
      %add3A_199 = arith.addf %add3A_185, %get3A_198 : vector<16xf32>
      %mul3A_200 = arith.constant 16 : i32
      %mul3A_201 = arith.muli %scan3A_93, %mul3A_200 : i32
      %add3A_202 = arith.constant 8192 : i32
      %add3A_203 = arith.addi %add3A_202, %mul3A_201 : i32
      %get3A_204 = arith.index_cast %add3A_203 : i32 to index
      %get3A_205 = tpu.vector_load %arg8[%get3A_204] {strides = array<i32>} : memref<16384xi32, #tpu.memory_space<vmem>>, vector<16xi32>,
      %add3A_206 = arith.addi %add3A_192, %get3A_205 : vector<16xi32>
      %mul3A_207 = arith.constant 16 : i32
      %mul3A_208 = arith.muli %scan3A_93, %mul3A_207 : i32
      %add3A_209 = arith.constant 8192 : i32
      %add3A_210 = arith.addi %add3A_209, %mul3A_208 : i32
      %get3A_211 = arith.index_cast %add3A_210 : i32 to index
      %get3A_212 = tpu.vector_load %arg9[%get3A_211] {strides = array<i32>} : memref<16384xf32, #tpu.memory_space<vmem>>, vector<16xf32>,
      %add3A_213 = arith.addf %add3A_199, %get3A_212 : vector<16xf32>
      %mul3A_214 = arith.constant 16 : i32
      %mul3A_215 = arith.muli %scan3A_93, %mul3A_214 : i32
      %add3A_216 = arith.constant 9216 : i32
      %add3A_217 = arith.addi %add3A_216, %mul3A_215 : i32
      %get3A_218 = arith.index_cast %add3A_217 : i32 to index
      %get3A_219 = tpu.vector_load %arg8[%get3A_218] {strides = array<i32>} : memref<16384xi32, #tpu.memory_space<vmem>>, vector<16xi32>,
      %add3A_220 = arith.addi %add3A_206, %get3A_219 : vector<16xi32>
      %mul3A_221 = arith.constant 16 : i32
      %mul3A_222 = arith.muli %scan3A_93, %mul3A_221 : i32
      %add3A_223 = arith.constant 9216 : i32
      %add3A_224 = arith.addi %add3A_223, %mul3A_222 : i32
      %get3A_225 = arith.index_cast %add3A_224 : i32 to index
      %get3A_226 = tpu.vector_load %arg9[%get3A_225] {strides = array<i32>} : memref<16384xf32, #tpu.memory_space<vmem>>, vector<16xf32>,
      %add3A_227 = arith.addf %add3A_213, %get3A_226 : vector<16xf32>
      %mul3A_228 = arith.constant 16 : i32
      %mul3A_229 = arith.muli %scan3A_93, %mul3A_228 : i32
      %add3A_230 = arith.constant 10240 : i32
      %add3A_231 = arith.addi %add3A_230, %mul3A_229 : i32
      %get3A_232 = arith.index_cast %add3A_231 : i32 to index
      %get3A_233 = tpu.vector_load %arg8[%get3A_232] {strides = array<i32>} : memref<16384xi32, #tpu.memory_space<vmem>>, vector<16xi32>,
      %add3A_234 = arith.addi %add3A_220, %get3A_233 : vector<16xi32>
      %mul3A_235 = arith.constant 16 : i32
      %mul3A_236 = arith.muli %scan3A_93, %mul3A_235 : i32
      %add3A_237 = arith.constant 10240 : i32
      %add3A_238 = arith.addi %add3A_237, %mul3A_236 : i32
      %get3A_239 = arith.index_cast %add3A_238 : i32 to index
      %get3A_240 = tpu.vector_load %arg9[%get3A_239] {strides = array<i32>} : memref<16384xf32, #tpu.memory_space<vmem>>, vector<16xf32>,
      %add3A_241 = arith.addf %add3A_227, %get3A_240 : vector<16xf32>
      %mul3A_242 = arith.constant 16 : i32
      %mul3A_243 = arith.muli %scan3A_93, %mul3A_242 : i32
      %add3A_244 = arith.constant 11264 : i32
      %add3A_245 = arith.addi %add3A_244, %mul3A_243 : i32
      %get3A_246 = arith.index_cast %add3A_245 : i32 to index
      %get3A_247 = tpu.vector_load %arg8[%get3A_246] {strides = array<i32>} : memref<16384xi32, #tpu.memory_space<vmem>>, vector<16xi32>,
      %add3A_248 = arith.addi %add3A_234, %get3A_247 : vector<16xi32>
      %mul3A_249 = arith.constant 16 : i32
      %mul3A_250 = arith.muli %scan3A_93, %mul3A_249 : i32
      %add3A_251 = arith.constant 11264 : i32
      %add3A_252 = arith.addi %add3A_251, %mul3A_250 : i32
      %get3A_253 = arith.index_cast %add3A_252 : i32 to index
      %get3A_254 = tpu.vector_load %arg9[%get3A_253] {strides = array<i32>} : memref<16384xf32, #tpu.memory_space<vmem>>, vector<16xf32>,
      %add3A_255 = arith.addf %add3A_241, %get3A_254 : vector<16xf32>
      %mul3A_256 = arith.constant 16 : i32
      %mul3A_257 = arith.muli %scan3A_93, %mul3A_256 : i32
      %add3A_258 = arith.constant 12288 : i32
      %add3A_259 = arith.addi %add3A_258, %mul3A_257 : i32
      %get3A_260 = arith.index_cast %add3A_259 : i32 to index
      %get3A_261 = tpu.vector_load %arg8[%get3A_260] {strides = array<i32>} : memref<16384xi32, #tpu.memory_space<vmem>>, vector<16xi32>,
      %add3A_262 = arith.addi %add3A_248, %get3A_261 : vector<16xi32>
      %mul3A_263 = arith.constant 16 : i32
      %mul3A_264 = arith.muli %scan3A_93, %mul3A_263 : i32
      %add3A_265 = arith.constant 12288 : i32
      %add3A_266 = arith.addi %add3A_265, %mul3A_264 : i32
      %get3A_267 = arith.index_cast %add3A_266 : i32 to index
      %get3A_268 = tpu.vector_load %arg9[%get3A_267] {strides = array<i32>} : memref<16384xf32, #tpu.memory_space<vmem>>, vector<16xf32>,
      %add3A_269 = arith.addf %add3A_255, %get3A_268 : vector<16xf32>
      %mul3A_270 = arith.constant 16 : i32
      %mul3A_271 = arith.muli %scan3A_93, %mul3A_270 : i32
      %add3A_272 = arith.constant 13312 : i32
      %add3A_273 = arith.addi %add3A_272, %mul3A_271 : i32
      %get3A_274 = arith.index_cast %add3A_273 : i32 to index
      %get3A_275 = tpu.vector_load %arg8[%get3A_274] {strides = array<i32>} : memref<16384xi32, #tpu.memory_space<vmem>>, vector<16xi32>,
      %add3A_276 = arith.addi %add3A_262, %get3A_275 : vector<16xi32>
      %mul3A_277 = arith.constant 16 : i32
      %mul3A_278 = arith.muli %scan3A_93, %mul3A_277 : i32
      %add3A_279 = arith.constant 13312 : i32
      %add3A_280 = arith.addi %add3A_279, %mul3A_278 : i32
      %get3A_281 = arith.index_cast %add3A_280 : i32 to index
      %get3A_282 = tpu.vector_load %arg9[%get3A_281] {strides = array<i32>} : memref<16384xf32, #tpu.memory_space<vmem>>, vector<16xf32>,
      %add3A_283 = arith.addf %add3A_269, %get3A_282 : vector<16xf32>
      %mul3A_284 = arith.constant 16 : i32
      %mul3A_285 = arith.muli %scan3A_93, %mul3A_284 : i32
      %add3A_286 = arith.constant 14336 : i32
      %add3A_287 = arith.addi %add3A_286, %mul3A_285 : i32
      %get3A_288 = arith.index_cast %add3A_287 : i32 to index
      %get3A_289 = tpu.vector_load %arg8[%get3A_288] {strides = array<i32>} : memref<16384xi32, #tpu.memory_space<vmem>>, vector<16xi32>,
      %add3A_290 = arith.addi %add3A_276, %get3A_289 : vector<16xi32>
      %mul3A_291 = arith.constant 16 : i32
      %mul3A_292 = arith.muli %scan3A_93, %mul3A_291 : i32
      %add3A_293 = arith.constant 14336 : i32
      %add3A_294 = arith.addi %add3A_293, %mul3A_292 : i32
      %get3A_295 = arith.index_cast %add3A_294 : i32 to index
      %get3A_296 = tpu.vector_load %arg9[%get3A_295] {strides = array<i32>} : memref<16384xf32, #tpu.memory_space<vmem>>, vector<16xf32>,
      %add3A_297 = arith.addf %add3A_283, %get3A_296 : vector<16xf32>
      %mul3A_298 = arith.constant 16 : i32
      %mul3A_299 = arith.muli %scan3A_93, %mul3A_298 : i32
      %add3A_300 = arith.constant 15360 : i32
      %add3A_301 = arith.addi %add3A_300, %mul3A_299 : i32
      %get3A_302 = arith.index_cast %add3A_301 : i32 to index
      %get3A_303 = tpu.vector_load %arg8[%get3A_302] {strides = array<i32>} : memref<16384xi32, #tpu.memory_space<vmem>>, vector<16xi32>,
      %add3A_304 = arith.addi %add3A_290, %get3A_303 : vector<16xi32>
      %mul3A_305 = arith.constant 16 : i32
      %mul3A_306 = arith.muli %scan3A_93, %mul3A_305 : i32
      %add3A_307 = arith.constant 15360 : i32
      %add3A_308 = arith.addi %add3A_307, %mul3A_306 : i32
      %get3A_309 = arith.index_cast %add3A_308 : i32 to index
      %get3A_310 = tpu.vector_load %arg9[%get3A_309] {strides = array<i32>} : memref<16384xf32, #tpu.memory_space<vmem>>, vector<16xf32>,
      %add3A_311 = arith.addf %add3A_297, %get3A_310 : vector<16xf32>
      %mul3A_312 = arith.constant 16 : i32
      %mul3A_313 = arith.muli %scan3A_93, %mul3A_312 : i32
      %swap3A = arith.constant 0 : i32
      %swap3A_314 = arith.index_cast %swap3A : i32 to index
      %swap3A_315 = arith.index_cast %mul3A_313 : i32 to index
      %swap3A_316 = tpu.vector_load %arg10[%swap3A_314, %swap3A_315] {strides = array<i32>} : memref<1x1024xi32, #tpu.memory_space<vmem>>, vector<16xi32>,
      tpu.vector_store %arg10[%swap3A_314, %swap3A_315], %add3A_304 {strides = array<i32>} : memref<1x1024xi32, #tpu.memory_space<vmem>>, vector<16xi32>,
      %mul3A_317 = arith.constant 16 : i32
      %mul3A_318 = arith.muli %scan3A_93, %mul3A_317 : i32
      %swap3A_319 = arith.constant 0 : i32
      %swap3A_320 = arith.index_cast %swap3A_319 : i32 to index
      %swap3A_321 = arith.index_cast %mul3A_318 : i32 to index
      %swap3A_322 = tpu.vector_load %arg11[%swap3A_320, %swap3A_321] {strides = array<i32>} : memref<1x1024xf32, #tpu.memory_space<vmem>>, vector<16xf32>,
      tpu.vector_store %arg11[%swap3A_320, %swap3A_321], %add3A_311 {strides = array<i32>} : memref<1x1024xf32, #tpu.memory_space<vmem>>, vector<16xf32>,
      %scan3A_323 = arith.constant 0 : i32
      scf.yield %scan3A_323 : i32
    }
    %scan3A_92 = arith.constant 64 : i32
    "tpu.region"() ({
      %run_scoped3A = tpu.sem_alloc : memref<!tpu.dma_semaphore, #tpu.memory_space<semaphore_mem>>
      %dma_start3A = arith.constant 2048 : i32
      %dma_start3A_93 = tpu.memref_slice %arg5[%add3A, %dma_start3A] : memref<32x3072xi32, #tpu.memory_space<hbm>> -> memref<1x1024xi32, #tpu.memory_space<hbm>>
      %dma_start3A_94 = arith.constant 2048 : i32
      %dma_start3A_95 = tpu.memref_slice %arg5[%add3A, %dma_start3A_94] : memref<32x3072xi32, #tpu.memory_space<hbm>> -> memref<1x1024xi32, #tpu.memory_space<hbm>>
      tpu.enqueue_dma source(%arg10 : memref<1x1024xi32, #tpu.memory_space<vmem>>) target(%dma_start3A_95 : memref<1x1024xi32, #tpu.memory_space<hbm>>) target_semaphore(%run_scoped3A : memref<!tpu.dma_semaphore, #tpu.memory_space<semaphore_mem>>)
      %dma_wait3A = arith.constant 2048 : i32
      %dma_wait3A_96 = tpu.memref_slice %arg5[%add3A, %dma_wait3A] : memref<32x3072xi32, #tpu.memory_space<hbm>> -> memref<1x1024xi32, #tpu.memory_space<hbm>>
      %dma_wait3A_97 = arith.constant 2048 : i32
      %dma_wait3A_98 = tpu.memref_slice %arg5[%add3A, %dma_wait3A_97] : memref<32x3072xi32, #tpu.memory_space<hbm>> -> memref<1x1024xi32, #tpu.memory_space<hbm>>
      tpu.wait_dma2 semaphore(%run_scoped3A : memref<!tpu.dma_semaphore, #tpu.memory_space<semaphore_mem>>) src(%arg10 : memref<1x1024xi32, #tpu.memory_space<vmem>>) dst(%dma_wait3A_98 : memref<1x1024xi32, #tpu.memory_space<hbm>>)
      tpu.yield
    }) : () -> ()
    "tpu.region"() ({
      %run_scoped3A = tpu.sem_alloc : memref<!tpu.dma_semaphore, #tpu.memory_space<semaphore_mem>>
      %dma_start3A = arith.constant 2048 : i32
      %dma_start3A_93 = tpu.memref_slice %arg6[%add3A, %dma_start3A] : memref<32x3072xf32, #tpu.memory_space<hbm>> -> memref<1x1024xf32, #tpu.memory_space<hbm>>
      %dma_start3A_94 = arith.constant 2048 : i32
      %dma_start3A_95 = tpu.memref_slice %arg6[%add3A, %dma_start3A_94] : memref<32x3072xf32, #tpu.memory_space<hbm>> -> memref<1x1024xf32, #tpu.memory_space<hbm>>
      tpu.enqueue_dma source(%arg11 : memref<1x1024xf32, #tpu.memory_space<vmem>>) target(%dma_start3A_95 : memref<1x1024xf32, #tpu.memory_space<hbm>>) target_semaphore(%run_scoped3A : memref<!tpu.dma_semaphore, #tpu.memory_space<semaphore_mem>>)
      %dma_wait3A = arith.constant 2048 : i32
      %dma_wait3A_96 = tpu.memref_slice %arg6[%add3A, %dma_wait3A] : memref<32x3072xf32, #tpu.memory_space<hbm>> -> memref<1x1024xf32, #tpu.memory_space<hbm>>
      %dma_wait3A_97 = arith.constant 2048 : i32
      %dma_wait3A_98 = tpu.memref_slice %arg6[%add3A, %dma_wait3A_97] : memref<32x3072xf32, #tpu.memory_space<hbm>> -> memref<1x1024xf32, #tpu.memory_space<hbm>>
      tpu.wait_dma2 semaphore(%run_scoped3A : memref<!tpu.dma_semaphore, #tpu.memory_space<semaphore_mem>>) src(%arg11 : memref<1x1024xf32, #tpu.memory_space<vmem>>) dst(%dma_wait3A_98 : memref<1x1024xf32, #tpu.memory_space<hbm>>)
      tpu.yield
    }) : () -> ()
    return
  }
}

module attributes {stable_mosaic.version = 14 : i64} {
  func.func @_scan1_body(%arg0: memref<32x3072xi32, #tpu.memory_space<vmem>>, %arg1: memref<32x3072xf32, #tpu.memory_space<vmem>>, %arg2: memref<8x128xf32, #tpu.memory_space<vmem>>) attributes {dimension_semantics = [], scalar_prefetch = 0 : i64, scratch_operands = 0 : i64, tpu.core_type = #tpu.core_type<tc>} {
    %get3A = arith.constant 0 : index
    %get3A_0 = arith.constant 0 : index
    %get3A_1 = vector.load %arg0[%get3A, %get3A_0] : memref<32x3072xi32, #tpu.memory_space<vmem>>, vector<32x3072xi32>
    %convert_element_type3A = arith.sitofp %get3A_1 : vector<32x3072xi32> to vector<32x3072xf32>
    %get3A_2 = arith.constant 0 : index
    %get3A_3 = arith.constant 0 : index
    %get3A_4 = vector.load %arg1[%get3A_2, %get3A_3] : memref<32x3072xf32, #tpu.memory_space<vmem>>, vector<32x3072xf32>
    %iota3A = tpu.iota {dimensions = array<i32: 0>} : vector<1024x1024xi32>
    %iota3A_5 = tpu.iota {dimensions = array<i32: 1>} : vector<1024x1024xi32>
    %ge3A = arith.cmpi sge, %iota3A_5, %iota3A : vector<1024x1024xi32>
    %convert_element_type3A_6 = arith.extui %ge3A : vector<1024x1024xi1> to vector<1024x1024xi32>
    %convert_element_type3A_7 = arith.sitofp %convert_element_type3A_6 : vector<1024x1024xi32> to vector<1024x1024xf32>
    %iota3A_8 = tpu.iota {dimensions = array<i32: 1>} : vector<1x1024xi32>
    %slice3A = vector.extract_strided_slice %convert_element_type3A {offsets = [0, 0], sizes = [32, 1024], strides = [1, 1]} : vector<32x3072xf32> to vector<32x1024xf32>
    %reduce_sum3A = arith.constant dense<0.000000e+00> : vector<1024xf32>
    %reduce_sum3A_9 = vector.multi_reduction <add>, %slice3A, %reduce_sum3A [0] : vector<32x1024xf32> to vector<1024xf32>
    %broadcast_in_dim3A = vector.shape_cast %reduce_sum3A_9 : vector<1024xf32> to vector<1x1024xf32>
    %slice3A_10 = vector.extract_strided_slice %get3A_4 {offsets = [0, 0], sizes = [32, 1024], strides = [1, 1]} : vector<32x3072xf32> to vector<32x1024xf32>
    %reduce_sum3A_11 = arith.constant dense<0.000000e+00> : vector<1024xf32>
    %reduce_sum3A_12 = vector.multi_reduction <add>, %slice3A_10, %reduce_sum3A_11 [0] : vector<32x1024xf32> to vector<1024xf32>
    %broadcast_in_dim3A_13 = vector.shape_cast %reduce_sum3A_12 : vector<1024xf32> to vector<1x1024xf32>
    %dot_general3A = arith.constant dense<0.000000e+00> : vector<1x1024xf32>
    %dot_general3A_14 = tpu.matmul %broadcast_in_dim3A, %convert_element_type3A_7, %dot_general3A {dimension_numbers = #tpu.dot_dimension_numbers<[1], [1], [0], [0], [0, 0, 1, 0], [], []>, transpose_lhs_hint = false} : vector<1x1024xf32>, vector<1024x1024xf32>, vector<1x1024xf32> -> vector<1x1024xf32>
    %ge3A_15 = arith.constant 7.340030e+05 : f32
    %ge3A_16 = vector.broadcast %ge3A_15 : f32 to vector<1x1024xf32>
    %ge3A_17 = arith.cmpf oge, %dot_general3A_14, %ge3A_16 : vector<1x1024xf32>
    %convert_element_type3A_18 = arith.extui %ge3A_17 : vector<1x1024xi1> to vector<1x1024xi32>
    %convert_element_type3A_19 = arith.sitofp %convert_element_type3A_18 : vector<1x1024xi32> to vector<1x1024xf32>
    %reduce_sum3A_20 = vector.shape_cast %convert_element_type3A_19 : vector<1x1024xf32> to vector<1x1x1024xf32>
    %reduce_sum3A_21 = arith.constant dense<0.000000e+00> : vector<1xf32>
    %reduce_sum3A_22 = vector.multi_reduction <add>, %reduce_sum3A_20, %reduce_sum3A_21 [1, 2] : vector<1x1x1024xf32> to vector<1xf32>
    %reduce_sum3A_23 = vector.shape_cast %reduce_sum3A_22 : vector<1xf32> to vector<1x1x1xf32>
    %reduce_sum3A_24 = vector.extract %reduce_sum3A_23[0, 0, 0] : f32 from vector<1x1x1xf32>
    %sub3A = arith.constant 1.000000e+00 : f32
    %sub3A_25 = arith.subf %reduce_sum3A_24, %sub3A : f32
    %convert_element_type3A_26 = arith.sitofp %iota3A_8 : vector<1x1024xi32> to vector<1x1024xf32>
    %gt3A = vector.broadcast %sub3A_25 : f32 to vector<1x1024xf32>
    %gt3A_27 = arith.cmpf ogt, %convert_element_type3A_26, %gt3A : vector<1x1024xf32>
    %jit3A = arith.constant 0.000000e+00 : f32
    %broadcast_in_dim3A_28 = vector.broadcast %jit3A : f32 to vector<1x1024xf32>
    %select_n3A = arith.select %gt3A_27, %broadcast_in_dim3A, %broadcast_in_dim3A_28 : vector<1x1024xi1>, vector<1x1024xf32>
    %reduce_sum3A_29 = vector.shape_cast %select_n3A : vector<1x1024xf32> to vector<1x1x1024xf32>
    %reduce_sum3A_30 = arith.constant dense<0.000000e+00> : vector<1xf32>
    %reduce_sum3A_31 = vector.multi_reduction <add>, %reduce_sum3A_29, %reduce_sum3A_30 [1, 2] : vector<1x1x1024xf32> to vector<1xf32>
    %reduce_sum3A_32 = vector.shape_cast %reduce_sum3A_31 : vector<1xf32> to vector<1x1x1xf32>
    %reduce_sum3A_33 = vector.extract %reduce_sum3A_32[0, 0, 0] : f32 from vector<1x1x1xf32>
    %jit3A_34 = arith.constant 0.000000e+00 : f32
    %broadcast_in_dim3A_35 = vector.broadcast %jit3A_34 : f32 to vector<1x1024xf32>
    %select_n3A_36 = arith.select %gt3A_27, %broadcast_in_dim3A_13, %broadcast_in_dim3A_35 : vector<1x1024xi1>, vector<1x1024xf32>
    %reduce_sum3A_37 = vector.shape_cast %select_n3A_36 : vector<1x1024xf32> to vector<1x1x1024xf32>
    %reduce_sum3A_38 = arith.constant dense<0.000000e+00> : vector<1xf32>
    %reduce_sum3A_39 = vector.multi_reduction <add>, %reduce_sum3A_37, %reduce_sum3A_38 [1, 2] : vector<1x1x1024xf32> to vector<1xf32>
    %reduce_sum3A_40 = vector.shape_cast %reduce_sum3A_39 : vector<1xf32> to vector<1x1x1xf32>
    %reduce_sum3A_41 = vector.extract %reduce_sum3A_40[0, 0, 0] : f32 from vector<1x1x1xf32>
    %slice3A_42 = vector.extract_strided_slice %convert_element_type3A {offsets = [0, 1024], sizes = [32, 1024], strides = [1, 1]} : vector<32x3072xf32> to vector<32x1024xf32>
    %reduce_sum3A_43 = arith.constant dense<0.000000e+00> : vector<1024xf32>
    %reduce_sum3A_44 = vector.multi_reduction <add>, %slice3A_42, %reduce_sum3A_43 [0] : vector<32x1024xf32> to vector<1024xf32>
    %broadcast_in_dim3A_45 = vector.shape_cast %reduce_sum3A_44 : vector<1024xf32> to vector<1x1024xf32>
    %slice3A_46 = vector.extract_strided_slice %get3A_4 {offsets = [0, 1024], sizes = [32, 1024], strides = [1, 1]} : vector<32x3072xf32> to vector<32x1024xf32>
    %reduce_sum3A_47 = arith.constant dense<0.000000e+00> : vector<1024xf32>
    %reduce_sum3A_48 = vector.multi_reduction <add>, %slice3A_46, %reduce_sum3A_47 [0] : vector<32x1024xf32> to vector<1024xf32>
    %broadcast_in_dim3A_49 = vector.shape_cast %reduce_sum3A_48 : vector<1024xf32> to vector<1x1024xf32>
    %dot_general3A_50 = arith.constant dense<0.000000e+00> : vector<1x1024xf32>
    %dot_general3A_51 = tpu.matmul %broadcast_in_dim3A_45, %convert_element_type3A_7, %dot_general3A_50 {dimension_numbers = #tpu.dot_dimension_numbers<[1], [1], [0], [0], [0, 0, 1, 0], [], []>, transpose_lhs_hint = false} : vector<1x1024xf32>, vector<1024x1024xf32>, vector<1x1024xf32> -> vector<1x1024xf32>
    %ge3A_52 = arith.constant 512 : i32
    %ge3A_53 = vector.broadcast %ge3A_52 : i32 to vector<1x1024xi32>
    %ge3A_54 = arith.cmpi sge, %iota3A_8, %ge3A_53 : vector<1x1024xi32>
    %jit3A_55 = arith.constant 0.000000e+00 : f32
    %broadcast_in_dim3A_56 = vector.broadcast %jit3A_55 : f32 to vector<1x1024xf32>
    %select_n3A_57 = arith.select %ge3A_54, %broadcast_in_dim3A_45, %broadcast_in_dim3A_56 : vector<1x1024xi1>, vector<1x1024xf32>
    %reduce_sum3A_58 = vector.shape_cast %select_n3A_57 : vector<1x1024xf32> to vector<1x1x1024xf32>
    %reduce_sum3A_59 = arith.constant dense<0.000000e+00> : vector<1xf32>
    %reduce_sum3A_60 = vector.multi_reduction <add>, %reduce_sum3A_58, %reduce_sum3A_59 [1, 2] : vector<1x1x1024xf32> to vector<1xf32>
    %reduce_sum3A_61 = vector.shape_cast %reduce_sum3A_60 : vector<1xf32> to vector<1x1x1xf32>
    %reduce_sum3A_62 = vector.extract %reduce_sum3A_61[0, 0, 0] : f32 from vector<1x1x1xf32>
    %mul3A = arith.constant 7.000000e+00 : f32
    %mul3A_63 = arith.mulf %reduce_sum3A_62, %mul3A : f32
    %div3A = arith.constant 1.000000e+01 : f32
    %div3A_64 = arith.divf %mul3A_63, %div3A : f32
    %floor3A = math.floor %div3A_64 : f32
    %ge3A_65 = vector.broadcast %floor3A : f32 to vector<1x1024xf32>
    %ge3A_66 = arith.cmpf oge, %dot_general3A_51, %ge3A_65 : vector<1x1024xf32>
    %convert_element_type3A_67 = arith.extui %ge3A_66 : vector<1x1024xi1> to vector<1x1024xi32>
    %convert_element_type3A_68 = arith.sitofp %convert_element_type3A_67 : vector<1x1024xi32> to vector<1x1024xf32>
    %reduce_sum3A_69 = vector.shape_cast %convert_element_type3A_68 : vector<1x1024xf32> to vector<1x1x1024xf32>
    %reduce_sum3A_70 = arith.constant dense<0.000000e+00> : vector<1xf32>
    %reduce_sum3A_71 = vector.multi_reduction <add>, %reduce_sum3A_69, %reduce_sum3A_70 [1, 2] : vector<1x1x1024xf32> to vector<1xf32>
    %reduce_sum3A_72 = vector.shape_cast %reduce_sum3A_71 : vector<1xf32> to vector<1x1x1xf32>
    %reduce_sum3A_73 = vector.extract %reduce_sum3A_72[0, 0, 0] : f32 from vector<1x1x1xf32>
    %sub3A_74 = arith.constant 1.000000e+00 : f32
    %sub3A_75 = arith.subf %reduce_sum3A_73, %sub3A_74 : f32
    %convert_element_type3A_76 = arith.sitofp %iota3A_8 : vector<1x1024xi32> to vector<1x1024xf32>
    %gt3A_77 = vector.broadcast %sub3A_75 : f32 to vector<1x1024xf32>
    %gt3A_78 = arith.cmpf ogt, %convert_element_type3A_76, %gt3A_77 : vector<1x1024xf32>
    %jit3A_79 = arith.constant 0.000000e+00 : f32
    %broadcast_in_dim3A_80 = vector.broadcast %jit3A_79 : f32 to vector<1x1024xf32>
    %select_n3A_81 = arith.select %gt3A_78, %broadcast_in_dim3A_45, %broadcast_in_dim3A_80 : vector<1x1024xi1>, vector<1x1024xf32>
    %reduce_sum3A_82 = vector.shape_cast %select_n3A_81 : vector<1x1024xf32> to vector<1x1x1024xf32>
    %reduce_sum3A_83 = arith.constant dense<0.000000e+00> : vector<1xf32>
    %reduce_sum3A_84 = vector.multi_reduction <add>, %reduce_sum3A_82, %reduce_sum3A_83 [1, 2] : vector<1x1x1024xf32> to vector<1xf32>
    %reduce_sum3A_85 = vector.shape_cast %reduce_sum3A_84 : vector<1xf32> to vector<1x1x1xf32>
    %reduce_sum3A_86 = vector.extract %reduce_sum3A_85[0, 0, 0] : f32 from vector<1x1x1xf32>
    %jit3A_87 = arith.constant 0.000000e+00 : f32
    %broadcast_in_dim3A_88 = vector.broadcast %jit3A_87 : f32 to vector<1x1024xf32>
    %select_n3A_89 = arith.select %gt3A_78, %broadcast_in_dim3A_49, %broadcast_in_dim3A_88 : vector<1x1024xi1>, vector<1x1024xf32>
    %reduce_sum3A_90 = vector.shape_cast %select_n3A_89 : vector<1x1024xf32> to vector<1x1x1024xf32>
    %reduce_sum3A_91 = arith.constant dense<0.000000e+00> : vector<1xf32>
    %reduce_sum3A_92 = vector.multi_reduction <add>, %reduce_sum3A_90, %reduce_sum3A_91 [1, 2] : vector<1x1x1024xf32> to vector<1xf32>
    %reduce_sum3A_93 = vector.shape_cast %reduce_sum3A_92 : vector<1xf32> to vector<1x1x1xf32>
    %reduce_sum3A_94 = vector.extract %reduce_sum3A_93[0, 0, 0] : f32 from vector<1x1x1xf32>
    %slice3A_95 = vector.extract_strided_slice %convert_element_type3A {offsets = [0, 2048], sizes = [32, 1024], strides = [1, 1]} : vector<32x3072xf32> to vector<32x1024xf32>
    %reduce_sum3A_96 = arith.constant dense<0.000000e+00> : vector<1024xf32>
    %reduce_sum3A_97 = vector.multi_reduction <add>, %slice3A_95, %reduce_sum3A_96 [0] : vector<32x1024xf32> to vector<1024xf32>
    %broadcast_in_dim3A_98 = vector.shape_cast %reduce_sum3A_97 : vector<1024xf32> to vector<1x1024xf32>
    %slice3A_99 = vector.extract_strided_slice %get3A_4 {offsets = [0, 2048], sizes = [32, 1024], strides = [1, 1]} : vector<32x3072xf32> to vector<32x1024xf32>
    %reduce_sum3A_100 = arith.constant dense<0.000000e+00> : vector<1024xf32>
    %reduce_sum3A_101 = vector.multi_reduction <add>, %slice3A_99, %reduce_sum3A_100 [0] : vector<32x1024xf32> to vector<1024xf32>
    %broadcast_in_dim3A_102 = vector.shape_cast %reduce_sum3A_101 : vector<1024xf32> to vector<1x1024xf32>
    %dot_general3A_103 = arith.constant dense<0.000000e+00> : vector<1x1024xf32>
    %dot_general3A_104 = tpu.matmul %broadcast_in_dim3A_98, %convert_element_type3A_7, %dot_general3A_103 {dimension_numbers = #tpu.dot_dimension_numbers<[1], [1], [0], [0], [0, 0, 1, 0], [], []>, transpose_lhs_hint = false} : vector<1x1024xf32>, vector<1024x1024xf32>, vector<1x1024xf32> -> vector<1x1024xf32>
    %ge3A_105 = arith.constant 512 : i32
    %ge3A_106 = vector.broadcast %ge3A_105 : i32 to vector<1x1024xi32>
    %ge3A_107 = arith.cmpi sge, %iota3A_8, %ge3A_106 : vector<1x1024xi32>
    %jit3A_108 = arith.constant 0.000000e+00 : f32
    %broadcast_in_dim3A_109 = vector.broadcast %jit3A_108 : f32 to vector<1x1024xf32>
    %select_n3A_110 = arith.select %ge3A_107, %broadcast_in_dim3A_98, %broadcast_in_dim3A_109 : vector<1x1024xi1>, vector<1x1024xf32>
    %reduce_sum3A_111 = vector.shape_cast %select_n3A_110 : vector<1x1024xf32> to vector<1x1x1024xf32>
    %reduce_sum3A_112 = arith.constant dense<0.000000e+00> : vector<1xf32>
    %reduce_sum3A_113 = vector.multi_reduction <add>, %reduce_sum3A_111, %reduce_sum3A_112 [1, 2] : vector<1x1x1024xf32> to vector<1xf32>
    %reduce_sum3A_114 = vector.shape_cast %reduce_sum3A_113 : vector<1xf32> to vector<1x1x1xf32>
    %reduce_sum3A_115 = vector.extract %reduce_sum3A_114[0, 0, 0] : f32 from vector<1x1x1xf32>
    %mul3A_116 = arith.constant 7.000000e+00 : f32
    %mul3A_117 = arith.mulf %reduce_sum3A_115, %mul3A_116 : f32
    %div3A_118 = arith.constant 1.000000e+01 : f32
    %div3A_119 = arith.divf %mul3A_117, %div3A_118 : f32
    %floor3A_120 = math.floor %div3A_119 : f32
    %ge3A_121 = vector.broadcast %floor3A_120 : f32 to vector<1x1024xf32>
    %ge3A_122 = arith.cmpf oge, %dot_general3A_104, %ge3A_121 : vector<1x1024xf32>
    %convert_element_type3A_123 = arith.extui %ge3A_122 : vector<1x1024xi1> to vector<1x1024xi32>
    %convert_element_type3A_124 = arith.sitofp %convert_element_type3A_123 : vector<1x1024xi32> to vector<1x1024xf32>
    %reduce_sum3A_125 = vector.shape_cast %convert_element_type3A_124 : vector<1x1024xf32> to vector<1x1x1024xf32>
    %reduce_sum3A_126 = arith.constant dense<0.000000e+00> : vector<1xf32>
    %reduce_sum3A_127 = vector.multi_reduction <add>, %reduce_sum3A_125, %reduce_sum3A_126 [1, 2] : vector<1x1x1024xf32> to vector<1xf32>
    %reduce_sum3A_128 = vector.shape_cast %reduce_sum3A_127 : vector<1xf32> to vector<1x1x1xf32>
    %reduce_sum3A_129 = vector.extract %reduce_sum3A_128[0, 0, 0] : f32 from vector<1x1x1xf32>
    %sub3A_130 = arith.constant 1.000000e+00 : f32
    %sub3A_131 = arith.subf %reduce_sum3A_129, %sub3A_130 : f32
    %convert_element_type3A_132 = arith.sitofp %iota3A_8 : vector<1x1024xi32> to vector<1x1024xf32>
    %gt3A_133 = vector.broadcast %sub3A_131 : f32 to vector<1x1024xf32>
    %gt3A_134 = arith.cmpf ogt, %convert_element_type3A_132, %gt3A_133 : vector<1x1024xf32>
    %jit3A_135 = arith.constant 0.000000e+00 : f32
    %broadcast_in_dim3A_136 = vector.broadcast %jit3A_135 : f32 to vector<1x1024xf32>
    %select_n3A_137 = arith.select %gt3A_134, %broadcast_in_dim3A_98, %broadcast_in_dim3A_136 : vector<1x1024xi1>, vector<1x1024xf32>
    %reduce_sum3A_138 = vector.shape_cast %select_n3A_137 : vector<1x1024xf32> to vector<1x1x1024xf32>
    %reduce_sum3A_139 = arith.constant dense<0.000000e+00> : vector<1xf32>
    %reduce_sum3A_140 = vector.multi_reduction <add>, %reduce_sum3A_138, %reduce_sum3A_139 [1, 2] : vector<1x1x1024xf32> to vector<1xf32>
    %reduce_sum3A_141 = vector.shape_cast %reduce_sum3A_140 : vector<1xf32> to vector<1x1x1xf32>
    %reduce_sum3A_142 = vector.extract %reduce_sum3A_141[0, 0, 0] : f32 from vector<1x1x1xf32>
    %jit3A_143 = arith.constant 0.000000e+00 : f32
    %broadcast_in_dim3A_144 = vector.broadcast %jit3A_143 : f32 to vector<1x1024xf32>
    %select_n3A_145 = arith.select %gt3A_134, %broadcast_in_dim3A_102, %broadcast_in_dim3A_144 : vector<1x1024xi1>, vector<1x1024xf32>
    %reduce_sum3A_146 = vector.shape_cast %select_n3A_145 : vector<1x1024xf32> to vector<1x1x1024xf32>
    %reduce_sum3A_147 = arith.constant dense<0.000000e+00> : vector<1xf32>
    %reduce_sum3A_148 = vector.multi_reduction <add>, %reduce_sum3A_146, %reduce_sum3A_147 [1, 2] : vector<1x1x1024xf32> to vector<1xf32>
    %reduce_sum3A_149 = vector.shape_cast %reduce_sum3A_148 : vector<1xf32> to vector<1x1x1xf32>
    %reduce_sum3A_150 = vector.extract %reduce_sum3A_149[0, 0, 0] : f32 from vector<1x1x1xf32>
    %iota3A_151 = tpu.iota {dimensions = array<i32: 0>} : vector<8x128xi32>
    %iota3A_152 = tpu.iota {dimensions = array<i32: 1>} : vector<8x128xi32>
    %broadcast_in_dim3A_153 = arith.constant 0.000000e+00 : f32
    %broadcast_in_dim3A_154 = vector.broadcast %broadcast_in_dim3A_153 : f32 to vector<8x128xf32>
    %eq3A = arith.constant 0 : i32
    %eq3A_155 = vector.broadcast %eq3A : i32 to vector<8x128xi32>
    %eq3A_156 = arith.cmpi eq, %iota3A_151, %eq3A_155 : vector<8x128xi32>
    %eq3A_157 = arith.constant 0 : i32
    %eq3A_158 = vector.broadcast %eq3A_157 : i32 to vector<8x128xi32>
    %eq3A_159 = arith.cmpi eq, %iota3A_152, %eq3A_158 : vector<8x128xi32>
    %and3A = arith.andi %eq3A_156, %eq3A_159 : vector<8x128xi1>
    %broadcast_in_dim3A_160 = vector.broadcast %sub3A_25 : f32 to vector<8x128xf32>
    %select_n3A_161 = arith.select %and3A, %broadcast_in_dim3A_160, %broadcast_in_dim3A_154 : vector<8x128xi1>, vector<8x128xf32>
    %eq3A_162 = arith.constant 0 : i32
    %eq3A_163 = vector.broadcast %eq3A_162 : i32 to vector<8x128xi32>
    %eq3A_164 = arith.cmpi eq, %iota3A_151, %eq3A_163 : vector<8x128xi32>
    %eq3A_165 = arith.constant 1 : i32
    %eq3A_166 = vector.broadcast %eq3A_165 : i32 to vector<8x128xi32>
    %eq3A_167 = arith.cmpi eq, %iota3A_152, %eq3A_166 : vector<8x128xi32>
    %and3A_168 = arith.andi %eq3A_164, %eq3A_167 : vector<8x128xi1>
    %broadcast_in_dim3A_169 = vector.broadcast %reduce_sum3A_33 : f32 to vector<8x128xf32>
    %select_n3A_170 = arith.select %and3A_168, %broadcast_in_dim3A_169, %select_n3A_161 : vector<8x128xi1>, vector<8x128xf32>
    %eq3A_171 = arith.constant 0 : i32
    %eq3A_172 = vector.broadcast %eq3A_171 : i32 to vector<8x128xi32>
    %eq3A_173 = arith.cmpi eq, %iota3A_151, %eq3A_172 : vector<8x128xi32>
    %eq3A_174 = arith.constant 2 : i32
    %eq3A_175 = vector.broadcast %eq3A_174 : i32 to vector<8x128xi32>
    %eq3A_176 = arith.cmpi eq, %iota3A_152, %eq3A_175 : vector<8x128xi32>
    %and3A_177 = arith.andi %eq3A_173, %eq3A_176 : vector<8x128xi1>
    %broadcast_in_dim3A_178 = vector.broadcast %reduce_sum3A_41 : f32 to vector<8x128xf32>
    %select_n3A_179 = arith.select %and3A_177, %broadcast_in_dim3A_178, %select_n3A_170 : vector<8x128xi1>, vector<8x128xf32>
    %eq3A_180 = arith.constant 0 : i32
    %eq3A_181 = vector.broadcast %eq3A_180 : i32 to vector<8x128xi32>
    %eq3A_182 = arith.cmpi eq, %iota3A_151, %eq3A_181 : vector<8x128xi32>
    %eq3A_183 = arith.constant 3 : i32
    %eq3A_184 = vector.broadcast %eq3A_183 : i32 to vector<8x128xi32>
    %eq3A_185 = arith.cmpi eq, %iota3A_152, %eq3A_184 : vector<8x128xi32>
    %and3A_186 = arith.andi %eq3A_182, %eq3A_185 : vector<8x128xi1>
    %jit3A_187 = arith.constant 7.340030e+05 : f32
    %broadcast_in_dim3A_188 = vector.broadcast %jit3A_187 : f32 to vector<8x128xf32>
    %select_n3A_189 = arith.select %and3A_186, %broadcast_in_dim3A_188, %select_n3A_179 : vector<8x128xi1>, vector<8x128xf32>
    %eq3A_190 = arith.constant 1 : i32
    %eq3A_191 = vector.broadcast %eq3A_190 : i32 to vector<8x128xi32>
    %eq3A_192 = arith.cmpi eq, %iota3A_151, %eq3A_191 : vector<8x128xi32>
    %eq3A_193 = arith.constant 0 : i32
    %eq3A_194 = vector.broadcast %eq3A_193 : i32 to vector<8x128xi32>
    %eq3A_195 = arith.cmpi eq, %iota3A_152, %eq3A_194 : vector<8x128xi32>
    %and3A_196 = arith.andi %eq3A_192, %eq3A_195 : vector<8x128xi1>
    %broadcast_in_dim3A_197 = vector.broadcast %sub3A_75 : f32 to vector<8x128xf32>
    %select_n3A_198 = arith.select %and3A_196, %broadcast_in_dim3A_197, %select_n3A_189 : vector<8x128xi1>, vector<8x128xf32>
    %eq3A_199 = arith.constant 1 : i32
    %eq3A_200 = vector.broadcast %eq3A_199 : i32 to vector<8x128xi32>
    %eq3A_201 = arith.cmpi eq, %iota3A_151, %eq3A_200 : vector<8x128xi32>
    %eq3A_202 = arith.constant 1 : i32
    %eq3A_203 = vector.broadcast %eq3A_202 : i32 to vector<8x128xi32>
    %eq3A_204 = arith.cmpi eq, %iota3A_152, %eq3A_203 : vector<8x128xi32>
    %and3A_205 = arith.andi %eq3A_201, %eq3A_204 : vector<8x128xi1>
    %broadcast_in_dim3A_206 = vector.broadcast %reduce_sum3A_86 : f32 to vector<8x128xf32>
    %select_n3A_207 = arith.select %and3A_205, %broadcast_in_dim3A_206, %select_n3A_198 : vector<8x128xi1>, vector<8x128xf32>
    %eq3A_208 = arith.constant 1 : i32
    %eq3A_209 = vector.broadcast %eq3A_208 : i32 to vector<8x128xi32>
    %eq3A_210 = arith.cmpi eq, %iota3A_151, %eq3A_209 : vector<8x128xi32>
    %eq3A_211 = arith.constant 2 : i32
    %eq3A_212 = vector.broadcast %eq3A_211 : i32 to vector<8x128xi32>
    %eq3A_213 = arith.cmpi eq, %iota3A_152, %eq3A_212 : vector<8x128xi32>
    %and3A_214 = arith.andi %eq3A_210, %eq3A_213 : vector<8x128xi1>
    %broadcast_in_dim3A_215 = vector.broadcast %reduce_sum3A_94 : f32 to vector<8x128xf32>
    %select_n3A_216 = arith.select %and3A_214, %broadcast_in_dim3A_215, %select_n3A_207 : vector<8x128xi1>, vector<8x128xf32>
    %eq3A_217 = arith.constant 1 : i32
    %eq3A_218 = vector.broadcast %eq3A_217 : i32 to vector<8x128xi32>
    %eq3A_219 = arith.cmpi eq, %iota3A_151, %eq3A_218 : vector<8x128xi32>
    %eq3A_220 = arith.constant 3 : i32
    %eq3A_221 = vector.broadcast %eq3A_220 : i32 to vector<8x128xi32>
    %eq3A_222 = arith.cmpi eq, %iota3A_152, %eq3A_221 : vector<8x128xi32>
    %and3A_223 = arith.andi %eq3A_219, %eq3A_222 : vector<8x128xi1>
    %broadcast_in_dim3A_224 = vector.broadcast %floor3A : f32 to vector<8x128xf32>
    %select_n3A_225 = arith.select %and3A_223, %broadcast_in_dim3A_224, %select_n3A_216 : vector<8x128xi1>, vector<8x128xf32>
    %eq3A_226 = arith.constant 2 : i32
    %eq3A_227 = vector.broadcast %eq3A_226 : i32 to vector<8x128xi32>
    %eq3A_228 = arith.cmpi eq, %iota3A_151, %eq3A_227 : vector<8x128xi32>
    %eq3A_229 = arith.constant 0 : i32
    %eq3A_230 = vector.broadcast %eq3A_229 : i32 to vector<8x128xi32>
    %eq3A_231 = arith.cmpi eq, %iota3A_152, %eq3A_230 : vector<8x128xi32>
    %and3A_232 = arith.andi %eq3A_228, %eq3A_231 : vector<8x128xi1>
    %broadcast_in_dim3A_233 = vector.broadcast %sub3A_131 : f32 to vector<8x128xf32>
    %select_n3A_234 = arith.select %and3A_232, %broadcast_in_dim3A_233, %select_n3A_225 : vector<8x128xi1>, vector<8x128xf32>
    %eq3A_235 = arith.constant 2 : i32
    %eq3A_236 = vector.broadcast %eq3A_235 : i32 to vector<8x128xi32>
    %eq3A_237 = arith.cmpi eq, %iota3A_151, %eq3A_236 : vector<8x128xi32>
    %eq3A_238 = arith.constant 1 : i32
    %eq3A_239 = vector.broadcast %eq3A_238 : i32 to vector<8x128xi32>
    %eq3A_240 = arith.cmpi eq, %iota3A_152, %eq3A_239 : vector<8x128xi32>
    %and3A_241 = arith.andi %eq3A_237, %eq3A_240 : vector<8x128xi1>
    %broadcast_in_dim3A_242 = vector.broadcast %reduce_sum3A_142 : f32 to vector<8x128xf32>
    %select_n3A_243 = arith.select %and3A_241, %broadcast_in_dim3A_242, %select_n3A_234 : vector<8x128xi1>, vector<8x128xf32>
    %eq3A_244 = arith.constant 2 : i32
    %eq3A_245 = vector.broadcast %eq3A_244 : i32 to vector<8x128xi32>
    %eq3A_246 = arith.cmpi eq, %iota3A_151, %eq3A_245 : vector<8x128xi32>
    %eq3A_247 = arith.constant 2 : i32
    %eq3A_248 = vector.broadcast %eq3A_247 : i32 to vector<8x128xi32>
    %eq3A_249 = arith.cmpi eq, %iota3A_152, %eq3A_248 : vector<8x128xi32>
    %and3A_250 = arith.andi %eq3A_246, %eq3A_249 : vector<8x128xi1>
    %broadcast_in_dim3A_251 = vector.broadcast %reduce_sum3A_150 : f32 to vector<8x128xf32>
    %select_n3A_252 = arith.select %and3A_250, %broadcast_in_dim3A_251, %select_n3A_243 : vector<8x128xi1>, vector<8x128xf32>
    %eq3A_253 = arith.constant 2 : i32
    %eq3A_254 = vector.broadcast %eq3A_253 : i32 to vector<8x128xi32>
    %eq3A_255 = arith.cmpi eq, %iota3A_151, %eq3A_254 : vector<8x128xi32>
    %eq3A_256 = arith.constant 3 : i32
    %eq3A_257 = vector.broadcast %eq3A_256 : i32 to vector<8x128xi32>
    %eq3A_258 = arith.cmpi eq, %iota3A_152, %eq3A_257 : vector<8x128xi32>
    %and3A_259 = arith.andi %eq3A_255, %eq3A_258 : vector<8x128xi1>
    %broadcast_in_dim3A_260 = vector.broadcast %floor3A_120 : f32 to vector<8x128xf32>
    %select_n3A_261 = arith.select %and3A_259, %broadcast_in_dim3A_260, %select_n3A_252 : vector<8x128xi1>, vector<8x128xf32>
    %swap3A = arith.constant 0 : index
    %swap3A_262 = arith.constant 0 : index
    %swap3A_263 = vector.load %arg2[%swap3A, %swap3A_262] : memref<8x128xf32, #tpu.memory_space<vmem>>, vector<8x128xf32>
    tpu.vector_store %arg2[%swap3A, %swap3A_262], %select_n3A_261 {strides = array<i32>} : memref<8x128xf32, #tpu.memory_space<vmem>>, vector<8x128xf32>,
    return
  }
}

module attributes {stable_mosaic.version = 14 : i64} {
  func.func @_scan2_body(%arg0: memref<32x3072xi32, #tpu.memory_space<vmem>>, %arg1: memref<32x3072xf32, #tpu.memory_space<vmem>>, %arg2: memref<8x128xf32, #tpu.memory_space<vmem>>, %arg3: memref<8x128xf32, #tpu.memory_space<vmem>>) attributes {dimension_semantics = [], scalar_prefetch = 0 : i64, scratch_operands = 0 : i64, tpu.core_type = #tpu.core_type<tc>} {
    %get3A = arith.constant 0 : index
    %get3A_0 = arith.constant 0 : index
    %get3A_1 = vector.load %arg0[%get3A, %get3A_0] : memref<32x3072xi32, #tpu.memory_space<vmem>>, vector<32x3072xi32>
    %convert_element_type3A = arith.sitofp %get3A_1 : vector<32x3072xi32> to vector<32x3072xf32>
    %get3A_2 = arith.constant 0 : index
    %get3A_3 = arith.constant 0 : index
    %get3A_4 = vector.load %arg1[%get3A_2, %get3A_3] : memref<32x3072xf32, #tpu.memory_space<vmem>>, vector<32x3072xf32>
    %get3A_5 = arith.constant 0 : index
    %get3A_6 = arith.constant 0 : index
    %get3A_7 = vector.load %arg2[%get3A_5, %get3A_6] : memref<8x128xf32, #tpu.memory_space<vmem>>, vector<8x128xf32>
    %iota3A = tpu.iota {dimensions = array<i32: 0>} : vector<1024x1024xi32>
    %iota3A_8 = tpu.iota {dimensions = array<i32: 1>} : vector<1024x1024xi32>
    %ge3A = arith.cmpi sge, %iota3A_8, %iota3A : vector<1024x1024xi32>
    %convert_element_type3A_9 = arith.extui %ge3A : vector<1024x1024xi1> to vector<1024x1024xi32>
    %convert_element_type3A_10 = arith.sitofp %convert_element_type3A_9 : vector<1024x1024xi32> to vector<1024x1024xf32>
    %iota3A_11 = tpu.iota {dimensions = array<i32: 1>} : vector<1x1024xi32>
    %iota3A_12 = tpu.iota {dimensions = array<i32: 0>} : vector<8x128xi32>
    %iota3A_13 = tpu.iota {dimensions = array<i32: 1>} : vector<8x128xi32>
    %eq3A = arith.constant 0 : i32
    %eq3A_14 = vector.broadcast %eq3A : i32 to vector<8x128xi32>
    %eq3A_15 = arith.cmpi eq, %iota3A_12, %eq3A_14 : vector<8x128xi32>
    %eq3A_16 = arith.constant 1 : i32
    %eq3A_17 = vector.broadcast %eq3A_16 : i32 to vector<8x128xi32>
    %eq3A_18 = arith.cmpi eq, %iota3A_13, %eq3A_17 : vector<8x128xi32>
    %and3A = arith.andi %eq3A_15, %eq3A_18 : vector<8x128xi1>
    %jit3A = arith.constant 0.000000e+00 : f32
    %broadcast_in_dim3A = vector.broadcast %jit3A : f32 to vector<8x128xf32>
    %select_n3A = arith.select %and3A, %get3A_7, %broadcast_in_dim3A : vector<8x128xi1>, vector<8x128xf32>
    %reduce_sum3A = vector.shape_cast %select_n3A : vector<8x128xf32> to vector<1x8x128xf32>
    %reduce_sum3A_19 = arith.constant dense<0.000000e+00> : vector<1xf32>
    %reduce_sum3A_20 = vector.multi_reduction <add>, %reduce_sum3A, %reduce_sum3A_19 [1, 2] : vector<1x8x128xf32> to vector<1xf32>
    %reduce_sum3A_21 = vector.shape_cast %reduce_sum3A_20 : vector<1xf32> to vector<1x1x1xf32>
    %reduce_sum3A_22 = vector.extract %reduce_sum3A_21[0, 0, 0] : f32 from vector<1x1x1xf32>
    %eq3A_23 = arith.constant 0 : i32
    %eq3A_24 = vector.broadcast %eq3A_23 : i32 to vector<8x128xi32>
    %eq3A_25 = arith.cmpi eq, %iota3A_12, %eq3A_24 : vector<8x128xi32>
    %eq3A_26 = arith.constant 2 : i32
    %eq3A_27 = vector.broadcast %eq3A_26 : i32 to vector<8x128xi32>
    %eq3A_28 = arith.cmpi eq, %iota3A_13, %eq3A_27 : vector<8x128xi32>
    %and3A_29 = arith.andi %eq3A_25, %eq3A_28 : vector<8x128xi1>
    %jit3A_30 = arith.constant 0.000000e+00 : f32
    %broadcast_in_dim3A_31 = vector.broadcast %jit3A_30 : f32 to vector<8x128xf32>
    %select_n3A_32 = arith.select %and3A_29, %get3A_7, %broadcast_in_dim3A_31 : vector<8x128xi1>, vector<8x128xf32>
    %reduce_sum3A_33 = vector.shape_cast %select_n3A_32 : vector<8x128xf32> to vector<1x8x128xf32>
    %reduce_sum3A_34 = arith.constant dense<0.000000e+00> : vector<1xf32>
    %reduce_sum3A_35 = vector.multi_reduction <add>, %reduce_sum3A_33, %reduce_sum3A_34 [1, 2] : vector<1x8x128xf32> to vector<1xf32>
    %reduce_sum3A_36 = vector.shape_cast %reduce_sum3A_35 : vector<1xf32> to vector<1x1x1xf32>
    %reduce_sum3A_37 = vector.extract %reduce_sum3A_36[0, 0, 0] : f32 from vector<1x1x1xf32>
    %eq3A_38 = arith.constant 0 : i32
    %eq3A_39 = vector.broadcast %eq3A_38 : i32 to vector<8x128xi32>
    %eq3A_40 = arith.cmpi eq, %iota3A_12, %eq3A_39 : vector<8x128xi32>
    %eq3A_41 = arith.constant 3 : i32
    %eq3A_42 = vector.broadcast %eq3A_41 : i32 to vector<8x128xi32>
    %eq3A_43 = arith.cmpi eq, %iota3A_13, %eq3A_42 : vector<8x128xi32>
    %and3A_44 = arith.andi %eq3A_40, %eq3A_43 : vector<8x128xi1>
    %jit3A_45 = arith.constant 0.000000e+00 : f32
    %broadcast_in_dim3A_46 = vector.broadcast %jit3A_45 : f32 to vector<8x128xf32>
    %select_n3A_47 = arith.select %and3A_44, %get3A_7, %broadcast_in_dim3A_46 : vector<8x128xi1>, vector<8x128xf32>
    %reduce_sum3A_48 = vector.shape_cast %select_n3A_47 : vector<8x128xf32> to vector<1x8x128xf32>
    %reduce_sum3A_49 = arith.constant dense<0.000000e+00> : vector<1xf32>
    %reduce_sum3A_50 = vector.multi_reduction <add>, %reduce_sum3A_48, %reduce_sum3A_49 [1, 2] : vector<1x8x128xf32> to vector<1xf32>
    %reduce_sum3A_51 = vector.shape_cast %reduce_sum3A_50 : vector<1xf32> to vector<1x1x1xf32>
    %reduce_sum3A_52 = vector.extract %reduce_sum3A_51[0, 0, 0] : f32 from vector<1x1x1xf32>
    %slice3A = vector.extract_strided_slice %convert_element_type3A {offsets = [0, 0], sizes = [32, 1024], strides = [1, 1]} : vector<32x3072xf32> to vector<32x1024xf32>
    %reduce_sum3A_53 = arith.constant dense<0.000000e+00> : vector<1024xf32>
    %reduce_sum3A_54 = vector.multi_reduction <add>, %slice3A, %reduce_sum3A_53 [0] : vector<32x1024xf32> to vector<1024xf32>
    %broadcast_in_dim3A_55 = vector.shape_cast %reduce_sum3A_54 : vector<1024xf32> to vector<1x1024xf32>
    %slice3A_56 = vector.extract_strided_slice %get3A_4 {offsets = [0, 0], sizes = [32, 1024], strides = [1, 1]} : vector<32x3072xf32> to vector<32x1024xf32>
    %reduce_sum3A_57 = arith.constant dense<0.000000e+00> : vector<1024xf32>
    %reduce_sum3A_58 = vector.multi_reduction <add>, %slice3A_56, %reduce_sum3A_57 [0] : vector<32x1024xf32> to vector<1024xf32>
    %broadcast_in_dim3A_59 = vector.shape_cast %reduce_sum3A_58 : vector<1024xf32> to vector<1x1024xf32>
    %dot_general3A = arith.constant dense<0.000000e+00> : vector<1x1024xf32>
    %dot_general3A_60 = tpu.matmul %broadcast_in_dim3A_55, %convert_element_type3A_10, %dot_general3A {dimension_numbers = #tpu.dot_dimension_numbers<[1], [1], [0], [0], [0, 0, 1, 0], [], []>, transpose_lhs_hint = false} : vector<1x1024xf32>, vector<1024x1024xf32>, vector<1x1024xf32> -> vector<1x1024xf32>
    %add3A = vector.broadcast %reduce_sum3A_22 : f32 to vector<1x1024xf32>
    %add3A_61 = arith.addf %add3A, %dot_general3A_60 : vector<1x1024xf32>
    %ge3A_62 = vector.broadcast %reduce_sum3A_52 : f32 to vector<1x1024xf32>
    %ge3A_63 = arith.cmpf oge, %add3A_61, %ge3A_62 : vector<1x1024xf32>
    %convert_element_type3A_64 = arith.extui %ge3A_63 : vector<1x1024xi1> to vector<1x1024xi32>
    %convert_element_type3A_65 = arith.sitofp %convert_element_type3A_64 : vector<1x1024xi32> to vector<1x1024xf32>
    %reduce_sum3A_66 = vector.shape_cast %convert_element_type3A_65 : vector<1x1024xf32> to vector<1x1x1024xf32>
    %reduce_sum3A_67 = arith.constant dense<0.000000e+00> : vector<1xf32>
    %reduce_sum3A_68 = vector.multi_reduction <add>, %reduce_sum3A_66, %reduce_sum3A_67 [1, 2] : vector<1x1x1024xf32> to vector<1xf32>
    %reduce_sum3A_69 = vector.shape_cast %reduce_sum3A_68 : vector<1xf32> to vector<1x1x1xf32>
    %reduce_sum3A_70 = vector.extract %reduce_sum3A_69[0, 0, 0] : f32 from vector<1x1x1xf32>
    %sub3A = arith.constant 1.000000e+00 : f32
    %sub3A_71 = arith.subf %reduce_sum3A_70, %sub3A : f32
    %convert_element_type3A_72 = arith.sitofp %iota3A_11 : vector<1x1024xi32> to vector<1x1024xf32>
    %gt3A = vector.broadcast %sub3A_71 : f32 to vector<1x1024xf32>
    %gt3A_73 = arith.cmpf ogt, %convert_element_type3A_72, %gt3A : vector<1x1024xf32>
    %jit3A_74 = arith.constant 0.000000e+00 : f32
    %broadcast_in_dim3A_75 = vector.broadcast %jit3A_74 : f32 to vector<1x1024xf32>
    %select_n3A_76 = arith.select %gt3A_73, %broadcast_in_dim3A_55, %broadcast_in_dim3A_75 : vector<1x1024xi1>, vector<1x1024xf32>
    %reduce_sum3A_77 = vector.shape_cast %select_n3A_76 : vector<1x1024xf32> to vector<1x1x1024xf32>
    %reduce_sum3A_78 = arith.constant dense<0.000000e+00> : vector<1xf32>
    %reduce_sum3A_79 = vector.multi_reduction <add>, %reduce_sum3A_77, %reduce_sum3A_78 [1, 2] : vector<1x1x1024xf32> to vector<1xf32>
    %reduce_sum3A_80 = vector.shape_cast %reduce_sum3A_79 : vector<1xf32> to vector<1x1x1xf32>
    %reduce_sum3A_81 = vector.extract %reduce_sum3A_80[0, 0, 0] : f32 from vector<1x1x1xf32>
    %add3A_82 = arith.addf %reduce_sum3A_22, %reduce_sum3A_81 : f32
    %gt3A_83 = vector.broadcast %sub3A_71 : f32 to vector<1x1024xf32>
    %gt3A_84 = arith.cmpf ogt, %convert_element_type3A_72, %gt3A_83 : vector<1x1024xf32>
    %jit3A_85 = arith.constant 0.000000e+00 : f32
    %broadcast_in_dim3A_86 = vector.broadcast %jit3A_85 : f32 to vector<1x1024xf32>
    %select_n3A_87 = arith.select %gt3A_84, %broadcast_in_dim3A_59, %broadcast_in_dim3A_86 : vector<1x1024xi1>, vector<1x1024xf32>
    %reduce_sum3A_88 = vector.shape_cast %select_n3A_87 : vector<1x1024xf32> to vector<1x1x1024xf32>
    %reduce_sum3A_89 = arith.constant dense<0.000000e+00> : vector<1xf32>
    %reduce_sum3A_90 = vector.multi_reduction <add>, %reduce_sum3A_88, %reduce_sum3A_89 [1, 2] : vector<1x1x1024xf32> to vector<1xf32>
    %reduce_sum3A_91 = vector.shape_cast %reduce_sum3A_90 : vector<1xf32> to vector<1x1x1xf32>
    %reduce_sum3A_92 = vector.extract %reduce_sum3A_91[0, 0, 0] : f32 from vector<1x1x1xf32>
    %add3A_93 = arith.addf %reduce_sum3A_37, %reduce_sum3A_92 : f32
    %eq3A_94 = vector.broadcast %sub3A_71 : f32 to vector<1x1024xf32>
    %eq3A_95 = arith.cmpf oeq, %convert_element_type3A_72, %eq3A_94 : vector<1x1024xf32>
    %jit3A_96 = arith.constant 0.000000e+00 : f32
    %broadcast_in_dim3A_97 = vector.broadcast %jit3A_96 : f32 to vector<1x1024xf32>
    %select_n3A_98 = arith.select %eq3A_95, %broadcast_in_dim3A_55, %broadcast_in_dim3A_97 : vector<1x1024xi1>, vector<1x1024xf32>
    %reduce_sum3A_99 = vector.shape_cast %select_n3A_98 : vector<1x1024xf32> to vector<1x1x1024xf32>
    %reduce_sum3A_100 = arith.constant dense<0.000000e+00> : vector<1xf32>
    %reduce_sum3A_101 = vector.multi_reduction <add>, %reduce_sum3A_99, %reduce_sum3A_100 [1, 2] : vector<1x1x1024xf32> to vector<1xf32>
    %reduce_sum3A_102 = vector.shape_cast %reduce_sum3A_101 : vector<1xf32> to vector<1x1x1xf32>
    %reduce_sum3A_103 = vector.extract %reduce_sum3A_102[0, 0, 0] : f32 from vector<1x1x1xf32>
    %eq3A_104 = vector.broadcast %sub3A_71 : f32 to vector<1x1024xf32>
    %eq3A_105 = arith.cmpf oeq, %convert_element_type3A_72, %eq3A_104 : vector<1x1024xf32>
    %jit3A_106 = arith.constant 0.000000e+00 : f32
    %broadcast_in_dim3A_107 = vector.broadcast %jit3A_106 : f32 to vector<1x1024xf32>
    %select_n3A_108 = arith.select %eq3A_105, %broadcast_in_dim3A_59, %broadcast_in_dim3A_107 : vector<1x1024xi1>, vector<1x1024xf32>
    %reduce_sum3A_109 = vector.shape_cast %select_n3A_108 : vector<1x1024xf32> to vector<1x1x1024xf32>
    %reduce_sum3A_110 = arith.constant dense<0.000000e+00> : vector<1xf32>
    %reduce_sum3A_111 = vector.multi_reduction <add>, %reduce_sum3A_109, %reduce_sum3A_110 [1, 2] : vector<1x1x1024xf32> to vector<1xf32>
    %reduce_sum3A_112 = vector.shape_cast %reduce_sum3A_111 : vector<1xf32> to vector<1x1x1xf32>
    %reduce_sum3A_113 = vector.extract %reduce_sum3A_112[0, 0, 0] : f32 from vector<1x1x1xf32>
    %sub3A_114 = arith.subf %reduce_sum3A_52, %add3A_82 : f32
    %div3A = arith.divf %reduce_sum3A_113, %reduce_sum3A_103 : f32
    %mul3A = arith.mulf %sub3A_114, %div3A : f32
    %add3A_115 = arith.addf %add3A_93, %mul3A : f32
    %div3A_116 = arith.divf %add3A_115, %reduce_sum3A_52 : f32
    %eq3A_117 = arith.constant 1 : i32
    %eq3A_118 = vector.broadcast %eq3A_117 : i32 to vector<8x128xi32>
    %eq3A_119 = arith.cmpi eq, %iota3A_12, %eq3A_118 : vector<8x128xi32>
    %eq3A_120 = arith.constant 1 : i32
    %eq3A_121 = vector.broadcast %eq3A_120 : i32 to vector<8x128xi32>
    %eq3A_122 = arith.cmpi eq, %iota3A_13, %eq3A_121 : vector<8x128xi32>
    %and3A_123 = arith.andi %eq3A_119, %eq3A_122 : vector<8x128xi1>
    %jit3A_124 = arith.constant 0.000000e+00 : f32
    %broadcast_in_dim3A_125 = vector.broadcast %jit3A_124 : f32 to vector<8x128xf32>
    %select_n3A_126 = arith.select %and3A_123, %get3A_7, %broadcast_in_dim3A_125 : vector<8x128xi1>, vector<8x128xf32>
    %reduce_sum3A_127 = vector.shape_cast %select_n3A_126 : vector<8x128xf32> to vector<1x8x128xf32>
    %reduce_sum3A_128 = arith.constant dense<0.000000e+00> : vector<1xf32>
    %reduce_sum3A_129 = vector.multi_reduction <add>, %reduce_sum3A_127, %reduce_sum3A_128 [1, 2] : vector<1x8x128xf32> to vector<1xf32>
    %reduce_sum3A_130 = vector.shape_cast %reduce_sum3A_129 : vector<1xf32> to vector<1x1x1xf32>
    %reduce_sum3A_131 = vector.extract %reduce_sum3A_130[0, 0, 0] : f32 from vector<1x1x1xf32>
    %eq3A_132 = arith.constant 1 : i32
    %eq3A_133 = vector.broadcast %eq3A_132 : i32 to vector<8x128xi32>
    %eq3A_134 = arith.cmpi eq, %iota3A_12, %eq3A_133 : vector<8x128xi32>
    %eq3A_135 = arith.constant 2 : i32
    %eq3A_136 = vector.broadcast %eq3A_135 : i32 to vector<8x128xi32>
    %eq3A_137 = arith.cmpi eq, %iota3A_13, %eq3A_136 : vector<8x128xi32>
    %and3A_138 = arith.andi %eq3A_134, %eq3A_137 : vector<8x128xi1>
    %jit3A_139 = arith.constant 0.000000e+00 : f32
    %broadcast_in_dim3A_140 = vector.broadcast %jit3A_139 : f32 to vector<8x128xf32>
    %select_n3A_141 = arith.select %and3A_138, %get3A_7, %broadcast_in_dim3A_140 : vector<8x128xi1>, vector<8x128xf32>
    %reduce_sum3A_142 = vector.shape_cast %select_n3A_141 : vector<8x128xf32> to vector<1x8x128xf32>
    %reduce_sum3A_143 = arith.constant dense<0.000000e+00> : vector<1xf32>
    %reduce_sum3A_144 = vector.multi_reduction <add>, %reduce_sum3A_142, %reduce_sum3A_143 [1, 2] : vector<1x8x128xf32> to vector<1xf32>
    %reduce_sum3A_145 = vector.shape_cast %reduce_sum3A_144 : vector<1xf32> to vector<1x1x1xf32>
    %reduce_sum3A_146 = vector.extract %reduce_sum3A_145[0, 0, 0] : f32 from vector<1x1x1xf32>
    %eq3A_147 = arith.constant 1 : i32
    %eq3A_148 = vector.broadcast %eq3A_147 : i32 to vector<8x128xi32>
    %eq3A_149 = arith.cmpi eq, %iota3A_12, %eq3A_148 : vector<8x128xi32>
    %eq3A_150 = arith.constant 3 : i32
    %eq3A_151 = vector.broadcast %eq3A_150 : i32 to vector<8x128xi32>
    %eq3A_152 = arith.cmpi eq, %iota3A_13, %eq3A_151 : vector<8x128xi32>
    %and3A_153 = arith.andi %eq3A_149, %eq3A_152 : vector<8x128xi1>
    %jit3A_154 = arith.constant 0.000000e+00 : f32
    %broadcast_in_dim3A_155 = vector.broadcast %jit3A_154 : f32 to vector<8x128xf32>
    %select_n3A_156 = arith.select %and3A_153, %get3A_7, %broadcast_in_dim3A_155 : vector<8x128xi1>, vector<8x128xf32>
    %reduce_sum3A_157 = vector.shape_cast %select_n3A_156 : vector<8x128xf32> to vector<1x8x128xf32>
    %reduce_sum3A_158 = arith.constant dense<0.000000e+00> : vector<1xf32>
    %reduce_sum3A_159 = vector.multi_reduction <add>, %reduce_sum3A_157, %reduce_sum3A_158 [1, 2] : vector<1x8x128xf32> to vector<1xf32>
    %reduce_sum3A_160 = vector.shape_cast %reduce_sum3A_159 : vector<1xf32> to vector<1x1x1xf32>
    %reduce_sum3A_161 = vector.extract %reduce_sum3A_160[0, 0, 0] : f32 from vector<1x1x1xf32>
    %slice3A_162 = vector.extract_strided_slice %convert_element_type3A {offsets = [0, 1024], sizes = [32, 1024], strides = [1, 1]} : vector<32x3072xf32> to vector<32x1024xf32>
    %reduce_sum3A_163 = arith.constant dense<0.000000e+00> : vector<1024xf32>
    %reduce_sum3A_164 = vector.multi_reduction <add>, %slice3A_162, %reduce_sum3A_163 [0] : vector<32x1024xf32> to vector<1024xf32>
    %broadcast_in_dim3A_165 = vector.shape_cast %reduce_sum3A_164 : vector<1024xf32> to vector<1x1024xf32>
    %slice3A_166 = vector.extract_strided_slice %get3A_4 {offsets = [0, 1024], sizes = [32, 1024], strides = [1, 1]} : vector<32x3072xf32> to vector<32x1024xf32>
    %reduce_sum3A_167 = arith.constant dense<0.000000e+00> : vector<1024xf32>
    %reduce_sum3A_168 = vector.multi_reduction <add>, %slice3A_166, %reduce_sum3A_167 [0] : vector<32x1024xf32> to vector<1024xf32>
    %broadcast_in_dim3A_169 = vector.shape_cast %reduce_sum3A_168 : vector<1024xf32> to vector<1x1024xf32>
    %dot_general3A_170 = arith.constant dense<0.000000e+00> : vector<1x1024xf32>
    %dot_general3A_171 = tpu.matmul %broadcast_in_dim3A_165, %convert_element_type3A_10, %dot_general3A_170 {dimension_numbers = #tpu.dot_dimension_numbers<[1], [1], [0], [0], [0, 0, 1, 0], [], []>, transpose_lhs_hint = false} : vector<1x1024xf32>, vector<1024x1024xf32>, vector<1x1024xf32> -> vector<1x1024xf32>
    %add3A_172 = vector.broadcast %reduce_sum3A_131 : f32 to vector<1x1024xf32>
    %add3A_173 = arith.addf %add3A_172, %dot_general3A_171 : vector<1x1024xf32>
    %ge3A_174 = vector.broadcast %reduce_sum3A_161 : f32 to vector<1x1024xf32>
    %ge3A_175 = arith.cmpf oge, %add3A_173, %ge3A_174 : vector<1x1024xf32>
    %convert_element_type3A_176 = arith.extui %ge3A_175 : vector<1x1024xi1> to vector<1x1024xi32>
    %convert_element_type3A_177 = arith.sitofp %convert_element_type3A_176 : vector<1x1024xi32> to vector<1x1024xf32>
    %reduce_sum3A_178 = vector.shape_cast %convert_element_type3A_177 : vector<1x1024xf32> to vector<1x1x1024xf32>
    %reduce_sum3A_179 = arith.constant dense<0.000000e+00> : vector<1xf32>
    %reduce_sum3A_180 = vector.multi_reduction <add>, %reduce_sum3A_178, %reduce_sum3A_179 [1, 2] : vector<1x1x1024xf32> to vector<1xf32>
    %reduce_sum3A_181 = vector.shape_cast %reduce_sum3A_180 : vector<1xf32> to vector<1x1x1xf32>
    %reduce_sum3A_182 = vector.extract %reduce_sum3A_181[0, 0, 0] : f32 from vector<1x1x1xf32>
    %sub3A_183 = arith.constant 1.000000e+00 : f32
    %sub3A_184 = arith.subf %reduce_sum3A_182, %sub3A_183 : f32
    %convert_element_type3A_185 = arith.sitofp %iota3A_11 : vector<1x1024xi32> to vector<1x1024xf32>
    %gt3A_186 = vector.broadcast %sub3A_184 : f32 to vector<1x1024xf32>
    %gt3A_187 = arith.cmpf ogt, %convert_element_type3A_185, %gt3A_186 : vector<1x1024xf32>
    %jit3A_188 = arith.constant 0.000000e+00 : f32
    %broadcast_in_dim3A_189 = vector.broadcast %jit3A_188 : f32 to vector<1x1024xf32>
    %select_n3A_190 = arith.select %gt3A_187, %broadcast_in_dim3A_165, %broadcast_in_dim3A_189 : vector<1x1024xi1>, vector<1x1024xf32>
    %reduce_sum3A_191 = vector.shape_cast %select_n3A_190 : vector<1x1024xf32> to vector<1x1x1024xf32>
    %reduce_sum3A_192 = arith.constant dense<0.000000e+00> : vector<1xf32>
    %reduce_sum3A_193 = vector.multi_reduction <add>, %reduce_sum3A_191, %reduce_sum3A_192 [1, 2] : vector<1x1x1024xf32> to vector<1xf32>
    %reduce_sum3A_194 = vector.shape_cast %reduce_sum3A_193 : vector<1xf32> to vector<1x1x1xf32>
    %reduce_sum3A_195 = vector.extract %reduce_sum3A_194[0, 0, 0] : f32 from vector<1x1x1xf32>
    %add3A_196 = arith.addf %reduce_sum3A_131, %reduce_sum3A_195 : f32
    %gt3A_197 = vector.broadcast %sub3A_184 : f32 to vector<1x1024xf32>
    %gt3A_198 = arith.cmpf ogt, %convert_element_type3A_185, %gt3A_197 : vector<1x1024xf32>
    %jit3A_199 = arith.constant 0.000000e+00 : f32
    %broadcast_in_dim3A_200 = vector.broadcast %jit3A_199 : f32 to vector<1x1024xf32>
    %select_n3A_201 = arith.select %gt3A_198, %broadcast_in_dim3A_169, %broadcast_in_dim3A_200 : vector<1x1024xi1>, vector<1x1024xf32>
    %reduce_sum3A_202 = vector.shape_cast %select_n3A_201 : vector<1x1024xf32> to vector<1x1x1024xf32>
    %reduce_sum3A_203 = arith.constant dense<0.000000e+00> : vector<1xf32>
    %reduce_sum3A_204 = vector.multi_reduction <add>, %reduce_sum3A_202, %reduce_sum3A_203 [1, 2] : vector<1x1x1024xf32> to vector<1xf32>
    %reduce_sum3A_205 = vector.shape_cast %reduce_sum3A_204 : vector<1xf32> to vector<1x1x1xf32>
    %reduce_sum3A_206 = vector.extract %reduce_sum3A_205[0, 0, 0] : f32 from vector<1x1x1xf32>
    %add3A_207 = arith.addf %reduce_sum3A_146, %reduce_sum3A_206 : f32
    %eq3A_208 = vector.broadcast %sub3A_184 : f32 to vector<1x1024xf32>
    %eq3A_209 = arith.cmpf oeq, %convert_element_type3A_185, %eq3A_208 : vector<1x1024xf32>
    %jit3A_210 = arith.constant 0.000000e+00 : f32
    %broadcast_in_dim3A_211 = vector.broadcast %jit3A_210 : f32 to vector<1x1024xf32>
    %select_n3A_212 = arith.select %eq3A_209, %broadcast_in_dim3A_165, %broadcast_in_dim3A_211 : vector<1x1024xi1>, vector<1x1024xf32>
    %reduce_sum3A_213 = vector.shape_cast %select_n3A_212 : vector<1x1024xf32> to vector<1x1x1024xf32>
    %reduce_sum3A_214 = arith.constant dense<0.000000e+00> : vector<1xf32>
    %reduce_sum3A_215 = vector.multi_reduction <add>, %reduce_sum3A_213, %reduce_sum3A_214 [1, 2] : vector<1x1x1024xf32> to vector<1xf32>
    %reduce_sum3A_216 = vector.shape_cast %reduce_sum3A_215 : vector<1xf32> to vector<1x1x1xf32>
    %reduce_sum3A_217 = vector.extract %reduce_sum3A_216[0, 0, 0] : f32 from vector<1x1x1xf32>
    %eq3A_218 = vector.broadcast %sub3A_184 : f32 to vector<1x1024xf32>
    %eq3A_219 = arith.cmpf oeq, %convert_element_type3A_185, %eq3A_218 : vector<1x1024xf32>
    %jit3A_220 = arith.constant 0.000000e+00 : f32
    %broadcast_in_dim3A_221 = vector.broadcast %jit3A_220 : f32 to vector<1x1024xf32>
    %select_n3A_222 = arith.select %eq3A_219, %broadcast_in_dim3A_169, %broadcast_in_dim3A_221 : vector<1x1024xi1>, vector<1x1024xf32>
    %reduce_sum3A_223 = vector.shape_cast %select_n3A_222 : vector<1x1024xf32> to vector<1x1x1024xf32>
    %reduce_sum3A_224 = arith.constant dense<0.000000e+00> : vector<1xf32>
    %reduce_sum3A_225 = vector.multi_reduction <add>, %reduce_sum3A_223, %reduce_sum3A_224 [1, 2] : vector<1x1x1024xf32> to vector<1xf32>
    %reduce_sum3A_226 = vector.shape_cast %reduce_sum3A_225 : vector<1xf32> to vector<1x1x1xf32>
    %reduce_sum3A_227 = vector.extract %reduce_sum3A_226[0, 0, 0] : f32 from vector<1x1x1xf32>
    %sub3A_228 = arith.subf %reduce_sum3A_161, %add3A_196 : f32
    %div3A_229 = arith.divf %reduce_sum3A_227, %reduce_sum3A_217 : f32
    %mul3A_230 = arith.mulf %sub3A_228, %div3A_229 : f32
    %add3A_231 = arith.addf %add3A_207, %mul3A_230 : f32
    %div3A_232 = arith.divf %add3A_231, %reduce_sum3A_161 : f32
    %eq3A_233 = arith.constant 2 : i32
    %eq3A_234 = vector.broadcast %eq3A_233 : i32 to vector<8x128xi32>
    %eq3A_235 = arith.cmpi eq, %iota3A_12, %eq3A_234 : vector<8x128xi32>
    %eq3A_236 = arith.constant 1 : i32
    %eq3A_237 = vector.broadcast %eq3A_236 : i32 to vector<8x128xi32>
    %eq3A_238 = arith.cmpi eq, %iota3A_13, %eq3A_237 : vector<8x128xi32>
    %and3A_239 = arith.andi %eq3A_235, %eq3A_238 : vector<8x128xi1>
    %jit3A_240 = arith.constant 0.000000e+00 : f32
    %broadcast_in_dim3A_241 = vector.broadcast %jit3A_240 : f32 to vector<8x128xf32>
    %select_n3A_242 = arith.select %and3A_239, %get3A_7, %broadcast_in_dim3A_241 : vector<8x128xi1>, vector<8x128xf32>
    %reduce_sum3A_243 = vector.shape_cast %select_n3A_242 : vector<8x128xf32> to vector<1x8x128xf32>
    %reduce_sum3A_244 = arith.constant dense<0.000000e+00> : vector<1xf32>
    %reduce_sum3A_245 = vector.multi_reduction <add>, %reduce_sum3A_243, %reduce_sum3A_244 [1, 2] : vector<1x8x128xf32> to vector<1xf32>
    %reduce_sum3A_246 = vector.shape_cast %reduce_sum3A_245 : vector<1xf32> to vector<1x1x1xf32>
    %reduce_sum3A_247 = vector.extract %reduce_sum3A_246[0, 0, 0] : f32 from vector<1x1x1xf32>
    %eq3A_248 = arith.constant 2 : i32
    %eq3A_249 = vector.broadcast %eq3A_248 : i32 to vector<8x128xi32>
    %eq3A_250 = arith.cmpi eq, %iota3A_12, %eq3A_249 : vector<8x128xi32>
    %eq3A_251 = arith.constant 2 : i32
    %eq3A_252 = vector.broadcast %eq3A_251 : i32 to vector<8x128xi32>
    %eq3A_253 = arith.cmpi eq, %iota3A_13, %eq3A_252 : vector<8x128xi32>
    %and3A_254 = arith.andi %eq3A_250, %eq3A_253 : vector<8x128xi1>
    %jit3A_255 = arith.constant 0.000000e+00 : f32
    %broadcast_in_dim3A_256 = vector.broadcast %jit3A_255 : f32 to vector<8x128xf32>
    %select_n3A_257 = arith.select %and3A_254, %get3A_7, %broadcast_in_dim3A_256 : vector<8x128xi1>, vector<8x128xf32>
    %reduce_sum3A_258 = vector.shape_cast %select_n3A_257 : vector<8x128xf32> to vector<1x8x128xf32>
    %reduce_sum3A_259 = arith.constant dense<0.000000e+00> : vector<1xf32>
    %reduce_sum3A_260 = vector.multi_reduction <add>, %reduce_sum3A_258, %reduce_sum3A_259 [1, 2] : vector<1x8x128xf32> to vector<1xf32>
    %reduce_sum3A_261 = vector.shape_cast %reduce_sum3A_260 : vector<1xf32> to vector<1x1x1xf32>
    %reduce_sum3A_262 = vector.extract %reduce_sum3A_261[0, 0, 0] : f32 from vector<1x1x1xf32>
    %eq3A_263 = arith.constant 2 : i32
    %eq3A_264 = vector.broadcast %eq3A_263 : i32 to vector<8x128xi32>
    %eq3A_265 = arith.cmpi eq, %iota3A_12, %eq3A_264 : vector<8x128xi32>
    %eq3A_266 = arith.constant 3 : i32
    %eq3A_267 = vector.broadcast %eq3A_266 : i32 to vector<8x128xi32>
    %eq3A_268 = arith.cmpi eq, %iota3A_13, %eq3A_267 : vector<8x128xi32>
    %and3A_269 = arith.andi %eq3A_265, %eq3A_268 : vector<8x128xi1>
    %jit3A_270 = arith.constant 0.000000e+00 : f32
    %broadcast_in_dim3A_271 = vector.broadcast %jit3A_270 : f32 to vector<8x128xf32>
    %select_n3A_272 = arith.select %and3A_269, %get3A_7, %broadcast_in_dim3A_271 : vector<8x128xi1>, vector<8x128xf32>
    %reduce_sum3A_273 = vector.shape_cast %select_n3A_272 : vector<8x128xf32> to vector<1x8x128xf32>
    %reduce_sum3A_274 = arith.constant dense<0.000000e+00> : vector<1xf32>
    %reduce_sum3A_275 = vector.multi_reduction <add>, %reduce_sum3A_273, %reduce_sum3A_274 [1, 2] : vector<1x8x128xf32> to vector<1xf32>
    %reduce_sum3A_276 = vector.shape_cast %reduce_sum3A_275 : vector<1xf32> to vector<1x1x1xf32>
    %reduce_sum3A_277 = vector.extract %reduce_sum3A_276[0, 0, 0] : f32 from vector<1x1x1xf32>
    %slice3A_278 = vector.extract_strided_slice %convert_element_type3A {offsets = [0, 2048], sizes = [32, 1024], strides = [1, 1]} : vector<32x3072xf32> to vector<32x1024xf32>
    %reduce_sum3A_279 = arith.constant dense<0.000000e+00> : vector<1024xf32>
    %reduce_sum3A_280 = vector.multi_reduction <add>, %slice3A_278, %reduce_sum3A_279 [0] : vector<32x1024xf32> to vector<1024xf32>
    %broadcast_in_dim3A_281 = vector.shape_cast %reduce_sum3A_280 : vector<1024xf32> to vector<1x1024xf32>
    %slice3A_282 = vector.extract_strided_slice %get3A_4 {offsets = [0, 2048], sizes = [32, 1024], strides = [1, 1]} : vector<32x3072xf32> to vector<32x1024xf32>
    %reduce_sum3A_283 = arith.constant dense<0.000000e+00> : vector<1024xf32>
    %reduce_sum3A_284 = vector.multi_reduction <add>, %slice3A_282, %reduce_sum3A_283 [0] : vector<32x1024xf32> to vector<1024xf32>
    %broadcast_in_dim3A_285 = vector.shape_cast %reduce_sum3A_284 : vector<1024xf32> to vector<1x1024xf32>
    %dot_general3A_286 = arith.constant dense<0.000000e+00> : vector<1x1024xf32>
    %dot_general3A_287 = tpu.matmul %broadcast_in_dim3A_281, %convert_element_type3A_10, %dot_general3A_286 {dimension_numbers = #tpu.dot_dimension_numbers<[1], [1], [0], [0], [0, 0, 1, 0], [], []>, transpose_lhs_hint = false} : vector<1x1024xf32>, vector<1024x1024xf32>, vector<1x1024xf32> -> vector<1x1024xf32>
    %add3A_288 = vector.broadcast %reduce_sum3A_247 : f32 to vector<1x1024xf32>
    %add3A_289 = arith.addf %add3A_288, %dot_general3A_287 : vector<1x1024xf32>
    %ge3A_290 = vector.broadcast %reduce_sum3A_277 : f32 to vector<1x1024xf32>
    %ge3A_291 = arith.cmpf oge, %add3A_289, %ge3A_290 : vector<1x1024xf32>
    %convert_element_type3A_292 = arith.extui %ge3A_291 : vector<1x1024xi1> to vector<1x1024xi32>
    %convert_element_type3A_293 = arith.sitofp %convert_element_type3A_292 : vector<1x1024xi32> to vector<1x1024xf32>
    %reduce_sum3A_294 = vector.shape_cast %convert_element_type3A_293 : vector<1x1024xf32> to vector<1x1x1024xf32>
    %reduce_sum3A_295 = arith.constant dense<0.000000e+00> : vector<1xf32>
    %reduce_sum3A_296 = vector.multi_reduction <add>, %reduce_sum3A_294, %reduce_sum3A_295 [1, 2] : vector<1x1x1024xf32> to vector<1xf32>
    %reduce_sum3A_297 = vector.shape_cast %reduce_sum3A_296 : vector<1xf32> to vector<1x1x1xf32>
    %reduce_sum3A_298 = vector.extract %reduce_sum3A_297[0, 0, 0] : f32 from vector<1x1x1xf32>
    %sub3A_299 = arith.constant 1.000000e+00 : f32
    %sub3A_300 = arith.subf %reduce_sum3A_298, %sub3A_299 : f32
    %convert_element_type3A_301 = arith.sitofp %iota3A_11 : vector<1x1024xi32> to vector<1x1024xf32>
    %gt3A_302 = vector.broadcast %sub3A_300 : f32 to vector<1x1024xf32>
    %gt3A_303 = arith.cmpf ogt, %convert_element_type3A_301, %gt3A_302 : vector<1x1024xf32>
    %jit3A_304 = arith.constant 0.000000e+00 : f32
    %broadcast_in_dim3A_305 = vector.broadcast %jit3A_304 : f32 to vector<1x1024xf32>
    %select_n3A_306 = arith.select %gt3A_303, %broadcast_in_dim3A_281, %broadcast_in_dim3A_305 : vector<1x1024xi1>, vector<1x1024xf32>
    %reduce_sum3A_307 = vector.shape_cast %select_n3A_306 : vector<1x1024xf32> to vector<1x1x1024xf32>
    %reduce_sum3A_308 = arith.constant dense<0.000000e+00> : vector<1xf32>
    %reduce_sum3A_309 = vector.multi_reduction <add>, %reduce_sum3A_307, %reduce_sum3A_308 [1, 2] : vector<1x1x1024xf32> to vector<1xf32>
    %reduce_sum3A_310 = vector.shape_cast %reduce_sum3A_309 : vector<1xf32> to vector<1x1x1xf32>
    %reduce_sum3A_311 = vector.extract %reduce_sum3A_310[0, 0, 0] : f32 from vector<1x1x1xf32>
    %add3A_312 = arith.addf %reduce_sum3A_247, %reduce_sum3A_311 : f32
    %gt3A_313 = vector.broadcast %sub3A_300 : f32 to vector<1x1024xf32>
    %gt3A_314 = arith.cmpf ogt, %convert_element_type3A_301, %gt3A_313 : vector<1x1024xf32>
    %jit3A_315 = arith.constant 0.000000e+00 : f32
    %broadcast_in_dim3A_316 = vector.broadcast %jit3A_315 : f32 to vector<1x1024xf32>
    %select_n3A_317 = arith.select %gt3A_314, %broadcast_in_dim3A_285, %broadcast_in_dim3A_316 : vector<1x1024xi1>, vector<1x1024xf32>
    %reduce_sum3A_318 = vector.shape_cast %select_n3A_317 : vector<1x1024xf32> to vector<1x1x1024xf32>
    %reduce_sum3A_319 = arith.constant dense<0.000000e+00> : vector<1xf32>
    %reduce_sum3A_320 = vector.multi_reduction <add>, %reduce_sum3A_318, %reduce_sum3A_319 [1, 2] : vector<1x1x1024xf32> to vector<1xf32>
    %reduce_sum3A_321 = vector.shape_cast %reduce_sum3A_320 : vector<1xf32> to vector<1x1x1xf32>
    %reduce_sum3A_322 = vector.extract %reduce_sum3A_321[0, 0, 0] : f32 from vector<1x1x1xf32>
    %add3A_323 = arith.addf %reduce_sum3A_262, %reduce_sum3A_322 : f32
    %eq3A_324 = vector.broadcast %sub3A_300 : f32 to vector<1x1024xf32>
    %eq3A_325 = arith.cmpf oeq, %convert_element_type3A_301, %eq3A_324 : vector<1x1024xf32>
    %jit3A_326 = arith.constant 0.000000e+00 : f32
    %broadcast_in_dim3A_327 = vector.broadcast %jit3A_326 : f32 to vector<1x1024xf32>
    %select_n3A_328 = arith.select %eq3A_325, %broadcast_in_dim3A_281, %broadcast_in_dim3A_327 : vector<1x1024xi1>, vector<1x1024xf32>
    %reduce_sum3A_329 = vector.shape_cast %select_n3A_328 : vector<1x1024xf32> to vector<1x1x1024xf32>
    %reduce_sum3A_330 = arith.constant dense<0.000000e+00> : vector<1xf32>
    %reduce_sum3A_331 = vector.multi_reduction <add>, %reduce_sum3A_329, %reduce_sum3A_330 [1, 2] : vector<1x1x1024xf32> to vector<1xf32>
    %reduce_sum3A_332 = vector.shape_cast %reduce_sum3A_331 : vector<1xf32> to vector<1x1x1xf32>
    %reduce_sum3A_333 = vector.extract %reduce_sum3A_332[0, 0, 0] : f32 from vector<1x1x1xf32>
    %eq3A_334 = vector.broadcast %sub3A_300 : f32 to vector<1x1024xf32>
    %eq3A_335 = arith.cmpf oeq, %convert_element_type3A_301, %eq3A_334 : vector<1x1024xf32>
    %jit3A_336 = arith.constant 0.000000e+00 : f32
    %broadcast_in_dim3A_337 = vector.broadcast %jit3A_336 : f32 to vector<1x1024xf32>
    %select_n3A_338 = arith.select %eq3A_335, %broadcast_in_dim3A_285, %broadcast_in_dim3A_337 : vector<1x1024xi1>, vector<1x1024xf32>
    %reduce_sum3A_339 = vector.shape_cast %select_n3A_338 : vector<1x1024xf32> to vector<1x1x1024xf32>
    %reduce_sum3A_340 = arith.constant dense<0.000000e+00> : vector<1xf32>
    %reduce_sum3A_341 = vector.multi_reduction <add>, %reduce_sum3A_339, %reduce_sum3A_340 [1, 2] : vector<1x1x1024xf32> to vector<1xf32>
    %reduce_sum3A_342 = vector.shape_cast %reduce_sum3A_341 : vector<1xf32> to vector<1x1x1xf32>
    %reduce_sum3A_343 = vector.extract %reduce_sum3A_342[0, 0, 0] : f32 from vector<1x1x1xf32>
    %sub3A_344 = arith.subf %reduce_sum3A_277, %add3A_312 : f32
    %div3A_345 = arith.divf %reduce_sum3A_343, %reduce_sum3A_333 : f32
    %mul3A_346 = arith.mulf %sub3A_344, %div3A_345 : f32
    %add3A_347 = arith.addf %add3A_323, %mul3A_346 : f32
    %div3A_348 = arith.divf %add3A_347, %reduce_sum3A_277 : f32
    %mul3A_349 = arith.constant 5.000000e-01 : f32
    %mul3A_350 = arith.mulf %mul3A_349, %div3A_232 : f32
    %add3A_351 = arith.addf %div3A_116, %mul3A_350 : f32
    %mul3A_352 = arith.constant 5.000000e-01 : f32
    %mul3A_353 = arith.mulf %mul3A_352, %div3A_348 : f32
    %add3A_354 = arith.addf %add3A_351, %mul3A_353 : f32
    %broadcast_in_dim3A_355 = arith.constant 0.000000e+00 : f32
    %broadcast_in_dim3A_356 = vector.broadcast %broadcast_in_dim3A_355 : f32 to vector<8x128xf32>
    %eq3A_357 = arith.constant 0 : i32
    %eq3A_358 = vector.broadcast %eq3A_357 : i32 to vector<8x128xi32>
    %eq3A_359 = arith.cmpi eq, %iota3A_12, %eq3A_358 : vector<8x128xi32>
    %eq3A_360 = arith.constant 0 : i32
    %eq3A_361 = vector.broadcast %eq3A_360 : i32 to vector<8x128xi32>
    %eq3A_362 = arith.cmpi eq, %iota3A_13, %eq3A_361 : vector<8x128xi32>
    %and3A_363 = arith.andi %eq3A_359, %eq3A_362 : vector<8x128xi1>
    %broadcast_in_dim3A_364 = vector.broadcast %add3A_354 : f32 to vector<8x128xf32>
    %select_n3A_365 = arith.select %and3A_363, %broadcast_in_dim3A_364, %broadcast_in_dim3A_356 : vector<8x128xi1>, vector<8x128xf32>
    %eq3A_366 = arith.constant 0 : i32
    %eq3A_367 = vector.broadcast %eq3A_366 : i32 to vector<8x128xi32>
    %eq3A_368 = arith.cmpi eq, %iota3A_12, %eq3A_367 : vector<8x128xi32>
    %eq3A_369 = arith.constant 1 : i32
    %eq3A_370 = vector.broadcast %eq3A_369 : i32 to vector<8x128xi32>
    %eq3A_371 = arith.cmpi eq, %iota3A_13, %eq3A_370 : vector<8x128xi32>
    %and3A_372 = arith.andi %eq3A_368, %eq3A_371 : vector<8x128xi1>
    %broadcast_in_dim3A_373 = vector.broadcast %div3A_116 : f32 to vector<8x128xf32>
    %select_n3A_374 = arith.select %and3A_372, %broadcast_in_dim3A_373, %select_n3A_365 : vector<8x128xi1>, vector<8x128xf32>
    %eq3A_375 = arith.constant 0 : i32
    %eq3A_376 = vector.broadcast %eq3A_375 : i32 to vector<8x128xi32>
    %eq3A_377 = arith.cmpi eq, %iota3A_12, %eq3A_376 : vector<8x128xi32>
    %eq3A_378 = arith.constant 2 : i32
    %eq3A_379 = vector.broadcast %eq3A_378 : i32 to vector<8x128xi32>
    %eq3A_380 = arith.cmpi eq, %iota3A_13, %eq3A_379 : vector<8x128xi32>
    %and3A_381 = arith.andi %eq3A_377, %eq3A_380 : vector<8x128xi1>
    %broadcast_in_dim3A_382 = vector.broadcast %div3A_232 : f32 to vector<8x128xf32>
    %select_n3A_383 = arith.select %and3A_381, %broadcast_in_dim3A_382, %select_n3A_374 : vector<8x128xi1>, vector<8x128xf32>
    %eq3A_384 = arith.constant 0 : i32
    %eq3A_385 = vector.broadcast %eq3A_384 : i32 to vector<8x128xi32>
    %eq3A_386 = arith.cmpi eq, %iota3A_12, %eq3A_385 : vector<8x128xi32>
    %eq3A_387 = arith.constant 3 : i32
    %eq3A_388 = vector.broadcast %eq3A_387 : i32 to vector<8x128xi32>
    %eq3A_389 = arith.cmpi eq, %iota3A_13, %eq3A_388 : vector<8x128xi32>
    %and3A_390 = arith.andi %eq3A_386, %eq3A_389 : vector<8x128xi1>
    %broadcast_in_dim3A_391 = vector.broadcast %div3A_348 : f32 to vector<8x128xf32>
    %select_n3A_392 = arith.select %and3A_390, %broadcast_in_dim3A_391, %select_n3A_383 : vector<8x128xi1>, vector<8x128xf32>
    %swap3A = arith.constant 0 : index
    %swap3A_393 = arith.constant 0 : index
    %swap3A_394 = vector.load %arg3[%swap3A, %swap3A_393] : memref<8x128xf32, #tpu.memory_space<vmem>>, vector<8x128xf32>
    tpu.vector_store %arg3[%swap3A, %swap3A_393], %select_n3A_392 {strides = array<i32>} : memref<8x128xf32, #tpu.memory_space<vmem>>, vector<8x128xf32>,
    return
  }
}

module attributes {stable_mosaic.version = 14 : i64} {
  func.func @_loss_body(%arg0: i32, %arg1: i32, %arg2: memref<8192x15xf32, #tpu.memory_space<vmem>>, %arg3: memref<8192x15xf32, #tpu.memory_space<vmem>>, %arg4: memref<8x15xf32, #tpu.memory_space<vmem>>, %arg5: memref<8x15xf32, #tpu.memory_space<vmem>>, %arg6: memref<8x4096xf32, #tpu.memory_space<vmem>>, %arg7: memref<8x4096xf32, #tpu.memory_space<vmem>>, %arg8: memref<8x4096xf32, #tpu.memory_space<vmem>>) attributes {dimension_semantics = [#tpu.dimension_semantics<arbitrary>, #tpu.dimension_semantics<arbitrary>], iteration_bounds = array<i64: 32, 4>, scalar_prefetch = 0 : i64, scratch_operands = 0 : i64, tpu.core_type = #tpu.core_type<tc>, window_params = [{transform_indices = @transform_0, window_bounds = array<i64: 8192, 15>}, {transform_indices = @transform_1, window_bounds = array<i64: 8192, 15>}, {pipeline_mode = #tpu.pipeline_mode<synchronous>, transform_indices = @transform_2, window_bounds = array<i64: 8, 15>}, {pipeline_mode = #tpu.pipeline_mode<synchronous>, transform_indices = @transform_3, window_bounds = array<i64: 8, 15>}, {transform_indices = @transform_4, window_bounds = array<i64: 8, 4096>}, {transform_indices = @transform_5, window_bounds = array<i64: 8, 4096>}, {transform_indices = @transform_6, window_bounds = array<i64: 8, 4096>}]} {
    %get3A = arith.constant 0 : index
    %get3A_0 = arith.constant 0 : index
    %get3A_1 = vector.load %arg2[%get3A, %get3A_0] : memref<8192x15xf32, #tpu.memory_space<vmem>>, vector<8192x15xf32>
    %get3A_2 = arith.constant 0 : index
    %get3A_3 = arith.constant 0 : index
    %get3A_4 = vector.load %arg3[%get3A_2, %get3A_3] : memref<8192x15xf32, #tpu.memory_space<vmem>>, vector<8192x15xf32>
    %sub3A = arith.subf %get3A_1, %get3A_4 : vector<8192x15xf32>
    %mul3A = arith.mulf %sub3A, %sub3A : vector<8192x15xf32>
    %get3A_5 = arith.constant 0 : index
    %get3A_6 = arith.constant 0 : index
    %get3A_7 = vector.load %arg4[%get3A_5, %get3A_6] : memref<8x15xf32, #tpu.memory_space<vmem>>, vector<8x15xf32>
    %dot_general3A = arith.constant dense<0.000000e+00> : vector<8x8192xf32>
    %dot_general3A_8 = tpu.matmul %get3A_7, %get3A_1, %dot_general3A {dimension_numbers = #tpu.dot_dimension_numbers<[1], [1], [0], [0], [0, 0, 1, 0], [], []>, transpose_lhs_hint = false} : vector<8x15xf32>, vector<8192x15xf32>, vector<8x8192xf32> -> vector<8x8192xf32>
    %get3A_9 = arith.constant 0 : index
    %get3A_10 = arith.constant 0 : index
    %get3A_11 = vector.load %arg4[%get3A_9, %get3A_10] : memref<8x15xf32, #tpu.memory_space<vmem>>, vector<8x15xf32>
    %dot_general3A_12 = arith.constant dense<0.000000e+00> : vector<8x8192xf32>
    %dot_general3A_13 = tpu.matmul %get3A_11, %get3A_4, %dot_general3A_12 {dimension_numbers = #tpu.dot_dimension_numbers<[1], [1], [0], [0], [0, 0, 1, 0], [], []>, transpose_lhs_hint = false} : vector<8x15xf32>, vector<8192x15xf32>, vector<8x8192xf32> -> vector<8x8192xf32>
    %get3A_14 = arith.constant 0 : index
    %get3A_15 = arith.constant 0 : index
    %get3A_16 = vector.load %arg5[%get3A_14, %get3A_15] : memref<8x15xf32, #tpu.memory_space<vmem>>, vector<8x15xf32>
    %dot_general3A_17 = arith.constant dense<0.000000e+00> : vector<8x8192xf32>
    %dot_general3A_18 = tpu.matmul %get3A_16, %mul3A, %dot_general3A_17 {dimension_numbers = #tpu.dot_dimension_numbers<[1], [1], [0], [0], [0, 0, 1, 0], [], []>, transpose_lhs_hint = false} : vector<8x15xf32>, vector<8192x15xf32>, vector<8x8192xf32> -> vector<8x8192xf32>
    %slice3A = vector.extract_strided_slice %dot_general3A_8 {offsets = [0, 0], sizes = [1, 8192], strides = [1, 1]} : vector<8x8192xf32> to vector<1x8192xf32>
    %slice3A_19 = vector.extract_strided_slice %dot_general3A_13 {offsets = [0, 0], sizes = [1, 8192], strides = [1, 1]} : vector<8x8192xf32> to vector<1x8192xf32>
    %slice3A_20 = vector.extract_strided_slice %dot_general3A_18 {offsets = [0, 0], sizes = [1, 8192], strides = [1, 1]} : vector<8x8192xf32> to vector<1x8192xf32>
    %slice3A_21 = vector.extract_strided_slice %dot_general3A_18 {offsets = [1, 0], sizes = [1, 8192], strides = [1, 1]} : vector<8x8192xf32> to vector<1x8192xf32>
    %eq3A = arith.constant 1.000000e+00 : f32
    %eq3A_22 = vector.broadcast %eq3A : f32 to vector<1x8192xf32>
    %eq3A_23 = arith.cmpf oeq, %slice3A_19, %eq3A_22 : vector<1x8192xf32>
    %jit3A = arith.constant 1.000000e+00 : f32
    %jit3A_24 = arith.constant 0.000000e+00 : f32
    %broadcast_in_dim3A = vector.broadcast %jit3A : f32 to vector<1x8192xf32>
    %broadcast_in_dim3A_25 = vector.broadcast %jit3A_24 : f32 to vector<1x8192xf32>
    %select_n3A = arith.select %eq3A_23, %broadcast_in_dim3A, %broadcast_in_dim3A_25 : vector<1x8192xi1>, vector<1x8192xf32>
    %max3A = arith.constant 0.000000e+00 : f32
    %max3A_26 = vector.broadcast %max3A : f32 to vector<1x8192xf32>
    %max3A_27 = arith.maximumf %slice3A, %max3A_26 : vector<1x8192xf32>
    %mul3A_28 = arith.mulf %slice3A, %select_n3A : vector<1x8192xf32>
    %sub3A_29 = arith.subf %max3A_27, %mul3A_28 : vector<1x8192xf32>
    %abs3A = math.absf %slice3A : vector<1x8192xf32>
    %neg3A = arith.constant 0.000000e+00 : f32
    %neg3A_30 = vector.broadcast %neg3A : f32 to vector<1x8192xf32>
    %neg3A_31 = arith.subf %neg3A_30, %abs3A : vector<1x8192xf32>
    %exp3A = math.exp %neg3A_31 : vector<1x8192xf32>
    %log1p3A = math.log1p %exp3A : vector<1x8192xf32>
    %add3A = arith.addf %sub3A_29, %log1p3A : vector<1x8192xf32>
    %eq3A_32 = arith.constant 1.000000e+00 : f32
    %eq3A_33 = vector.broadcast %eq3A_32 : f32 to vector<1x8192xf32>
    %eq3A_34 = arith.cmpf oeq, %slice3A_19, %eq3A_33 : vector<1x8192xf32>
    %eq3A_35 = arith.constant -1.000000e+00 : f32
    %eq3A_36 = vector.broadcast %eq3A_35 : f32 to vector<1x8192xf32>
    %eq3A_37 = arith.cmpf oeq, %slice3A_19, %eq3A_36 : vector<1x8192xf32>
    %or3A = arith.ori %eq3A_34, %eq3A_37 : vector<1x8192xi1>
    %jit3A_38 = arith.constant -1.000000e+00 : f32
    %broadcast_in_dim3A_39 = vector.broadcast %jit3A_38 : f32 to vector<1x8192xf32>
    %select_n3A_40 = arith.select %or3A, %slice3A_20, %broadcast_in_dim3A_39 : vector<1x8192xi1>, vector<1x8192xf32>
    %eq3A_41 = arith.constant -2.000000e+00 : f32
    %eq3A_42 = vector.broadcast %eq3A_41 : f32 to vector<1x8192xf32>
    %eq3A_43 = arith.cmpf oeq, %slice3A_19, %eq3A_42 : vector<1x8192xf32>
    %jit3A_44 = arith.constant -1.000000e+00 : f32
    %broadcast_in_dim3A_45 = vector.broadcast %jit3A_44 : f32 to vector<1x8192xf32>
    %select_n3A_46 = arith.select %eq3A_43, %slice3A_21, %broadcast_in_dim3A_45 : vector<1x8192xi1>, vector<1x8192xf32>
    %mul3A_47 = arith.constant 2 : i32
    %mul3A_48 = arith.muli %arg1, %mul3A_47 : i32
    %add3A_49 = arith.constant 0 : i32
    %add3A_50 = arith.addi %mul3A_48, %add3A_49 : i32
    %slice3A_51 = vector.extract_strided_slice %add3A {offsets = [0, 0], sizes = [1, 4096], strides = [1, 1]} : vector<1x8192xf32> to vector<1x4096xf32>
    %swap3A = arith.index_cast %add3A_50 : i32 to index
    %swap3A_52 = arith.constant 0 : index
    %swap3A_53 = vector.load %arg6[%swap3A, %swap3A_52] : memref<8x4096xf32, #tpu.memory_space<vmem>>, vector<1x4096xf32>
    tpu.vector_store %arg6[%swap3A, %swap3A_52], %slice3A_51 {strides = array<i32>} : memref<8x4096xf32, #tpu.memory_space<vmem>>, vector<1x4096xf32>,
    %slice3A_54 = vector.extract_strided_slice %select_n3A_40 {offsets = [0, 0], sizes = [1, 4096], strides = [1, 1]} : vector<1x8192xf32> to vector<1x4096xf32>
    %swap3A_55 = arith.index_cast %add3A_50 : i32 to index
    %swap3A_56 = arith.constant 0 : index
    %swap3A_57 = vector.load %arg7[%swap3A_55, %swap3A_56] : memref<8x4096xf32, #tpu.memory_space<vmem>>, vector<1x4096xf32>
    tpu.vector_store %arg7[%swap3A_55, %swap3A_56], %slice3A_54 {strides = array<i32>} : memref<8x4096xf32, #tpu.memory_space<vmem>>, vector<1x4096xf32>,
    %slice3A_58 = vector.extract_strided_slice %select_n3A_46 {offsets = [0, 0], sizes = [1, 4096], strides = [1, 1]} : vector<1x8192xf32> to vector<1x4096xf32>
    %swap3A_59 = arith.index_cast %add3A_50 : i32 to index
    %swap3A_60 = arith.constant 0 : index
    %swap3A_61 = vector.load %arg8[%swap3A_59, %swap3A_60] : memref<8x4096xf32, #tpu.memory_space<vmem>>, vector<1x4096xf32>
    tpu.vector_store %arg8[%swap3A_59, %swap3A_60], %slice3A_58 {strides = array<i32>} : memref<8x4096xf32, #tpu.memory_space<vmem>>, vector<1x4096xf32>,
    %mul3A_62 = arith.constant 2 : i32
    %mul3A_63 = arith.muli %arg1, %mul3A_62 : i32
    %add3A_64 = arith.constant 1 : i32
    %add3A_65 = arith.addi %mul3A_63, %add3A_64 : i32
    %slice3A_66 = vector.extract_strided_slice %add3A {offsets = [0, 4096], sizes = [1, 4096], strides = [1, 1]} : vector<1x8192xf32> to vector<1x4096xf32>
    %swap3A_67 = arith.index_cast %add3A_65 : i32 to index
    %swap3A_68 = arith.constant 0 : index
    %swap3A_69 = vector.load %arg6[%swap3A_67, %swap3A_68] : memref<8x4096xf32, #tpu.memory_space<vmem>>, vector<1x4096xf32>
    tpu.vector_store %arg6[%swap3A_67, %swap3A_68], %slice3A_66 {strides = array<i32>} : memref<8x4096xf32, #tpu.memory_space<vmem>>, vector<1x4096xf32>,
    %slice3A_70 = vector.extract_strided_slice %select_n3A_40 {offsets = [0, 4096], sizes = [1, 4096], strides = [1, 1]} : vector<1x8192xf32> to vector<1x4096xf32>
    %swap3A_71 = arith.index_cast %add3A_65 : i32 to index
    %swap3A_72 = arith.constant 0 : index
    %swap3A_73 = vector.load %arg7[%swap3A_71, %swap3A_72] : memref<8x4096xf32, #tpu.memory_space<vmem>>, vector<1x4096xf32>
    tpu.vector_store %arg7[%swap3A_71, %swap3A_72], %slice3A_70 {strides = array<i32>} : memref<8x4096xf32, #tpu.memory_space<vmem>>, vector<1x4096xf32>,
    %slice3A_74 = vector.extract_strided_slice %select_n3A_46 {offsets = [0, 4096], sizes = [1, 4096], strides = [1, 1]} : vector<1x8192xf32> to vector<1x4096xf32>
    %swap3A_75 = arith.index_cast %add3A_65 : i32 to index
    %swap3A_76 = arith.constant 0 : index
    %swap3A_77 = vector.load %arg8[%swap3A_75, %swap3A_76] : memref<8x4096xf32, #tpu.memory_space<vmem>>, vector<1x4096xf32>
    tpu.vector_store %arg8[%swap3A_75, %swap3A_76], %slice3A_74 {strides = array<i32>} : memref<8x4096xf32, #tpu.memory_space<vmem>>, vector<1x4096xf32>,
    return
  }
  func.func @transform_0(%arg0: i32, %arg1: i32) -> (i32, i32) {
    %mul3A = arith.constant 4 : i32
    %mul3A_0 = arith.muli %arg0, %mul3A : i32
    %add3A = arith.addi %mul3A_0, %arg1 : i32
    %c0_i32 = arith.constant 0 : i32
    %c0_i32_1 = arith.constant 0 : i32
    return %add3A, %c0_i32 : i32, i32
  }
  func.func @transform_1(%arg0: i32, %arg1: i32) -> (i32, i32) {
    %mul3A = arith.constant 4 : i32
    %mul3A_0 = arith.muli %arg0, %mul3A : i32
    %add3A = arith.addi %mul3A_0, %arg1 : i32
    %c0_i32 = arith.constant 0 : i32
    %c0_i32_1 = arith.constant 0 : i32
    return %add3A, %c0_i32 : i32, i32
  }
  func.func @transform_2(%arg0: i32, %arg1: i32) -> (i32, i32) {
    %c0_i32 = arith.constant 0 : i32
    %c0_i32_0 = arith.constant 0 : i32
    %c0_i32_1 = arith.constant 0 : i32
    return %c0_i32, %c0_i32_0 : i32, i32
  }
  func.func @transform_3(%arg0: i32, %arg1: i32) -> (i32, i32) {
    %c0_i32 = arith.constant 0 : i32
    %c0_i32_0 = arith.constant 0 : i32
    %c0_i32_1 = arith.constant 0 : i32
    return %c0_i32, %c0_i32_0 : i32, i32
  }
  func.func @transform_4(%arg0: i32, %arg1: i32) -> (i32, i32) {
    %c0_i32 = arith.constant 0 : i32
    %c0_i32_0 = arith.constant 0 : i32
    return %arg0, %c0_i32 : i32, i32
  }
  func.func @transform_5(%arg0: i32, %arg1: i32) -> (i32, i32) {
    %c0_i32 = arith.constant 0 : i32
    %c0_i32_0 = arith.constant 0 : i32
    return %arg0, %c0_i32 : i32, i32
  }
  func.func @transform_6(%arg0: i32, %arg1: i32) -> (i32, i32) {
    %c0_i32 = arith.constant 0 : i32
    %c0_i32_0 = arith.constant 0 : i32
    return %arg0, %c0_i32 : i32, i32
  }
}

</mosaic_0001>

<sc_bundles>
// kernel: kernel.10.cloned.1.call-start
scs
__scs_entry_jumppad:
0x0: {  	(pc) =	sbr.rel $0x88, $3  }
0x1: {  	(tag) =	ssettag $0x0;
	lr =	simm.s32 $0x1  }
0x2: {  	[smem:$0x3F9F] =	sst lr;
	_ =	strace $0xD0000000  }
0x3: {  	_ = 	snop  }
0x4: {  	_ = 	snop  }
0x5: {  	_ = 	snop  }
0x6: {  	_ = 	snop  }
0x7: {  	_ = 	snop  }
__scs_overlays_trampoline_lowered:
0x8: {  	[smem:$0x3FAE] =	sst s0  }
0x9: {  	[smem:$0x3FAF] =	sst s1  }
0xa: {  	[smem:$0x3FB0] =	sst s2  }
0xb: {  	[smem:$0x3FB1] =	sst s3  }
0xc: {  	[smem:$0x3FB2] =	sst s4  }
0xd: {  	[smem:$0x3FB3] =	sst s5  }
0xe: {  	[smem:$0x3FB4] =	sst s6  }
0xf: {  	[smem:$0x3FB5] =	sst s7  }
0x10: {  	[smem:$0x3FB6] =	sst s8  }
0x11: {  	[smem:$0x3FB7] =	sst s9;
	s0 =	simm.s32 @!p0 $0x0  }
0x12: {  	s1 =	sld [smem:$0x3F9D];
	s0 =	simm.s32 @p0 $0x1  }
0x13: {  	[smem:$0x3FB8] =	sst s0;
	s0 =	simm.s32 @!p1 $0x0  }
0x14: {  	s2 =	sld [smem:$0x3F9C];
	s0 =	simm.s32 @p1 $0x1  }
0x15: {  	[smem:$0x3FB9] =	sst s0;
	s0 =	simm.s32 @!p2 $0x0  }
0x16: {  	s3 =	sld [smem:$0x3FDB];
	s0 =	simm.s32 @p2 $0x1  }
0x17: {  	s4 =	simm.s32 $0x1BF5;
	[smem:$0x3FBB] =	sst s0  }
0x18: {  	s0 =	sld [smem:$0x3F9E];
	_ =	swait.ge [sflag:s4], $0x0  }
0x19: {  	s7 =	sld [smem:$0x3F9F]  }
0x1a: {  	s8 =	sadd.s32 $0xFFFFE003, lr  }
0x1b: {  	s9 =	sadd.s32 $0xFFFFFEF7, lr;
	s5 =	simm.s32 $0xFFFFFFFF;
	p2 =	slt.u32 s8, $0xFFFFF086  }
0x1c: {  	p1 =	slt.u32 s9, $0xF7A;
	s5 =	simm.s32 @!p2 $0x0  }
0x1d: {  	s5 =	simm.s32 @p1 $0x1;
	p0 =	seq.s32 s7, s2  }
0x1e: {  	s7 =	smul.u32 @!p0 $0xF7A, s2;
	p2 =	seq.s32 @!p0 s5, $0x0  }
0x1f: {  	s9 =	smul.u32 $0xF7A, s1;
	s8 =	simm.s32 @!p0 $0x1BF5;
	p2 =	por !p2, p0  }
0x20: {  	[sflag:s8] =	ssyncset.s32 @!p0 $0xFFFFF086;
	s6 =	sadd.s32 @!p0 s3, s7;
	s7 =	simm.s32 @!p0 $0x108  }
0x21: {  	s3 =	sadd.s32 s3, s9;
	s6 =	sadd.s32 @!p0 $0x88, s6;
	s7 =	simm.s32 @p2 $0x1082  }
0x22: {  	[simem:s7], [sflag:s8] =	dma.local @!p0 [hbm:s6], $0xF7A  }
0x23: {  	s9 =	sor.u32 $0xD0000000, s2;
	s6 =	simm.s32 $0x108;
	_ =	swait.ge @!p0 [sflag:s8], $0x0  }
0x24: {  	s3 =	sadd.s32 $0x88, s3;
	s6 =	simm.s32 @!p1 $0x1082;
	[sflag:s4] =	ssyncset.s32 $0xFFFFF086  }
0x25: {  	[simem:s6], [sflag:s4] =	dma.local [hbm:s3], $0xF7A  }
0x26: {  	[smem:$0x3F9F] =	sst s1;
	(tag) =	ssettag s2;
	_ =	strace s9  }
0x27: {  	s1 =	sld [smem:$0x3FAF]  }
0x28: {  	s2 =	sld [smem:$0x3FB0]  }
0x29: {  	s4 =	sld [smem:$0x3FB2]  }
0x2a: {  	p0 =	seq.s32 s5, $0x0;
	s5 =	sld [smem:$0x3FB3]  }
0x2b: {  	s6 =	sld [smem:$0x3FB4]  }
0x2c: {  	s7 =	sld [smem:$0x3FB5]  }
0x2d: {  	s3 =	simm.s32 $0x108;
	s8 =	sld [smem:$0x3FB6]  }
0x2e: {  	s3 =	simm.s32 @!p0 $0x1082;
	s9 =	sld [smem:$0x3FB7]  }
0x2f: {  	lr =	sadd.s32 s0, s3;
	s0 =	sld [smem:$0x3FAE]  }
0x30: {  	s3 =	sld [smem:$0x3FB1]  }
0x31: {  	[smem:$0x3FBA] =	sst s10  }
0x32: {  	s10 =	sld [smem:$0x3FB8];
	_ =	sdelay $0x3  }
0x33: {  	p0 =	seq.s32 s10, $0x1;
	s10 =	sld [smem:$0x3FBA];
	_ =	sdelay $0x3  }
0x34: {  	[smem:$0x3FBA] =	sst s10  }
0x35: {  	s10 =	sld [smem:$0x3FB9];
	_ =	sdelay $0x3  }
0x36: {  	p1 =	seq.s32 s10, $0x1;
	s10 =	sld [smem:$0x3FBA];
	_ =	sdelay $0x3  }
0x37: {  	[smem:$0x3FBA] =	sst s10  }
0x38: {  	s10 =	sld [smem:$0x3FBB]  }
0x39: {  	_ = 	snop;
	(pc) =	sbr.ind lr, $3  }
0x3a: {  	_ = 	snop  }
0x3b: {  	_ = 	snop  }
0x3c: {  	p2 =	seq.s32 s10, $0x1;
	s10 =	sld [smem:$0x3FBA]  }
0x3d: {  	_ =	shalt  }
0x3e: {  	_ =	shalt  }
0x3f: {  	_ =	shalt  }
0x40: {  	_ =	shalt  }
0x41: {  	_ =	shalt  }
0x42: {  	_ =	shalt  }
0x43: {  	_ =	shalt  }
0x44: {  	_ =	shalt  }
0x45: {  	_ =	shalt  }
0x46: {  	_ =	shalt  }
0x47: {  	_ =	shalt  }
0x48: {  	_ =	shalt  }
0x49: {  	_ =	shalt  }
0x4a: {  	_ =	shalt  }
0x4b: {  	_ =	shalt  }
0x4c: {  	_ =	shalt  }
0x4d: {  	_ =	shalt  }
0x4e: {  	_ =	shalt  }
0x4f: {  	_ =	shalt  }
0x50: {  	_ =	shalt  }
0x51: {  	_ =	shalt  }
0x52: {  	_ =	shalt  }
0x53: {  	_ =	shalt  }
0x54: {  	_ =	shalt  }
0x55: {  	_ =	shalt  }
0x56: {  	_ =	shalt  }
0x57: {  	_ =	shalt  }
0x58: {  	_ =	shalt  }
0x59: {  	_ =	shalt  }
0x5a: {  	_ =	shalt  }
0x5b: {  	_ =	shalt  }
0x5c: {  	_ =	shalt  }
0x5d: {  	_ =	shalt  }
0x5e: {  	_ =	shalt  }
0x5f: {  	_ =	shalt  }
0x60: {  	_ =	shalt  }
0x61: {  	_ =	shalt  }
0x62: {  	_ =	shalt  }
0x63: {  	_ =	shalt  }
0x64: {  	_ =	shalt  }
0x65: {  	_ =	shalt  }
0x66: {  	_ =	shalt  }
0x67: {  	_ =	shalt  }
0x68: {  	_ =	shalt  }
0x69: {  	_ =	shalt  }
0x6a: {  	_ =	shalt  }
0x6b: {  	_ =	shalt  }
0x6c: {  	_ =	shalt  }
0x6d: {  	_ =	shalt  }
0x6e: {  	_ =	shalt  }
0x6f: {  	_ =	shalt  }
0x70: {  	_ =	shalt  }
0x71: {  	_ =	shalt  }
0x72: {  	_ =	shalt  }
0x73: {  	_ =	shalt  }
0x74: {  	_ =	shalt  }
0x75: {  	_ =	shalt  }
0x76: {  	_ =	shalt  }
0x77: {  	_ =	shalt  }
0x78: {  	_ =	shalt  }
0x79: {  	_ =	shalt  }
0x7a: {  	_ =	shalt  }
0x7b: {  	_ =	shalt  }
0x7c: {  	_ =	shalt  }
0x7d: {  	_ =	shalt  }
0x7e: {  	_ =	shalt  }
0x7f: {  	_ =	shalt  }
0x80: {  	_ =	shalt  }
0x81: {  	_ =	shalt  }
0x82: {  	_ =	shalt  }
0x83: {  	_ =	shalt  }
0x84: {  	_ =	shalt  }
0x85: {  	_ =	shalt  }
0x86: {  	_ =	shalt  }
0x87: {  	_ =	shalt  }
.Lfunc_end0:
.L_simem_size_0:
called_computation.1_lowered:
.L_overlay_start_0:
0x88: {  	s2 =	sld [smem:$0x3FD9]  }
0x89: {  	s3 =	sld [smem:$0x3FFE];
	_ =	sdelay $0x1  }
0x8a: {  	s1 =	srdreg.scid  }
0x8b: {  	s0 =	sand.u32 $0x1, s1  }
0x8c: {  	s16 =	sshll.u32 s0, $0xA;
	s2 =	sadd.s32 s3, s2  }
0x8d: {  	s2 =	sadd.s32 s2, s16  }
0x8e: {  	[smem:$0x3FC6] =	sst s2  }
0x8f: {  	_ = 	snop  }
0x90: {  	(tm) =	ssettm $0x1  }
0x91: {  	s17 =	sld [smem:$0x3FFB];
	_ =	sdelay $0x3  }
0x92: {  	_ =	strace s17  }
0x93: {  	s2 =	sld [smem:$0x3FFC];
	_ =	sdelay $0x3  }
0x94: {  	_ =	strace s2  }
0x95: {  	s2 =	sld [smem:$0x3FFD];
	_ =	sdelay $0x3  }
0x96: {  	_ =	strace s2  }
0x97: {  	_ =	strace $0x8FFFFFFF  }
0x98: {  	s18 =	sld [smem:$0x3FDB];
	_ =	sdelay $0x1  }
0x99: {  	s19 =	simm.s32 $_scs_section_size  }
0x9a: {  	s4 =	simm.s32 $_size__tile_overlayer_lowered;
	s5 =	simm.s32 $_tile_overlayer_lowered  }
0x9b: {  	s22 =	simm.s32 $0x1BFF;
	s21 =	sshll.u32 s5, $0x1;
	s2 =	sadd.s32 s19, s18  }
0x9c: {  	s6 =	simm.s32 $0x0;
	s20 =	sshll.u32 s4, $0x1;
	s4 =	sadd.s32 s21, s2  }
0x9d: {  	[timem:s6], [sflag:s22] =	dma.local [hbm:s4], s20  }
0x9e: {  	_ =	swait.ge [sflag:s22], s20  }
0x9f: {  	s3 =	ssub.s32 $0x0, s20;
	[sflag:s22] =	ssyncset.done $0x0  }
0xa0: {  	[sflag:s22] =	ssyncadd.s32 s3;
	_ =	sdelay $0x1  }
0xa1: {  	s23 =	simm.s32 $0x1B8B  }
0xa2: {  	_ =	swait.ge [sflag:s23], $0x1  }
0xa3: {  	[sflag:s23] =	ssyncset.done $0x0  }
0xa4: {  	s25 =	simm.s32 $0x1B8E;
	s24 =	sld [smem:$0x3FFE];
	[sflag:s23] =	ssyncadd.s32 $0xFFFFFFFF  }
0xa5: {  	s26 =	simm.s32 $execute0_lowered;
	[smem:$0x3FD2] =	sst s25  }
0xa6: {  	s4 =	sshll.u32 s26, $0x1;
	_ =	strace $0x80000049;
	[dreg:$0x1] =	wrdreg $0xFFFFFFFF  }
0xa7: {  	s28 =	simm.s32 $_size_execute0_lowered;
	s2 =	sadd.s32 s2, s4;
	[dreg:$0x0] =	wrdreg $0x0  }
0xa8: {  	s4 =	sshll.u32 s28, $0x1;
	[dreg:$0x2] =	wrdreg s2  }
0xa9: {  	[dreg:$0x3] =	wrdreg s4  }
0xaa: {  	[dreg:$0x4] =	wrdreg $0xC0  }
0xab: {  	_ =	task [dreg:s6], $0x5FFFF  }
0xac: {  	[dreg:$0x1] =	wrdreg $0xFFFFFFFF  }
0xad: {  	[dreg:$0x0] =	wrdreg $0x60  }
0xae: {  	[dreg:$0x2] =	wrdreg s24  }
0xaf: {  	[dreg:$0x3] =	wrdreg $0x9  }
0xb0: {  	_ =	task.clear_ibuf [dreg:s6], $0x4FFFF;
	_ =	strace $0x90000049  }
0xb1: {  	s29 =	simm.s32 $0x9;
	_ =	strace $0x8000004B  }
0xb2: {  	_ =	swait.ge [sflag:s29], $0x1  }
0xb3: {  	[sflag:s29] =	ssyncadd.s32 $0xFFFFFFFF  }
0xb4: {  	_ =	strace $0x9000004B  }
0xb5: {  	_ =	sfence  }
0xb6: {  	s30 =	sld [smem:$0x0];
	_ =	sdelay $0x2  }
0xb7: {  	s31 =	sshll.u32 s1, $0xD;
	s1 =	sshrl.u32 s1, $0x2  }
0xb8: {  	s3 =	sand.u32 $0x4000, s31;
	s1 =	sadd.s32 s1, s30  }
0xb9: {  	s0 =	sor.u32 s3, s0;
	s1 =	sshll.u32 s1, $0x11  }
0xba: {  	s0 =	sor.u32 s1, s0  }
0xbb: {  	s0 =	sadd.s32 $0x8F2B, s0  }
0xbc: {  	[sflag:s0] =	ssyncadd.remote.s32 $0x1  }
0xbd: {  	_ =	sfence.sel $0xFFFF  }
0xbe: {  	[dreg:$0x0] =	wrdreg $0xFFFFFFFF;
	(pc) =	sbr.abs _section_cstart, $3  }
0xbf: {  	[dreg:$0x1] =	wrdreg $0xFFFFFFFF  }
0xc0: {  	_ =	task.clear_ibuf [dreg:s6], $0x2FFFF;
	_ =	strace $0x9FFFFFFF  }
0xc1: {  	(tm) =	ssettm $0x7FFFFFFF  }
tec
execute0_lowered:
.L_overlay_start_1:
0x0: {  	(tag) =	ssettag $0x1  }
0x1: {  	s4 =	rddreg [dreg:$0x0];
	s1 =	srdreg.scid  }
0x2: {  	s0 =	rddreg [dreg:$0x1];
	s2 =	simm.s32 $0x0;
	s16 =	simm.s32 $0x8400  }
0x3: {  	s17 =	simm.s32 $0xC400;
	s18 =	simm.s32 $0x80;
	s19 =	simm.s32 $0x400  }
0x4: {  	s20 =	simm.s32 $0x10400;
	s21 =	simm.s32 $0x10800;
	s22 =	simm.s32 $0x0  }
0x5: {  	s5 =	sand.u32 $0x1, s1;
	s1 =	stileid.u32;
	[smem:$0x7FF] =	sst s2  }
0x6: {  	s11 =	sadd.s32 $0x63600, s4;
	s12 =	sadd.s32 $0x66600, s4;
	s3 =	sshll.u32 s5, $0x4  }
0x7: {  	_ =	strace $0x8000004A;
	s5 =	ssub.s32 $0x2, s5;
	s6 =	sor.u32 s1, s3  }
0x8: {  	s7 =	sshll.u32 s1, $0x7;
	s3 =	sshll.u32 s6, $0xC;
	s6 =	sshrl.u32 s6, $0x3  }
0x9: {  	s8 =	sshrl.u32 s5, $0x1;
	s7 =	sand.u32 $0x380, s7;
	s6 =	smul.u32 $0x6000, s6  }
0xa: {  	s13 =	ssub.s32 s5, s8;
	s10 =	sadd.s32 s3, s4;
	s3 =	sadd.s32 $0x63400, s4  }
0xb: {  	s13 =	smax.u32 s13, $0x1;
	s4 =	sadd.s32 $0x3400, s10;
	s9 =	sor.u32 s7, s6  }
0xc: {  	s6 =	sshrl.u32 s9, $0x3;
	s7 =	sadd.s32 $0x2000, s9;
	s15 =	sadd.s32 $0x4000, s9  }
0xd: {  	s5 =	sadd.s32 s11, s6;
	s6 =	sadd.s32 s12, s6;
	s14 =	sshrl.u32 s7, $0x3  }
0xe: {  	s7 =	sadd.s32 $0x23400, s10;
	s10 =	sadd.s32 $0x43400, s10;
	s31 =	sshrl.u32 s15, $0x3  }
0xf: {  	v0 =	vimm.s32 $0x0;
	v2 =	vlaneseq.u32;
	s15 =	simm.s32 $0x1;
	s8 =	sadd.s32 s11, s14;
	s9 =	sadd.s32 s12, s14  }
0x10: {  	v1 =	vimm.f32 $0.0e+00;
	v3 =	vimm.s32 $0x1;
	v2 =	vmul.u32 $0x400, v2;
	s11 =	sadd.s32 s11, s31;
	s12 =	sadd.s32 s12, s31;
	s14 =	simm.s32 $0x8000  }
.LBB2_1:
0x11: {  	[tilespmem:s14], [sflag:$0x1] =	stream.linear.gather [hbm4b:s3+s2], $0x400, $0x38;
	[tilespmem:$0x10C00] =	vst v63  }
0x12: {  	_ =	swait.ge [sflag:s15], $0x400  }
0x13: {  	[sflag:s15] =	ssyncset.done $0x0  }
0x14: {  	[sflag:s15] =	ssyncadd.s32 $0xFFFFFC00  }
0x15: {  	v4 =	vld [tilespmem:$0x8000];
	[tilespmem:s2], [sflag:$0x1] =	stream.linear.gather [hbm4b:s4+s2], $0x8000, $0x38  }
0x16: {  	_ =	swait.ge [sflag:s15], $0x8000  }
0x17: {  	[sflag:s15] =	ssyncset.done $0x0  }
0x18: {  	s23 =	simm.s32 $0x40;
	s24 =	simm.s32 $0x0;
	[sflag:s15] =	ssyncadd.s32 $0xFFFF8000  }
.LBB2_2:
0x19: {  	p0 =	seq.s32 s23, $0xFFC0;
	[tilespmem:s24+$0x8400] =	vst v0;
	s25 =	smov.u32 s23;
	s23 =	sadd.s32 $0x40, s23  }
.Ltmp0:
0x1a: {  	[tilespmem:s24+$0xC400] =	vst v1;
	(pc) =	sbr.rel @!p0 .LBB2_2-.Ltmp0, $2  }
0x1b: {  	_ =	sdelay $0x2  }
0x1c: {  	s24 =	sshra.s32 s25, $0x2  }
0x1d: {  	(v2sf) =	vpush v4, $0x0;
	_ =	sdelay $0xe  }
0x1e: {  	s23 =	spop (v2sf)  }
0x1f: {  	[tilespmem:s24+$0x8400] =	vst v0;
	s29 =	simm.s32 $0x0;
	s30 =	simm.s32 $0x0;
	s23 =	scvt.f32.s32 s23  }
0x20: {  	[tilespmem:s24+$0xC400] =	vst v1;
	s25 =	sand.u32 $0x7C00, s29;
	s24 =	sand.u32 $0x380, s30  }
0x21: {  	s24 =	sor.u32 s24, s25;
	v4 =	vmov s23;
	s23 =	sand.u32 $0x70, s29  }
0x22: {  	s23 =	sor.u32 s23, s24  }
0x23: {  	v5 =	vld [tilespmem:s23+$0x0];
	_ =	sdelay $0x4  }
0x24: {  	vm0 =	vlt.s32 v5, $0x0;
	v6 =	vxor.u32 $0x7FFFFFFF, v5  }
0x25: {  	v6 =	vsel vm0, v6, v5  }
0x26: {  	v7 =	vshra.s32 v6, $0x16  }
0x27: {  	v6 =	vshrl.u32 v6, $0xC;
	v7 =	vadd.s32 $0x200, v7  }
0x28: {  	v6 =	vand.u32 $0x3FF, v6;
	vm0 =	veq.s32 v7, v4  }
0x29: {  	v6 =	vor.u32 v2, v6;
	_ =	sdelay $0x1  }
0x2a: {  	s31 =	simm.s32 $0x0  }
0x2b: {  	s28 =	sand.u32 $0x380, s31;
	s24 =	simm.s32 $0x80  }
0x2c: {  	s25 =	simm.s32 $0x2;
	s23 =	simm.s32 $0x10;
	s26 =	sand.u32 $0x7C00, s24  }
.LBB2_4:
0x2d: {  	p0 =	sne.s32 s25, $0x7FF;
	s29 =	sand.u32 $0x70, s23;
	s26 =	sor.u32 s28, s26;
	[tilespmem:v6+s16+$0x0] =	vst.idx.add.s32.msk vm0, v3  }
0x2e: {  	s26 =	sor.u32 s29, s26;
	[tilespmem:v6+s17+$0x0] =	vst.idx.add.f32.msk vm0, v5  }
0x2f: {  	v5 =	vld [tilespmem:s26+$0x0];
	_ =	sdelay $0x4  }
0x30: {  	vm0 =	vlt.s32 v5, $0x0;
	v6 =	vxor.u32 $0x7FFFFFFF, v5  }
0x31: {  	v6 =	vsel vm0, v6, v5  }
0x32: {  	v7 =	vshra.s32 v6, $0x16  }
0x33: {  	v6 =	vshrl.u32 v6, $0xC;
	v7 =	vadd.s32 $0x200, v7  }
0x34: {  	v6 =	vand.u32 $0x3FF, v6;
	vm0 =	veq.s32 v7, v4  }
.Ltmp1:
0x35: {  	v6 =	vor.u32 v2, v6;
	(pc) =	sbr.rel @p0 .LBB2_4-.Ltmp1, $3  }
0x36: {  	_ =	sdelay $0x1  }
0x37: {  	s28 =	sshrl.u32 s25, $0x1;
	s24 =	sadd.s32 $0x80, s24;
	s23 =	sadd.s32 $0x10, s23  }
0x38: {  	s25 =	sadd.s32 $0x1, s25;
	s28 =	sand.u32 $0x380, s28;
	s26 =	sand.u32 $0x7C00, s24  }
0x39: {  	_ =	sdelay $0x4  }
0x3a: {  	s23 =	sand.u32 $0x70, s23;
	s24 =	sor.u32 s28, s26;
	[tilespmem:v6+s16+$0x0] =	vst.idx.add.s32.msk vm0, v3  }
0x3b: {  	s23 =	sor.u32 s23, s24;
	[tilespmem:v6+s17+$0x0] =	vst.idx.add.f32.msk vm0, v5  }
0x3c: {  	v5 =	vld [tilespmem:s23+$0x0];
	_ =	sdelay $0x4  }
0x3d: {  	vm14 =	vlt.s32 v5, $0x0;
	v6 =	vxor.u32 $0x7FFFFFFF, v5  }
0x3e: {  	v6 =	vsel vm14, v6, v5  }
0x3f: {  	v7 =	vshra.s32 v6, $0x16  }
0x40: {  	v6 =	vshrl.u32 v6, $0xC;
	v7 =	vadd.s32 $0x200, v7  }
0x41: {  	vm15 =	veq.s32 v7, v4;
	v4 =	vand.u32 $0x3FF, v6  }
0x42: {  	v4 =	vor.u32 v2, v4;
	_ =	sdelay $0x4  }
0x43: {  	[tilespmem:v4+s16+$0x0] =	vst.idx.add.s32.msk vm15, v3  }
0x44: {  	s23 =	simm.s32 $0x0;
	[tilespmem:v4+s17+$0x0] =	vst.idx.add.f32.msk vm15, v5  }
0x45: {  	v4 =	vld [tilespmem:s23+$0xC400]  }
0x46: {  	v5 =	vld [tilespmem:s23+$0xC800]  }
0x47: {  	v6 =	vld [tilespmem:s23+$0x8400]  }
0x48: {  	v7 =	vld [tilespmem:s23+$0xCC00]  }
0x49: {  	v8 =	vld [tilespmem:s23+$0x8800]  }
0x4a: {  	v9 =	vld [tilespmem:s23+$0xD000]  }
0x4b: {  	v10 =	vld [tilespmem:s23+$0xD400];
	v4 =	vadd.f32 v5, v4  }
0x4c: {  	v11 =	vld [tilespmem:s23+$0xD800]  }
0x4d: {  	v12 =	vld [tilespmem:s23+$0xDC00];
	v4 =	vadd.f32 v7, v4  }
0x4e: {  	v13 =	vld [tilespmem:s23+$0xE000]  }
0x4f: {  	v14 =	vld [tilespmem:s23+$0xE400];
	v4 =	vadd.f32 v9, v4  }
0x50: {  	v60 =	vld [tilespmem:s23+$0xA000]  }
0x51: {  	v15 =	vld [tilespmem:s23+$0xE800];
	v4 =	vadd.f32 v10, v4  }
0x52: {  	v61 =	vld [tilespmem:s23+$0xA400]  }
0x53: {  	v16 =	vld [tilespmem:s23+$0xEC00];
	v4 =	vadd.f32 v11, v4  }
0x54: {  	v62 =	vld [tilespmem:s23+$0xA800]  }
0x55: {  	v5 =	vld [tilespmem:s23+$0x8C00];
	v4 =	vadd.f32 v12, v4  }
0x56: {  	v6 =	vadd.s32 v6, v8;
	v8 =	vld [tilespmem:s23+$0xF000]  }
0x57: {  	v7 =	vld [tilespmem:s23+$0x9000];
	v4 =	vadd.f32 v13, v4  }
0x58: {  	v9 =	vld [tilespmem:s23+$0x9400]  }
0x59: {  	v10 =	vld [tilespmem:s23+$0x9800];
	v4 =	vadd.f32 v14, v4  }
0x5a: {  	v11 =	vld [tilespmem:s23+$0x9C00]  }
0x5b: {  	v63 =	vld [tilespmem:s23+$0xFC00];
	v5 =	vadd.s32 v5, v6;
	v4 =	vadd.f32 v15, v4  }
0x5c: {  	v5 =	vadd.s32 v7, v5;
	v7 =	vld [tilespmem:s23+$0xF400]  }
0x5d: {  	v6 =	vld [tilespmem:s23+$0xAC00];
	v5 =	vadd.s32 v9, v5;
	v4 =	vadd.f32 v16, v4  }
0x5e: {  	v5 =	vadd.s32 v10, v5;
	v10 =	vld [tilespmem:s23+$0xF800]  }
0x5f: {  	v9 =	vld [tilespmem:s23+$0xB000];
	v5 =	vadd.s32 v11, v5;
	v4 =	vadd.f32 v8, v4  }
0x60: {  	v11 =	vld [tilespmem:s23+$0xB400];
	v5 =	vadd.s32 v60, v5  }
0x61: {  	v8 =	vadd.s32 v61, v5;
	v5 =	vld [tilespmem:s23+$0xB800];
	v4 =	vadd.f32 v7, v4  }
0x62: {  	v8 =	vadd.s32 v62, v8;
	v7 =	vld [tilespmem:s23+$0x10000]  }
0x63: {  	v8 =	vadd.s32 v6, v8;
	v6 =	vld [tilespmem:s23+$0xBC00];
	v10 =	vadd.f32 v10, v4  }
0x64: {  	s25 =	simm.s32 $0x10;
	v4 =	vadd.s32 v9, v8;
	v8 =	vld [tilespmem:s23+$0xC000]  }
0x65: {  	s24 =	simm.s32 $0x80;
	v9 =	vadd.s32 v11, v4;
	v4 =	vld [tilespmem:s25+$0xC400];
	v10 =	vadd.f32 v63, v10  }
.LBB2_6:
0x66: {  	p0 =	sne.s32 s24, $0xFC0;
	v11 =	vld [tilespmem:s25+$0xC800];
	v5 =	vadd.s32 v5, v9  }
0x67: {  	v9 =	vld [tilespmem:s25+$0x8400];
	v7 =	vadd.f32 v7, v10  }
0x68: {  	v10 =	vld [tilespmem:s25+$0xCC00];
	v5 =	vadd.s32 v6, v5  }
0x69: {  	v6 =	vld [tilespmem:s25+$0x8800];
	v5 =	vadd.s32 v8, v5;
	[tilespmem:s23+$0x10800] =	vst v7  }
0x6a: {  	v7 =	vld [tilespmem:s25+$0xD000];
	[tilespmem:s23+$0x10400] =	vst v5;
	s23 =	smov.u32 s25  }
0x6b: {  	v4 =	vadd.f32 v11, v4;
	v5 =	vld [tilespmem:s23+$0x8C00]  }
0x6c: {  	v8 =	vld [tilespmem:s23+$0xD400]  }
0x6d: {  	v4 =	vadd.f32 v10, v4;
	v10 =	vld [tilespmem:s23+$0x9000]  }
0x6e: {  	v6 =	vadd.s32 v9, v6;
	v9 =	vld [tilespmem:s23+$0xD800]  }
0x6f: {  	v4 =	vadd.f32 v7, v4;
	v7 =	vld [tilespmem:s23+$0x9400]  }
0x70: {  	v5 =	vadd.s32 v5, v6;
	v6 =	vld [tilespmem:s23+$0xDC00]  }
0x71: {  	v4 =	vadd.f32 v8, v4;
	v8 =	vld [tilespmem:s23+$0x9800]  }
0x72: {  	v5 =	vadd.s32 v10, v5;
	v10 =	vld [tilespmem:s23+$0xE000]  }
0x73: {  	v4 =	vadd.f32 v9, v4;
	v9 =	vld [tilespmem:s23+$0x9C00]  }
0x74: {  	v5 =	vadd.s32 v7, v5;
	v7 =	vld [tilespmem:s23+$0xE400]  }
0x75: {  	v4 =	vadd.f32 v6, v4;
	v6 =	vld [tilespmem:s23+$0xA000]  }
0x76: {  	v5 =	vadd.s32 v8, v5;
	v8 =	vld [tilespmem:s23+$0xE800]  }
0x77: {  	v4 =	vadd.f32 v10, v4;
	v10 =	vld [tilespmem:s23+$0xA400]  }
0x78: {  	v5 =	vadd.s32 v9, v5;
	v9 =	vld [tilespmem:s23+$0xEC00]  }
0x79: {  	v4 =	vadd.f32 v7, v4;
	v7 =	vld [tilespmem:s23+$0xA800]  }
0x7a: {  	v5 =	vadd.s32 v6, v5;
	v6 =	vld [tilespmem:s23+$0xF000]  }
0x7b: {  	v4 =	vadd.f32 v8, v4;
	v8 =	vld [tilespmem:s23+$0xAC00]  }
0x7c: {  	v5 =	vadd.s32 v10, v5;
	v10 =	vld [tilespmem:s23+$0xF400]  }
0x7d: {  	v4 =	vadd.f32 v9, v4;
	v9 =	vld [tilespmem:s23+$0xB000]  }
0x7e: {  	v5 =	vadd.s32 v7, v5;
	v11 =	vld [tilespmem:s23+$0xF800]  }
0x7f: {  	v4 =	vadd.f32 v6, v4;
	v12 =	vld [tilespmem:s23+$0xB400]  }
0x80: {  	v6 =	vadd.s32 v8, v5;
	v13 =	vld [tilespmem:s23+$0xFC00]  }
.Ltmp2:
0x81: {  	v4 =	vadd.f32 v10, v4;
	v5 =	vld [tilespmem:s23+$0xB800];
	(pc) =	sbr.rel @p0 .LBB2_6-.Ltmp2, $4  }
0x82: {  	v8 =	vadd.s32 v9, v6;
	v7 =	vld [tilespmem:s23+$0x10000]  }
0x83: {  	v10 =	vadd.f32 v11, v4;
	v6 =	vld [tilespmem:s23+$0xBC00]  }
0x84: {  	s25 =	sshra.s32 s24, $0x2;
	v9 =	vadd.s32 v12, v8;
	v8 =	vld [tilespmem:s23+$0xC000]  }
0x85: {  	s24 =	sadd.s32 $0x40, s24;
	v4 =	vld [tilespmem:s25+$0xC400];
	v10 =	vadd.f32 v13, v10  }
0x86: {  	v11 =	vld [tilespmem:s25+$0xC800]  }
0x87: {  	v12 =	vld [tilespmem:s25+$0x8400];
	v5 =	vadd.s32 v5, v9;
	v7 =	vadd.f32 v7, v10  }
0x88: {  	v48 =	vld [tilespmem:s25+$0xCC00];
	v5 =	vadd.s32 v6, v5  }
0x89: {  	v49 =	vld [tilespmem:s25+$0x8800];
	[tilespmem:s23+$0x10800] =	vst v7;
	v5 =	vadd.s32 v8, v5  }
0x8a: {  	v6 =	vld [tilespmem:s25+$0xD000];
	[tilespmem:s23+$0x10400] =	vst v5  }
0x8b: {  	v4 =	vadd.f32 v11, v4;
	v5 =	vld [tilespmem:s25+$0x8C00]  }
0x8c: {  	v7 =	vld [tilespmem:s25+$0xD400]  }
0x8d: {  	v50 =	vld [tilespmem:s25+$0x9000];
	v4 =	vadd.f32 v48, v4  }
0x8e: {  	v51 =	vld [tilespmem:s25+$0xD800]  }
0x8f: {  	v52 =	vld [tilespmem:s25+$0xDC00];
	v4 =	vadd.f32 v6, v4  }
0x90: {  	v13 =	vld [tilespmem:s25+$0xE000]  }
0x91: {  	v53 =	vld [tilespmem:s25+$0x9C00];
	v4 =	vadd.f32 v7, v4  }
0x92: {  	v14 =	vld [tilespmem:s25+$0xE400]  }
0x93: {  	v54 =	vld [tilespmem:s25+$0xA000];
	v4 =	vadd.f32 v51, v4  }
0x94: {  	v15 =	vld [tilespmem:s25+$0xE800]  }
0x95: {  	v55 =	vld [tilespmem:s25+$0xA400];
	v4 =	vadd.f32 v52, v4  }
0x96: {  	v16 =	vld [tilespmem:s25+$0xEC00]  }
0x97: {  	v56 =	vld [tilespmem:s25+$0xA800];
	v4 =	vadd.f32 v13, v4  }
0x98: {  	v17 =	vld [tilespmem:s25+$0xF000]  }
0x99: {  	v6 =	vld [tilespmem:s25+$0x9400];
	v4 =	vadd.f32 v14, v4  }
0x9a: {  	v7 =	vld [tilespmem:s25+$0x9800]  }
0x9b: {  	v9 =	vadd.s32 v12, v49;
	v57 =	vld [tilespmem:s25+$0xAC00];
	v4 =	vadd.f32 v15, v4  }
0x9c: {  	v58 =	vld [tilespmem:s25+$0xF400];
	v5 =	vadd.s32 v5, v9  }
0x9d: {  	v59 =	vld [tilespmem:s25+$0xB000];
	v5 =	vadd.s32 v50, v5;
	v4 =	vadd.f32 v16, v4  }
0x9e: {  	v5 =	vadd.s32 v6, v5;
	v6 =	vld [tilespmem:s25+$0xF800]  }
0x9f: {  	v60 =	vld [tilespmem:s25+$0xFC00];
	v5 =	vadd.s32 v7, v5;
	v4 =	vadd.f32 v17, v4  }
0xa0: {  	v61 =	vld [tilespmem:s25+$0xB800];
	v5 =	vadd.s32 v53, v5  }
0xa1: {  	v7 =	vld [tilespmem:s25+$0xB400];
	v5 =	vadd.s32 v54, v5;
	v4 =	vadd.f32 v58, v4  }
0xa2: {  	v62 =	vld [tilespmem:s25+$0x10000];
	v5 =	vadd.s32 v55, v5  }
0xa3: {  	v5 =	vadd.s32 v56, v5;
	v4 =	vadd.f32 v6, v4;
	v6 =	vld [tilespmem:s25+$0xBC00]  }
0xa4: {  	v63 =	vld [tilespmem:s25+$0xC000];
	v5 =	vadd.s32 v57, v5  }
0xa5: {  	v5 =	vadd.s32 v59, v5;
	v4 =	vadd.f32 v60, v4  }
0xa6: {  	v5 =	vadd.s32 v7, v5  }
0xa7: {  	v5 =	vadd.s32 v61, v5;
	v4 =	vadd.f32 v62, v4  }
0xa8: {  	v5 =	vadd.s32 v6, v5  }
0xa9: {  	v5 =	vadd.s32 v63, v5;
	[tilespmem:s25+$0x10800] =	vst v4  }
0xaa: {  	[tilespmem:s25+$0x10400] =	vst v5  }
0xab: {  	[hbm4b:s5+s18] =	stream.strided.scatter [tilespmem:s20], [sflag:$0x1], $0x400, s19, s18, $0x38;
	[tilespmem:$0x10C00] =	vst v63  }
0xac: {  	_ =	swait.ge [sflag:s15], $0x400  }
0xad: {  	[sflag:s15] =	ssyncset.done $0x0  }
0xae: {  	[sflag:s15] =	ssyncadd.s32 $0xFFFFFC00  }
0xaf: {  	[hbm4b:s6+s18] =	stream.strided.scatter [tilespmem:s21], [sflag:$0x1], $0x400, s19, s18, $0x38;
	[tilespmem:$0x10C00] =	vst v63  }
0xb0: {  	_ =	swait.ge [sflag:s15], $0x400  }
0xb1: {  	[sflag:s15] =	ssyncset.done $0x0  }
0xb2: {  	s31 =	simm.s32 $0x0;
	[sflag:s15] =	ssyncadd.s32 $0xFFFFFC00  }
0xb3: {  	v4 =	vld [tilespmem:$0x8080];
	[tilespmem:s31], [sflag:$0x1] =	stream.linear.gather [hbm4b:s7+s31], $0x8000, $0x38  }
0xb4: {  	_ =	swait.ge [sflag:s15], $0x8000  }
0xb5: {  	[sflag:s15] =	ssyncset.done $0x0  }
0xb6: {  	s24 =	simm.s32 $0x0;
	s23 =	simm.s32 $0x40;
	[sflag:s15] =	ssyncadd.s32 $0xFFFF8000  }
.LBB2_8:
0xb7: {  	p0 =	seq.s32 s23, $0xFFC0;
	[tilespmem:s24+$0x8400] =	vst v0;
	s25 =	smov.u32 s23;
	s23 =	sadd.s32 $0x40, s23  }
.Ltmp3:
0xb8: {  	[tilespmem:s24+$0xC400] =	vst v1;
	(pc) =	sbr.rel @!p0 .LBB2_8-.Ltmp3, $2  }
0xb9: {  	_ =	sdelay $0x2  }
0xba: {  	s24 =	sshra.s32 s25, $0x2  }
0xbb: {  	(v2sf) =	vpush v4, $0x0;
	_ =	sdelay $0xe  }
0xbc: {  	s23 =	spop (v2sf)  }
0xbd: {  	[tilespmem:s24+$0x8400] =	vst v0;
	s29 =	simm.s32 $0x0;
	s30 =	simm.s32 $0x0;
	s23 =	scvt.f32.s32 s23  }
0xbe: {  	[tilespmem:s24+$0xC400] =	vst v1;
	s25 =	sand.u32 $0x7C00, s29;
	s24 =	sand.u32 $0x380, s30  }
0xbf: {  	s24 =	sor.u32 s24, s25;
	v4 =	vmov s23;
	s23 =	sand.u32 $0x70, s29  }
0xc0: {  	s23 =	sor.u32 s23, s24  }
0xc1: {  	v5 =	vld [tilespmem:s23+$0x0];
	_ =	sdelay $0x4  }
0xc2: {  	vm0 =	vlt.s32 v5, $0x0;
	v6 =	vxor.u32 $0x7FFFFFFF, v5  }
0xc3: {  	v6 =	vsel vm0, v6, v5  }
0xc4: {  	v7 =	vshra.s32 v6, $0x16  }
0xc5: {  	v6 =	vshrl.u32 v6, $0xC;
	v7 =	vadd.s32 $0x200, v7  }
0xc6: {  	v6 =	vand.u32 $0x3FF, v6;
	vm0 =	veq.s32 v7, v4  }
0xc7: {  	v6 =	vor.u32 v2, v6;
	_ =	sdelay $0x1  }
0xc8: {  	s31 =	simm.s32 $0x0  }
0xc9: {  	s28 =	sand.u32 $0x380, s31;
	s24 =	simm.s32 $0x80  }
0xca: {  	s25 =	simm.s32 $0x2;
	s23 =	simm.s32 $0x10;
	s26 =	sand.u32 $0x7C00, s24  }
.LBB2_10:
0xcb: {  	p0 =	sne.s32 s25, $0x7FF;
	s29 =	sand.u32 $0x70, s23;
	s26 =	sor.u32 s28, s26;
	[tilespmem:v6+s16+$0x0] =	vst.idx.add.s32.msk vm0, v3  }
0xcc: {  	s26 =	sor.u32 s29, s26;
	[tilespmem:v6+s17+$0x0] =	vst.idx.add.f32.msk vm0, v5  }
0xcd: {  	v5 =	vld [tilespmem:s26+$0x0];
	_ =	sdelay $0x4  }
0xce: {  	vm0 =	vlt.s32 v5, $0x0;
	v6 =	vxor.u32 $0x7FFFFFFF, v5  }
0xcf: {  	v6 =	vsel vm0, v6, v5  }
0xd0: {  	v7 =	vshra.s32 v6, $0x16  }
0xd1: {  	v6 =	vshrl.u32 v6, $0xC;
	v7 =	vadd.s32 $0x200, v7  }
0xd2: {  	v6 =	vand.u32 $0x3FF, v6;
	vm0 =	veq.s32 v7, v4  }
.Ltmp4:
0xd3: {  	v6 =	vor.u32 v2, v6;
	(pc) =	sbr.rel @p0 .LBB2_10-.Ltmp4, $3  }
0xd4: {  	_ =	sdelay $0x1  }
0xd5: {  	s28 =	sshrl.u32 s25, $0x1;
	s24 =	sadd.s32 $0x80, s24;
	s23 =	sadd.s32 $0x10, s23  }
0xd6: {  	s25 =	sadd.s32 $0x1, s25;
	s28 =	sand.u32 $0x380, s28;
	s26 =	sand.u32 $0x7C00, s24  }
0xd7: {  	_ =	sdelay $0x4  }
0xd8: {  	s23 =	sand.u32 $0x70, s23;
	s24 =	sor.u32 s28, s26;
	[tilespmem:v6+s16+$0x0] =	vst.idx.add.s32.msk vm0, v3  }
0xd9: {  	s23 =	sor.u32 s23, s24;
	[tilespmem:v6+s17+$0x0] =	vst.idx.add.f32.msk vm0, v5  }
0xda: {  	v5 =	vld [tilespmem:s23+$0x0];
	_ =	sdelay $0x4  }
0xdb: {  	vm14 =	vlt.s32 v5, $0x0;
	v6 =	vxor.u32 $0x7FFFFFFF, v5  }
0xdc: {  	v6 =	vsel vm14, v6, v5  }
0xdd: {  	v7 =	vshra.s32 v6, $0x16  }
0xde: {  	v6 =	vshrl.u32 v6, $0xC;
	v7 =	vadd.s32 $0x200, v7  }
0xdf: {  	vm15 =	veq.s32 v7, v4;
	v4 =	vand.u32 $0x3FF, v6  }
0xe0: {  	v4 =	vor.u32 v2, v4;
	_ =	sdelay $0x4  }
0xe1: {  	[tilespmem:v4+s16+$0x0] =	vst.idx.add.s32.msk vm15, v3  }
0xe2: {  	s23 =	simm.s32 $0x0;
	[tilespmem:v4+s17+$0x0] =	vst.idx.add.f32.msk vm15, v5  }
0xe3: {  	v4 =	vld [tilespmem:s23+$0xC400]  }
0xe4: {  	v5 =	vld [tilespmem:s23+$0xC800]  }
0xe5: {  	v6 =	vld [tilespmem:s23+$0x8400]  }
0xe6: {  	v7 =	vld [tilespmem:s23+$0xCC00]  }
0xe7: {  	v8 =	vld [tilespmem:s23+$0x8800]  }
0xe8: {  	v9 =	vld [tilespmem:s23+$0xD000]  }
0xe9: {  	v10 =	vld [tilespmem:s23+$0xD400];
	v4 =	vadd.f32 v5, v4  }
0xea: {  	v11 =	vld [tilespmem:s23+$0xD800]  }
0xeb: {  	v12 =	vld [tilespmem:s23+$0xDC00];
	v4 =	vadd.f32 v7, v4  }
0xec: {  	v13 =	vld [tilespmem:s23+$0xE000]  }
0xed: {  	v14 =	vld [tilespmem:s23+$0xE400];
	v4 =	vadd.f32 v9, v4  }
0xee: {  	v60 =	vld [tilespmem:s23+$0xA000]  }
0xef: {  	v15 =	vld [tilespmem:s23+$0xE800];
	v4 =	vadd.f32 v10, v4  }
0xf0: {  	v61 =	vld [tilespmem:s23+$0xA400]  }
0xf1: {  	v16 =	vld [tilespmem:s23+$0xEC00];
	v4 =	vadd.f32 v11, v4  }
0xf2: {  	v62 =	vld [tilespmem:s23+$0xA800]  }
0xf3: {  	v5 =	vld [tilespmem:s23+$0x8C00];
	v4 =	vadd.f32 v12, v4  }
0xf4: {  	v6 =	vadd.s32 v6, v8;
	v8 =	vld [tilespmem:s23+$0xF000]  }
0xf5: {  	v7 =	vld [tilespmem:s23+$0x9000];
	v4 =	vadd.f32 v13, v4  }
0xf6: {  	v9 =	vld [tilespmem:s23+$0x9400]  }
0xf7: {  	v10 =	vld [tilespmem:s23+$0x9800];
	v4 =	vadd.f32 v14, v4  }
0xf8: {  	v11 =	vld [tilespmem:s23+$0x9C00]  }
0xf9: {  	v63 =	vld [tilespmem:s23+$0xFC00];
	v5 =	vadd.s32 v5, v6;
	v4 =	vadd.f32 v15, v4  }
0xfa: {  	v5 =	vadd.s32 v7, v5;
	v7 =	vld [tilespmem:s23+$0xF400]  }
0xfb: {  	v6 =	vld [tilespmem:s23+$0xAC00];
	v5 =	vadd.s32 v9, v5;
	v4 =	vadd.f32 v16, v4  }
0xfc: {  	v5 =	vadd.s32 v10, v5;
	v10 =	vld [tilespmem:s23+$0xF800]  }
0xfd: {  	v9 =	vld [tilespmem:s23+$0xB000];
	v5 =	vadd.s32 v11, v5;
	v4 =	vadd.f32 v8, v4  }
0xfe: {  	v11 =	vld [tilespmem:s23+$0xB400];
	v5 =	vadd.s32 v60, v5  }
0xff: {  	v8 =	vadd.s32 v61, v5;
	v5 =	vld [tilespmem:s23+$0xB800];
	v4 =	vadd.f32 v7, v4  }
0x100: {  	v8 =	vadd.s32 v62, v8;
	v7 =	vld [tilespmem:s23+$0x10000]  }
0x101: {  	v8 =	vadd.s32 v6, v8;
	v6 =	vld [tilespmem:s23+$0xBC00];
	v10 =	vadd.f32 v10, v4  }
0x102: {  	s25 =	simm.s32 $0x10;
	v4 =	vadd.s32 v9, v8;
	v8 =	vld [tilespmem:s23+$0xC000]  }
0x103: {  	s24 =	simm.s32 $0x80;
	v9 =	vadd.s32 v11, v4;
	v4 =	vld [tilespmem:s25+$0xC400];
	v10 =	vadd.f32 v63, v10  }
.LBB2_12:
0x104: {  	p0 =	sne.s32 s24, $0xFC0;
	v11 =	vld [tilespmem:s25+$0xC800];
	v5 =	vadd.s32 v5, v9  }
0x105: {  	v9 =	vld [tilespmem:s25+$0x8400];
	v7 =	vadd.f32 v7, v10  }
0x106: {  	v10 =	vld [tilespmem:s25+$0xCC00];
	v5 =	vadd.s32 v6, v5  }
0x107: {  	v6 =	vld [tilespmem:s25+$0x8800];
	v5 =	vadd.s32 v8, v5;
	[tilespmem:s23+$0x10800] =	vst v7  }
0x108: {  	v7 =	vld [tilespmem:s25+$0xD000];
	[tilespmem:s23+$0x10400] =	vst v5;
	s23 =	smov.u32 s25  }
0x109: {  	v4 =	vadd.f32 v11, v4;
	v5 =	vld [tilespmem:s23+$0x8C00]  }
0x10a: {  	v8 =	vld [tilespmem:s23+$0xD400]  }
0x10b: {  	v4 =	vadd.f32 v10, v4;
	v10 =	vld [tilespmem:s23+$0x9000]  }
0x10c: {  	v6 =	vadd.s32 v9, v6;
	v9 =	vld [tilespmem:s23+$0xD800]  }
0x10d: {  	v4 =	vadd.f32 v7, v4;
	v7 =	vld [tilespmem:s23+$0x9400]  }
0x10e: {  	v5 =	vadd.s32 v5, v6;
	v6 =	vld [tilespmem:s23+$0xDC00]  }
0x10f: {  	v4 =	vadd.f32 v8, v4;
	v8 =	vld [tilespmem:s23+$0x9800]  }
0x110: {  	v5 =	vadd.s32 v10, v5;
	v10 =	vld [tilespmem:s23+$0xE000]  }
0x111: {  	v4 =	vadd.f32 v9, v4;
	v9 =	vld [tilespmem:s23+$0x9C00]  }
0x112: {  	v5 =	vadd.s32 v7, v5;
	v7 =	vld [tilespmem:s23+$0xE400]  }
0x113: {  	v4 =	vadd.f32 v6, v4;
	v6 =	vld [tilespmem:s23+$0xA000]  }
0x114: {  	v5 =	vadd.s32 v8, v5;
	v8 =	vld [tilespmem:s23+$0xE800]  }
0x115: {  	v4 =	vadd.f32 v10, v4;
	v10 =	vld [tilespmem:s23+$0xA400]  }
0x116: {  	v5 =	vadd.s32 v9, v5;
	v9 =	vld [tilespmem:s23+$0xEC00]  }
0x117: {  	v4 =	vadd.f32 v7, v4;
	v7 =	vld [tilespmem:s23+$0xA800]  }
0x118: {  	v5 =	vadd.s32 v6, v5;
	v6 =	vld [tilespmem:s23+$0xF000]  }
0x119: {  	v4 =	vadd.f32 v8, v4;
	v8 =	vld [tilespmem:s23+$0xAC00]  }
0x11a: {  	v5 =	vadd.s32 v10, v5;
	v10 =	vld [tilespmem:s23+$0xF400]  }
0x11b: {  	v4 =	vadd.f32 v9, v4;
	v9 =	vld [tilespmem:s23+$0xB000]  }
0x11c: {  	v5 =	vadd.s32 v7, v5;
	v11 =	vld [tilespmem:s23+$0xF800]  }
0x11d: {  	v4 =	vadd.f32 v6, v4;
	v12 =	vld [tilespmem:s23+$0xB400]  }
0x11e: {  	v6 =	vadd.s32 v8, v5;
	v13 =	vld [tilespmem:s23+$0xFC00]  }
.Ltmp5:
0x11f: {  	v4 =	vadd.f32 v10, v4;
	v5 =	vld [tilespmem:s23+$0xB800];
	(pc) =	sbr.rel @p0 .LBB2_12-.Ltmp5, $4  }
0x120: {  	v8 =	vadd.s32 v9, v6;
	v7 =	vld [tilespmem:s23+$0x10000]  }
0x121: {  	v10 =	vadd.f32 v11, v4;
	v6 =	vld [tilespmem:s23+$0xBC00]  }
0x122: {  	s25 =	sshra.s32 s24, $0x2;
	v9 =	vadd.s32 v12, v8;
	v8 =	vld [tilespmem:s23+$0xC000]  }
0x123: {  	s24 =	sadd.s32 $0x40, s24;
	v4 =	vld [tilespmem:s25+$0xC400];
	v10 =	vadd.f32 v13, v10  }
0x124: {  	v11 =	vld [tilespmem:s25+$0xC800]  }
0x125: {  	v12 =	vld [tilespmem:s25+$0x8400];
	v5 =	vadd.s32 v5, v9;
	v7 =	vadd.f32 v7, v10  }
0x126: {  	v48 =	vld [tilespmem:s25+$0xCC00];
	v5 =	vadd.s32 v6, v5  }
0x127: {  	v49 =	vld [tilespmem:s25+$0x8800];
	[tilespmem:s23+$0x10800] =	vst v7;
	v5 =	vadd.s32 v8, v5  }
0x128: {  	v6 =	vld [tilespmem:s25+$0xD000];
	[tilespmem:s23+$0x10400] =	vst v5  }
0x129: {  	v4 =	vadd.f32 v11, v4;
	v5 =	vld [tilespmem:s25+$0x8C00]  }
0x12a: {  	v7 =	vld [tilespmem:s25+$0xD400]  }
0x12b: {  	v50 =	vld [tilespmem:s25+$0x9000];
	v4 =	vadd.f32 v48, v4  }
0x12c: {  	v51 =	vld [tilespmem:s25+$0xD800]  }
0x12d: {  	v52 =	vld [tilespmem:s25+$0xDC00];
	v4 =	vadd.f32 v6, v4  }
0x12e: {  	v13 =	vld [tilespmem:s25+$0xE000]  }
0x12f: {  	v53 =	vld [tilespmem:s25+$0x9C00];
	v4 =	vadd.f32 v7, v4  }
0x130: {  	v14 =	vld [tilespmem:s25+$0xE400]  }
0x131: {  	v54 =	vld [tilespmem:s25+$0xA000];
	v4 =	vadd.f32 v51, v4  }
0x132: {  	v15 =	vld [tilespmem:s25+$0xE800]  }
0x133: {  	v55 =	vld [tilespmem:s25+$0xA400];
	v4 =	vadd.f32 v52, v4  }
0x134: {  	v16 =	vld [tilespmem:s25+$0xEC00]  }
0x135: {  	v56 =	vld [tilespmem:s25+$0xA800];
	v4 =	vadd.f32 v13, v4  }
0x136: {  	v17 =	vld [tilespmem:s25+$0xF000]  }
0x137: {  	v6 =	vld [tilespmem:s25+$0x9400];
	v4 =	vadd.f32 v14, v4  }
0x138: {  	v7 =	vld [tilespmem:s25+$0x9800]  }
0x139: {  	v9 =	vadd.s32 v12, v49;
	v57 =	vld [tilespmem:s25+$0xAC00];
	v4 =	vadd.f32 v15, v4  }
0x13a: {  	v58 =	vld [tilespmem:s25+$0xF400];
	v5 =	vadd.s32 v5, v9  }
0x13b: {  	v59 =	vld [tilespmem:s25+$0xB000];
	v5 =	vadd.s32 v50, v5;
	v4 =	vadd.f32 v16, v4  }
0x13c: {  	v5 =	vadd.s32 v6, v5;
	v6 =	vld [tilespmem:s25+$0xF800]  }
0x13d: {  	v60 =	vld [tilespmem:s25+$0xFC00];
	v5 =	vadd.s32 v7, v5;
	v4 =	vadd.f32 v17, v4  }
0x13e: {  	v61 =	vld [tilespmem:s25+$0xB800];
	v5 =	vadd.s32 v53, v5  }
0x13f: {  	v7 =	vld [tilespmem:s25+$0xB400];
	v5 =	vadd.s32 v54, v5;
	v4 =	vadd.f32 v58, v4  }
0x140: {  	v62 =	vld [tilespmem:s25+$0x10000];
	v5 =	vadd.s32 v55, v5  }
0x141: {  	v5 =	vadd.s32 v56, v5;
	v4 =	vadd.f32 v6, v4;
	v6 =	vld [tilespmem:s25+$0xBC00]  }
0x142: {  	v63 =	vld [tilespmem:s25+$0xC000];
	v5 =	vadd.s32 v57, v5  }
0x143: {  	v5 =	vadd.s32 v59, v5;
	v4 =	vadd.f32 v60, v4  }
0x144: {  	v5 =	vadd.s32 v7, v5  }
0x145: {  	v5 =	vadd.s32 v61, v5;
	v4 =	vadd.f32 v62, v4  }
0x146: {  	v5 =	vadd.s32 v6, v5  }
0x147: {  	v5 =	vadd.s32 v63, v5;
	[tilespmem:s25+$0x10800] =	vst v4  }
0x148: {  	[tilespmem:s25+$0x10400] =	vst v5  }
0x149: {  	[hbm4b:s8+s18] =	stream.strided.scatter [tilespmem:s20], [sflag:$0x1], $0x400, s19, s18, $0x38;
	[tilespmem:$0x10C00] =	vst v63  }
0x14a: {  	_ =	swait.ge [sflag:s15], $0x400  }
0x14b: {  	[sflag:s15] =	ssyncset.done $0x0  }
0x14c: {  	[sflag:s15] =	ssyncadd.s32 $0xFFFFFC00  }
0x14d: {  	[hbm4b:s9+s18] =	stream.strided.scatter [tilespmem:s21], [sflag:$0x1], $0x400, s19, s18, $0x38;
	[tilespmem:$0x10C00] =	vst v63  }
0x14e: {  	_ =	swait.ge [sflag:s15], $0x400  }
0x14f: {  	[sflag:s15] =	ssyncset.done $0x0  }
0x150: {  	s31 =	simm.s32 $0x0;
	[sflag:s15] =	ssyncadd.s32 $0xFFFFFC00  }
0x151: {  	v4 =	vld [tilespmem:$0x8100];
	[tilespmem:s31], [sflag:$0x1] =	stream.linear.gather [hbm4b:s10+s31], $0x8000, $0x38  }
0x152: {  	_ =	swait.ge [sflag:s15], $0x8000  }
0x153: {  	[sflag:s15] =	ssyncset.done $0x0  }
0x154: {  	s24 =	simm.s32 $0x0;
	s23 =	simm.s32 $0x40;
	[sflag:s15] =	ssyncadd.s32 $0xFFFF8000  }
.LBB2_14:
0x155: {  	p0 =	seq.s32 s23, $0xFFC0;
	[tilespmem:s24+$0x8400] =	vst v0;
	s25 =	smov.u32 s23;
	s23 =	sadd.s32 $0x40, s23  }
.Ltmp6:
0x156: {  	[tilespmem:s24+$0xC400] =	vst v1;
	(pc) =	sbr.rel @!p0 .LBB2_14-.Ltmp6, $2  }
0x157: {  	_ =	sdelay $0x2  }
0x158: {  	s24 =	sshra.s32 s25, $0x2  }
0x159: {  	(v2sf) =	vpush v4, $0x0;
	_ =	sdelay $0xe  }
0x15a: {  	s23 =	spop (v2sf)  }
0x15b: {  	[tilespmem:s24+$0x8400] =	vst v0;
	s29 =	simm.s32 $0x0;
	s30 =	simm.s32 $0x0;
	s23 =	scvt.f32.s32 s23  }
0x15c: {  	[tilespmem:s24+$0xC400] =	vst v1;
	s25 =	sand.u32 $0x7C00, s29;
	s24 =	sand.u32 $0x380, s30  }
0x15d: {  	s24 =	sor.u32 s24, s25;
	v4 =	vmov s23;
	s23 =	sand.u32 $0x70, s29  }
0x15e: {  	s23 =	sor.u32 s23, s24  }
0x15f: {  	v5 =	vld [tilespmem:s23+$0x0];
	_ =	sdelay $0x4  }
0x160: {  	vm0 =	vlt.s32 v5, $0x0;
	v6 =	vxor.u32 $0x7FFFFFFF, v5  }
0x161: {  	v6 =	vsel vm0, v6, v5  }
0x162: {  	v7 =	vshra.s32 v6, $0x16  }
0x163: {  	v6 =	vshrl.u32 v6, $0xC;
	v7 =	vadd.s32 $0x200, v7  }
0x164: {  	v6 =	vand.u32 $0x3FF, v6;
	vm0 =	veq.s32 v7, v4  }
0x165: {  	v6 =	vor.u32 v2, v6;
	_ =	sdelay $0x1  }
0x166: {  	s31 =	simm.s32 $0x0  }
0x167: {  	s28 =	sand.u32 $0x380, s31;
	s24 =	simm.s32 $0x80  }
0x168: {  	s25 =	simm.s32 $0x2;
	s23 =	simm.s32 $0x10;
	s26 =	sand.u32 $0x7C00, s24  }
.LBB2_16:
0x169: {  	p0 =	sne.s32 s25, $0x7FF;
	s29 =	sand.u32 $0x70, s23;
	s26 =	sor.u32 s28, s26;
	[tilespmem:v6+s16+$0x0] =	vst.idx.add.s32.msk vm0, v3  }
0x16a: {  	s26 =	sor.u32 s29, s26;
	[tilespmem:v6+s17+$0x0] =	vst.idx.add.f32.msk vm0, v5  }
0x16b: {  	v5 =	vld [tilespmem:s26+$0x0];
	_ =	sdelay $0x4  }
0x16c: {  	vm0 =	vlt.s32 v5, $0x0;
	v6 =	vxor.u32 $0x7FFFFFFF, v5  }
0x16d: {  	v6 =	vsel vm0, v6, v5  }
0x16e: {  	v7 =	vshra.s32 v6, $0x16  }
0x16f: {  	v6 =	vshrl.u32 v6, $0xC;
	v7 =	vadd.s32 $0x200, v7  }
0x170: {  	v6 =	vand.u32 $0x3FF, v6;
	vm0 =	veq.s32 v7, v4  }
.Ltmp7:
0x171: {  	v6 =	vor.u32 v2, v6;
	(pc) =	sbr.rel @p0 .LBB2_16-.Ltmp7, $3  }
0x172: {  	_ =	sdelay $0x1  }
0x173: {  	s28 =	sshrl.u32 s25, $0x1;
	s24 =	sadd.s32 $0x80, s24;
	s23 =	sadd.s32 $0x10, s23  }
0x174: {  	s25 =	sadd.s32 $0x1, s25;
	s28 =	sand.u32 $0x380, s28;
	s26 =	sand.u32 $0x7C00, s24  }
0x175: {  	_ =	sdelay $0x4  }
0x176: {  	s23 =	sand.u32 $0x70, s23;
	s24 =	sor.u32 s28, s26;
	[tilespmem:v6+s16+$0x0] =	vst.idx.add.s32.msk vm0, v3  }
0x177: {  	s23 =	sor.u32 s23, s24;
	[tilespmem:v6+s17+$0x0] =	vst.idx.add.f32.msk vm0, v5  }
0x178: {  	v5 =	vld [tilespmem:s23+$0x0];
	_ =	sdelay $0x4  }
0x179: {  	vm14 =	vlt.s32 v5, $0x0;
	v6 =	vxor.u32 $0x7FFFFFFF, v5  }
0x17a: {  	v6 =	vsel vm14, v6, v5  }
0x17b: {  	v7 =	vshra.s32 v6, $0x16  }
0x17c: {  	v6 =	vshrl.u32 v6, $0xC;
	v7 =	vadd.s32 $0x200, v7  }
0x17d: {  	vm15 =	veq.s32 v7, v4;
	v4 =	vand.u32 $0x3FF, v6  }
0x17e: {  	v4 =	vor.u32 v2, v4;
	_ =	sdelay $0x4  }
0x17f: {  	[tilespmem:v4+s16+$0x0] =	vst.idx.add.s32.msk vm15, v3  }
0x180: {  	s23 =	simm.s32 $0x0;
	[tilespmem:v4+s17+$0x0] =	vst.idx.add.f32.msk vm15, v5  }
0x181: {  	v4 =	vld [tilespmem:s23+$0xC400]  }
0x182: {  	v5 =	vld [tilespmem:s23+$0xC800]  }
0x183: {  	v6 =	vld [tilespmem:s23+$0x8400]  }
0x184: {  	v7 =	vld [tilespmem:s23+$0xCC00]  }
0x185: {  	v8 =	vld [tilespmem:s23+$0x8800]  }
0x186: {  	v9 =	vld [tilespmem:s23+$0xD000]  }
0x187: {  	v10 =	vld [tilespmem:s23+$0xD400];
	v4 =	vadd.f32 v5, v4  }
0x188: {  	v11 =	vld [tilespmem:s23+$0xD800]  }
0x189: {  	v12 =	vld [tilespmem:s23+$0xDC00];
	v4 =	vadd.f32 v7, v4  }
0x18a: {  	v13 =	vld [tilespmem:s23+$0xE000]  }
0x18b: {  	v14 =	vld [tilespmem:s23+$0xE400];
	v4 =	vadd.f32 v9, v4  }
0x18c: {  	v60 =	vld [tilespmem:s23+$0xA000]  }
0x18d: {  	v15 =	vld [tilespmem:s23+$0xE800];
	v4 =	vadd.f32 v10, v4  }
0x18e: {  	v61 =	vld [tilespmem:s23+$0xA400]  }
0x18f: {  	v16 =	vld [tilespmem:s23+$0xEC00];
	v4 =	vadd.f32 v11, v4  }
0x190: {  	v62 =	vld [tilespmem:s23+$0xA800]  }
0x191: {  	v5 =	vld [tilespmem:s23+$0x8C00];
	v4 =	vadd.f32 v12, v4  }
0x192: {  	v6 =	vadd.s32 v6, v8;
	v8 =	vld [tilespmem:s23+$0xF000]  }
0x193: {  	v7 =	vld [tilespmem:s23+$0x9000];
	v4 =	vadd.f32 v13, v4  }
0x194: {  	v9 =	vld [tilespmem:s23+$0x9400]  }
0x195: {  	v10 =	vld [tilespmem:s23+$0x9800];
	v4 =	vadd.f32 v14, v4  }
0x196: {  	v11 =	vld [tilespmem:s23+$0x9C00]  }
0x197: {  	v63 =	vld [tilespmem:s23+$0xFC00];
	v5 =	vadd.s32 v5, v6;
	v4 =	vadd.f32 v15, v4  }
0x198: {  	v5 =	vadd.s32 v7, v5;
	v7 =	vld [tilespmem:s23+$0xF400]  }
0x199: {  	v6 =	vld [tilespmem:s23+$0xAC00];
	v5 =	vadd.s32 v9, v5;
	v4 =	vadd.f32 v16, v4  }
0x19a: {  	v5 =	vadd.s32 v10, v5;
	v10 =	vld [tilespmem:s23+$0xF800]  }
0x19b: {  	v9 =	vld [tilespmem:s23+$0xB000];
	v5 =	vadd.s32 v11, v5;
	v4 =	vadd.f32 v8, v4  }
0x19c: {  	v11 =	vld [tilespmem:s23+$0xB400];
	v5 =	vadd.s32 v60, v5  }
0x19d: {  	v8 =	vadd.s32 v61, v5;
	v5 =	vld [tilespmem:s23+$0xB800];
	v4 =	vadd.f32 v7, v4  }
0x19e: {  	v8 =	vadd.s32 v62, v8;
	v7 =	vld [tilespmem:s23+$0x10000]  }
0x19f: {  	v8 =	vadd.s32 v6, v8;
	v6 =	vld [tilespmem:s23+$0xBC00];
	v10 =	vadd.f32 v10, v4  }
0x1a0: {  	s25 =	simm.s32 $0x10;
	v4 =	vadd.s32 v9, v8;
	v8 =	vld [tilespmem:s23+$0xC000]  }
0x1a1: {  	s24 =	simm.s32 $0x80;
	v9 =	vadd.s32 v11, v4;
	v4 =	vld [tilespmem:s25+$0xC400];
	v10 =	vadd.f32 v63, v10  }
.LBB2_18:
0x1a2: {  	p0 =	sne.s32 s24, $0xFC0;
	v11 =	vld [tilespmem:s25+$0xC800];
	v5 =	vadd.s32 v5, v9  }
0x1a3: {  	v9 =	vld [tilespmem:s25+$0x8400];
	v7 =	vadd.f32 v7, v10  }
0x1a4: {  	v10 =	vld [tilespmem:s25+$0xCC00];
	v5 =	vadd.s32 v6, v5  }
0x1a5: {  	v6 =	vld [tilespmem:s25+$0x8800];
	v5 =	vadd.s32 v8, v5;
	[tilespmem:s23+$0x10800] =	vst v7  }
0x1a6: {  	v7 =	vld [tilespmem:s25+$0xD000];
	[tilespmem:s23+$0x10400] =	vst v5;
	s23 =	smov.u32 s25  }
0x1a7: {  	v4 =	vadd.f32 v11, v4;
	v5 =	vld [tilespmem:s23+$0x8C00]  }
0x1a8: {  	v8 =	vld [tilespmem:s23+$0xD400]  }
0x1a9: {  	v4 =	vadd.f32 v10, v4;
	v10 =	vld [tilespmem:s23+$0x9000]  }
0x1aa: {  	v6 =	vadd.s32 v9, v6;
	v9 =	vld [tilespmem:s23+$0xD800]  }
0x1ab: {  	v4 =	vadd.f32 v7, v4;
	v7 =	vld [tilespmem:s23+$0x9400]  }
0x1ac: {  	v5 =	vadd.s32 v5, v6;
	v6 =	vld [tilespmem:s23+$0xDC00]  }
0x1ad: {  	v4 =	vadd.f32 v8, v4;
	v8 =	vld [tilespmem:s23+$0x9800]  }
0x1ae: {  	v5 =	vadd.s32 v10, v5;
	v10 =	vld [tilespmem:s23+$0xE000]  }
0x1af: {  	v4 =	vadd.f32 v9, v4;
	v9 =	vld [tilespmem:s23+$0x9C00]  }
0x1b0: {  	v5 =	vadd.s32 v7, v5;
	v7 =	vld [tilespmem:s23+$0xE400]  }
0x1b1: {  	v4 =	vadd.f32 v6, v4;
	v6 =	vld [tilespmem:s23+$0xA000]  }
0x1b2: {  	v5 =	vadd.s32 v8, v5;
	v8 =	vld [tilespmem:s23+$0xE800]  }
0x1b3: {  	v4 =	vadd.f32 v10, v4;
	v10 =	vld [tilespmem:s23+$0xA400]  }
0x1b4: {  	v5 =	vadd.s32 v9, v5;
	v9 =	vld [tilespmem:s23+$0xEC00]  }
0x1b5: {  	v4 =	vadd.f32 v7, v4;
	v7 =	vld [tilespmem:s23+$0xA800]  }
0x1b6: {  	v5 =	vadd.s32 v6, v5;
	v6 =	vld [tilespmem:s23+$0xF000]  }
0x1b7: {  	v4 =	vadd.f32 v8, v4;
	v8 =	vld [tilespmem:s23+$0xAC00]  }
0x1b8: {  	v5 =	vadd.s32 v10, v5;
	v10 =	vld [tilespmem:s23+$0xF400]  }
0x1b9: {  	v4 =	vadd.f32 v9, v4;
	v9 =	vld [tilespmem:s23+$0xB000]  }
0x1ba: {  	v5 =	vadd.s32 v7, v5;
	v11 =	vld [tilespmem:s23+$0xF800]  }
0x1bb: {  	v4 =	vadd.f32 v6, v4;
	v12 =	vld [tilespmem:s23+$0xB400]  }
0x1bc: {  	v6 =	vadd.s32 v8, v5;
	v13 =	vld [tilespmem:s23+$0xFC00]  }
.Ltmp8:
0x1bd: {  	v4 =	vadd.f32 v10, v4;
	v5 =	vld [tilespmem:s23+$0xB800];
	(pc) =	sbr.rel @p0 .LBB2_18-.Ltmp8, $4  }
0x1be: {  	v8 =	vadd.s32 v9, v6;
	v7 =	vld [tilespmem:s23+$0x10000]  }
0x1bf: {  	v10 =	vadd.f32 v11, v4;
	v6 =	vld [tilespmem:s23+$0xBC00]  }
0x1c0: {  	s25 =	sshra.s32 s24, $0x2;
	v9 =	vadd.s32 v12, v8;
	v8 =	vld [tilespmem:s23+$0xC000]  }
0x1c1: {  	s24 =	sadd.s32 $0x40, s24;
	v4 =	vld [tilespmem:s25+$0xC400];
	v10 =	vadd.f32 v13, v10  }
0x1c2: {  	v11 =	vld [tilespmem:s25+$0xC800]  }
0x1c3: {  	v12 =	vld [tilespmem:s25+$0x8400];
	v5 =	vadd.s32 v5, v9;
	v7 =	vadd.f32 v7, v10  }
0x1c4: {  	v42 =	vld [tilespmem:s25+$0xCC00];
	v5 =	vadd.s32 v6, v5  }
0x1c5: {  	v43 =	vld [tilespmem:s25+$0x8800];
	[tilespmem:s23+$0x10800] =	vst v7;
	v5 =	vadd.s32 v8, v5  }
0x1c6: {  	v44 =	vld [tilespmem:s25+$0xD000];
	[tilespmem:s23+$0x10400] =	vst v5  }
0x1c7: {  	v5 =	vld [tilespmem:s25+$0x8C00]  }
0x1c8: {  	v7 =	vld [tilespmem:s25+$0xD400]  }
0x1c9: {  	v4 =	vadd.f32 v11, v4;
	v45 =	vld [tilespmem:s25+$0x9000]  }
0x1ca: {  	v46 =	vld [tilespmem:s25+$0xD800]  }
0x1cb: {  	v47 =	vld [tilespmem:s25+$0x9400];
	v4 =	vadd.f32 v42, v4  }
0x1cc: {  	v48 =	vld [tilespmem:s25+$0xDC00]  }
0x1cd: {  	v49 =	vld [tilespmem:s25+$0x9800];
	v4 =	vadd.f32 v44, v4  }
0x1ce: {  	v13 =	vld [tilespmem:s25+$0xE000]  }
0x1cf: {  	v50 =	vld [tilespmem:s25+$0x9C00];
	v4 =	vadd.f32 v7, v4  }
0x1d0: {  	v14 =	vld [tilespmem:s25+$0xE400]  }
0x1d1: {  	v51 =	vld [tilespmem:s25+$0xA000];
	v4 =	vadd.f32 v46, v4  }
0x1d2: {  	v15 =	vld [tilespmem:s25+$0xE800]  }
0x1d3: {  	v52 =	vld [tilespmem:s25+$0xA400];
	v4 =	vadd.f32 v48, v4  }
0x1d4: {  	v16 =	vld [tilespmem:s25+$0xEC00]  }
0x1d5: {  	v53 =	vld [tilespmem:s25+$0xA800];
	v4 =	vadd.f32 v13, v4  }
0x1d6: {  	v17 =	vld [tilespmem:s25+$0xF000]  }
0x1d7: {  	v9 =	vadd.s32 v12, v43;
	v54 =	vld [tilespmem:s25+$0xAC00];
	v4 =	vadd.f32 v14, v4  }
0x1d8: {  	v55 =	vld [tilespmem:s25+$0xF400];
	v5 =	vadd.s32 v5, v9  }
0x1d9: {  	v56 =	vld [tilespmem:s25+$0xB000];
	v5 =	vadd.s32 v45, v5;
	v4 =	vadd.f32 v15, v4  }
0x1da: {  	v57 =	vld [tilespmem:s25+$0xF800];
	v5 =	vadd.s32 v47, v5  }
0x1db: {  	v58 =	vld [tilespmem:s25+$0xB400];
	v5 =	vadd.s32 v49, v5;
	v4 =	vadd.f32 v16, v4  }
0x1dc: {  	v59 =	vld [tilespmem:s25+$0xFC00];
	v5 =	vadd.s32 v50, v5  }
0x1dd: {  	v60 =	vld [tilespmem:s25+$0xB800];
	v5 =	vadd.s32 v51, v5;
	v4 =	vadd.f32 v17, v4  }
0x1de: {  	v61 =	vld [tilespmem:s25+$0x10000];
	v5 =	vadd.s32 v52, v5  }
0x1df: {  	v62 =	vld [tilespmem:s25+$0xBC00];
	v5 =	vadd.s32 v53, v5;
	v4 =	vadd.f32 v55, v4  }
0x1e0: {  	v63 =	vld [tilespmem:s25+$0xC000];
	v5 =	vadd.s32 v54, v5  }
0x1e1: {  	v5 =	vadd.s32 v56, v5;
	v4 =	vadd.f32 v57, v4  }
0x1e2: {  	v5 =	vadd.s32 v58, v5  }
0x1e3: {  	v5 =	vadd.s32 v60, v5;
	v4 =	vadd.f32 v59, v4  }
0x1e4: {  	v5 =	vadd.s32 v62, v5  }
0x1e5: {  	v5 =	vadd.s32 v63, v5;
	v4 =	vadd.f32 v61, v4  }
0x1e6: {  	[tilespmem:s25+$0x10400] =	vst v5  }
0x1e7: {  	[tilespmem:s25+$0x10800] =	vst v4  }
0x1e8: {  	[hbm4b:s11+s18] =	stream.strided.scatter [tilespmem:s20], [sflag:$0x1], $0x400, s19, s18, $0x38;
	[tilespmem:$0x10C00] =	vst v63  }
0x1e9: {  	s22 =	sadd.s32 $0x1, s22;
	_ =	swait.ge [sflag:s15], $0x400  }
0x1ea: {  	p0 =	sne.s32 s22, s13;
	[sflag:s15] =	ssyncset.done $0x0  }
.Ltmp9:
0x1eb: {  	[sflag:s15] =	ssyncadd.s32 $0xFFFFFC00;
	(pc) =	sbr.rel @p0 .LBB2_1-.Ltmp9, $4  }
0x1ec: {  	[hbm4b:s12+s18] =	stream.strided.scatter [tilespmem:s21], [sflag:$0x1], $0x400, s19, s18, $0x38;
	[tilespmem:$0x10C00] =	vst v63  }
0x1ed: {  	_ =	swait.ge [sflag:s15], $0x400  }
0x1ee: {  	[sflag:s15] =	ssyncset.done $0x0  }
0x1ef: {  	[sflag:s15] =	ssyncadd.s32 $0xFFFFFC00  }
0x1f0: {  	_ =	sfence.sel $0x180000  }
0x1f1: {  	[bflag:$0x0] =	sbarrier.arrive $0xFFFF  }
0x1f2: {  	p0 =	sne.s32 s1, $0x0;
	_ =	strace $0x9000004A  }
0x1f3: {  	s0 =	sadd.s32 @!p0 $0x100000, s0;
	[bflag:$0x2] =	sbarrier.arrive $0xFFFF  }
0x1f4: {  	[sflag:s0] =	ssyncadd.tile.s32 @!p0 $0x1;
	_ =	shalt  }
.Lfunc_end2:
_tile_overlayer_lowered:
.L_overlay_start_2:
0x1f5: {  	(tag) =	ssettag $0x2  }
0x1f6: {  	s0 =	rddreg [dreg:$0x0];
	s2 =	stileid.u32  }
0x1f7: {  	s1 =	rddreg [dreg:$0x1];
	p0 =	sne.s32 s2, $0x0  }
0x1f8: {  	s3 =	rddreg [dreg:$0x2];
	[bflag:$0x3] =	sbarrier.arrive $0xFFFF;
	s2 =	simm.s32 @!p0 $0x1C01  }
0x1f9: {  	[timem:s3], [sflag:s2] =	dma.local @!p0 [hbm:s0], s1  }
0x1fa: {  	s0 =	simm.s32 @!p0 $0x1  }
0x1fb: {  	_ =	swait.ge @!p0 [sflag:s0], s1  }
0x1fc: {  	s1 =	ssub.s32 @!p0 $0x0, s1;
	[sflag:s0] =	ssyncset.done @!p0 $0x0  }
0x1fd: {  	[sflag:s0] =	ssyncadd.s32 @!p0 s1  }
0x1fe: {  	[bflag:$0x3] =	sbarrier.arrive $0xFFFF  }
0x1ff: {  	_ =	shalt  }

// kernel: kernel.7.cloned.1.call-start
scs
__scs_entry_jumppad:
0x0: {  	(pc) =	sbr.rel $0x88, $3  }
0x1: {  	(tag) =	ssettag $0x0;
	lr =	simm.s32 $0x1  }
0x2: {  	[smem:$0x3F9F] =	sst lr;
	_ =	strace $0xD0000000  }
0x3: {  	_ = 	snop  }
0x4: {  	_ = 	snop  }
0x5: {  	_ = 	snop  }
0x6: {  	_ = 	snop  }
0x7: {  	_ = 	snop  }
__scs_overlays_trampoline_lowered:
0x8: {  	[smem:$0x3FAE] =	sst s0  }
0x9: {  	[smem:$0x3FAF] =	sst s1  }
0xa: {  	[smem:$0x3FB0] =	sst s2  }
0xb: {  	[smem:$0x3FB1] =	sst s3  }
0xc: {  	[smem:$0x3FB2] =	sst s4  }
0xd: {  	[smem:$0x3FB3] =	sst s5  }
0xe: {  	[smem:$0x3FB4] =	sst s6  }
0xf: {  	[smem:$0x3FB5] =	sst s7  }
0x10: {  	[smem:$0x3FB6] =	sst s8  }
0x11: {  	[smem:$0x3FB7] =	sst s9;
	s0 =	simm.s32 @!p0 $0x0  }
0x12: {  	s1 =	sld [smem:$0x3F9D];
	s0 =	simm.s32 @p0 $0x1  }
0x13: {  	[smem:$0x3FB8] =	sst s0;
	s0 =	simm.s32 @!p1 $0x0  }
0x14: {  	s2 =	sld [smem:$0x3F9C];
	s0 =	simm.s32 @p1 $0x1  }
0x15: {  	[smem:$0x3FB9] =	sst s0;
	s0 =	simm.s32 @!p2 $0x0  }
0x16: {  	s3 =	sld [smem:$0x3FDB];
	s0 =	simm.s32 @p2 $0x1  }
0x17: {  	s4 =	simm.s32 $0x1BF5;
	[smem:$0x3FBB] =	sst s0  }
0x18: {  	s0 =	sld [smem:$0x3F9E];
	_ =	swait.ge [sflag:s4], $0x0  }
0x19: {  	s7 =	sld [smem:$0x3F9F]  }
0x1a: {  	s8 =	sadd.s32 $0xFFFFE003, lr  }
0x1b: {  	s9 =	sadd.s32 $0xFFFFFEF7, lr;
	s5 =	simm.s32 $0xFFFFFFFF;
	p2 =	slt.u32 s8, $0xFFFFF086  }
0x1c: {  	p1 =	slt.u32 s9, $0xF7A;
	s5 =	simm.s32 @!p2 $0x0  }
0x1d: {  	s5 =	simm.s32 @p1 $0x1;
	p0 =	seq.s32 s7, s2  }
0x1e: {  	s7 =	smul.u32 @!p0 $0xF7A, s2;
	p2 =	seq.s32 @!p0 s5, $0x0  }
0x1f: {  	s9 =	smul.u32 $0xF7A, s1;
	s8 =	simm.s32 @!p0 $0x1BF5;
	p2 =	por !p2, p0  }
0x20: {  	[sflag:s8] =	ssyncset.s32 @!p0 $0xFFFFF086;
	s6 =	sadd.s32 @!p0 s3, s7;
	s7 =	simm.s32 @!p0 $0x108  }
0x21: {  	s3 =	sadd.s32 s3, s9;
	s6 =	sadd.s32 @!p0 $0x88, s6;
	s7 =	simm.s32 @p2 $0x1082  }
0x22: {  	[simem:s7], [sflag:s8] =	dma.local @!p0 [hbm:s6], $0xF7A  }
0x23: {  	s9 =	sor.u32 $0xD0000000, s2;
	s6 =	simm.s32 $0x108;
	_ =	swait.ge @!p0 [sflag:s8], $0x0  }
0x24: {  	s3 =	sadd.s32 $0x88, s3;
	s6 =	simm.s32 @!p1 $0x1082;
	[sflag:s4] =	ssyncset.s32 $0xFFFFF086  }
0x25: {  	[simem:s6], [sflag:s4] =	dma.local [hbm:s3], $0xF7A  }
0x26: {  	[smem:$0x3F9F] =	sst s1;
	(tag) =	ssettag s2;
	_ =	strace s9  }
0x27: {  	s1 =	sld [smem:$0x3FAF]  }
0x28: {  	s2 =	sld [smem:$0x3FB0]  }
0x29: {  	s4 =	sld [smem:$0x3FB2]  }
0x2a: {  	p0 =	seq.s32 s5, $0x0;
	s5 =	sld [smem:$0x3FB3]  }
0x2b: {  	s6 =	sld [smem:$0x3FB4]  }
0x2c: {  	s7 =	sld [smem:$0x3FB5]  }
0x2d: {  	s3 =	simm.s32 $0x108;
	s8 =	sld [smem:$0x3FB6]  }
0x2e: {  	s3 =	simm.s32 @!p0 $0x1082;
	s9 =	sld [smem:$0x3FB7]  }
0x2f: {  	lr =	sadd.s32 s0, s3;
	s0 =	sld [smem:$0x3FAE]  }
0x30: {  	s3 =	sld [smem:$0x3FB1]  }
0x31: {  	[smem:$0x3FBA] =	sst s10  }
0x32: {  	s10 =	sld [smem:$0x3FB8];
	_ =	sdelay $0x3  }
0x33: {  	p0 =	seq.s32 s10, $0x1;
	s10 =	sld [smem:$0x3FBA];
	_ =	sdelay $0x3  }
0x34: {  	[smem:$0x3FBA] =	sst s10  }
0x35: {  	s10 =	sld [smem:$0x3FB9];
	_ =	sdelay $0x3  }
0x36: {  	p1 =	seq.s32 s10, $0x1;
	s10 =	sld [smem:$0x3FBA];
	_ =	sdelay $0x3  }
0x37: {  	[smem:$0x3FBA] =	sst s10  }
0x38: {  	s10 =	sld [smem:$0x3FBB]  }
0x39: {  	_ = 	snop;
	(pc) =	sbr.ind lr, $3  }
0x3a: {  	_ = 	snop  }
0x3b: {  	_ = 	snop  }
0x3c: {  	p2 =	seq.s32 s10, $0x1;
	s10 =	sld [smem:$0x3FBA]  }
0x3d: {  	_ =	shalt  }
0x3e: {  	_ =	shalt  }
0x3f: {  	_ =	shalt  }
0x40: {  	_ =	shalt  }
0x41: {  	_ =	shalt  }
0x42: {  	_ =	shalt  }
0x43: {  	_ =	shalt  }
0x44: {  	_ =	shalt  }
0x45: {  	_ =	shalt  }
0x46: {  	_ =	shalt  }
0x47: {  	_ =	shalt  }
0x48: {  	_ =	shalt  }
0x49: {  	_ =	shalt  }
0x4a: {  	_ =	shalt  }
0x4b: {  	_ =	shalt  }
0x4c: {  	_ =	shalt  }
0x4d: {  	_ =	shalt  }
0x4e: {  	_ =	shalt  }
0x4f: {  	_ =	shalt  }
0x50: {  	_ =	shalt  }
0x51: {  	_ =	shalt  }
0x52: {  	_ =	shalt  }
0x53: {  	_ =	shalt  }
0x54: {  	_ =	shalt  }
0x55: {  	_ =	shalt  }
0x56: {  	_ =	shalt  }
0x57: {  	_ =	shalt  }
0x58: {  	_ =	shalt  }
0x59: {  	_ =	shalt  }
0x5a: {  	_ =	shalt  }
0x5b: {  	_ =	shalt  }
0x5c: {  	_ =	shalt  }
0x5d: {  	_ =	shalt  }
0x5e: {  	_ =	shalt  }
0x5f: {  	_ =	shalt  }
0x60: {  	_ =	shalt  }
0x61: {  	_ =	shalt  }
0x62: {  	_ =	shalt  }
0x63: {  	_ =	shalt  }
0x64: {  	_ =	shalt  }
0x65: {  	_ =	shalt  }
0x66: {  	_ =	shalt  }
0x67: {  	_ =	shalt  }
0x68: {  	_ =	shalt  }
0x69: {  	_ =	shalt  }
0x6a: {  	_ =	shalt  }
0x6b: {  	_ =	shalt  }
0x6c: {  	_ =	shalt  }
0x6d: {  	_ =	shalt  }
0x6e: {  	_ =	shalt  }
0x6f: {  	_ =	shalt  }
0x70: {  	_ =	shalt  }
0x71: {  	_ =	shalt  }
0x72: {  	_ =	shalt  }
0x73: {  	_ =	shalt  }
0x74: {  	_ =	shalt  }
0x75: {  	_ =	shalt  }
0x76: {  	_ =	shalt  }
0x77: {  	_ =	shalt  }
0x78: {  	_ =	shalt  }
0x79: {  	_ =	shalt  }
0x7a: {  	_ =	shalt  }
0x7b: {  	_ =	shalt  }
0x7c: {  	_ =	shalt  }
0x7d: {  	_ =	shalt  }
0x7e: {  	_ =	shalt  }
0x7f: {  	_ =	shalt  }
0x80: {  	_ =	shalt  }
0x81: {  	_ =	shalt  }
0x82: {  	_ =	shalt  }
0x83: {  	_ =	shalt  }
0x84: {  	_ =	shalt  }
0x85: {  	_ =	shalt  }
0x86: {  	_ =	shalt  }
0x87: {  	_ =	shalt  }
.Lfunc_end0:
.L_simem_size_0:
called_computation_lowered:
.L_overlay_start_0:
0x88: {  	s2 =	sld [smem:$0x3FD9]  }
0x89: {  	s3 =	sld [smem:$0x3FFE];
	_ =	sdelay $0x1  }
0x8a: {  	s1 =	srdreg.scid  }
0x8b: {  	s0 =	sand.u32 $0x1, s1  }
0x8c: {  	s16 =	sshll.u32 s0, $0xA;
	s2 =	sadd.s32 s3, s2  }
0x8d: {  	s2 =	sadd.s32 s2, s16  }
0x8e: {  	[smem:$0x3FC6] =	sst s2  }
0x8f: {  	_ = 	snop  }
0x90: {  	(tm) =	ssettm $0x1  }
0x91: {  	s17 =	sld [smem:$0x3FFB];
	_ =	sdelay $0x3  }
0x92: {  	_ =	strace s17  }
0x93: {  	s2 =	sld [smem:$0x3FFC];
	_ =	sdelay $0x3  }
0x94: {  	_ =	strace s2  }
0x95: {  	s2 =	sld [smem:$0x3FFD];
	_ =	sdelay $0x3  }
0x96: {  	_ =	strace s2  }
0x97: {  	_ =	strace $0x8FFFFFFF  }
0x98: {  	s18 =	sld [smem:$0x3FDB];
	_ =	sdelay $0x1  }
0x99: {  	s19 =	simm.s32 $_scs_section_size  }
0x9a: {  	s4 =	simm.s32 $_size__tile_overlayer_lowered;
	s5 =	simm.s32 $_tile_overlayer_lowered  }
0x9b: {  	s22 =	simm.s32 $0x1BFF;
	s21 =	sshll.u32 s5, $0x1;
	s2 =	sadd.s32 s19, s18  }
0x9c: {  	s6 =	simm.s32 $0x0;
	s20 =	sshll.u32 s4, $0x1;
	s4 =	sadd.s32 s21, s2  }
0x9d: {  	[timem:s6], [sflag:s22] =	dma.local [hbm:s4], s20  }
0x9e: {  	_ =	swait.ge [sflag:s22], s20  }
0x9f: {  	s3 =	ssub.s32 $0x0, s20;
	[sflag:s22] =	ssyncset.done $0x0  }
0xa0: {  	[sflag:s22] =	ssyncadd.s32 s3;
	_ =	sdelay $0x1  }
0xa1: {  	s23 =	simm.s32 $0x1B8B  }
0xa2: {  	_ =	swait.ge [sflag:s23], $0x1  }
0xa3: {  	[sflag:s23] =	ssyncset.done $0x0  }
0xa4: {  	s25 =	simm.s32 $0x1B8E;
	s24 =	sld [smem:$0x3FFE];
	[sflag:s23] =	ssyncadd.s32 $0xFFFFFFFF  }
0xa5: {  	s26 =	simm.s32 $execute0_lowered;
	[smem:$0x3FD2] =	sst s25  }
0xa6: {  	s4 =	sshll.u32 s26, $0x1;
	_ =	strace $0x80000046;
	[dreg:$0x1] =	wrdreg $0xFFFFFFFF  }
0xa7: {  	s28 =	simm.s32 $_size_execute0_lowered;
	s2 =	sadd.s32 s2, s4;
	[dreg:$0x0] =	wrdreg $0x0  }
0xa8: {  	s4 =	sshll.u32 s28, $0x1;
	[dreg:$0x2] =	wrdreg s2  }
0xa9: {  	[dreg:$0x3] =	wrdreg s4  }
0xaa: {  	[dreg:$0x4] =	wrdreg $0xC0  }
0xab: {  	_ =	task [dreg:s6], $0x5FFFF  }
0xac: {  	[dreg:$0x1] =	wrdreg $0xFFFFFFFF  }
0xad: {  	[dreg:$0x0] =	wrdreg $0x60  }
0xae: {  	[dreg:$0x2] =	wrdreg s24  }
0xaf: {  	[dreg:$0x3] =	wrdreg $0x9  }
0xb0: {  	_ =	task.clear_ibuf [dreg:s6], $0x4FFFF;
	_ =	strace $0x90000046  }
0xb1: {  	s29 =	simm.s32 $0x9;
	_ =	strace $0x80000048  }
0xb2: {  	_ =	swait.ge [sflag:s29], $0x1  }
0xb3: {  	[sflag:s29] =	ssyncadd.s32 $0xFFFFFFFF  }
0xb4: {  	_ =	strace $0x90000048  }
0xb5: {  	_ =	sfence  }
0xb6: {  	s30 =	sld [smem:$0x0];
	_ =	sdelay $0x2  }
0xb7: {  	s31 =	sshll.u32 s1, $0xD;
	s1 =	sshrl.u32 s1, $0x2  }
0xb8: {  	s3 =	sand.u32 $0x4000, s31;
	s1 =	sadd.s32 s1, s30  }
0xb9: {  	s0 =	sor.u32 s3, s0;
	s1 =	sshll.u32 s1, $0x11  }
0xba: {  	s0 =	sor.u32 s1, s0  }
0xbb: {  	s0 =	sadd.s32 $0x8F2B, s0  }
0xbc: {  	[sflag:s0] =	ssyncadd.remote.s32 $0x1  }
0xbd: {  	_ =	sfence.sel $0xFFFF  }
0xbe: {  	[dreg:$0x0] =	wrdreg $0xFFFFFFFF;
	(pc) =	sbr.abs _section_cstart, $3  }
0xbf: {  	[dreg:$0x1] =	wrdreg $0xFFFFFFFF  }
0xc0: {  	_ =	task.clear_ibuf [dreg:s6], $0x2FFFF;
	_ =	strace $0x9FFFFFFF  }
0xc1: {  	(tm) =	ssettm $0x7FFFFFFF  }
tec
execute0_lowered:
.L_overlay_start_1:
0x0: {  	(tag) =	ssettag $0x1  }
0x1: {  	s3 =	rddreg [dreg:$0x0]  }
0x2: {  	s1 =	srdreg.scid;
	s0 =	rddreg [dreg:$0x1]  }
0x3: {  	s2 =	simm.s32 $0x0;
	s14 =	simm.s32 $0x8000;
	s15 =	simm.s32 $0xC000  }
0x4: {  	s16 =	simm.s32 $0x80;
	s17 =	simm.s32 $0x400;
	s18 =	simm.s32 $0x10000  }
0x5: {  	s19 =	simm.s32 $0x10400;
	s20 =	simm.s32 $0x0;
	s4 =	sand.u32 $0x1, s1  }
0x6: {  	s1 =	stileid.u32;
	[smem:$0x7FF] =	sst s2;
	s10 =	sadd.s32 $0x63400, s3  }
0x7: {  	s11 =	sadd.s32 $0x66400, s3;
	s5 =	sshll.u32 s4, $0x4;
	_ =	strace $0x80000047  }
0x8: {  	s30 =	sshll.u32 s1, $0x7;
	s4 =	ssub.s32 $0x2, s4;
	s5 =	sor.u32 s1, s5  }
0x9: {  	s31 =	sshrl.u32 s4, $0x1;
	s6 =	sshll.u32 s5, $0xC;
	s5 =	sshrl.u32 s5, $0x3  }
0xa: {  	s12 =	ssub.s32 s4, s31;
	s9 =	sadd.s32 s6, s3;
	s5 =	smul.u32 $0x6000, s5  }
0xb: {  	s6 =	sand.u32 $0x380, s30;
	s12 =	smax.u32 s12, $0x1;
	s3 =	sadd.s32 $0x3400, s9  }
0xc: {  	s7 =	sor.u32 s6, s5;
	s6 =	sadd.s32 $0x23400, s9;
	s9 =	sadd.s32 $0x43400, s9  }
0xd: {  	v0 =	vlaneseq.u32;
	s5 =	sshrl.u32 s7, $0x3;
	s8 =	sadd.s32 $0x2000, s7;
	s13 =	sadd.s32 $0x4000, s7  }
0xe: {  	v2 =	vmul.u32 $0x400, v0;
	s4 =	sadd.s32 s10, s5;
	s5 =	sadd.s32 s11, s5;
	s8 =	sshrl.u32 s8, $0x3  }
0xf: {  	v1 =	vimm.f32 $0.0e+00;
	s13 =	sshrl.u32 s13, $0x3;
	s7 =	sadd.s32 s10, s8;
	s8 =	sadd.s32 s11, s8  }
0x10: {  	v3 =	vimm.s32 $0x1;
	v0 =	vimm.s32 $0x0;
	v2 =	vor.u32 $0x200, v2;
	s10 =	sadd.s32 s10, s13;
	s11 =	sadd.s32 s11, s13;
	s13 =	simm.s32 $0x1  }
.LBB2_1:
0x11: {  	[tilespmem:s2], [sflag:$0x1] =	stream.linear.gather [hbm4b:s3+s2], $0x8000, $0x38;
	[tilespmem:$0x10800] =	vst v63  }
0x12: {  	_ =	swait.ge [sflag:s13], $0x8000  }
0x13: {  	[sflag:s13] =	ssyncset.done $0x0  }
0x14: {  	s22 =	simm.s32 $0x40;
	s21 =	simm.s32 $0x0;
	[sflag:s13] =	ssyncadd.s32 $0xFFFF8000  }
.LBB2_2:
0x15: {  	p0 =	sne.s32 s22, $0xFFC0;
	[tilespmem:s21+$0x8000] =	vst v0;
	s23 =	smov.u32 s22;
	s22 =	sadd.s32 $0x40, s22  }
.Ltmp0:
0x16: {  	[tilespmem:s21+$0xC000] =	vst v1;
	(pc) =	sbr.rel @p0 .LBB2_2-.Ltmp0, $2  }
0x17: {  	_ =	sdelay $0x2  }
0x18: {  	s21 =	sshra.s32 s23, $0x2  }
0x19: {  	s22 =	simm.s32 $0x0;
	s23 =	simm.s32 $0x0  }
0x1a: {  	s24 =	sand.u32 $0x7C00, s22;
	s23 =	sand.u32 $0x380, s23  }
0x1b: {  	[tilespmem:s21+$0x8000] =	vst v0;
	s22 =	sand.u32 $0x70, s22;
	s23 =	sor.u32 s23, s24  }
0x1c: {  	[tilespmem:s21+$0xC000] =	vst v1;
	s30 =	sor.u32 s22, s23  }
0x1d: {  	v4 =	vld [tilespmem:s30+$0x0];
	_ =	sdelay $0x4  }
0x1e: {  	v5 =	vshra.s32 v4, $0x16  }
0x1f: {  	vm0 =	vlt.s32 v4, $0x0;
	v6 =	vxor.u32 $0x1FF, v5  }
0x20: {  	v5 =	vsel vm0, v6, v5  }
0x21: {  	v5 =	vadd.s32 v2, v5;
	_ =	sdelay $0x2  }
0x22: {  	s31 =	simm.s32 $0x0;
	s21 =	simm.s32 $0x10;
	s22 =	simm.s32 $0x80  }
0x23: {  	s25 =	sand.u32 $0x380, s31;
	s23 =	simm.s32 $0x2;
	s24 =	sand.u32 $0x7C00, s22  }
.LBB2_4:
0x24: {  	p0 =	sne.s32 s23, $0x7FF;
	s26 =	sand.u32 $0x70, s21;
	s24 =	sor.u32 s25, s24;
	[tilespmem:v5+s14+$0x0] =	vst.idx.add.s32.msk $0xffff, v3  }
0x25: {  	s24 =	sor.u32 s26, s24;
	[tilespmem:v5+s15+$0x0] =	vst.idx.add.f32.msk $0xffff, v4  }
0x26: {  	v4 =	vld [tilespmem:s24+$0x0];
	_ =	sdelay $0x4  }
0x27: {  	v5 =	vshra.s32 v4, $0x16  }
0x28: {  	vm0 =	vlt.s32 v4, $0x0;
	v6 =	vxor.u32 $0x1FF, v5  }
0x29: {  	v5 =	vsel vm0, v6, v5  }
.Ltmp1:
0x2a: {  	v5 =	vadd.s32 v2, v5;
	(pc) =	sbr.rel @p0 .LBB2_4-.Ltmp1, $3  }
0x2b: {  	_ =	sdelay $0x1  }
0x2c: {  	s25 =	sshrl.u32 s23, $0x1;
	s22 =	sadd.s32 $0x80, s22;
	s21 =	sadd.s32 $0x10, s21  }
0x2d: {  	s23 =	sadd.s32 $0x1, s23;
	s25 =	sand.u32 $0x380, s25;
	s24 =	sand.u32 $0x7C00, s22  }
0x2e: {  	_ =	sdelay $0x3  }
0x2f: {  	s21 =	sand.u32 $0x70, s21;
	s22 =	sor.u32 s25, s24;
	[tilespmem:v5+s14+$0x0] =	vst.idx.add.s32.msk $0xffff, v3  }
0x30: {  	s21 =	sor.u32 s21, s22;
	[tilespmem:v5+s15+$0x0] =	vst.idx.add.f32.msk $0xffff, v4  }
0x31: {  	v4 =	vld [tilespmem:s21+$0x0];
	_ =	sdelay $0x4  }
0x32: {  	v5 =	vshra.s32 v4, $0x16  }
0x33: {  	vm0 =	vlt.s32 v4, $0x0;
	v6 =	vxor.u32 $0x1FF, v5  }
0x34: {  	v5 =	vsel vm0, v6, v5  }
0x35: {  	v5 =	vadd.s32 v2, v5;
	_ =	sdelay $0x4  }
0x36: {  	[tilespmem:v5+s14+$0x0] =	vst.idx.add.s32.msk $0xffff, v3  }
0x37: {  	s21 =	simm.s32 $0x0;
	[tilespmem:v5+s15+$0x0] =	vst.idx.add.f32.msk $0xffff, v4  }
0x38: {  	v4 =	vld [tilespmem:s21+$0xC000]  }
0x39: {  	v5 =	vld [tilespmem:s21+$0xC400]  }
0x3a: {  	v6 =	vld [tilespmem:s21+$0x8000]  }
0x3b: {  	v7 =	vld [tilespmem:s21+$0xC800]  }
0x3c: {  	v8 =	vld [tilespmem:s21+$0x8400]  }
0x3d: {  	v9 =	vld [tilespmem:s21+$0xCC00]  }
0x3e: {  	v10 =	vld [tilespmem:s21+$0xD000];
	v4 =	vadd.f32 v5, v4  }
0x3f: {  	v11 =	vld [tilespmem:s21+$0xD400]  }
0x40: {  	v12 =	vld [tilespmem:s21+$0xD800];
	v4 =	vadd.f32 v7, v4  }
0x41: {  	v13 =	vld [tilespmem:s21+$0xDC00]  }
0x42: {  	v14 =	vld [tilespmem:s21+$0xE000];
	v4 =	vadd.f32 v9, v4  }
0x43: {  	v60 =	vld [tilespmem:s21+$0x9C00]  }
0x44: {  	v15 =	vld [tilespmem:s21+$0xE400];
	v4 =	vadd.f32 v10, v4  }
0x45: {  	v61 =	vld [tilespmem:s21+$0xA000]  }
0x46: {  	v16 =	vld [tilespmem:s21+$0xE800];
	v4 =	vadd.f32 v11, v4  }
0x47: {  	v62 =	vld [tilespmem:s21+$0xA400]  }
0x48: {  	v5 =	vld [tilespmem:s21+$0x8800];
	v4 =	vadd.f32 v12, v4  }
0x49: {  	v6 =	vadd.s32 v6, v8;
	v8 =	vld [tilespmem:s21+$0xEC00]  }
0x4a: {  	v7 =	vld [tilespmem:s21+$0x8C00];
	v4 =	vadd.f32 v13, v4  }
0x4b: {  	v9 =	vld [tilespmem:s21+$0x9000]  }
0x4c: {  	v10 =	vld [tilespmem:s21+$0x9400];
	v4 =	vadd.f32 v14, v4  }
0x4d: {  	v11 =	vld [tilespmem:s21+$0x9800]  }
0x4e: {  	v63 =	vld [tilespmem:s21+$0xF800];
	v5 =	vadd.s32 v5, v6;
	v4 =	vadd.f32 v15, v4  }
0x4f: {  	v5 =	vadd.s32 v7, v5;
	v7 =	vld [tilespmem:s21+$0xF000]  }
0x50: {  	v6 =	vld [tilespmem:s21+$0xA800];
	v5 =	vadd.s32 v9, v5;
	v4 =	vadd.f32 v16, v4  }
0x51: {  	v5 =	vadd.s32 v10, v5;
	v10 =	vld [tilespmem:s21+$0xF400]  }
0x52: {  	v9 =	vld [tilespmem:s21+$0xAC00];
	v5 =	vadd.s32 v11, v5;
	v4 =	vadd.f32 v8, v4  }
0x53: {  	v11 =	vld [tilespmem:s21+$0xB000];
	v5 =	vadd.s32 v60, v5  }
0x54: {  	v8 =	vadd.s32 v61, v5;
	v5 =	vld [tilespmem:s21+$0xB400];
	v4 =	vadd.f32 v7, v4  }
0x55: {  	v8 =	vadd.s32 v62, v8;
	v7 =	vld [tilespmem:s21+$0xFC00]  }
0x56: {  	v8 =	vadd.s32 v6, v8;
	v6 =	vld [tilespmem:s21+$0xB800];
	v10 =	vadd.f32 v10, v4  }
0x57: {  	s23 =	simm.s32 $0x10;
	v4 =	vadd.s32 v9, v8;
	v8 =	vld [tilespmem:s21+$0xBC00]  }
0x58: {  	s22 =	simm.s32 $0x80;
	v9 =	vadd.s32 v11, v4;
	v4 =	vld [tilespmem:s23+$0xC000];
	v10 =	vadd.f32 v63, v10  }
.LBB2_6:
0x59: {  	p0 =	sne.s32 s22, $0xFC0;
	v11 =	vld [tilespmem:s23+$0xC400];
	v5 =	vadd.s32 v5, v9  }
0x5a: {  	v9 =	vld [tilespmem:s23+$0x8000];
	v7 =	vadd.f32 v7, v10  }
0x5b: {  	v10 =	vld [tilespmem:s23+$0xC800];
	v5 =	vadd.s32 v6, v5  }
0x5c: {  	v6 =	vld [tilespmem:s23+$0x8400];
	v5 =	vadd.s32 v8, v5;
	[tilespmem:s21+$0x10400] =	vst v7  }
0x5d: {  	v7 =	vld [tilespmem:s23+$0xCC00];
	[tilespmem:s21+$0x10000] =	vst v5;
	s21 =	smov.u32 s23  }
0x5e: {  	v4 =	vadd.f32 v11, v4;
	v5 =	vld [tilespmem:s21+$0x8800]  }
0x5f: {  	v8 =	vld [tilespmem:s21+$0xD000]  }
0x60: {  	v4 =	vadd.f32 v10, v4;
	v10 =	vld [tilespmem:s21+$0x8C00]  }
0x61: {  	v6 =	vadd.s32 v9, v6;
	v9 =	vld [tilespmem:s21+$0xD400]  }
0x62: {  	v4 =	vadd.f32 v7, v4;
	v7 =	vld [tilespmem:s21+$0x9000]  }
0x63: {  	v5 =	vadd.s32 v5, v6;
	v6 =	vld [tilespmem:s21+$0xD800]  }
0x64: {  	v4 =	vadd.f32 v8, v4;
	v8 =	vld [tilespmem:s21+$0x9400]  }
0x65: {  	v5 =	vadd.s32 v10, v5;
	v10 =	vld [tilespmem:s21+$0xDC00]  }
0x66: {  	v4 =	vadd.f32 v9, v4;
	v9 =	vld [tilespmem:s21+$0x9800]  }
0x67: {  	v5 =	vadd.s32 v7, v5;
	v7 =	vld [tilespmem:s21+$0xE000]  }
0x68: {  	v4 =	vadd.f32 v6, v4;
	v6 =	vld [tilespmem:s21+$0x9C00]  }
0x69: {  	v5 =	vadd.s32 v8, v5;
	v8 =	vld [tilespmem:s21+$0xE400]  }
0x6a: {  	v4 =	vadd.f32 v10, v4;
	v10 =	vld [tilespmem:s21+$0xA000]  }
0x6b: {  	v5 =	vadd.s32 v9, v5;
	v9 =	vld [tilespmem:s21+$0xE800]  }
0x6c: {  	v4 =	vadd.f32 v7, v4;
	v7 =	vld [tilespmem:s21+$0xA400]  }
0x6d: {  	v5 =	vadd.s32 v6, v5;
	v6 =	vld [tilespmem:s21+$0xEC00]  }
0x6e: {  	v4 =	vadd.f32 v8, v4;
	v8 =	vld [tilespmem:s21+$0xA800]  }
0x6f: {  	v5 =	vadd.s32 v10, v5;
	v10 =	vld [tilespmem:s21+$0xF000]  }
0x70: {  	v4 =	vadd.f32 v9, v4;
	v9 =	vld [tilespmem:s21+$0xAC00]  }
0x71: {  	v5 =	vadd.s32 v7, v5;
	v11 =	vld [tilespmem:s21+$0xF400]  }
0x72: {  	v4 =	vadd.f32 v6, v4;
	v12 =	vld [tilespmem:s21+$0xB000]  }
0x73: {  	v6 =	vadd.s32 v8, v5;
	v13 =	vld [tilespmem:s21+$0xF800]  }
.Ltmp2:
0x74: {  	v4 =	vadd.f32 v10, v4;
	v5 =	vld [tilespmem:s21+$0xB400];
	(pc) =	sbr.rel @p0 .LBB2_6-.Ltmp2, $4  }
0x75: {  	v8 =	vadd.s32 v9, v6;
	v7 =	vld [tilespmem:s21+$0xFC00]  }
0x76: {  	v10 =	vadd.f32 v11, v4;
	v6 =	vld [tilespmem:s21+$0xB800]  }
0x77: {  	s23 =	sshra.s32 s22, $0x2;
	v9 =	vadd.s32 v12, v8;
	v8 =	vld [tilespmem:s21+$0xBC00]  }
0x78: {  	s22 =	sadd.s32 $0x40, s22;
	v4 =	vld [tilespmem:s23+$0xC000];
	v10 =	vadd.f32 v13, v10  }
0x79: {  	v11 =	vld [tilespmem:s23+$0xC400]  }
0x7a: {  	v12 =	vld [tilespmem:s23+$0x8000];
	v5 =	vadd.s32 v5, v9;
	v7 =	vadd.f32 v7, v10  }
0x7b: {  	v42 =	vld [tilespmem:s23+$0xC800];
	v5 =	vadd.s32 v6, v5  }
0x7c: {  	v43 =	vld [tilespmem:s23+$0x8400];
	[tilespmem:s21+$0x10400] =	vst v7;
	v5 =	vadd.s32 v8, v5  }
0x7d: {  	v44 =	vld [tilespmem:s23+$0xCC00];
	[tilespmem:s21+$0x10000] =	vst v5  }
0x7e: {  	v5 =	vld [tilespmem:s23+$0x8800]  }
0x7f: {  	v7 =	vld [tilespmem:s23+$0xD000]  }
0x80: {  	v4 =	vadd.f32 v11, v4;
	v45 =	vld [tilespmem:s23+$0x8C00]  }
0x81: {  	v46 =	vld [tilespmem:s23+$0xD400]  }
0x82: {  	v47 =	vld [tilespmem:s23+$0x9000];
	v4 =	vadd.f32 v42, v4  }
0x83: {  	v48 =	vld [tilespmem:s23+$0xD800]  }
0x84: {  	v49 =	vld [tilespmem:s23+$0x9400];
	v4 =	vadd.f32 v44, v4  }
0x85: {  	v13 =	vld [tilespmem:s23+$0xDC00]  }
0x86: {  	v50 =	vld [tilespmem:s23+$0x9800];
	v4 =	vadd.f32 v7, v4  }
0x87: {  	v14 =	vld [tilespmem:s23+$0xE000]  }
0x88: {  	v51 =	vld [tilespmem:s23+$0x9C00];
	v4 =	vadd.f32 v46, v4  }
0x89: {  	v15 =	vld [tilespmem:s23+$0xE400]  }
0x8a: {  	v52 =	vld [tilespmem:s23+$0xA000];
	v4 =	vadd.f32 v48, v4  }
0x8b: {  	v16 =	vld [tilespmem:s23+$0xE800]  }
0x8c: {  	v53 =	vld [tilespmem:s23+$0xA400];
	v4 =	vadd.f32 v13, v4  }
0x8d: {  	v17 =	vld [tilespmem:s23+$0xEC00]  }
0x8e: {  	v9 =	vadd.s32 v12, v43;
	v54 =	vld [tilespmem:s23+$0xA800];
	v4 =	vadd.f32 v14, v4  }
0x8f: {  	v55 =	vld [tilespmem:s23+$0xF000];
	v5 =	vadd.s32 v5, v9  }
0x90: {  	v56 =	vld [tilespmem:s23+$0xAC00];
	v5 =	vadd.s32 v45, v5;
	v4 =	vadd.f32 v15, v4  }
0x91: {  	v57 =	vld [tilespmem:s23+$0xF400];
	v5 =	vadd.s32 v47, v5  }
0x92: {  	v58 =	vld [tilespmem:s23+$0xB000];
	v5 =	vadd.s32 v49, v5;
	v4 =	vadd.f32 v16, v4  }
0x93: {  	v59 =	vld [tilespmem:s23+$0xF800];
	v5 =	vadd.s32 v50, v5  }
0x94: {  	v60 =	vld [tilespmem:s23+$0xB400];
	v5 =	vadd.s32 v51, v5;
	v4 =	vadd.f32 v17, v4  }
0x95: {  	v61 =	vld [tilespmem:s23+$0xFC00];
	v5 =	vadd.s32 v52, v5  }
0x96: {  	v62 =	vld [tilespmem:s23+$0xB800];
	v5 =	vadd.s32 v53, v5;
	v4 =	vadd.f32 v55, v4  }
0x97: {  	v63 =	vld [tilespmem:s23+$0xBC00];
	v5 =	vadd.s32 v54, v5  }
0x98: {  	v5 =	vadd.s32 v56, v5;
	v4 =	vadd.f32 v57, v4  }
0x99: {  	v5 =	vadd.s32 v58, v5  }
0x9a: {  	v5 =	vadd.s32 v60, v5;
	v4 =	vadd.f32 v59, v4  }
0x9b: {  	v5 =	vadd.s32 v62, v5  }
0x9c: {  	v5 =	vadd.s32 v63, v5;
	v4 =	vadd.f32 v61, v4  }
0x9d: {  	[tilespmem:s23+$0x10000] =	vst v5  }
0x9e: {  	[tilespmem:s23+$0x10400] =	vst v4  }
0x9f: {  	[hbm4b:s4+s16] =	stream.strided.scatter [tilespmem:s18], [sflag:$0x1], $0x400, s17, s16, $0x38;
	[tilespmem:$0x10800] =	vst v63  }
0xa0: {  	_ =	swait.ge [sflag:s13], $0x400  }
0xa1: {  	[sflag:s13] =	ssyncset.done $0x0  }
0xa2: {  	[sflag:s13] =	ssyncadd.s32 $0xFFFFFC00  }
0xa3: {  	[hbm4b:s5+s16] =	stream.strided.scatter [tilespmem:s19], [sflag:$0x1], $0x400, s17, s16, $0x38;
	[tilespmem:$0x10800] =	vst v63  }
0xa4: {  	_ =	swait.ge [sflag:s13], $0x400  }
0xa5: {  	[sflag:s13] =	ssyncset.done $0x0  }
0xa6: {  	s21 =	simm.s32 $0x0;
	[sflag:s13] =	ssyncadd.s32 $0xFFFFFC00  }
0xa7: {  	[tilespmem:s21], [sflag:$0x1] =	stream.linear.gather [hbm4b:s6+s21], $0x8000, $0x38;
	[tilespmem:$0x10800] =	vst v63  }
0xa8: {  	_ =	swait.ge [sflag:s13], $0x8000  }
0xa9: {  	[sflag:s13] =	ssyncset.done $0x0  }
0xaa: {  	s22 =	simm.s32 $0x0;
	s23 =	simm.s32 $0x40;
	[sflag:s13] =	ssyncadd.s32 $0xFFFF8000  }
.LBB2_8:
0xab: {  	p0 =	sne.s32 s23, $0xFFC0;
	[tilespmem:s22+$0x8000] =	vst v0;
	s24 =	smov.u32 s23;
	s23 =	sadd.s32 $0x40, s23  }
.Ltmp3:
0xac: {  	[tilespmem:s22+$0xC000] =	vst v1;
	(pc) =	sbr.rel @p0 .LBB2_8-.Ltmp3, $2  }
0xad: {  	_ =	sdelay $0x2  }
0xae: {  	s22 =	sshra.s32 s24, $0x2  }
0xaf: {  	s23 =	simm.s32 $0x0  }
0xb0: {  	s24 =	sand.u32 $0x7C00, s21;
	s23 =	sand.u32 $0x380, s23  }
0xb1: {  	[tilespmem:s22+$0x8000] =	vst v0;
	s30 =	sand.u32 $0x70, s21;
	s23 =	sor.u32 s23, s24  }
0xb2: {  	[tilespmem:s22+$0xC000] =	vst v1;
	s21 =	sor.u32 s30, s23  }
0xb3: {  	v4 =	vld [tilespmem:s21+$0x0];
	_ =	sdelay $0x4  }
0xb4: {  	v5 =	vshra.s32 v4, $0x16  }
0xb5: {  	vm0 =	vlt.s32 v4, $0x0;
	v6 =	vxor.u32 $0x1FF, v5  }
0xb6: {  	v5 =	vsel vm0, v6, v5  }
0xb7: {  	v5 =	vadd.s32 v2, v5;
	_ =	sdelay $0x1  }
0xb8: {  	s31 =	simm.s32 $0x0  }
0xb9: {  	s22 =	simm.s32 $0x80;
	s25 =	sand.u32 $0x380, s31  }
0xba: {  	s24 =	sand.u32 $0x7C00, s22;
	s23 =	simm.s32 $0x2;
	s21 =	simm.s32 $0x10  }
.LBB2_10:
0xbb: {  	p0 =	sne.s32 s23, $0x7FF;
	s26 =	sand.u32 $0x70, s21;
	s24 =	sor.u32 s25, s24;
	[tilespmem:v5+s14+$0x0] =	vst.idx.add.s32.msk $0xffff, v3  }
0xbc: {  	s24 =	sor.u32 s26, s24;
	[tilespmem:v5+s15+$0x0] =	vst.idx.add.f32.msk $0xffff, v4  }
0xbd: {  	v4 =	vld [tilespmem:s24+$0x0];
	_ =	sdelay $0x4  }
0xbe: {  	v5 =	vshra.s32 v4, $0x16  }
0xbf: {  	vm0 =	vlt.s32 v4, $0x0;
	v6 =	vxor.u32 $0x1FF, v5  }
0xc0: {  	v5 =	vsel vm0, v6, v5  }
.Ltmp4:
0xc1: {  	v5 =	vadd.s32 v2, v5;
	(pc) =	sbr.rel @p0 .LBB2_10-.Ltmp4, $3  }
0xc2: {  	_ =	sdelay $0x1  }
0xc3: {  	s25 =	sshrl.u32 s23, $0x1;
	s22 =	sadd.s32 $0x80, s22;
	s21 =	sadd.s32 $0x10, s21  }
0xc4: {  	s23 =	sadd.s32 $0x1, s23;
	s25 =	sand.u32 $0x380, s25;
	s24 =	sand.u32 $0x7C00, s22  }
0xc5: {  	_ =	sdelay $0x3  }
0xc6: {  	s21 =	sand.u32 $0x70, s21;
	s22 =	sor.u32 s25, s24;
	[tilespmem:v5+s14+$0x0] =	vst.idx.add.s32.msk $0xffff, v3  }
0xc7: {  	s21 =	sor.u32 s21, s22;
	[tilespmem:v5+s15+$0x0] =	vst.idx.add.f32.msk $0xffff, v4  }
0xc8: {  	v4 =	vld [tilespmem:s21+$0x0];
	_ =	sdelay $0x4  }
0xc9: {  	v5 =	vshra.s32 v4, $0x16  }
0xca: {  	vm0 =	vlt.s32 v4, $0x0;
	v6 =	vxor.u32 $0x1FF, v5  }
0xcb: {  	v5 =	vsel vm0, v6, v5  }
0xcc: {  	v5 =	vadd.s32 v2, v5;
	_ =	sdelay $0x4  }
0xcd: {  	[tilespmem:v5+s14+$0x0] =	vst.idx.add.s32.msk $0xffff, v3  }
0xce: {  	s21 =	simm.s32 $0x0;
	[tilespmem:v5+s15+$0x0] =	vst.idx.add.f32.msk $0xffff, v4  }
0xcf: {  	v4 =	vld [tilespmem:s21+$0xC000]  }
0xd0: {  	v5 =	vld [tilespmem:s21+$0xC400]  }
0xd1: {  	v6 =	vld [tilespmem:s21+$0x8000]  }
0xd2: {  	v7 =	vld [tilespmem:s21+$0xC800]  }
0xd3: {  	v8 =	vld [tilespmem:s21+$0x8400]  }
0xd4: {  	v9 =	vld [tilespmem:s21+$0xCC00]  }
0xd5: {  	v10 =	vld [tilespmem:s21+$0xD000];
	v4 =	vadd.f32 v5, v4  }
0xd6: {  	v11 =	vld [tilespmem:s21+$0xD400]  }
0xd7: {  	v12 =	vld [tilespmem:s21+$0xD800];
	v4 =	vadd.f32 v7, v4  }
0xd8: {  	v13 =	vld [tilespmem:s21+$0xDC00]  }
0xd9: {  	v14 =	vld [tilespmem:s21+$0xE000];
	v4 =	vadd.f32 v9, v4  }
0xda: {  	v60 =	vld [tilespmem:s21+$0x9C00]  }
0xdb: {  	v15 =	vld [tilespmem:s21+$0xE400];
	v4 =	vadd.f32 v10, v4  }
0xdc: {  	v61 =	vld [tilespmem:s21+$0xA000]  }
0xdd: {  	v16 =	vld [tilespmem:s21+$0xE800];
	v4 =	vadd.f32 v11, v4  }
0xde: {  	v62 =	vld [tilespmem:s21+$0xA400]  }
0xdf: {  	v5 =	vld [tilespmem:s21+$0x8800];
	v4 =	vadd.f32 v12, v4  }
0xe0: {  	v6 =	vadd.s32 v6, v8;
	v8 =	vld [tilespmem:s21+$0xEC00]  }
0xe1: {  	v7 =	vld [tilespmem:s21+$0x8C00];
	v4 =	vadd.f32 v13, v4  }
0xe2: {  	v9 =	vld [tilespmem:s21+$0x9000]  }
0xe3: {  	v10 =	vld [tilespmem:s21+$0x9400];
	v4 =	vadd.f32 v14, v4  }
0xe4: {  	v11 =	vld [tilespmem:s21+$0x9800]  }
0xe5: {  	v63 =	vld [tilespmem:s21+$0xF800];
	v5 =	vadd.s32 v5, v6;
	v4 =	vadd.f32 v15, v4  }
0xe6: {  	v5 =	vadd.s32 v7, v5;
	v7 =	vld [tilespmem:s21+$0xF000]  }
0xe7: {  	v6 =	vld [tilespmem:s21+$0xA800];
	v5 =	vadd.s32 v9, v5;
	v4 =	vadd.f32 v16, v4  }
0xe8: {  	v5 =	vadd.s32 v10, v5;
	v10 =	vld [tilespmem:s21+$0xF400]  }
0xe9: {  	v9 =	vld [tilespmem:s21+$0xAC00];
	v5 =	vadd.s32 v11, v5;
	v4 =	vadd.f32 v8, v4  }
0xea: {  	v11 =	vld [tilespmem:s21+$0xB000];
	v5 =	vadd.s32 v60, v5  }
0xeb: {  	v8 =	vadd.s32 v61, v5;
	v5 =	vld [tilespmem:s21+$0xB400];
	v4 =	vadd.f32 v7, v4  }
0xec: {  	v8 =	vadd.s32 v62, v8;
	v7 =	vld [tilespmem:s21+$0xFC00]  }
0xed: {  	v8 =	vadd.s32 v6, v8;
	v6 =	vld [tilespmem:s21+$0xB800];
	v10 =	vadd.f32 v10, v4  }
0xee: {  	s23 =	simm.s32 $0x10;
	v4 =	vadd.s32 v9, v8;
	v8 =	vld [tilespmem:s21+$0xBC00]  }
0xef: {  	s22 =	simm.s32 $0x80;
	v9 =	vadd.s32 v11, v4;
	v4 =	vld [tilespmem:s23+$0xC000];
	v10 =	vadd.f32 v63, v10  }
.LBB2_12:
0xf0: {  	p0 =	sne.s32 s22, $0xFC0;
	v11 =	vld [tilespmem:s23+$0xC400];
	v5 =	vadd.s32 v5, v9  }
0xf1: {  	v9 =	vld [tilespmem:s23+$0x8000];
	v7 =	vadd.f32 v7, v10  }
0xf2: {  	v10 =	vld [tilespmem:s23+$0xC800];
	v5 =	vadd.s32 v6, v5  }
0xf3: {  	v6 =	vld [tilespmem:s23+$0x8400];
	v5 =	vadd.s32 v8, v5;
	[tilespmem:s21+$0x10400] =	vst v7  }
0xf4: {  	v7 =	vld [tilespmem:s23+$0xCC00];
	[tilespmem:s21+$0x10000] =	vst v5;
	s21 =	smov.u32 s23  }
0xf5: {  	v4 =	vadd.f32 v11, v4;
	v5 =	vld [tilespmem:s21+$0x8800]  }
0xf6: {  	v8 =	vld [tilespmem:s21+$0xD000]  }
0xf7: {  	v4 =	vadd.f32 v10, v4;
	v10 =	vld [tilespmem:s21+$0x8C00]  }
0xf8: {  	v6 =	vadd.s32 v9, v6;
	v9 =	vld [tilespmem:s21+$0xD400]  }
0xf9: {  	v4 =	vadd.f32 v7, v4;
	v7 =	vld [tilespmem:s21+$0x9000]  }
0xfa: {  	v5 =	vadd.s32 v5, v6;
	v6 =	vld [tilespmem:s21+$0xD800]  }
0xfb: {  	v4 =	vadd.f32 v8, v4;
	v8 =	vld [tilespmem:s21+$0x9400]  }
0xfc: {  	v5 =	vadd.s32 v10, v5;
	v10 =	vld [tilespmem:s21+$0xDC00]  }
0xfd: {  	v4 =	vadd.f32 v9, v4;
	v9 =	vld [tilespmem:s21+$0x9800]  }
0xfe: {  	v5 =	vadd.s32 v7, v5;
	v7 =	vld [tilespmem:s21+$0xE000]  }
0xff: {  	v4 =	vadd.f32 v6, v4;
	v6 =	vld [tilespmem:s21+$0x9C00]  }
0x100: {  	v5 =	vadd.s32 v8, v5;
	v8 =	vld [tilespmem:s21+$0xE400]  }
0x101: {  	v4 =	vadd.f32 v10, v4;
	v10 =	vld [tilespmem:s21+$0xA000]  }
0x102: {  	v5 =	vadd.s32 v9, v5;
	v9 =	vld [tilespmem:s21+$0xE800]  }
0x103: {  	v4 =	vadd.f32 v7, v4;
	v7 =	vld [tilespmem:s21+$0xA400]  }
0x104: {  	v5 =	vadd.s32 v6, v5;
	v6 =	vld [tilespmem:s21+$0xEC00]  }
0x105: {  	v4 =	vadd.f32 v8, v4;
	v8 =	vld [tilespmem:s21+$0xA800]  }
0x106: {  	v5 =	vadd.s32 v10, v5;
	v10 =	vld [tilespmem:s21+$0xF000]  }
0x107: {  	v4 =	vadd.f32 v9, v4;
	v9 =	vld [tilespmem:s21+$0xAC00]  }
0x108: {  	v5 =	vadd.s32 v7, v5;
	v11 =	vld [tilespmem:s21+$0xF400]  }
0x109: {  	v4 =	vadd.f32 v6, v4;
	v12 =	vld [tilespmem:s21+$0xB000]  }
0x10a: {  	v6 =	vadd.s32 v8, v5;
	v13 =	vld [tilespmem:s21+$0xF800]  }
.Ltmp5:
0x10b: {  	v4 =	vadd.f32 v10, v4;
	v5 =	vld [tilespmem:s21+$0xB400];
	(pc) =	sbr.rel @p0 .LBB2_12-.Ltmp5, $4  }
0x10c: {  	v8 =	vadd.s32 v9, v6;
	v7 =	vld [tilespmem:s21+$0xFC00]  }
0x10d: {  	v10 =	vadd.f32 v11, v4;
	v6 =	vld [tilespmem:s21+$0xB800]  }
0x10e: {  	s23 =	sshra.s32 s22, $0x2;
	v9 =	vadd.s32 v12, v8;
	v8 =	vld [tilespmem:s21+$0xBC00]  }
0x10f: {  	s22 =	sadd.s32 $0x40, s22;
	v4 =	vld [tilespmem:s23+$0xC000];
	v10 =	vadd.f32 v13, v10  }
0x110: {  	v11 =	vld [tilespmem:s23+$0xC400]  }
0x111: {  	v12 =	vld [tilespmem:s23+$0x8000];
	v5 =	vadd.s32 v5, v9;
	v7 =	vadd.f32 v7, v10  }
0x112: {  	v42 =	vld [tilespmem:s23+$0xC800];
	v5 =	vadd.s32 v6, v5  }
0x113: {  	v43 =	vld [tilespmem:s23+$0x8400];
	[tilespmem:s21+$0x10400] =	vst v7;
	v5 =	vadd.s32 v8, v5  }
0x114: {  	v44 =	vld [tilespmem:s23+$0xCC00];
	[tilespmem:s21+$0x10000] =	vst v5  }
0x115: {  	v5 =	vld [tilespmem:s23+$0x8800]  }
0x116: {  	v7 =	vld [tilespmem:s23+$0xD000]  }
0x117: {  	v4 =	vadd.f32 v11, v4;
	v45 =	vld [tilespmem:s23+$0x8C00]  }
0x118: {  	v46 =	vld [tilespmem:s23+$0xD400]  }
0x119: {  	v47 =	vld [tilespmem:s23+$0x9000];
	v4 =	vadd.f32 v42, v4  }
0x11a: {  	v48 =	vld [tilespmem:s23+$0xD800]  }
0x11b: {  	v49 =	vld [tilespmem:s23+$0x9400];
	v4 =	vadd.f32 v44, v4  }
0x11c: {  	v13 =	vld [tilespmem:s23+$0xDC00]  }
0x11d: {  	v50 =	vld [tilespmem:s23+$0x9800];
	v4 =	vadd.f32 v7, v4  }
0x11e: {  	v14 =	vld [tilespmem:s23+$0xE000]  }
0x11f: {  	v51 =	vld [tilespmem:s23+$0x9C00];
	v4 =	vadd.f32 v46, v4  }
0x120: {  	v15 =	vld [tilespmem:s23+$0xE400]  }
0x121: {  	v52 =	vld [tilespmem:s23+$0xA000];
	v4 =	vadd.f32 v48, v4  }
0x122: {  	v16 =	vld [tilespmem:s23+$0xE800]  }
0x123: {  	v53 =	vld [tilespmem:s23+$0xA400];
	v4 =	vadd.f32 v13, v4  }
0x124: {  	v17 =	vld [tilespmem:s23+$0xEC00]  }
0x125: {  	v9 =	vadd.s32 v12, v43;
	v54 =	vld [tilespmem:s23+$0xA800];
	v4 =	vadd.f32 v14, v4  }
0x126: {  	v55 =	vld [tilespmem:s23+$0xF000];
	v5 =	vadd.s32 v5, v9  }
0x127: {  	v56 =	vld [tilespmem:s23+$0xAC00];
	v5 =	vadd.s32 v45, v5;
	v4 =	vadd.f32 v15, v4  }
0x128: {  	v57 =	vld [tilespmem:s23+$0xF400];
	v5 =	vadd.s32 v47, v5  }
0x129: {  	v58 =	vld [tilespmem:s23+$0xB000];
	v5 =	vadd.s32 v49, v5;
	v4 =	vadd.f32 v16, v4  }
0x12a: {  	v59 =	vld [tilespmem:s23+$0xF800];
	v5 =	vadd.s32 v50, v5  }
0x12b: {  	v60 =	vld [tilespmem:s23+$0xB400];
	v5 =	vadd.s32 v51, v5;
	v4 =	vadd.f32 v17, v4  }
0x12c: {  	v61 =	vld [tilespmem:s23+$0xFC00];
	v5 =	vadd.s32 v52, v5  }
0x12d: {  	v62 =	vld [tilespmem:s23+$0xB800];
	v5 =	vadd.s32 v53, v5;
	v4 =	vadd.f32 v55, v4  }
0x12e: {  	v63 =	vld [tilespmem:s23+$0xBC00];
	v5 =	vadd.s32 v54, v5  }
0x12f: {  	v5 =	vadd.s32 v56, v5;
	v4 =	vadd.f32 v57, v4  }
0x130: {  	v5 =	vadd.s32 v58, v5  }
0x131: {  	v5 =	vadd.s32 v60, v5;
	v4 =	vadd.f32 v59, v4  }
0x132: {  	v5 =	vadd.s32 v62, v5  }
0x133: {  	v5 =	vadd.s32 v63, v5;
	v4 =	vadd.f32 v61, v4  }
0x134: {  	[tilespmem:s23+$0x10000] =	vst v5  }
0x135: {  	[tilespmem:s23+$0x10400] =	vst v4  }
0x136: {  	[hbm4b:s7+s16] =	stream.strided.scatter [tilespmem:s18], [sflag:$0x1], $0x400, s17, s16, $0x38;
	[tilespmem:$0x10800] =	vst v63  }
0x137: {  	_ =	swait.ge [sflag:s13], $0x400  }
0x138: {  	[sflag:s13] =	ssyncset.done $0x0  }
0x139: {  	[sflag:s13] =	ssyncadd.s32 $0xFFFFFC00  }
0x13a: {  	[hbm4b:s8+s16] =	stream.strided.scatter [tilespmem:s19], [sflag:$0x1], $0x400, s17, s16, $0x38;
	[tilespmem:$0x10800] =	vst v63  }
0x13b: {  	_ =	swait.ge [sflag:s13], $0x400  }
0x13c: {  	[sflag:s13] =	ssyncset.done $0x0  }
0x13d: {  	s21 =	simm.s32 $0x0;
	[sflag:s13] =	ssyncadd.s32 $0xFFFFFC00  }
0x13e: {  	[tilespmem:s21], [sflag:$0x1] =	stream.linear.gather [hbm4b:s9+s21], $0x8000, $0x38;
	[tilespmem:$0x10800] =	vst v63  }
0x13f: {  	_ =	swait.ge [sflag:s13], $0x8000  }
0x140: {  	[sflag:s13] =	ssyncset.done $0x0  }
0x141: {  	s22 =	simm.s32 $0x0;
	s23 =	simm.s32 $0x40;
	[sflag:s13] =	ssyncadd.s32 $0xFFFF8000  }
.LBB2_14:
0x142: {  	p0 =	sne.s32 s23, $0xFFC0;
	[tilespmem:s22+$0x8000] =	vst v0;
	s24 =	smov.u32 s23;
	s23 =	sadd.s32 $0x40, s23  }
.Ltmp6:
0x143: {  	[tilespmem:s22+$0xC000] =	vst v1;
	(pc) =	sbr.rel @p0 .LBB2_14-.Ltmp6, $2  }
0x144: {  	_ =	sdelay $0x2  }
0x145: {  	s22 =	sshra.s32 s24, $0x2  }
0x146: {  	s23 =	simm.s32 $0x0  }
0x147: {  	s24 =	sand.u32 $0x7C00, s21;
	s23 =	sand.u32 $0x380, s23  }
0x148: {  	[tilespmem:s22+$0x8000] =	vst v0;
	s30 =	sand.u32 $0x70, s21;
	s23 =	sor.u32 s23, s24  }
0x149: {  	[tilespmem:s22+$0xC000] =	vst v1;
	s21 =	sor.u32 s30, s23  }
0x14a: {  	v4 =	vld [tilespmem:s21+$0x0];
	_ =	sdelay $0x4  }
0x14b: {  	v5 =	vshra.s32 v4, $0x16  }
0x14c: {  	vm0 =	vlt.s32 v4, $0x0;
	v6 =	vxor.u32 $0x1FF, v5  }
0x14d: {  	v5 =	vsel vm0, v6, v5  }
0x14e: {  	v5 =	vadd.s32 v2, v5;
	_ =	sdelay $0x1  }
0x14f: {  	s31 =	simm.s32 $0x0  }
0x150: {  	s22 =	simm.s32 $0x80;
	s25 =	sand.u32 $0x380, s31  }
0x151: {  	s24 =	sand.u32 $0x7C00, s22;
	s23 =	simm.s32 $0x2;
	s21 =	simm.s32 $0x10  }
.LBB2_16:
0x152: {  	p0 =	sne.s32 s23, $0x7FF;
	s26 =	sand.u32 $0x70, s21;
	s24 =	sor.u32 s25, s24;
	[tilespmem:v5+s14+$0x0] =	vst.idx.add.s32.msk $0xffff, v3  }
0x153: {  	s24 =	sor.u32 s26, s24;
	[tilespmem:v5+s15+$0x0] =	vst.idx.add.f32.msk $0xffff, v4  }
0x154: {  	v4 =	vld [tilespmem:s24+$0x0];
	_ =	sdelay $0x4  }
0x155: {  	v5 =	vshra.s32 v4, $0x16  }
0x156: {  	vm0 =	vlt.s32 v4, $0x0;
	v6 =	vxor.u32 $0x1FF, v5  }
0x157: {  	v5 =	vsel vm0, v6, v5  }
.Ltmp7:
0x158: {  	v5 =	vadd.s32 v2, v5;
	(pc) =	sbr.rel @p0 .LBB2_16-.Ltmp7, $3  }
0x159: {  	_ =	sdelay $0x1  }
0x15a: {  	s25 =	sshrl.u32 s23, $0x1;
	s22 =	sadd.s32 $0x80, s22;
	s21 =	sadd.s32 $0x10, s21  }
0x15b: {  	s23 =	sadd.s32 $0x1, s23;
	s25 =	sand.u32 $0x380, s25;
	s24 =	sand.u32 $0x7C00, s22  }
0x15c: {  	_ =	sdelay $0x3  }
0x15d: {  	s21 =	sand.u32 $0x70, s21;
	s22 =	sor.u32 s25, s24;
	[tilespmem:v5+s14+$0x0] =	vst.idx.add.s32.msk $0xffff, v3  }
0x15e: {  	s21 =	sor.u32 s21, s22;
	[tilespmem:v5+s15+$0x0] =	vst.idx.add.f32.msk $0xffff, v4  }
0x15f: {  	v4 =	vld [tilespmem:s21+$0x0];
	_ =	sdelay $0x4  }
0x160: {  	v5 =	vshra.s32 v4, $0x16  }
0x161: {  	vm0 =	vlt.s32 v4, $0x0;
	v6 =	vxor.u32 $0x1FF, v5  }
0x162: {  	v5 =	vsel vm0, v6, v5  }
0x163: {  	v5 =	vadd.s32 v2, v5;
	_ =	sdelay $0x4  }
0x164: {  	[tilespmem:v5+s14+$0x0] =	vst.idx.add.s32.msk $0xffff, v3  }
0x165: {  	s21 =	simm.s32 $0x0;
	[tilespmem:v5+s15+$0x0] =	vst.idx.add.f32.msk $0xffff, v4  }
0x166: {  	v4 =	vld [tilespmem:s21+$0xC000]  }
0x167: {  	v5 =	vld [tilespmem:s21+$0xC400]  }
0x168: {  	v6 =	vld [tilespmem:s21+$0x8000]  }
0x169: {  	v7 =	vld [tilespmem:s21+$0xC800]  }
0x16a: {  	v8 =	vld [tilespmem:s21+$0x8400]  }
0x16b: {  	v9 =	vld [tilespmem:s21+$0xCC00]  }
0x16c: {  	v10 =	vld [tilespmem:s21+$0xD000];
	v4 =	vadd.f32 v5, v4  }
0x16d: {  	v11 =	vld [tilespmem:s21+$0xD400]  }
0x16e: {  	v12 =	vld [tilespmem:s21+$0xD800];
	v4 =	vadd.f32 v7, v4  }
0x16f: {  	v13 =	vld [tilespmem:s21+$0xDC00]  }
0x170: {  	v14 =	vld [tilespmem:s21+$0xE000];
	v4 =	vadd.f32 v9, v4  }
0x171: {  	v60 =	vld [tilespmem:s21+$0x9C00]  }
0x172: {  	v15 =	vld [tilespmem:s21+$0xE400];
	v4 =	vadd.f32 v10, v4  }
0x173: {  	v61 =	vld [tilespmem:s21+$0xA000]  }
0x174: {  	v16 =	vld [tilespmem:s21+$0xE800];
	v4 =	vadd.f32 v11, v4  }
0x175: {  	v62 =	vld [tilespmem:s21+$0xA400]  }
0x176: {  	v5 =	vld [tilespmem:s21+$0x8800];
	v4 =	vadd.f32 v12, v4  }
0x177: {  	v6 =	vadd.s32 v6, v8;
	v8 =	vld [tilespmem:s21+$0xEC00]  }
0x178: {  	v7 =	vld [tilespmem:s21+$0x8C00];
	v4 =	vadd.f32 v13, v4  }
0x179: {  	v9 =	vld [tilespmem:s21+$0x9000]  }
0x17a: {  	v10 =	vld [tilespmem:s21+$0x9400];
	v4 =	vadd.f32 v14, v4  }
0x17b: {  	v11 =	vld [tilespmem:s21+$0x9800]  }
0x17c: {  	v63 =	vld [tilespmem:s21+$0xF800];
	v5 =	vadd.s32 v5, v6;
	v4 =	vadd.f32 v15, v4  }
0x17d: {  	v5 =	vadd.s32 v7, v5;
	v7 =	vld [tilespmem:s21+$0xF000]  }
0x17e: {  	v6 =	vld [tilespmem:s21+$0xA800];
	v5 =	vadd.s32 v9, v5;
	v4 =	vadd.f32 v16, v4  }
0x17f: {  	v5 =	vadd.s32 v10, v5;
	v10 =	vld [tilespmem:s21+$0xF400]  }
0x180: {  	v9 =	vld [tilespmem:s21+$0xAC00];
	v5 =	vadd.s32 v11, v5;
	v4 =	vadd.f32 v8, v4  }
0x181: {  	v11 =	vld [tilespmem:s21+$0xB000];
	v5 =	vadd.s32 v60, v5  }
0x182: {  	v8 =	vadd.s32 v61, v5;
	v5 =	vld [tilespmem:s21+$0xB400];
	v4 =	vadd.f32 v7, v4  }
0x183: {  	v8 =	vadd.s32 v62, v8;
	v7 =	vld [tilespmem:s21+$0xFC00]  }
0x184: {  	v8 =	vadd.s32 v6, v8;
	v6 =	vld [tilespmem:s21+$0xB800];
	v10 =	vadd.f32 v10, v4  }
0x185: {  	s23 =	simm.s32 $0x10;
	v4 =	vadd.s32 v9, v8;
	v8 =	vld [tilespmem:s21+$0xBC00]  }
0x186: {  	s22 =	simm.s32 $0x80;
	v9 =	vadd.s32 v11, v4;
	v4 =	vld [tilespmem:s23+$0xC000];
	v10 =	vadd.f32 v63, v10  }
.LBB2_18:
0x187: {  	p0 =	sne.s32 s22, $0xFC0;
	v11 =	vld [tilespmem:s23+$0xC400];
	v5 =	vadd.s32 v5, v9  }
0x188: {  	v9 =	vld [tilespmem:s23+$0x8000];
	v7 =	vadd.f32 v7, v10  }
0x189: {  	v10 =	vld [tilespmem:s23+$0xC800];
	v5 =	vadd.s32 v6, v5  }
0x18a: {  	v6 =	vld [tilespmem:s23+$0x8400];
	v5 =	vadd.s32 v8, v5;
	[tilespmem:s21+$0x10400] =	vst v7  }
0x18b: {  	v7 =	vld [tilespmem:s23+$0xCC00];
	[tilespmem:s21+$0x10000] =	vst v5;
	s21 =	smov.u32 s23  }
0x18c: {  	v4 =	vadd.f32 v11, v4;
	v5 =	vld [tilespmem:s21+$0x8800]  }
0x18d: {  	v8 =	vld [tilespmem:s21+$0xD000]  }
0x18e: {  	v4 =	vadd.f32 v10, v4;
	v10 =	vld [tilespmem:s21+$0x8C00]  }
0x18f: {  	v6 =	vadd.s32 v9, v6;
	v9 =	vld [tilespmem:s21+$0xD400]  }
0x190: {  	v4 =	vadd.f32 v7, v4;
	v7 =	vld [tilespmem:s21+$0x9000]  }
0x191: {  	v5 =	vadd.s32 v5, v6;
	v6 =	vld [tilespmem:s21+$0xD800]  }
0x192: {  	v4 =	vadd.f32 v8, v4;
	v8 =	vld [tilespmem:s21+$0x9400]  }
0x193: {  	v5 =	vadd.s32 v10, v5;
	v10 =	vld [tilespmem:s21+$0xDC00]  }
0x194: {  	v4 =	vadd.f32 v9, v4;
	v9 =	vld [tilespmem:s21+$0x9800]  }
0x195: {  	v5 =	vadd.s32 v7, v5;
	v7 =	vld [tilespmem:s21+$0xE000]  }
0x196: {  	v4 =	vadd.f32 v6, v4;
	v6 =	vld [tilespmem:s21+$0x9C00]  }
0x197: {  	v5 =	vadd.s32 v8, v5;
	v8 =	vld [tilespmem:s21+$0xE400]  }
0x198: {  	v4 =	vadd.f32 v10, v4;
	v10 =	vld [tilespmem:s21+$0xA000]  }
0x199: {  	v5 =	vadd.s32 v9, v5;
	v9 =	vld [tilespmem:s21+$0xE800]  }
0x19a: {  	v4 =	vadd.f32 v7, v4;
	v7 =	vld [tilespmem:s21+$0xA400]  }
0x19b: {  	v5 =	vadd.s32 v6, v5;
	v6 =	vld [tilespmem:s21+$0xEC00]  }
0x19c: {  	v4 =	vadd.f32 v8, v4;
	v8 =	vld [tilespmem:s21+$0xA800]  }
0x19d: {  	v5 =	vadd.s32 v10, v5;
	v10 =	vld [tilespmem:s21+$0xF000]  }
0x19e: {  	v4 =	vadd.f32 v9, v4;
	v9 =	vld [tilespmem:s21+$0xAC00]  }
0x19f: {  	v5 =	vadd.s32 v7, v5;
	v11 =	vld [tilespmem:s21+$0xF400]  }
0x1a0: {  	v4 =	vadd.f32 v6, v4;
	v12 =	vld [tilespmem:s21+$0xB000]  }
0x1a1: {  	v6 =	vadd.s32 v8, v5;
	v13 =	vld [tilespmem:s21+$0xF800]  }
.Ltmp8:
0x1a2: {  	v4 =	vadd.f32 v10, v4;
	v5 =	vld [tilespmem:s21+$0xB400];
	(pc) =	sbr.rel @p0 .LBB2_18-.Ltmp8, $4  }
0x1a3: {  	v8 =	vadd.s32 v9, v6;
	v7 =	vld [tilespmem:s21+$0xFC00]  }
0x1a4: {  	v10 =	vadd.f32 v11, v4;
	v6 =	vld [tilespmem:s21+$0xB800]  }
0x1a5: {  	s23 =	sshra.s32 s22, $0x2;
	v9 =	vadd.s32 v12, v8;
	v8 =	vld [tilespmem:s21+$0xBC00]  }
0x1a6: {  	s22 =	sadd.s32 $0x40, s22;
	v4 =	vld [tilespmem:s23+$0xC000];
	v10 =	vadd.f32 v13, v10  }
0x1a7: {  	v11 =	vld [tilespmem:s23+$0xC400]  }
0x1a8: {  	v12 =	vld [tilespmem:s23+$0x8000];
	v5 =	vadd.s32 v5, v9;
	v7 =	vadd.f32 v7, v10  }
0x1a9: {  	v42 =	vld [tilespmem:s23+$0xC800];
	v5 =	vadd.s32 v6, v5  }
0x1aa: {  	v43 =	vld [tilespmem:s23+$0x8400];
	[tilespmem:s21+$0x10400] =	vst v7;
	v5 =	vadd.s32 v8, v5  }
0x1ab: {  	v44 =	vld [tilespmem:s23+$0xCC00];
	[tilespmem:s21+$0x10000] =	vst v5  }
0x1ac: {  	v5 =	vld [tilespmem:s23+$0x8800]  }
0x1ad: {  	v7 =	vld [tilespmem:s23+$0xD000]  }
0x1ae: {  	v4 =	vadd.f32 v11, v4;
	v45 =	vld [tilespmem:s23+$0x8C00]  }
0x1af: {  	v46 =	vld [tilespmem:s23+$0xD400]  }
0x1b0: {  	v47 =	vld [tilespmem:s23+$0x9000];
	v4 =	vadd.f32 v42, v4  }
0x1b1: {  	v48 =	vld [tilespmem:s23+$0xD800]  }
0x1b2: {  	v49 =	vld [tilespmem:s23+$0x9400];
	v4 =	vadd.f32 v44, v4  }
0x1b3: {  	v13 =	vld [tilespmem:s23+$0xDC00]  }
0x1b4: {  	v50 =	vld [tilespmem:s23+$0x9800];
	v4 =	vadd.f32 v7, v4  }
0x1b5: {  	v14 =	vld [tilespmem:s23+$0xE000]  }
0x1b6: {  	v51 =	vld [tilespmem:s23+$0x9C00];
	v4 =	vadd.f32 v46, v4  }
0x1b7: {  	v15 =	vld [tilespmem:s23+$0xE400]  }
0x1b8: {  	v52 =	vld [tilespmem:s23+$0xA000];
	v4 =	vadd.f32 v48, v4  }
0x1b9: {  	v16 =	vld [tilespmem:s23+$0xE800]  }
0x1ba: {  	v53 =	vld [tilespmem:s23+$0xA400];
	v4 =	vadd.f32 v13, v4  }
0x1bb: {  	v17 =	vld [tilespmem:s23+$0xEC00]  }
0x1bc: {  	v9 =	vadd.s32 v12, v43;
	v54 =	vld [tilespmem:s23+$0xA800];
	v4 =	vadd.f32 v14, v4  }
0x1bd: {  	v55 =	vld [tilespmem:s23+$0xF000];
	v5 =	vadd.s32 v5, v9  }
0x1be: {  	v56 =	vld [tilespmem:s23+$0xAC00];
	v5 =	vadd.s32 v45, v5;
	v4 =	vadd.f32 v15, v4  }
0x1bf: {  	v57 =	vld [tilespmem:s23+$0xF400];
	v5 =	vadd.s32 v47, v5  }
0x1c0: {  	v58 =	vld [tilespmem:s23+$0xB000];
	v5 =	vadd.s32 v49, v5;
	v4 =	vadd.f32 v16, v4  }
0x1c1: {  	v59 =	vld [tilespmem:s23+$0xF800];
	v5 =	vadd.s32 v50, v5  }
0x1c2: {  	v60 =	vld [tilespmem:s23+$0xB400];
	v5 =	vadd.s32 v51, v5;
	v4 =	vadd.f32 v17, v4  }
0x1c3: {  	v61 =	vld [tilespmem:s23+$0xFC00];
	v5 =	vadd.s32 v52, v5  }
0x1c4: {  	v62 =	vld [tilespmem:s23+$0xB800];
	v5 =	vadd.s32 v53, v5;
	v4 =	vadd.f32 v55, v4  }
0x1c5: {  	v63 =	vld [tilespmem:s23+$0xBC00];
	v5 =	vadd.s32 v54, v5  }
0x1c6: {  	v5 =	vadd.s32 v56, v5;
	v4 =	vadd.f32 v57, v4  }
0x1c7: {  	v5 =	vadd.s32 v58, v5  }
0x1c8: {  	v5 =	vadd.s32 v60, v5;
	v4 =	vadd.f32 v59, v4  }
0x1c9: {  	v5 =	vadd.s32 v62, v5  }
0x1ca: {  	v5 =	vadd.s32 v63, v5;
	v4 =	vadd.f32 v61, v4  }
0x1cb: {  	[tilespmem:s23+$0x10000] =	vst v5  }
0x1cc: {  	[tilespmem:s23+$0x10400] =	vst v4  }
0x1cd: {  	[hbm4b:s10+s16] =	stream.strided.scatter [tilespmem:s18], [sflag:$0x1], $0x400, s17, s16, $0x38;
	[tilespmem:$0x10800] =	vst v63  }
0x1ce: {  	s20 =	sadd.s32 $0x1, s20;
	_ =	swait.ge [sflag:s13], $0x400  }
0x1cf: {  	p0 =	sne.s32 s20, s12;
	[sflag:s13] =	ssyncset.done $0x0  }
.Ltmp9:
0x1d0: {  	[sflag:s13] =	ssyncadd.s32 $0xFFFFFC00;
	(pc) =	sbr.rel @p0 .LBB2_1-.Ltmp9, $4  }
0x1d1: {  	[hbm4b:s11+s16] =	stream.strided.scatter [tilespmem:s19], [sflag:$0x1], $0x400, s17, s16, $0x38;
	[tilespmem:$0x10800] =	vst v63  }
0x1d2: {  	_ =	swait.ge [sflag:s13], $0x400  }
0x1d3: {  	[sflag:s13] =	ssyncset.done $0x0  }
0x1d4: {  	[sflag:s13] =	ssyncadd.s32 $0xFFFFFC00  }
0x1d5: {  	_ =	sfence.sel $0x180000  }
0x1d6: {  	[bflag:$0x0] =	sbarrier.arrive $0xFFFF  }
0x1d7: {  	p0 =	sne.s32 s1, $0x0;
	_ =	strace $0x90000047  }
0x1d8: {  	s0 =	sadd.s32 @!p0 $0x100000, s0;
	[bflag:$0x2] =	sbarrier.arrive $0xFFFF  }
0x1d9: {  	[sflag:s0] =	ssyncadd.tile.s32 @!p0 $0x1;
	_ =	shalt  }
.Lfunc_end2:
_tile_overlayer_lowered:
.L_overlay_start_2:
0x1da: {  	(tag) =	ssettag $0x2  }
0x1db: {  	s0 =	rddreg [dreg:$0x0];
	s2 =	stileid.u32  }
0x1dc: {  	s1 =	rddreg [dreg:$0x1];
	p0 =	sne.s32 s2, $0x0  }
0x1dd: {  	s3 =	rddreg [dreg:$0x2];
	[bflag:$0x3] =	sbarrier.arrive $0xFFFF;
	s2 =	simm.s32 @!p0 $0x1C01  }
0x1de: {  	[timem:s3], [sflag:s2] =	dma.local @!p0 [hbm:s0], s1  }
0x1df: {  	s0 =	simm.s32 @!p0 $0x1  }
0x1e0: {  	_ =	swait.ge @!p0 [sflag:s0], s1  }
0x1e1: {  	s1 =	ssub.s32 @!p0 $0x0, s1;
	[sflag:s0] =	ssyncset.done @!p0 $0x0  }
0x1e2: {  	[sflag:s0] =	ssyncadd.s32 @!p0 s1  }
0x1e3: {  	[bflag:$0x3] =	sbarrier.arrive $0xFFFF  }
0x1e4: {  	_ =	shalt  }

</sc_bundles>
